<compile_context>
chip_gen: v7x
topology: tpu7x:2x2x1
jax: 0.10.2.dev20260603
libtpu: 0.0.44.dev20260713+nightly
codegen_flags: <defaults>
</compile_context>

<pallas_src>
import dataclasses
import functools

import jax
import jax.numpy as jnp
from jax import lax
from jax.experimental import pallas as pl
from jax.experimental.pallas import tpu as pltpu
from jax.experimental.pallas import tpu_sc as plsc

N = 10000
E = 320000
D = 128
H = 256
H2 = 64
OUT = 10
G = 64

NC = 2
NS = 16
NW = NC * NS
EPT = E // NW
CH = 80
NCHUNK = EPT // CH
ZR = 80
NRCH = N // ZR


def _make_sc_segsum(nt, DB):
  mesh = plsc.VectorSubcoreMesh(core_axis_name="c", subcore_axis_name="s")
  cp = pltpu.CompilerParams()
  if "needs_layout_passes" in pltpu.CompilerParams.__dataclass_fields__:
    cp = dataclasses.replace(cp, needs_layout_passes=False)
  if "use_tc_tiling_on_sc" in pltpu.CompilerParams.__dataclass_fields__:
    cp = dataclasses.replace(cp, use_tc_tiling_on_sc=False)

  @functools.partial(
      pl.kernel,
      out_type=jax.ShapeDtypeStruct((NC, nt, N, 128), jnp.float32),
      mesh=mesh,
      compiler_params=cp,
      scratch_types=[
          pltpu.VMEM((EPT,), jnp.int32),
          pltpu.VMEM((NCHUNK, CH), jnp.int32),
          pltpu.VMEM((EPT,), jnp.float32),
          pltpu.VMEM((CH, DB), jnp.float32),
          pltpu.VMEM((CH, DB), jnp.float32),
          pltpu.VMEM((CH, DB), jnp.float32),
          pltpu.VMEM((CH, DB), jnp.float32),
          pltpu.VMEM((CH, DB), jnp.float32),
          pltpu.VMEM((ZR, DB), jnp.float32),
          pltpu.VMEM_SHARED((N, DB), jnp.float32),
          pltpu.SemaphoreType.DMA,
          pltpu.SemaphoreType.DMA,
          pltpu.SemaphoreType.DMA,
          pltpu.SemaphoreType.DMA,
          pltpu.SemaphoreType.DMA,
          pltpu.SemaphoreType.DMA,
          pltpu.SemaphoreType.DMA,
          pltpu.SemaphoreType.DMA,
          pltpu.SemaphoreType.DMA,
          pltpu.SemaphoreType.DMA,
          pltpu.SemaphoreType.DMA,
      ],
  )
  def sc_segsum(*refs):
    NBUF = 5
    table = refs[0]
    (src_hbm, dst_hbm, ew_hbm, out_hbm,
     src_v, dst_v, ew_v, rows0, rows1, rows2, rows3, rows4, zero_v, acc_sh,
     sem, gs0, gs1, gs2, gs3, gs4, ss0, ss1, ss2, ss3, ss4) = refs[1:]
    rows_bufs = (rows0, rows1, rows2, rows3, rows4)
    gsems = (gs0, gs1, gs2, gs3, gs4)
    ssems = (ss0, ss1, ss2, ss3, ss4)
    c = lax.axis_index("c")
    s = lax.axis_index("s")
    wid = c * NS + s

    pltpu.sync_copy(src_hbm.at[pl.ds(wid * EPT, EPT)], src_v)
    pltpu.sync_copy(dst_hbm.at[wid], dst_v)
    pltpu.sync_copy(ew_hbm.at[pl.ds(wid * EPT, EPT)], ew_v)

    @plsc.parallel_loop(0, EPT, step=16)
    def _(i):
      v = src_v[pl.ds(i, 16)]
      src_v[pl.ds(i, 16)] = v + v

    @pl.loop(0, ZR)
    def _(r):
      @pl.loop(0, DB, step=16)
      def _(cc):
        zero_v[r, pl.ds(cc, 16)] = jnp.zeros((16,), jnp.float32)

    for t in range(nt):
      if t > 0:
        @plsc.parallel_loop(0, EPT, step=16)
        def _(i):
          src_v[pl.ds(i, 16)] = src_v[pl.ds(i, 16)] + 1

      @pl.loop(0, (NRCH + NS - 1) // NS)
      def _(k):
        rc = k * NS + s

        @pl.when(rc < NRCH)
        def _():
          pltpu.sync_copy(zero_v, acc_sh.at[pl.ds(rc * ZR, ZR)])

      plsc.subcore_barrier()

      def gather_of(j, b):
        return pltpu.make_async_copy(
            table.at[src_v.at[pl.ds(j * CH, CH)]], rows_bufs[b],
            gsems[b])

      def scatter_of(j, b):
        return pltpu.make_async_copy(
            rows_bufs[b], acc_sh.at[dst_v.at[j]], ssems[b])

      for jj in range(NBUF - 1):
        pltpu.async_copy(
            table.at[src_v.at[pl.ds(jj * CH, CH)]], rows_bufs[jj],
            gsems[jj])

      @pl.loop(0, NCHUNK // NBUF)
      def _(k):
        for i in range(NBUF):
          j = k * NBUF + i
          rows_v = rows_bufs[i]
          gather_of(j, i).wait()

          @plsc.parallel_loop(0, CH, unroll=4)
          def _(e):
            w = plsc.load_gather(
                ew_v, [jnp.full((16,), j * CH + e, jnp.int32)])
            for cc in range(0, DB, 16):
              rows_v[e, pl.ds(cc, 16)] = rows_v[e, pl.ds(cc, 16)] * w

          pltpu.async_copy(rows_v, acc_sh.at[dst_v.at[j]], ssems[i],
                           add=True)

          @pl.when(j + NBUF - 1 < NCHUNK)
          def _():
            bn = (i + NBUF - 1) % NBUF

            @pl.when(j >= 1)
            def _():
              scatter_of(j - 1, bn).wait()

            pltpu.async_copy(
                table.at[src_v.at[pl.ds((j + NBUF - 1) * CH, CH)]],
                rows_bufs[bn], gsems[bn])

      for jj in range(NCHUNK - NBUF, NCHUNK):
        scatter_of(jj, jj % NBUF).wait()

      plsc.subcore_barrier()

      @pl.loop(0, (NRCH + NS - 1) // NS)
      def _(k):
        rc = k * NS + s

        @pl.when(rc < NRCH)
        def _():
          sl = pl.ds(rc * ZR, ZR)
          pltpu.sync_copy(acc_sh.at[sl], out_hbm.at[c, t, sl, pl.ds(0, DB)])

      plsc.subcore_barrier()

  return sc_segsum


DB = 64
_sc_segsum_d = _make_sc_segsum(2, DB)
_sc_segsum_h2 = _make_sc_segsum(1, DB)

BN = 1000
NB = N // BN


def _tc_dense1(agg1, x, w1relT, b1, w1rootT, w2relT, w2rootT, b2):
  def body(a00_ref, a01_ref, a10_ref, a11_ref, x_ref, wr_ref, b1_ref,
           wroot_ref, w2r_ref, w2root_ref, b2_ref, p1_ref, hr2_ref):
    bf = jnp.bfloat16
    agg = jnp.concatenate(
        [a00_ref[0, 0, :, :DB] + a10_ref[0, 0, :, :DB],
         a01_ref[0, 0, :, :DB] + a11_ref[0, 0, :, :DB]],
        axis=1)
    h1 = jnp.maximum(
        jnp.dot(agg.astype(bf), wr_ref[...].astype(bf),
                preferred_element_type=jnp.float32)
        + jnp.dot(x_ref[...].astype(bf), wroot_ref[...].astype(bf),
                  preferred_element_type=jnp.float32)
        + b1_ref[...], 0.0)
    h1b = h1.astype(bf)
    p1_ref[:, :H2] = jnp.dot(h1b, w2r_ref[...].astype(bf),
                             preferred_element_type=jnp.float32)
    hr2_ref[...] = (
        jnp.dot(h1b, w2root_ref[...].astype(bf),
                preferred_element_type=jnp.float32)
        + b2_ref[...])

  row = lambda i: (i, 0)
  full = lambda i: (0, 0)
  part = lambda c, t: pl.BlockSpec((1, 1, BN, 128),
                                   lambda i, c=c, t=t: (c, t, i, 0))
  return pl.pallas_call(
      body,
      grid=(NB,),
      in_specs=[
          part(0, 0),
          part(0, 1),
          part(1, 0),
          part(1, 1),
          pl.BlockSpec((BN, D), row),
          pl.BlockSpec((D, H), full),
          pl.BlockSpec((1, H), full),
          pl.BlockSpec((D, H), full),
          pl.BlockSpec((H, H2), full),
          pl.BlockSpec((H, H2), full),
          pl.BlockSpec((1, H2), full),
      ],
      out_specs=[
          pl.BlockSpec((BN, 128), row),
          pl.BlockSpec((BN, H2), row),
      ],
      out_shape=[
          jax.ShapeDtypeStruct((N, 128), jnp.float32),
          jax.ShapeDtypeStruct((N, H2), jnp.float32),
      ],
  )(agg1, agg1, agg1, agg1, x, w1relT, b1, w1rootT, w2relT, w2rootT, b2)


def _tc_pool(agg2, hr2, batch3, wcT, bc):
  def body(a0_ref, a1_ref, hr_ref, b_ref, wc_ref, bc_ref, o_ref,
           sums_ref, cnts_ref):
    i = pl.program_id(0)

    @pl.when(i == 0)
    def _():
      sums_ref[...] = jnp.zeros_like(sums_ref)
      cnts_ref[...] = jnp.zeros_like(cnts_ref)

    h2 = jnp.maximum(
        a0_ref[0, 0, :, :DB] + a1_ref[0, 0, :, :DB] + hr_ref[...], 0.0)
    bvec = b_ref[0, 0, :]
    onehot = jnp.where(
        bvec[None, :] == lax.broadcasted_iota(jnp.int32, (G, BN), 0),
        1.0, 0.0)
    sums_ref[...] += jnp.dot(onehot, h2, preferred_element_type=jnp.float32)
    cnts_ref[...] += jnp.sum(onehot, axis=1, keepdims=True)

    @pl.when(i == NB - 1)
    def _():
      pooled = sums_ref[...] / jnp.maximum(cnts_ref[...], 1.0)
      o_ref[...] = (
          jnp.dot(pooled, wc_ref[...], preferred_element_type=jnp.float32)
          + bc_ref[...])

  row = lambda i: (i, 0)
  return pl.pallas_call(
      body,
      grid=(NB,),
      in_specs=[
          pl.BlockSpec((1, 1, BN, 128), lambda i: (0, 0, i, 0)),
          pl.BlockSpec((1, 1, BN, 128), lambda i: (1, 0, i, 0)),
          pl.BlockSpec((BN, H2), row),
          pl.BlockSpec((1, 1, BN), lambda i: (i, 0, 0)),
          pl.BlockSpec((H2, OUT), lambda i: (0, 0)),
          pl.BlockSpec((1, OUT), lambda i: (0, 0)),
      ],
      out_specs=pl.BlockSpec((G, OUT), lambda i: (0, 0)),
      out_shape=jax.ShapeDtypeStruct((G, OUT), jnp.float32),
      scratch_shapes=[
          pltpu.VMEM((G, H2), jnp.float32),
          pltpu.VMEM((G, 1), jnp.float32),
      ],
  )(agg2, agg2, hr2, batch3, wcT, bc)


def kernel(x, edge_index, edge_weight, batch, W1_rel, b1_rel, W1_root,
           W2_rel, b2_rel, W2_root, Wc, bc):
  x = x.astype(jnp.float32)
  ew = edge_weight.astype(jnp.float32)
  src = edge_index[0]
  dst3 = edge_index[1].reshape(NW, NCHUNK, CH)

  agg1 = _sc_segsum_d(x.reshape(2 * N, DB), src, dst3, ew)
  p1, hr2 = _tc_dense1(
      agg1, x, W1_rel.T, b1_rel.reshape(1, H), W1_root.T,
      W2_rel.T, W2_root.T, b2_rel.reshape(1, H2))
  agg2 = _sc_segsum_h2(p1.reshape(2 * N, DB), src, dst3, ew)
  out = _tc_pool(agg2, hr2,
                 batch.reshape(NB, 1, BN), Wc.T, bc.reshape(1, OUT))
  return out

# --- scband reference (transcript-rebuilt; emitter-appended) ---
"""Pipeline reference for scband-gnnmodel-1451698946619 (READ-ONLY COPY).

The authoritative reference and input builder live on the scoring server;
editing this copy changes nothing except your own understanding.
"""

import jax, jax.numpy as jnp
import numpy as np

N = 10000
E = 320000
D = 128
H = 256
H2 = 64
OUT = 10
G = 64


def _graph_conv(x, src, dst, edge_weight, W_rel, b_rel, W_root):
    # PyG GraphConv: out = lin_rel(aggr_add(edge_weight * x_src -> dst)) + lin_root(x)
    msg = x[src] * edge_weight[:, None]
    agg = jax.ops.segment_sum(msg, dst, num_segments=x.shape[0])
    return agg @ W_rel.T + b_rel + x @ W_root.T


def setup_inputs(seed: int = 0) -> dict:
    key = jax.random.key(seed)
    ks = jax.random.split(key, 12)
    x = jax.random.normal(ks[0], (N, D), dtype=jnp.float32)
    edge_index = jax.random.randint(ks[1], (2, E), 0, N, dtype=jnp.int32)
    edge_weight = jax.random.uniform(ks[2], (E,), dtype=jnp.float32)
    batch = jnp.sort(jax.random.randint(ks[3], (N,), 0, G, dtype=jnp.int32))
    s = 0.05
    W1_rel = jax.random.normal(ks[4], (H, D), dtype=jnp.float32) * s
    b1_rel = jnp.zeros((H,), dtype=jnp.float32)
    W1_root = jax.random.normal(ks[5], (H, D), dtype=jnp.float32) * s
    W2_rel = jax.random.normal(ks[6], (H2, H), dtype=jnp.float32) * s
    b2_rel = jnp.zeros((H2,), dtype=jnp.float32)
    W2_root = jax.random.normal(ks[7], (H2, H), dtype=jnp.float32) * s
    Wc = jax.random.normal(ks[8], (OUT, H2), dtype=jnp.float32) * s
    bc = jnp.zeros((OUT,), dtype=jnp.float32)
    return {"x": x, "edge_index": edge_index, "edge_weight": edge_weight, "batch": batch,
            "W1_rel": W1_rel, "b1_rel": b1_rel, "W1_root": W1_root,
            "W2_rel": W2_rel, "b2_rel": b2_rel, "W2_root": W2_root,
            "Wc": Wc, "bc": bc}


def reference(x, edge_index, edge_weight, batch, W1_rel, b1_rel, W1_root, W2_rel, b2_rel, W2_root, Wc, bc):
    src = edge_index[0]
    dst = edge_index[1]
    x = x.astype(jnp.float32)
    ew = edge_weight.astype(jnp.float32)
    h = jax.nn.relu(_graph_conv(x, src, dst, ew, W1_rel, b1_rel, W1_root))
    # dropout p=0.2 is identity in eval mode
    h = jax.nn.relu(_graph_conv(h, src, dst, ew, W2_rel, b2_rel, W2_root))
    sums = jax.ops.segment_sum(h, batch, num_segments=G)
    counts = jax.ops.segment_sum(jnp.ones((h.shape[0],), dtype=jnp.float32), batch, num_segments=G)
    pooled = sums / jnp.clip(counts, 1.0)[:, None]
    return pooled @ Wc.T + bc

if __name__ == "__main__":
    import jax
    _d = setup_inputs()
    print(jax.jit(kernel)(*tuple(_d.values())))

</pallas_src>

<mosaic_0001>
#map = affine_map<(d0, d1) -> (0, 0)>
#map1 = affine_map<(d0, d1) -> (0)>
#map2 = affine_map<(d0, d1) -> (0, 0, 0)>
#map3 = affine_map<(d0, d1) -> (0, 0, 0, 0)>
module attributes {stable_mosaic.version = 14 : i64} {
  func.func @sc_segsum(%arg0: i32, %arg1: i32, %arg2: memref<20000x64xf32, #tpu.memory_space<hbm>>, %arg3: memref<320000xi32, #tpu.memory_space<hbm>>, %arg4: memref<32x125x80xi32, #tpu.memory_space<hbm>>, %arg5: memref<320000xf32, #tpu.memory_space<hbm>>, %arg6: memref<2x1x10000x128xf32, #tpu.memory_space<hbm>>, %arg7: memref<10000xi32, #tpu.memory_space<vmem>>, %arg8: memref<125x80xi32, #tpu.memory_space<vmem>>, %arg9: memref<10000xf32, #tpu.memory_space<vmem>>, %arg10: memref<80x64xf32, #tpu.memory_space<vmem>>, %arg11: memref<80x64xf32, #tpu.memory_space<vmem>>, %arg12: memref<80x64xf32, #tpu.memory_space<vmem>>, %arg13: memref<80x64xf32, #tpu.memory_space<vmem>>, %arg14: memref<80x64xf32, #tpu.memory_space<vmem>>, %arg15: memref<80x64xf32, #tpu.memory_space<vmem>>, %arg16: memref<10000x64xf32, #tpu.memory_space<vmem_shared>>, %arg17: memref<!tpu.dma_semaphore, #tpu.memory_space<semaphore_mem>>, %arg18: memref<!tpu.dma_semaphore, #tpu.memory_space<semaphore_mem>>, %arg19: memref<!tpu.dma_semaphore, #tpu.memory_space<semaphore_mem>>, %arg20: memref<!tpu.dma_semaphore, #tpu.memory_space<semaphore_mem>>, %arg21: memref<!tpu.dma_semaphore, #tpu.memory_space<semaphore_mem>>, %arg22: memref<!tpu.dma_semaphore, #tpu.memory_space<semaphore_mem>>, %arg23: memref<!tpu.dma_semaphore, #tpu.memory_space<semaphore_mem>>, %arg24: memref<!tpu.dma_semaphore, #tpu.memory_space<semaphore_mem>>, %arg25: memref<!tpu.dma_semaphore, #tpu.memory_space<semaphore_mem>>, %arg26: memref<!tpu.dma_semaphore, #tpu.memory_space<semaphore_mem>>, %arg27: memref<!tpu.dma_semaphore, #tpu.memory_space<semaphore_mem>>) attributes {dimension_semantics = [#tpu.dimension_semantics<core_parallel>, #tpu.dimension_semantics<subcore_parallel>], iteration_bounds = array<i64: 2, 16>, scalar_prefetch = 0 : i64, scratch_operands = 21 : i64, tpu.core_type = #tpu.core_type<sc_vector_subcore>, window_params = [{transform_indices = #map}, {transform_indices = #map1}, {transform_indices = #map2}, {transform_indices = #map1}, {transform_indices = #map3}]} {
    %mul3A = arith.constant 16 : i32
    %mul3A_0 = arith.muli %arg0, %mul3A : i32
    %add3A = arith.addi %mul3A_0, %arg1 : i32
    %mul3A_1 = arith.constant 10000 : i32
    %mul3A_2 = arith.muli %add3A, %mul3A_1 : i32
    "tpu.region"() ({
      %run_scoped3A = tpu.sem_alloc : memref<!tpu.dma_semaphore, #tpu.memory_space<semaphore_mem>>
      %dma_start3A_81 = tpu.memref_slice %arg3[%mul3A_2] : memref<320000xi32, #tpu.memory_space<hbm>> -> memref<10000xi32, #tpu.memory_space<hbm>>
      %dma_start3A_82 = tpu.memref_slice %arg3[%mul3A_2] : memref<320000xi32, #tpu.memory_space<hbm>> -> memref<10000xi32, #tpu.memory_space<hbm>>
      tpu.enqueue_dma source(%dma_start3A_82 : memref<10000xi32, #tpu.memory_space<hbm>>) target(%arg7 : memref<10000xi32, #tpu.memory_space<vmem>>) target_semaphore(%run_scoped3A : memref<!tpu.dma_semaphore, #tpu.memory_space<semaphore_mem>>)
      %dma_wait3A_83 = tpu.memref_slice %arg3[%mul3A_2] : memref<320000xi32, #tpu.memory_space<hbm>> -> memref<10000xi32, #tpu.memory_space<hbm>>
      %dma_wait3A_84 = tpu.memref_slice %arg3[%mul3A_2] : memref<320000xi32, #tpu.memory_space<hbm>> -> memref<10000xi32, #tpu.memory_space<hbm>>
      tpu.wait_dma2 semaphore(%run_scoped3A : memref<!tpu.dma_semaphore, #tpu.memory_space<semaphore_mem>>) src(%dma_wait3A_84 : memref<10000xi32, #tpu.memory_space<hbm>>) dst(%arg7 : memref<10000xi32, #tpu.memory_space<vmem>>)
      tpu.yield
    }) : () -> ()
    "tpu.region"() ({
      %run_scoped3A = tpu.sem_alloc : memref<!tpu.dma_semaphore, #tpu.memory_space<semaphore_mem>>
      %dma_start3A_81 = arith.constant 0 : i32
      %dma_start3A_82 = arith.constant 0 : i32
      %dma_start3A_83 = tpu.memref_slice %arg4[%add3A, %dma_start3A_81, %dma_start3A_82] : memref<32x125x80xi32, #tpu.memory_space<hbm>> -> memref<1x125x80xi32, #tpu.memory_space<hbm>>
      %dma_start3A_84 = tpu.memref_squeeze %dma_start3A_83 : memref<1x125x80xi32, #tpu.memory_space<hbm>> -> memref<125x80xi32, #tpu.memory_space<hbm>>
      %dma_start3A_85 = arith.constant 0 : i32
      %dma_start3A_86 = arith.constant 0 : i32
      %dma_start3A_87 = tpu.memref_slice %arg4[%add3A, %dma_start3A_85, %dma_start3A_86] : memref<32x125x80xi32, #tpu.memory_space<hbm>> -> memref<1x125x80xi32, #tpu.memory_space<hbm>>
      %dma_start3A_88 = tpu.memref_squeeze %dma_start3A_87 : memref<1x125x80xi32, #tpu.memory_space<hbm>> -> memref<125x80xi32, #tpu.memory_space<hbm>>
      tpu.enqueue_dma source(%dma_start3A_88 : memref<125x80xi32, #tpu.memory_space<hbm>>) target(%arg8 : memref<125x80xi32, #tpu.memory_space<vmem>>) target_semaphore(%run_scoped3A : memref<!tpu.dma_semaphore, #tpu.memory_space<semaphore_mem>>)
      %dma_wait3A_89 = arith.constant 0 : i32
      %dma_wait3A_90 = arith.constant 0 : i32
      %dma_wait3A_91 = tpu.memref_slice %arg4[%add3A, %dma_wait3A_89, %dma_wait3A_90] : memref<32x125x80xi32, #tpu.memory_space<hbm>> -> memref<1x125x80xi32, #tpu.memory_space<hbm>>
      %dma_wait3A_92 = tpu.memref_squeeze %dma_wait3A_91 : memref<1x125x80xi32, #tpu.memory_space<hbm>> -> memref<125x80xi32, #tpu.memory_space<hbm>>
      %dma_wait3A_93 = arith.constant 0 : i32
      %dma_wait3A_94 = arith.constant 0 : i32
      %dma_wait3A_95 = tpu.memref_slice %arg4[%add3A, %dma_wait3A_93, %dma_wait3A_94] : memref<32x125x80xi32, #tpu.memory_space<hbm>> -> memref<1x125x80xi32, #tpu.memory_space<hbm>>
      %dma_wait3A_96 = tpu.memref_squeeze %dma_wait3A_95 : memref<1x125x80xi32, #tpu.memory_space<hbm>> -> memref<125x80xi32, #tpu.memory_space<hbm>>
      tpu.wait_dma2 semaphore(%run_scoped3A : memref<!tpu.dma_semaphore, #tpu.memory_space<semaphore_mem>>) src(%dma_wait3A_96 : memref<125x80xi32, #tpu.memory_space<hbm>>) dst(%arg8 : memref<125x80xi32, #tpu.memory_space<vmem>>)
      tpu.yield
    }) : () -> ()
    %mul3A_3 = arith.constant 10000 : i32
    %mul3A_4 = arith.muli %add3A, %mul3A_3 : i32
    "tpu.region"() ({
      %run_scoped3A = tpu.sem_alloc : memref<!tpu.dma_semaphore, #tpu.memory_space<semaphore_mem>>
      %dma_start3A_81 = tpu.memref_slice %arg5[%mul3A_4] : memref<320000xf32, #tpu.memory_space<hbm>> -> memref<10000xf32, #tpu.memory_space<hbm>>
      %dma_start3A_82 = tpu.memref_slice %arg5[%mul3A_4] : memref<320000xf32, #tpu.memory_space<hbm>> -> memref<10000xf32, #tpu.memory_space<hbm>>
      tpu.enqueue_dma source(%dma_start3A_82 : memref<10000xf32, #tpu.memory_space<hbm>>) target(%arg9 : memref<10000xf32, #tpu.memory_space<vmem>>) target_semaphore(%run_scoped3A : memref<!tpu.dma_semaphore, #tpu.memory_space<semaphore_mem>>)
      %dma_wait3A_83 = tpu.memref_slice %arg5[%mul3A_4] : memref<320000xf32, #tpu.memory_space<hbm>> -> memref<10000xf32, #tpu.memory_space<hbm>>
      %dma_wait3A_84 = tpu.memref_slice %arg5[%mul3A_4] : memref<320000xf32, #tpu.memory_space<hbm>> -> memref<10000xf32, #tpu.memory_space<hbm>>
      tpu.wait_dma2 semaphore(%run_scoped3A : memref<!tpu.dma_semaphore, #tpu.memory_space<semaphore_mem>>) src(%dma_wait3A_84 : memref<10000xf32, #tpu.memory_space<hbm>>) dst(%arg9 : memref<10000xf32, #tpu.memory_space<vmem>>)
      tpu.yield
    }) : () -> ()
    %parallel_loop3A = arith.constant 0 : i32
    %parallel_loop3A_5 = arith.constant 10000 : i32
    %parallel_loop3A_6 = arith.constant 16 : i32
    scf.for %parallel_loop3A_81 = %parallel_loop3A to %parallel_loop3A_5 step %parallel_loop3A_6  : i32 {
      %parallel_loop3A_82 = arith.index_cast %parallel_loop3A_81 : i32 to index
      %parallel_loop3A_83 = tpu.vector_load %arg7[%parallel_loop3A_82] {strides = array<i32>} : memref<10000xi32, #tpu.memory_space<vmem>>, vector<16xi32>,
      %parallel_loop3A_84 = arith.addi %parallel_loop3A_83, %parallel_loop3A_83 : vector<16xi32>
      %parallel_loop3A_85 = arith.index_cast %parallel_loop3A_81 : i32 to index
      %parallel_loop3A_86 = tpu.vector_load %arg7[%parallel_loop3A_85] {strides = array<i32>} : memref<10000xi32, #tpu.memory_space<vmem>>, vector<16xi32>,
      tpu.vector_store %arg7[%parallel_loop3A_85], %parallel_loop3A_84 {strides = array<i32>} : memref<10000xi32, #tpu.memory_space<vmem>>, vector<16xi32>,
    } {sc.loop_unroll_factor = 1 : i64, sc.parallel_access}
    %scan3A = arith.constant 0 : i32
    %scan3A_7 = arith.constant 80 : i32
    %scan3A_8 = arith.addi %scan3A, %scan3A_7 : i32
    %scan3A_9 = arith.constant 1 : i32
    scf.for %scan3A_81 = %scan3A to %scan3A_8 step %scan3A_9  : i32 {
      %mul3A_82 = arith.constant 1 : i32
      %mul3A_83 = arith.muli %scan3A_81, %mul3A_82 : i32
      %add3A_84 = arith.constant 0 : i32
      %add3A_85 = arith.addi %add3A_84, %mul3A_83 : i32
      %scan3A_86 = arith.constant 0 : i32
      %scan3A_87 = arith.constant 4 : i32
      %scan3A_88 = arith.addi %scan3A_86, %scan3A_87 : i32
      %scan3A_89 = arith.constant 1 : i32
      scf.for %scan3A_91 = %scan3A_86 to %scan3A_88 step %scan3A_89  : i32 {
        %mul3A_92 = arith.constant 16 : i32
        %mul3A_93 = arith.muli %scan3A_91, %mul3A_92 : i32
        %add3A_94 = arith.constant 0 : i32
        %add3A_95 = arith.addi %add3A_94, %mul3A_93 : i32
        %broadcast_in_dim3A = arith.constant 0.000000e+00 : f32
        %broadcast_in_dim3A_96 = vector.broadcast %broadcast_in_dim3A : f32 to vector<16xf32>
        %swap3A = arith.index_cast %add3A_85 : i32 to index
        %swap3A_97 = arith.index_cast %add3A_95 : i32 to index
        %swap3A_98 = tpu.vector_load %arg15[%swap3A, %swap3A_97] {strides = array<i32>} : memref<80x64xf32, #tpu.memory_space<vmem>>, vector<16xf32>,
        tpu.vector_store %arg15[%swap3A, %swap3A_97], %broadcast_in_dim3A_96 {strides = array<i32>} : memref<80x64xf32, #tpu.memory_space<vmem>>, vector<16xf32>,
      }
      %scan3A_90 = arith.constant 4 : i32
    }
    %scan3A_10 = arith.constant 80 : i32
    %scan3A_11 = arith.constant 0 : i32
    %scan3A_12 = arith.constant 8 : i32
    %scan3A_13 = arith.addi %scan3A_11, %scan3A_12 : i32
    %scan3A_14 = arith.constant 1 : i32
    scf.for %scan3A_81 = %scan3A_11 to %scan3A_13 step %scan3A_14  : i32 {
      %mul3A_82 = arith.constant 1 : i32
      %mul3A_83 = arith.muli %scan3A_81, %mul3A_82 : i32
      %add3A_84 = arith.constant 0 : i32
      %add3A_85 = arith.addi %add3A_84, %mul3A_83 : i32
      %mul3A_86 = arith.constant 16 : i32
      %mul3A_87 = arith.muli %add3A_85, %mul3A_86 : i32
      %add3A_88 = arith.addi %mul3A_87, %arg1 : i32
      %lt3A = arith.constant 125 : i32
      %lt3A_89 = arith.cmpi slt, %add3A_88, %lt3A : i32
      %convert_element_type3A = arith.extui %lt3A_89 : i1 to i32
      %cond3A = arith.constant 0 : i32
      %cond3A_90 = arith.cmpi ne, %convert_element_type3A, %cond3A : i32
      scf.if %cond3A_90 {
        %mul3A_91 = arith.constant 80 : i32
        %mul3A_92 = arith.muli %add3A_88, %mul3A_91 : i32
        "tpu.region"() ({
          %run_scoped3A = tpu.sem_alloc : memref<!tpu.dma_semaphore, #tpu.memory_space<semaphore_mem>>
          %dma_start3A_93 = arith.constant 0 : i32
          %dma_start3A_94 = tpu.memref_slice %arg16[%mul3A_92, %dma_start3A_93] : memref<10000x64xf32, #tpu.memory_space<vmem_shared>> -> memref<80x64xf32, #tpu.memory_space<vmem_shared>>
          %dma_start3A_95 = arith.constant 0 : i32
          %dma_start3A_96 = tpu.memref_slice %arg16[%mul3A_92, %dma_start3A_95] : memref<10000x64xf32, #tpu.memory_space<vmem_shared>> -> memref<80x64xf32, #tpu.memory_space<vmem_shared>>
          tpu.enqueue_dma source(%arg15 : memref<80x64xf32, #tpu.memory_space<vmem>>) target(%dma_start3A_96 : memref<80x64xf32, #tpu.memory_space<vmem_shared>>) target_semaphore(%run_scoped3A : memref<!tpu.dma_semaphore, #tpu.memory_space<semaphore_mem>>)
          %dma_wait3A_97 = arith.constant 0 : i32
          %dma_wait3A_98 = tpu.memref_slice %arg16[%mul3A_92, %dma_wait3A_97] : memref<10000x64xf32, #tpu.memory_space<vmem_shared>> -> memref<80x64xf32, #tpu.memory_space<vmem_shared>>
          %dma_wait3A_99 = arith.constant 0 : i32
          %dma_wait3A_100 = tpu.memref_slice %arg16[%mul3A_92, %dma_wait3A_99] : memref<10000x64xf32, #tpu.memory_space<vmem_shared>> -> memref<80x64xf32, #tpu.memory_space<vmem_shared>>
          tpu.wait_dma2 semaphore(%run_scoped3A : memref<!tpu.dma_semaphore, #tpu.memory_space<semaphore_mem>>) src(%arg15 : memref<80x64xf32, #tpu.memory_space<vmem>>) dst(%dma_wait3A_100 : memref<80x64xf32, #tpu.memory_space<vmem_shared>>)
          tpu.yield
        }) : () -> ()
      } else {
      }
    }
    %scan3A_15 = arith.constant 8 : i32
    %barrier3A = arith.constant 0 : index
    tpu.barrier barrier_id(%barrier3A)
    %dma_start3A = arith.constant 0 : i32
    %dma_start3A_16 = tpu.memref_slice %arg7[%dma_start3A] : memref<10000xi32, #tpu.memory_space<vmem>> -> memref<80xi32, #tpu.memory_space<vmem>>
    %dma_start3A_17 = arith.constant 0 : i32
    %dma_start3A_18 = arith.constant 0 : i32
    %dma_start3A_19 = tpu.memref_slice %arg2[%dma_start3A_17, %dma_start3A_18] : memref<20000x64xf32, #tpu.memory_space<hbm>> -> memref<20000x64xf32, #tpu.memory_space<hbm>>
    tpu.enqueue_indirect_dma source(%dma_start3A_19 : memref<20000x64xf32, #tpu.memory_space<hbm>>) target(%arg10 : memref<80x64xf32, #tpu.memory_space<vmem>>) offsets(%dma_start3A_16 : memref<80xi32, #tpu.memory_space<vmem>>) semaphore(%arg18 : memref<!tpu.dma_semaphore, #tpu.memory_space<semaphore_mem>>)
    %dma_start3A_20 = arith.constant 80 : i32
    %dma_start3A_21 = tpu.memref_slice %arg7[%dma_start3A_20] : memref<10000xi32, #tpu.memory_space<vmem>> -> memref<80xi32, #tpu.memory_space<vmem>>
    %dma_start3A_22 = arith.constant 0 : i32
    %dma_start3A_23 = arith.constant 0 : i32
    %dma_start3A_24 = tpu.memref_slice %arg2[%dma_start3A_22, %dma_start3A_23] : memref<20000x64xf32, #tpu.memory_space<hbm>> -> memref<20000x64xf32, #tpu.memory_space<hbm>>
    tpu.enqueue_indirect_dma source(%dma_start3A_24 : memref<20000x64xf32, #tpu.memory_space<hbm>>) target(%arg11 : memref<80x64xf32, #tpu.memory_space<vmem>>) offsets(%dma_start3A_21 : memref<80xi32, #tpu.memory_space<vmem>>) semaphore(%arg19 : memref<!tpu.dma_semaphore, #tpu.memory_space<semaphore_mem>>)
    %dma_start3A_25 = arith.constant 160 : i32
    %dma_start3A_26 = tpu.memref_slice %arg7[%dma_start3A_25] : memref<10000xi32, #tpu.memory_space<vmem>> -> memref<80xi32, #tpu.memory_space<vmem>>
    %dma_start3A_27 = arith.constant 0 : i32
    %dma_start3A_28 = arith.constant 0 : i32
    %dma_start3A_29 = tpu.memref_slice %arg2[%dma_start3A_27, %dma_start3A_28] : memref<20000x64xf32, #tpu.memory_space<hbm>> -> memref<20000x64xf32, #tpu.memory_space<hbm>>
    tpu.enqueue_indirect_dma source(%dma_start3A_29 : memref<20000x64xf32, #tpu.memory_space<hbm>>) target(%arg12 : memref<80x64xf32, #tpu.memory_space<vmem>>) offsets(%dma_start3A_26 : memref<80xi32, #tpu.memory_space<vmem>>) semaphore(%arg20 : memref<!tpu.dma_semaphore, #tpu.memory_space<semaphore_mem>>)
    %dma_start3A_30 = arith.constant 240 : i32
    %dma_start3A_31 = tpu.memref_slice %arg7[%dma_start3A_30] : memref<10000xi32, #tpu.memory_space<vmem>> -> memref<80xi32, #tpu.memory_space<vmem>>
    %dma_start3A_32 = arith.constant 0 : i32
    %dma_start3A_33 = arith.constant 0 : i32
    %dma_start3A_34 = tpu.memref_slice %arg2[%dma_start3A_32, %dma_start3A_33] : memref<20000x64xf32, #tpu.memory_space<hbm>> -> memref<20000x64xf32, #tpu.memory_space<hbm>>
    tpu.enqueue_indirect_dma source(%dma_start3A_34 : memref<20000x64xf32, #tpu.memory_space<hbm>>) target(%arg13 : memref<80x64xf32, #tpu.memory_space<vmem>>) offsets(%dma_start3A_31 : memref<80xi32, #tpu.memory_space<vmem>>) semaphore(%arg21 : memref<!tpu.dma_semaphore, #tpu.memory_space<semaphore_mem>>)
    %scan3A_35 = arith.constant 0 : i32
    %scan3A_36 = arith.constant 25 : i32
    %scan3A_37 = arith.addi %scan3A_35, %scan3A_36 : i32
    %scan3A_38 = arith.constant 1 : i32
    scf.for %scan3A_81 = %scan3A_35 to %scan3A_37 step %scan3A_38  : i32 {
      %mul3A_82 = arith.constant 1 : i32
      %mul3A_83 = arith.muli %scan3A_81, %mul3A_82 : i32
      %add3A_84 = arith.constant 0 : i32
      %add3A_85 = arith.addi %add3A_84, %mul3A_83 : i32
      %mul3A_86 = arith.constant 5 : i32
      %mul3A_87 = arith.muli %add3A_85, %mul3A_86 : i32
      %add3A_88 = arith.constant 0 : i32
      %add3A_89 = arith.addi %mul3A_87, %add3A_88 : i32
      %mul3A_90 = arith.constant 80 : i32
      %mul3A_91 = arith.muli %add3A_89, %mul3A_90 : i32
      %dma_wait3A_92 = tpu.memref_slice %arg7[%mul3A_91] : memref<10000xi32, #tpu.memory_space<vmem>> -> memref<80xi32, #tpu.memory_space<vmem>>
      %dma_wait3A_93 = arith.constant 0 : i32
      %dma_wait3A_94 = arith.constant 0 : i32
      %dma_wait3A_95 = tpu.memref_slice %arg2[%dma_wait3A_93, %dma_wait3A_94] : memref<20000x64xf32, #tpu.memory_space<hbm>> -> memref<20000x64xf32, #tpu.memory_space<hbm>>
      tpu.wait_indirect_dma semaphore(%arg18 : memref<!tpu.dma_semaphore, #tpu.memory_space<semaphore_mem>>) src(%dma_wait3A_95 : memref<20000x64xf32, #tpu.memory_space<hbm>>) dst(%arg10 : memref<80x64xf32, #tpu.memory_space<vmem>>)
      %parallel_loop3A_96 = arith.constant 0 : i32
      %parallel_loop3A_97 = arith.constant 80 : i32
      %parallel_loop3A_98 = arith.constant 1 : i32
      scf.for %parallel_loop3A_222 = %parallel_loop3A_96 to %parallel_loop3A_97 step %parallel_loop3A_98  : i32 {
        %parallel_loop3A_223 = arith.constant 80 : i32
        %parallel_loop3A_224 = arith.muli %add3A_89, %parallel_loop3A_223 : i32
        %parallel_loop3A_225 = arith.addi %parallel_loop3A_224, %parallel_loop3A_222 : i32
        %parallel_loop3A_226 = vector.broadcast %parallel_loop3A_225 : i32 to vector<16xi32>
        %parallel_loop3A_227 = tpu.vector_load_idx %arg9[%parallel_loop3A_226] : memref<10000xf32, #tpu.memory_space<vmem>>[vector<16xi32>], vector<16xf32>,
        %parallel_loop3A_228 = arith.index_cast %parallel_loop3A_222 : i32 to index
        %parallel_loop3A_229 = arith.constant 0 : index
        %parallel_loop3A_230 = tpu.vector_load %arg10[%parallel_loop3A_228, %parallel_loop3A_229] {strides = array<i32>} : memref<80x64xf32, #tpu.memory_space<vmem>>, vector<16xf32>,
        %parallel_loop3A_231 = arith.mulf %parallel_loop3A_230, %parallel_loop3A_227 : vector<16xf32>
        %parallel_loop3A_232 = arith.index_cast %parallel_loop3A_222 : i32 to index
        %parallel_loop3A_233 = arith.constant 0 : index
        %parallel_loop3A_234 = tpu.vector_load %arg10[%parallel_loop3A_232, %parallel_loop3A_233] {strides = array<i32>} : memref<80x64xf32, #tpu.memory_space<vmem>>, vector<16xf32>,
        tpu.vector_store %arg10[%parallel_loop3A_232, %parallel_loop3A_233], %parallel_loop3A_231 {strides = array<i32>} : memref<80x64xf32, #tpu.memory_space<vmem>>, vector<16xf32>,
        %parallel_loop3A_235 = arith.index_cast %parallel_loop3A_222 : i32 to index
        %parallel_loop3A_236 = arith.constant 16 : index
        %parallel_loop3A_237 = tpu.vector_load %arg10[%parallel_loop3A_235, %parallel_loop3A_236] {strides = array<i32>} : memref<80x64xf32, #tpu.memory_space<vmem>>, vector<16xf32>,
        %parallel_loop3A_238 = arith.mulf %parallel_loop3A_237, %parallel_loop3A_227 : vector<16xf32>
        %parallel_loop3A_239 = arith.index_cast %parallel_loop3A_222 : i32 to index
        %parallel_loop3A_240 = arith.constant 16 : index
        %parallel_loop3A_241 = tpu.vector_load %arg10[%parallel_loop3A_239, %parallel_loop3A_240] {strides = array<i32>} : memref<80x64xf32, #tpu.memory_space<vmem>>, vector<16xf32>,
        tpu.vector_store %arg10[%parallel_loop3A_239, %parallel_loop3A_240], %parallel_loop3A_238 {strides = array<i32>} : memref<80x64xf32, #tpu.memory_space<vmem>>, vector<16xf32>,
        %parallel_loop3A_242 = arith.index_cast %parallel_loop3A_222 : i32 to index
        %parallel_loop3A_243 = arith.constant 32 : index
        %parallel_loop3A_244 = tpu.vector_load %arg10[%parallel_loop3A_242, %parallel_loop3A_243] {strides = array<i32>} : memref<80x64xf32, #tpu.memory_space<vmem>>, vector<16xf32>,
        %parallel_loop3A_245 = arith.mulf %parallel_loop3A_244, %parallel_loop3A_227 : vector<16xf32>
        %parallel_loop3A_246 = arith.index_cast %parallel_loop3A_222 : i32 to index
        %parallel_loop3A_247 = arith.constant 32 : index
        %parallel_loop3A_248 = tpu.vector_load %arg10[%parallel_loop3A_246, %parallel_loop3A_247] {strides = array<i32>} : memref<80x64xf32, #tpu.memory_space<vmem>>, vector<16xf32>,
        tpu.vector_store %arg10[%parallel_loop3A_246, %parallel_loop3A_247], %parallel_loop3A_245 {strides = array<i32>} : memref<80x64xf32, #tpu.memory_space<vmem>>, vector<16xf32>,
        %parallel_loop3A_249 = arith.index_cast %parallel_loop3A_222 : i32 to index
        %parallel_loop3A_250 = arith.constant 48 : index
        %parallel_loop3A_251 = tpu.vector_load %arg10[%parallel_loop3A_249, %parallel_loop3A_250] {strides = array<i32>} : memref<80x64xf32, #tpu.memory_space<vmem>>, vector<16xf32>,
        %parallel_loop3A_252 = arith.mulf %parallel_loop3A_251, %parallel_loop3A_227 : vector<16xf32>
        %parallel_loop3A_253 = arith.index_cast %parallel_loop3A_222 : i32 to index
        %parallel_loop3A_254 = arith.constant 48 : index
        %parallel_loop3A_255 = tpu.vector_load %arg10[%parallel_loop3A_253, %parallel_loop3A_254] {strides = array<i32>} : memref<80x64xf32, #tpu.memory_space<vmem>>, vector<16xf32>,
        tpu.vector_store %arg10[%parallel_loop3A_253, %parallel_loop3A_254], %parallel_loop3A_252 {strides = array<i32>} : memref<80x64xf32, #tpu.memory_space<vmem>>, vector<16xf32>,
      } {sc.loop_unroll_factor = 4 : i64, sc.parallel_access}
      %dma_start3A_99 = arith.constant 0 : i32
      %dma_start3A_100 = tpu.memref_slice %arg8[%add3A_89, %dma_start3A_99] : memref<125x80xi32, #tpu.memory_space<vmem>> -> memref<1x80xi32, #tpu.memory_space<vmem>>
      %dma_start3A_101 = tpu.memref_squeeze %dma_start3A_100 : memref<1x80xi32, #tpu.memory_space<vmem>> -> memref<80xi32, #tpu.memory_space<vmem>>
      %dma_start3A_102 = arith.constant 0 : i32
      %dma_start3A_103 = arith.constant 0 : i32
      %dma_start3A_104 = tpu.memref_slice %arg16[%dma_start3A_102, %dma_start3A_103] : memref<10000x64xf32, #tpu.memory_space<vmem_shared>> -> memref<10000x64xf32, #tpu.memory_space<vmem_shared>>
      tpu.enqueue_indirect_dma source(%arg10 : memref<80x64xf32, #tpu.memory_space<vmem>>) target(%dma_start3A_104 : memref<10000x64xf32, #tpu.memory_space<vmem_shared>>) offsets(%dma_start3A_101 : memref<80xi32, #tpu.memory_space<vmem>>) semaphore(%arg23 : memref<!tpu.dma_semaphore, #tpu.memory_space<semaphore_mem>>) {add = true}
      %add3A_105 = arith.constant 5 : i32
      %add3A_106 = arith.addi %add3A_89, %add3A_105 : i32
      %sub3A = arith.constant 1 : i32
      %sub3A_107 = arith.subi %add3A_106, %sub3A : i32
      %lt3A = arith.constant 125 : i32
      %lt3A_108 = arith.cmpi slt, %sub3A_107, %lt3A : i32
      %convert_element_type3A = arith.extui %lt3A_108 : i1 to i32
      %cond3A = arith.constant 0 : i32
      %cond3A_109 = arith.cmpi ne, %convert_element_type3A, %cond3A : i32
      scf.if %cond3A_109 {
        %ge3A = arith.constant 1 : i32
        %ge3A_222 = arith.cmpi sge, %add3A_89, %ge3A : i32
        %convert_element_type3A_223 = arith.extui %ge3A_222 : i1 to i32
        %cond3A_224 = arith.constant 0 : i32
        %cond3A_225 = arith.cmpi ne, %convert_element_type3A_223, %cond3A_224 : i32
        scf.if %cond3A_225 {
          %sub3A_236 = arith.constant 1 : i32
          %sub3A_237 = arith.subi %add3A_89, %sub3A_236 : i32
          %dma_wait3A_238 = arith.constant 0 : i32
          %dma_wait3A_239 = tpu.memref_slice %arg8[%sub3A_237, %dma_wait3A_238] : memref<125x80xi32, #tpu.memory_space<vmem>> -> memref<1x80xi32, #tpu.memory_space<vmem>>
          %dma_wait3A_240 = tpu.memref_squeeze %dma_wait3A_239 : memref<1x80xi32, #tpu.memory_space<vmem>> -> memref<80xi32, #tpu.memory_space<vmem>>
          %dma_wait3A_241 = arith.constant 0 : i32
          %dma_wait3A_242 = arith.constant 0 : i32
          %dma_wait3A_243 = tpu.memref_slice %arg16[%dma_wait3A_241, %dma_wait3A_242] : memref<10000x64xf32, #tpu.memory_space<vmem_shared>> -> memref<10000x64xf32, #tpu.memory_space<vmem_shared>>
          tpu.wait_indirect_dma semaphore(%arg27 : memref<!tpu.dma_semaphore, #tpu.memory_space<semaphore_mem>>) src(%arg14 : memref<80x64xf32, #tpu.memory_space<vmem>>) dst(%dma_wait3A_243 : memref<10000x64xf32, #tpu.memory_space<vmem_shared>>)
        } else {
        }
        %add3A_226 = arith.constant 5 : i32
        %add3A_227 = arith.addi %add3A_89, %add3A_226 : i32
        %sub3A_228 = arith.constant 1 : i32
        %sub3A_229 = arith.subi %add3A_227, %sub3A_228 : i32
        %mul3A_230 = arith.constant 80 : i32
        %mul3A_231 = arith.muli %sub3A_229, %mul3A_230 : i32
        %dma_start3A_232 = tpu.memref_slice %arg7[%mul3A_231] : memref<10000xi32, #tpu.memory_space<vmem>> -> memref<80xi32, #tpu.memory_space<vmem>>
        %dma_start3A_233 = arith.constant 0 : i32
        %dma_start3A_234 = arith.constant 0 : i32
        %dma_start3A_235 = tpu.memref_slice %arg2[%dma_start3A_233, %dma_start3A_234] : memref<20000x64xf32, #tpu.memory_space<hbm>> -> memref<20000x64xf32, #tpu.memory_space<hbm>>
        tpu.enqueue_indirect_dma source(%dma_start3A_235 : memref<20000x64xf32, #tpu.memory_space<hbm>>) target(%arg14 : memref<80x64xf32, #tpu.memory_space<vmem>>) offsets(%dma_start3A_232 : memref<80xi32, #tpu.memory_space<vmem>>) semaphore(%arg22 : memref<!tpu.dma_semaphore, #tpu.memory_space<semaphore_mem>>)
      } else {
      }
      %mul3A_110 = arith.constant 5 : i32
      %mul3A_111 = arith.muli %add3A_85, %mul3A_110 : i32
      %add3A_112 = arith.constant 1 : i32
      %add3A_113 = arith.addi %mul3A_111, %add3A_112 : i32
      %mul3A_114 = arith.constant 80 : i32
      %mul3A_115 = arith.muli %add3A_113, %mul3A_114 : i32
      %dma_wait3A_116 = tpu.memref_slice %arg7[%mul3A_115] : memref<10000xi32, #tpu.memory_space<vmem>> -> memref<80xi32, #tpu.memory_space<vmem>>
      %dma_wait3A_117 = arith.constant 0 : i32
      %dma_wait3A_118 = arith.constant 0 : i32
      %dma_wait3A_119 = tpu.memref_slice %arg2[%dma_wait3A_117, %dma_wait3A_118] : memref<20000x64xf32, #tpu.memory_space<hbm>> -> memref<20000x64xf32, #tpu.memory_space<hbm>>
      tpu.wait_indirect_dma semaphore(%arg19 : memref<!tpu.dma_semaphore, #tpu.memory_space<semaphore_mem>>) src(%dma_wait3A_119 : memref<20000x64xf32, #tpu.memory_space<hbm>>) dst(%arg11 : memref<80x64xf32, #tpu.memory_space<vmem>>)
      %parallel_loop3A_120 = arith.constant 0 : i32
      %parallel_loop3A_121 = arith.constant 80 : i32
      %parallel_loop3A_122 = arith.constant 1 : i32
      scf.for %parallel_loop3A_222 = %parallel_loop3A_120 to %parallel_loop3A_121 step %parallel_loop3A_122  : i32 {
        %parallel_loop3A_223 = arith.constant 80 : i32
        %parallel_loop3A_224 = arith.muli %add3A_113, %parallel_loop3A_223 : i32
        %parallel_loop3A_225 = arith.addi %parallel_loop3A_224, %parallel_loop3A_222 : i32
        %parallel_loop3A_226 = vector.broadcast %parallel_loop3A_225 : i32 to vector<16xi32>
        %parallel_loop3A_227 = tpu.vector_load_idx %arg9[%parallel_loop3A_226] : memref<10000xf32, #tpu.memory_space<vmem>>[vector<16xi32>], vector<16xf32>,
        %parallel_loop3A_228 = arith.index_cast %parallel_loop3A_222 : i32 to index
        %parallel_loop3A_229 = arith.constant 0 : index
        %parallel_loop3A_230 = tpu.vector_load %arg11[%parallel_loop3A_228, %parallel_loop3A_229] {strides = array<i32>} : memref<80x64xf32, #tpu.memory_space<vmem>>, vector<16xf32>,
        %parallel_loop3A_231 = arith.mulf %parallel_loop3A_230, %parallel_loop3A_227 : vector<16xf32>
        %parallel_loop3A_232 = arith.index_cast %parallel_loop3A_222 : i32 to index
        %parallel_loop3A_233 = arith.constant 0 : index
        %parallel_loop3A_234 = tpu.vector_load %arg11[%parallel_loop3A_232, %parallel_loop3A_233] {strides = array<i32>} : memref<80x64xf32, #tpu.memory_space<vmem>>, vector<16xf32>,
        tpu.vector_store %arg11[%parallel_loop3A_232, %parallel_loop3A_233], %parallel_loop3A_231 {strides = array<i32>} : memref<80x64xf32, #tpu.memory_space<vmem>>, vector<16xf32>,
        %parallel_loop3A_235 = arith.index_cast %parallel_loop3A_222 : i32 to index
        %parallel_loop3A_236 = arith.constant 16 : index
        %parallel_loop3A_237 = tpu.vector_load %arg11[%parallel_loop3A_235, %parallel_loop3A_236] {strides = array<i32>} : memref<80x64xf32, #tpu.memory_space<vmem>>, vector<16xf32>,
        %parallel_loop3A_238 = arith.mulf %parallel_loop3A_237, %parallel_loop3A_227 : vector<16xf32>
        %parallel_loop3A_239 = arith.index_cast %parallel_loop3A_222 : i32 to index
        %parallel_loop3A_240 = arith.constant 16 : index
        %parallel_loop3A_241 = tpu.vector_load %arg11[%parallel_loop3A_239, %parallel_loop3A_240] {strides = array<i32>} : memref<80x64xf32, #tpu.memory_space<vmem>>, vector<16xf32>,
        tpu.vector_store %arg11[%parallel_loop3A_239, %parallel_loop3A_240], %parallel_loop3A_238 {strides = array<i32>} : memref<80x64xf32, #tpu.memory_space<vmem>>, vector<16xf32>,
        %parallel_loop3A_242 = arith.index_cast %parallel_loop3A_222 : i32 to index
        %parallel_loop3A_243 = arith.constant 32 : index
        %parallel_loop3A_244 = tpu.vector_load %arg11[%parallel_loop3A_242, %parallel_loop3A_243] {strides = array<i32>} : memref<80x64xf32, #tpu.memory_space<vmem>>, vector<16xf32>,
        %parallel_loop3A_245 = arith.mulf %parallel_loop3A_244, %parallel_loop3A_227 : vector<16xf32>
        %parallel_loop3A_246 = arith.index_cast %parallel_loop3A_222 : i32 to index
        %parallel_loop3A_247 = arith.constant 32 : index
        %parallel_loop3A_248 = tpu.vector_load %arg11[%parallel_loop3A_246, %parallel_loop3A_247] {strides = array<i32>} : memref<80x64xf32, #tpu.memory_space<vmem>>, vector<16xf32>,
        tpu.vector_store %arg11[%parallel_loop3A_246, %parallel_loop3A_247], %parallel_loop3A_245 {strides = array<i32>} : memref<80x64xf32, #tpu.memory_space<vmem>>, vector<16xf32>,
        %parallel_loop3A_249 = arith.index_cast %parallel_loop3A_222 : i32 to index
        %parallel_loop3A_250 = arith.constant 48 : index
        %parallel_loop3A_251 = tpu.vector_load %arg11[%parallel_loop3A_249, %parallel_loop3A_250] {strides = array<i32>} : memref<80x64xf32, #tpu.memory_space<vmem>>, vector<16xf32>,
        %parallel_loop3A_252 = arith.mulf %parallel_loop3A_251, %parallel_loop3A_227 : vector<16xf32>
        %parallel_loop3A_253 = arith.index_cast %parallel_loop3A_222 : i32 to index
        %parallel_loop3A_254 = arith.constant 48 : index
        %parallel_loop3A_255 = tpu.vector_load %arg11[%parallel_loop3A_253, %parallel_loop3A_254] {strides = array<i32>} : memref<80x64xf32, #tpu.memory_space<vmem>>, vector<16xf32>,
        tpu.vector_store %arg11[%parallel_loop3A_253, %parallel_loop3A_254], %parallel_loop3A_252 {strides = array<i32>} : memref<80x64xf32, #tpu.memory_space<vmem>>, vector<16xf32>,
      } {sc.loop_unroll_factor = 4 : i64, sc.parallel_access}
      %dma_start3A_123 = arith.constant 0 : i32
      %dma_start3A_124 = tpu.memref_slice %arg8[%add3A_113, %dma_start3A_123] : memref<125x80xi32, #tpu.memory_space<vmem>> -> memref<1x80xi32, #tpu.memory_space<vmem>>
      %dma_start3A_125 = tpu.memref_squeeze %dma_start3A_124 : memref<1x80xi32, #tpu.memory_space<vmem>> -> memref<80xi32, #tpu.memory_space<vmem>>
      %dma_start3A_126 = arith.constant 0 : i32
      %dma_start3A_127 = arith.constant 0 : i32
      %dma_start3A_128 = tpu.memref_slice %arg16[%dma_start3A_126, %dma_start3A_127] : memref<10000x64xf32, #tpu.memory_space<vmem_shared>> -> memref<10000x64xf32, #tpu.memory_space<vmem_shared>>
      tpu.enqueue_indirect_dma source(%arg11 : memref<80x64xf32, #tpu.memory_space<vmem>>) target(%dma_start3A_128 : memref<10000x64xf32, #tpu.memory_space<vmem_shared>>) offsets(%dma_start3A_125 : memref<80xi32, #tpu.memory_space<vmem>>) semaphore(%arg24 : memref<!tpu.dma_semaphore, #tpu.memory_space<semaphore_mem>>) {add = true}
      %add3A_129 = arith.constant 5 : i32
      %add3A_130 = arith.addi %add3A_113, %add3A_129 : i32
      %sub3A_131 = arith.constant 1 : i32
      %sub3A_132 = arith.subi %add3A_130, %sub3A_131 : i32
      %lt3A_133 = arith.constant 125 : i32
      %lt3A_134 = arith.cmpi slt, %sub3A_132, %lt3A_133 : i32
      %convert_element_type3A_135 = arith.extui %lt3A_134 : i1 to i32
      %cond3A_136 = arith.constant 0 : i32
      %cond3A_137 = arith.cmpi ne, %convert_element_type3A_135, %cond3A_136 : i32
      scf.if %cond3A_137 {
        %ge3A = arith.constant 1 : i32
        %ge3A_222 = arith.cmpi sge, %add3A_113, %ge3A : i32
        %convert_element_type3A_223 = arith.extui %ge3A_222 : i1 to i32
        %cond3A_224 = arith.constant 0 : i32
        %cond3A_225 = arith.cmpi ne, %convert_element_type3A_223, %cond3A_224 : i32
        scf.if %cond3A_225 {
          %sub3A_236 = arith.constant 1 : i32
          %sub3A_237 = arith.subi %add3A_113, %sub3A_236 : i32
          %dma_wait3A_238 = arith.constant 0 : i32
          %dma_wait3A_239 = tpu.memref_slice %arg8[%sub3A_237, %dma_wait3A_238] : memref<125x80xi32, #tpu.memory_space<vmem>> -> memref<1x80xi32, #tpu.memory_space<vmem>>
          %dma_wait3A_240 = tpu.memref_squeeze %dma_wait3A_239 : memref<1x80xi32, #tpu.memory_space<vmem>> -> memref<80xi32, #tpu.memory_space<vmem>>
          %dma_wait3A_241 = arith.constant 0 : i32
          %dma_wait3A_242 = arith.constant 0 : i32
          %dma_wait3A_243 = tpu.memref_slice %arg16[%dma_wait3A_241, %dma_wait3A_242] : memref<10000x64xf32, #tpu.memory_space<vmem_shared>> -> memref<10000x64xf32, #tpu.memory_space<vmem_shared>>
          tpu.wait_indirect_dma semaphore(%arg23 : memref<!tpu.dma_semaphore, #tpu.memory_space<semaphore_mem>>) src(%arg10 : memref<80x64xf32, #tpu.memory_space<vmem>>) dst(%dma_wait3A_243 : memref<10000x64xf32, #tpu.memory_space<vmem_shared>>)
        } else {
        }
        %add3A_226 = arith.constant 5 : i32
        %add3A_227 = arith.addi %add3A_113, %add3A_226 : i32
        %sub3A_228 = arith.constant 1 : i32
        %sub3A_229 = arith.subi %add3A_227, %sub3A_228 : i32
        %mul3A_230 = arith.constant 80 : i32
        %mul3A_231 = arith.muli %sub3A_229, %mul3A_230 : i32
        %dma_start3A_232 = tpu.memref_slice %arg7[%mul3A_231] : memref<10000xi32, #tpu.memory_space<vmem>> -> memref<80xi32, #tpu.memory_space<vmem>>
        %dma_start3A_233 = arith.constant 0 : i32
        %dma_start3A_234 = arith.constant 0 : i32
        %dma_start3A_235 = tpu.memref_slice %arg2[%dma_start3A_233, %dma_start3A_234] : memref<20000x64xf32, #tpu.memory_space<hbm>> -> memref<20000x64xf32, #tpu.memory_space<hbm>>
        tpu.enqueue_indirect_dma source(%dma_start3A_235 : memref<20000x64xf32, #tpu.memory_space<hbm>>) target(%arg10 : memref<80x64xf32, #tpu.memory_space<vmem>>) offsets(%dma_start3A_232 : memref<80xi32, #tpu.memory_space<vmem>>) semaphore(%arg18 : memref<!tpu.dma_semaphore, #tpu.memory_space<semaphore_mem>>)
      } else {
      }
      %mul3A_138 = arith.constant 5 : i32
      %mul3A_139 = arith.muli %add3A_85, %mul3A_138 : i32
      %add3A_140 = arith.constant 2 : i32
      %add3A_141 = arith.addi %mul3A_139, %add3A_140 : i32
      %mul3A_142 = arith.constant 80 : i32
      %mul3A_143 = arith.muli %add3A_141, %mul3A_142 : i32
      %dma_wait3A_144 = tpu.memref_slice %arg7[%mul3A_143] : memref<10000xi32, #tpu.memory_space<vmem>> -> memref<80xi32, #tpu.memory_space<vmem>>
      %dma_wait3A_145 = arith.constant 0 : i32
      %dma_wait3A_146 = arith.constant 0 : i32
      %dma_wait3A_147 = tpu.memref_slice %arg2[%dma_wait3A_145, %dma_wait3A_146] : memref<20000x64xf32, #tpu.memory_space<hbm>> -> memref<20000x64xf32, #tpu.memory_space<hbm>>
      tpu.wait_indirect_dma semaphore(%arg20 : memref<!tpu.dma_semaphore, #tpu.memory_space<semaphore_mem>>) src(%dma_wait3A_147 : memref<20000x64xf32, #tpu.memory_space<hbm>>) dst(%arg12 : memref<80x64xf32, #tpu.memory_space<vmem>>)
      %parallel_loop3A_148 = arith.constant 0 : i32
      %parallel_loop3A_149 = arith.constant 80 : i32
      %parallel_loop3A_150 = arith.constant 1 : i32
      scf.for %parallel_loop3A_222 = %parallel_loop3A_148 to %parallel_loop3A_149 step %parallel_loop3A_150  : i32 {
        %parallel_loop3A_223 = arith.constant 80 : i32
        %parallel_loop3A_224 = arith.muli %add3A_141, %parallel_loop3A_223 : i32
        %parallel_loop3A_225 = arith.addi %parallel_loop3A_224, %parallel_loop3A_222 : i32
        %parallel_loop3A_226 = vector.broadcast %parallel_loop3A_225 : i32 to vector<16xi32>
        %parallel_loop3A_227 = tpu.vector_load_idx %arg9[%parallel_loop3A_226] : memref<10000xf32, #tpu.memory_space<vmem>>[vector<16xi32>], vector<16xf32>,
        %parallel_loop3A_228 = arith.index_cast %parallel_loop3A_222 : i32 to index
        %parallel_loop3A_229 = arith.constant 0 : index
        %parallel_loop3A_230 = tpu.vector_load %arg12[%parallel_loop3A_228, %parallel_loop3A_229] {strides = array<i32>} : memref<80x64xf32, #tpu.memory_space<vmem>>, vector<16xf32>,
        %parallel_loop3A_231 = arith.mulf %parallel_loop3A_230, %parallel_loop3A_227 : vector<16xf32>
        %parallel_loop3A_232 = arith.index_cast %parallel_loop3A_222 : i32 to index
        %parallel_loop3A_233 = arith.constant 0 : index
        %parallel_loop3A_234 = tpu.vector_load %arg12[%parallel_loop3A_232, %parallel_loop3A_233] {strides = array<i32>} : memref<80x64xf32, #tpu.memory_space<vmem>>, vector<16xf32>,
        tpu.vector_store %arg12[%parallel_loop3A_232, %parallel_loop3A_233], %parallel_loop3A_231 {strides = array<i32>} : memref<80x64xf32, #tpu.memory_space<vmem>>, vector<16xf32>,
        %parallel_loop3A_235 = arith.index_cast %parallel_loop3A_222 : i32 to index
        %parallel_loop3A_236 = arith.constant 16 : index
        %parallel_loop3A_237 = tpu.vector_load %arg12[%parallel_loop3A_235, %parallel_loop3A_236] {strides = array<i32>} : memref<80x64xf32, #tpu.memory_space<vmem>>, vector<16xf32>,
        %parallel_loop3A_238 = arith.mulf %parallel_loop3A_237, %parallel_loop3A_227 : vector<16xf32>
        %parallel_loop3A_239 = arith.index_cast %parallel_loop3A_222 : i32 to index
        %parallel_loop3A_240 = arith.constant 16 : index
        %parallel_loop3A_241 = tpu.vector_load %arg12[%parallel_loop3A_239, %parallel_loop3A_240] {strides = array<i32>} : memref<80x64xf32, #tpu.memory_space<vmem>>, vector<16xf32>,
        tpu.vector_store %arg12[%parallel_loop3A_239, %parallel_loop3A_240], %parallel_loop3A_238 {strides = array<i32>} : memref<80x64xf32, #tpu.memory_space<vmem>>, vector<16xf32>,
        %parallel_loop3A_242 = arith.index_cast %parallel_loop3A_222 : i32 to index
        %parallel_loop3A_243 = arith.constant 32 : index
        %parallel_loop3A_244 = tpu.vector_load %arg12[%parallel_loop3A_242, %parallel_loop3A_243] {strides = array<i32>} : memref<80x64xf32, #tpu.memory_space<vmem>>, vector<16xf32>,
        %parallel_loop3A_245 = arith.mulf %parallel_loop3A_244, %parallel_loop3A_227 : vector<16xf32>
        %parallel_loop3A_246 = arith.index_cast %parallel_loop3A_222 : i32 to index
        %parallel_loop3A_247 = arith.constant 32 : index
        %parallel_loop3A_248 = tpu.vector_load %arg12[%parallel_loop3A_246, %parallel_loop3A_247] {strides = array<i32>} : memref<80x64xf32, #tpu.memory_space<vmem>>, vector<16xf32>,
        tpu.vector_store %arg12[%parallel_loop3A_246, %parallel_loop3A_247], %parallel_loop3A_245 {strides = array<i32>} : memref<80x64xf32, #tpu.memory_space<vmem>>, vector<16xf32>,
        %parallel_loop3A_249 = arith.index_cast %parallel_loop3A_222 : i32 to index
        %parallel_loop3A_250 = arith.constant 48 : index
        %parallel_loop3A_251 = tpu.vector_load %arg12[%parallel_loop3A_249, %parallel_loop3A_250] {strides = array<i32>} : memref<80x64xf32, #tpu.memory_space<vmem>>, vector<16xf32>,
        %parallel_loop3A_252 = arith.mulf %parallel_loop3A_251, %parallel_loop3A_227 : vector<16xf32>
        %parallel_loop3A_253 = arith.index_cast %parallel_loop3A_222 : i32 to index
        %parallel_loop3A_254 = arith.constant 48 : index
        %parallel_loop3A_255 = tpu.vector_load %arg12[%parallel_loop3A_253, %parallel_loop3A_254] {strides = array<i32>} : memref<80x64xf32, #tpu.memory_space<vmem>>, vector<16xf32>,
        tpu.vector_store %arg12[%parallel_loop3A_253, %parallel_loop3A_254], %parallel_loop3A_252 {strides = array<i32>} : memref<80x64xf32, #tpu.memory_space<vmem>>, vector<16xf32>,
      } {sc.loop_unroll_factor = 4 : i64, sc.parallel_access}
      %dma_start3A_151 = arith.constant 0 : i32
      %dma_start3A_152 = tpu.memref_slice %arg8[%add3A_141, %dma_start3A_151] : memref<125x80xi32, #tpu.memory_space<vmem>> -> memref<1x80xi32, #tpu.memory_space<vmem>>
      %dma_start3A_153 = tpu.memref_squeeze %dma_start3A_152 : memref<1x80xi32, #tpu.memory_space<vmem>> -> memref<80xi32, #tpu.memory_space<vmem>>
      %dma_start3A_154 = arith.constant 0 : i32
      %dma_start3A_155 = arith.constant 0 : i32
      %dma_start3A_156 = tpu.memref_slice %arg16[%dma_start3A_154, %dma_start3A_155] : memref<10000x64xf32, #tpu.memory_space<vmem_shared>> -> memref<10000x64xf32, #tpu.memory_space<vmem_shared>>
      tpu.enqueue_indirect_dma source(%arg12 : memref<80x64xf32, #tpu.memory_space<vmem>>) target(%dma_start3A_156 : memref<10000x64xf32, #tpu.memory_space<vmem_shared>>) offsets(%dma_start3A_153 : memref<80xi32, #tpu.memory_space<vmem>>) semaphore(%arg25 : memref<!tpu.dma_semaphore, #tpu.memory_space<semaphore_mem>>) {add = true}
      %add3A_157 = arith.constant 5 : i32
      %add3A_158 = arith.addi %add3A_141, %add3A_157 : i32
      %sub3A_159 = arith.constant 1 : i32
      %sub3A_160 = arith.subi %add3A_158, %sub3A_159 : i32
      %lt3A_161 = arith.constant 125 : i32
      %lt3A_162 = arith.cmpi slt, %sub3A_160, %lt3A_161 : i32
      %convert_element_type3A_163 = arith.extui %lt3A_162 : i1 to i32
      %cond3A_164 = arith.constant 0 : i32
      %cond3A_165 = arith.cmpi ne, %convert_element_type3A_163, %cond3A_164 : i32
      scf.if %cond3A_165 {
        %ge3A = arith.constant 1 : i32
        %ge3A_222 = arith.cmpi sge, %add3A_141, %ge3A : i32
        %convert_element_type3A_223 = arith.extui %ge3A_222 : i1 to i32
        %cond3A_224 = arith.constant 0 : i32
        %cond3A_225 = arith.cmpi ne, %convert_element_type3A_223, %cond3A_224 : i32
        scf.if %cond3A_225 {
          %sub3A_236 = arith.constant 1 : i32
          %sub3A_237 = arith.subi %add3A_141, %sub3A_236 : i32
          %dma_wait3A_238 = arith.constant 0 : i32
          %dma_wait3A_239 = tpu.memref_slice %arg8[%sub3A_237, %dma_wait3A_238] : memref<125x80xi32, #tpu.memory_space<vmem>> -> memref<1x80xi32, #tpu.memory_space<vmem>>
          %dma_wait3A_240 = tpu.memref_squeeze %dma_wait3A_239 : memref<1x80xi32, #tpu.memory_space<vmem>> -> memref<80xi32, #tpu.memory_space<vmem>>
          %dma_wait3A_241 = arith.constant 0 : i32
          %dma_wait3A_242 = arith.constant 0 : i32
          %dma_wait3A_243 = tpu.memref_slice %arg16[%dma_wait3A_241, %dma_wait3A_242] : memref<10000x64xf32, #tpu.memory_space<vmem_shared>> -> memref<10000x64xf32, #tpu.memory_space<vmem_shared>>
          tpu.wait_indirect_dma semaphore(%arg24 : memref<!tpu.dma_semaphore, #tpu.memory_space<semaphore_mem>>) src(%arg11 : memref<80x64xf32, #tpu.memory_space<vmem>>) dst(%dma_wait3A_243 : memref<10000x64xf32, #tpu.memory_space<vmem_shared>>)
        } else {
        }
        %add3A_226 = arith.constant 5 : i32
        %add3A_227 = arith.addi %add3A_141, %add3A_226 : i32
        %sub3A_228 = arith.constant 1 : i32
        %sub3A_229 = arith.subi %add3A_227, %sub3A_228 : i32
        %mul3A_230 = arith.constant 80 : i32
        %mul3A_231 = arith.muli %sub3A_229, %mul3A_230 : i32
        %dma_start3A_232 = tpu.memref_slice %arg7[%mul3A_231] : memref<10000xi32, #tpu.memory_space<vmem>> -> memref<80xi32, #tpu.memory_space<vmem>>
        %dma_start3A_233 = arith.constant 0 : i32
        %dma_start3A_234 = arith.constant 0 : i32
        %dma_start3A_235 = tpu.memref_slice %arg2[%dma_start3A_233, %dma_start3A_234] : memref<20000x64xf32, #tpu.memory_space<hbm>> -> memref<20000x64xf32, #tpu.memory_space<hbm>>
        tpu.enqueue_indirect_dma source(%dma_start3A_235 : memref<20000x64xf32, #tpu.memory_space<hbm>>) target(%arg11 : memref<80x64xf32, #tpu.memory_space<vmem>>) offsets(%dma_start3A_232 : memref<80xi32, #tpu.memory_space<vmem>>) semaphore(%arg19 : memref<!tpu.dma_semaphore, #tpu.memory_space<semaphore_mem>>)
      } else {
      }
      %mul3A_166 = arith.constant 5 : i32
      %mul3A_167 = arith.muli %add3A_85, %mul3A_166 : i32
      %add3A_168 = arith.constant 3 : i32
      %add3A_169 = arith.addi %mul3A_167, %add3A_168 : i32
      %mul3A_170 = arith.constant 80 : i32
      %mul3A_171 = arith.muli %add3A_169, %mul3A_170 : i32
      %dma_wait3A_172 = tpu.memref_slice %arg7[%mul3A_171] : memref<10000xi32, #tpu.memory_space<vmem>> -> memref<80xi32, #tpu.memory_space<vmem>>
      %dma_wait3A_173 = arith.constant 0 : i32
      %dma_wait3A_174 = arith.constant 0 : i32
      %dma_wait3A_175 = tpu.memref_slice %arg2[%dma_wait3A_173, %dma_wait3A_174] : memref<20000x64xf32, #tpu.memory_space<hbm>> -> memref<20000x64xf32, #tpu.memory_space<hbm>>
      tpu.wait_indirect_dma semaphore(%arg21 : memref<!tpu.dma_semaphore, #tpu.memory_space<semaphore_mem>>) src(%dma_wait3A_175 : memref<20000x64xf32, #tpu.memory_space<hbm>>) dst(%arg13 : memref<80x64xf32, #tpu.memory_space<vmem>>)
      %parallel_loop3A_176 = arith.constant 0 : i32
      %parallel_loop3A_177 = arith.constant 80 : i32
      %parallel_loop3A_178 = arith.constant 1 : i32
      scf.for %parallel_loop3A_222 = %parallel_loop3A_176 to %parallel_loop3A_177 step %parallel_loop3A_178  : i32 {
        %parallel_loop3A_223 = arith.constant 80 : i32
        %parallel_loop3A_224 = arith.muli %add3A_169, %parallel_loop3A_223 : i32
        %parallel_loop3A_225 = arith.addi %parallel_loop3A_224, %parallel_loop3A_222 : i32
        %parallel_loop3A_226 = vector.broadcast %parallel_loop3A_225 : i32 to vector<16xi32>
        %parallel_loop3A_227 = tpu.vector_load_idx %arg9[%parallel_loop3A_226] : memref<10000xf32, #tpu.memory_space<vmem>>[vector<16xi32>], vector<16xf32>,
        %parallel_loop3A_228 = arith.index_cast %parallel_loop3A_222 : i32 to index
        %parallel_loop3A_229 = arith.constant 0 : index
        %parallel_loop3A_230 = tpu.vector_load %arg13[%parallel_loop3A_228, %parallel_loop3A_229] {strides = array<i32>} : memref<80x64xf32, #tpu.memory_space<vmem>>, vector<16xf32>,
        %parallel_loop3A_231 = arith.mulf %parallel_loop3A_230, %parallel_loop3A_227 : vector<16xf32>
        %parallel_loop3A_232 = arith.index_cast %parallel_loop3A_222 : i32 to index
        %parallel_loop3A_233 = arith.constant 0 : index
        %parallel_loop3A_234 = tpu.vector_load %arg13[%parallel_loop3A_232, %parallel_loop3A_233] {strides = array<i32>} : memref<80x64xf32, #tpu.memory_space<vmem>>, vector<16xf32>,
        tpu.vector_store %arg13[%parallel_loop3A_232, %parallel_loop3A_233], %parallel_loop3A_231 {strides = array<i32>} : memref<80x64xf32, #tpu.memory_space<vmem>>, vector<16xf32>,
        %parallel_loop3A_235 = arith.index_cast %parallel_loop3A_222 : i32 to index
        %parallel_loop3A_236 = arith.constant 16 : index
        %parallel_loop3A_237 = tpu.vector_load %arg13[%parallel_loop3A_235, %parallel_loop3A_236] {strides = array<i32>} : memref<80x64xf32, #tpu.memory_space<vmem>>, vector<16xf32>,
        %parallel_loop3A_238 = arith.mulf %parallel_loop3A_237, %parallel_loop3A_227 : vector<16xf32>
        %parallel_loop3A_239 = arith.index_cast %parallel_loop3A_222 : i32 to index
        %parallel_loop3A_240 = arith.constant 16 : index
        %parallel_loop3A_241 = tpu.vector_load %arg13[%parallel_loop3A_239, %parallel_loop3A_240] {strides = array<i32>} : memref<80x64xf32, #tpu.memory_space<vmem>>, vector<16xf32>,
        tpu.vector_store %arg13[%parallel_loop3A_239, %parallel_loop3A_240], %parallel_loop3A_238 {strides = array<i32>} : memref<80x64xf32, #tpu.memory_space<vmem>>, vector<16xf32>,
        %parallel_loop3A_242 = arith.index_cast %parallel_loop3A_222 : i32 to index
        %parallel_loop3A_243 = arith.constant 32 : index
        %parallel_loop3A_244 = tpu.vector_load %arg13[%parallel_loop3A_242, %parallel_loop3A_243] {strides = array<i32>} : memref<80x64xf32, #tpu.memory_space<vmem>>, vector<16xf32>,
        %parallel_loop3A_245 = arith.mulf %parallel_loop3A_244, %parallel_loop3A_227 : vector<16xf32>
        %parallel_loop3A_246 = arith.index_cast %parallel_loop3A_222 : i32 to index
        %parallel_loop3A_247 = arith.constant 32 : index
        %parallel_loop3A_248 = tpu.vector_load %arg13[%parallel_loop3A_246, %parallel_loop3A_247] {strides = array<i32>} : memref<80x64xf32, #tpu.memory_space<vmem>>, vector<16xf32>,
        tpu.vector_store %arg13[%parallel_loop3A_246, %parallel_loop3A_247], %parallel_loop3A_245 {strides = array<i32>} : memref<80x64xf32, #tpu.memory_space<vmem>>, vector<16xf32>,
        %parallel_loop3A_249 = arith.index_cast %parallel_loop3A_222 : i32 to index
        %parallel_loop3A_250 = arith.constant 48 : index
        %parallel_loop3A_251 = tpu.vector_load %arg13[%parallel_loop3A_249, %parallel_loop3A_250] {strides = array<i32>} : memref<80x64xf32, #tpu.memory_space<vmem>>, vector<16xf32>,
        %parallel_loop3A_252 = arith.mulf %parallel_loop3A_251, %parallel_loop3A_227 : vector<16xf32>
        %parallel_loop3A_253 = arith.index_cast %parallel_loop3A_222 : i32 to index
        %parallel_loop3A_254 = arith.constant 48 : index
        %parallel_loop3A_255 = tpu.vector_load %arg13[%parallel_loop3A_253, %parallel_loop3A_254] {strides = array<i32>} : memref<80x64xf32, #tpu.memory_space<vmem>>, vector<16xf32>,
        tpu.vector_store %arg13[%parallel_loop3A_253, %parallel_loop3A_254], %parallel_loop3A_252 {strides = array<i32>} : memref<80x64xf32, #tpu.memory_space<vmem>>, vector<16xf32>,
      } {sc.loop_unroll_factor = 4 : i64, sc.parallel_access}
      %dma_start3A_179 = arith.constant 0 : i32
      %dma_start3A_180 = tpu.memref_slice %arg8[%add3A_169, %dma_start3A_179] : memref<125x80xi32, #tpu.memory_space<vmem>> -> memref<1x80xi32, #tpu.memory_space<vmem>>
      %dma_start3A_181 = tpu.memref_squeeze %dma_start3A_180 : memref<1x80xi32, #tpu.memory_space<vmem>> -> memref<80xi32, #tpu.memory_space<vmem>>
      %dma_start3A_182 = arith.constant 0 : i32
      %dma_start3A_183 = arith.constant 0 : i32
      %dma_start3A_184 = tpu.memref_slice %arg16[%dma_start3A_182, %dma_start3A_183] : memref<10000x64xf32, #tpu.memory_space<vmem_shared>> -> memref<10000x64xf32, #tpu.memory_space<vmem_shared>>
      tpu.enqueue_indirect_dma source(%arg13 : memref<80x64xf32, #tpu.memory_space<vmem>>) target(%dma_start3A_184 : memref<10000x64xf32, #tpu.memory_space<vmem_shared>>) offsets(%dma_start3A_181 : memref<80xi32, #tpu.memory_space<vmem>>) semaphore(%arg26 : memref<!tpu.dma_semaphore, #tpu.memory_space<semaphore_mem>>) {add = true}
      %add3A_185 = arith.constant 5 : i32
      %add3A_186 = arith.addi %add3A_169, %add3A_185 : i32
      %sub3A_187 = arith.constant 1 : i32
      %sub3A_188 = arith.subi %add3A_186, %sub3A_187 : i32
      %lt3A_189 = arith.constant 125 : i32
      %lt3A_190 = arith.cmpi slt, %sub3A_188, %lt3A_189 : i32
      %convert_element_type3A_191 = arith.extui %lt3A_190 : i1 to i32
      %cond3A_192 = arith.constant 0 : i32
      %cond3A_193 = arith.cmpi ne, %convert_element_type3A_191, %cond3A_192 : i32
      scf.if %cond3A_193 {
        %ge3A = arith.constant 1 : i32
        %ge3A_222 = arith.cmpi sge, %add3A_169, %ge3A : i32
        %convert_element_type3A_223 = arith.extui %ge3A_222 : i1 to i32
        %cond3A_224 = arith.constant 0 : i32
        %cond3A_225 = arith.cmpi ne, %convert_element_type3A_223, %cond3A_224 : i32
        scf.if %cond3A_225 {
          %sub3A_236 = arith.constant 1 : i32
          %sub3A_237 = arith.subi %add3A_169, %sub3A_236 : i32
          %dma_wait3A_238 = arith.constant 0 : i32
          %dma_wait3A_239 = tpu.memref_slice %arg8[%sub3A_237, %dma_wait3A_238] : memref<125x80xi32, #tpu.memory_space<vmem>> -> memref<1x80xi32, #tpu.memory_space<vmem>>
          %dma_wait3A_240 = tpu.memref_squeeze %dma_wait3A_239 : memref<1x80xi32, #tpu.memory_space<vmem>> -> memref<80xi32, #tpu.memory_space<vmem>>
          %dma_wait3A_241 = arith.constant 0 : i32
          %dma_wait3A_242 = arith.constant 0 : i32
          %dma_wait3A_243 = tpu.memref_slice %arg16[%dma_wait3A_241, %dma_wait3A_242] : memref<10000x64xf32, #tpu.memory_space<vmem_shared>> -> memref<10000x64xf32, #tpu.memory_space<vmem_shared>>
          tpu.wait_indirect_dma semaphore(%arg25 : memref<!tpu.dma_semaphore, #tpu.memory_space<semaphore_mem>>) src(%arg12 : memref<80x64xf32, #tpu.memory_space<vmem>>) dst(%dma_wait3A_243 : memref<10000x64xf32, #tpu.memory_space<vmem_shared>>)
        } else {
        }
        %add3A_226 = arith.constant 5 : i32
        %add3A_227 = arith.addi %add3A_169, %add3A_226 : i32
        %sub3A_228 = arith.constant 1 : i32
        %sub3A_229 = arith.subi %add3A_227, %sub3A_228 : i32
        %mul3A_230 = arith.constant 80 : i32
        %mul3A_231 = arith.muli %sub3A_229, %mul3A_230 : i32
        %dma_start3A_232 = tpu.memref_slice %arg7[%mul3A_231] : memref<10000xi32, #tpu.memory_space<vmem>> -> memref<80xi32, #tpu.memory_space<vmem>>
        %dma_start3A_233 = arith.constant 0 : i32
        %dma_start3A_234 = arith.constant 0 : i32
        %dma_start3A_235 = tpu.memref_slice %arg2[%dma_start3A_233, %dma_start3A_234] : memref<20000x64xf32, #tpu.memory_space<hbm>> -> memref<20000x64xf32, #tpu.memory_space<hbm>>
        tpu.enqueue_indirect_dma source(%dma_start3A_235 : memref<20000x64xf32, #tpu.memory_space<hbm>>) target(%arg12 : memref<80x64xf32, #tpu.memory_space<vmem>>) offsets(%dma_start3A_232 : memref<80xi32, #tpu.memory_space<vmem>>) semaphore(%arg20 : memref<!tpu.dma_semaphore, #tpu.memory_space<semaphore_mem>>)
      } else {
      }
      %mul3A_194 = arith.constant 5 : i32
      %mul3A_195 = arith.muli %add3A_85, %mul3A_194 : i32
      %add3A_196 = arith.constant 4 : i32
      %add3A_197 = arith.addi %mul3A_195, %add3A_196 : i32
      %mul3A_198 = arith.constant 80 : i32
      %mul3A_199 = arith.muli %add3A_197, %mul3A_198 : i32
      %dma_wait3A_200 = tpu.memref_slice %arg7[%mul3A_199] : memref<10000xi32, #tpu.memory_space<vmem>> -> memref<80xi32, #tpu.memory_space<vmem>>
      %dma_wait3A_201 = arith.constant 0 : i32
      %dma_wait3A_202 = arith.constant 0 : i32
      %dma_wait3A_203 = tpu.memref_slice %arg2[%dma_wait3A_201, %dma_wait3A_202] : memref<20000x64xf32, #tpu.memory_space<hbm>> -> memref<20000x64xf32, #tpu.memory_space<hbm>>
      tpu.wait_indirect_dma semaphore(%arg22 : memref<!tpu.dma_semaphore, #tpu.memory_space<semaphore_mem>>) src(%dma_wait3A_203 : memref<20000x64xf32, #tpu.memory_space<hbm>>) dst(%arg14 : memref<80x64xf32, #tpu.memory_space<vmem>>)
      %parallel_loop3A_204 = arith.constant 0 : i32
      %parallel_loop3A_205 = arith.constant 80 : i32
      %parallel_loop3A_206 = arith.constant 1 : i32
      scf.for %parallel_loop3A_222 = %parallel_loop3A_204 to %parallel_loop3A_205 step %parallel_loop3A_206  : i32 {
        %parallel_loop3A_223 = arith.constant 80 : i32
        %parallel_loop3A_224 = arith.muli %add3A_197, %parallel_loop3A_223 : i32
        %parallel_loop3A_225 = arith.addi %parallel_loop3A_224, %parallel_loop3A_222 : i32
        %parallel_loop3A_226 = vector.broadcast %parallel_loop3A_225 : i32 to vector<16xi32>
        %parallel_loop3A_227 = tpu.vector_load_idx %arg9[%parallel_loop3A_226] : memref<10000xf32, #tpu.memory_space<vmem>>[vector<16xi32>], vector<16xf32>,
        %parallel_loop3A_228 = arith.index_cast %parallel_loop3A_222 : i32 to index
        %parallel_loop3A_229 = arith.constant 0 : index
        %parallel_loop3A_230 = tpu.vector_load %arg14[%parallel_loop3A_228, %parallel_loop3A_229] {strides = array<i32>} : memref<80x64xf32, #tpu.memory_space<vmem>>, vector<16xf32>,
        %parallel_loop3A_231 = arith.mulf %parallel_loop3A_230, %parallel_loop3A_227 : vector<16xf32>
        %parallel_loop3A_232 = arith.index_cast %parallel_loop3A_222 : i32 to index
        %parallel_loop3A_233 = arith.constant 0 : index
        %parallel_loop3A_234 = tpu.vector_load %arg14[%parallel_loop3A_232, %parallel_loop3A_233] {strides = array<i32>} : memref<80x64xf32, #tpu.memory_space<vmem>>, vector<16xf32>,
        tpu.vector_store %arg14[%parallel_loop3A_232, %parallel_loop3A_233], %parallel_loop3A_231 {strides = array<i32>} : memref<80x64xf32, #tpu.memory_space<vmem>>, vector<16xf32>,
        %parallel_loop3A_235 = arith.index_cast %parallel_loop3A_222 : i32 to index
        %parallel_loop3A_236 = arith.constant 16 : index
        %parallel_loop3A_237 = tpu.vector_load %arg14[%parallel_loop3A_235, %parallel_loop3A_236] {strides = array<i32>} : memref<80x64xf32, #tpu.memory_space<vmem>>, vector<16xf32>,
        %parallel_loop3A_238 = arith.mulf %parallel_loop3A_237, %parallel_loop3A_227 : vector<16xf32>
        %parallel_loop3A_239 = arith.index_cast %parallel_loop3A_222 : i32 to index
        %parallel_loop3A_240 = arith.constant 16 : index
        %parallel_loop3A_241 = tpu.vector_load %arg14[%parallel_loop3A_239, %parallel_loop3A_240] {strides = array<i32>} : memref<80x64xf32, #tpu.memory_space<vmem>>, vector<16xf32>,
        tpu.vector_store %arg14[%parallel_loop3A_239, %parallel_loop3A_240], %parallel_loop3A_238 {strides = array<i32>} : memref<80x64xf32, #tpu.memory_space<vmem>>, vector<16xf32>,
        %parallel_loop3A_242 = arith.index_cast %parallel_loop3A_222 : i32 to index
        %parallel_loop3A_243 = arith.constant 32 : index
        %parallel_loop3A_244 = tpu.vector_load %arg14[%parallel_loop3A_242, %parallel_loop3A_243] {strides = array<i32>} : memref<80x64xf32, #tpu.memory_space<vmem>>, vector<16xf32>,
        %parallel_loop3A_245 = arith.mulf %parallel_loop3A_244, %parallel_loop3A_227 : vector<16xf32>
        %parallel_loop3A_246 = arith.index_cast %parallel_loop3A_222 : i32 to index
        %parallel_loop3A_247 = arith.constant 32 : index
        %parallel_loop3A_248 = tpu.vector_load %arg14[%parallel_loop3A_246, %parallel_loop3A_247] {strides = array<i32>} : memref<80x64xf32, #tpu.memory_space<vmem>>, vector<16xf32>,
        tpu.vector_store %arg14[%parallel_loop3A_246, %parallel_loop3A_247], %parallel_loop3A_245 {strides = array<i32>} : memref<80x64xf32, #tpu.memory_space<vmem>>, vector<16xf32>,
        %parallel_loop3A_249 = arith.index_cast %parallel_loop3A_222 : i32 to index
        %parallel_loop3A_250 = arith.constant 48 : index
        %parallel_loop3A_251 = tpu.vector_load %arg14[%parallel_loop3A_249, %parallel_loop3A_250] {strides = array<i32>} : memref<80x64xf32, #tpu.memory_space<vmem>>, vector<16xf32>,
        %parallel_loop3A_252 = arith.mulf %parallel_loop3A_251, %parallel_loop3A_227 : vector<16xf32>
        %parallel_loop3A_253 = arith.index_cast %parallel_loop3A_222 : i32 to index
        %parallel_loop3A_254 = arith.constant 48 : index
        %parallel_loop3A_255 = tpu.vector_load %arg14[%parallel_loop3A_253, %parallel_loop3A_254] {strides = array<i32>} : memref<80x64xf32, #tpu.memory_space<vmem>>, vector<16xf32>,
        tpu.vector_store %arg14[%parallel_loop3A_253, %parallel_loop3A_254], %parallel_loop3A_252 {strides = array<i32>} : memref<80x64xf32, #tpu.memory_space<vmem>>, vector<16xf32>,
      } {sc.loop_unroll_factor = 4 : i64, sc.parallel_access}
      %dma_start3A_207 = arith.constant 0 : i32
      %dma_start3A_208 = tpu.memref_slice %arg8[%add3A_197, %dma_start3A_207] : memref<125x80xi32, #tpu.memory_space<vmem>> -> memref<1x80xi32, #tpu.memory_space<vmem>>
      %dma_start3A_209 = tpu.memref_squeeze %dma_start3A_208 : memref<1x80xi32, #tpu.memory_space<vmem>> -> memref<80xi32, #tpu.memory_space<vmem>>
      %dma_start3A_210 = arith.constant 0 : i32
      %dma_start3A_211 = arith.constant 0 : i32
      %dma_start3A_212 = tpu.memref_slice %arg16[%dma_start3A_210, %dma_start3A_211] : memref<10000x64xf32, #tpu.memory_space<vmem_shared>> -> memref<10000x64xf32, #tpu.memory_space<vmem_shared>>
      tpu.enqueue_indirect_dma source(%arg14 : memref<80x64xf32, #tpu.memory_space<vmem>>) target(%dma_start3A_212 : memref<10000x64xf32, #tpu.memory_space<vmem_shared>>) offsets(%dma_start3A_209 : memref<80xi32, #tpu.memory_space<vmem>>) semaphore(%arg27 : memref<!tpu.dma_semaphore, #tpu.memory_space<semaphore_mem>>) {add = true}
      %add3A_213 = arith.constant 5 : i32
      %add3A_214 = arith.addi %add3A_197, %add3A_213 : i32
      %sub3A_215 = arith.constant 1 : i32
      %sub3A_216 = arith.subi %add3A_214, %sub3A_215 : i32
      %lt3A_217 = arith.constant 125 : i32
      %lt3A_218 = arith.cmpi slt, %sub3A_216, %lt3A_217 : i32
      %convert_element_type3A_219 = arith.extui %lt3A_218 : i1 to i32
      %cond3A_220 = arith.constant 0 : i32
      %cond3A_221 = arith.cmpi ne, %convert_element_type3A_219, %cond3A_220 : i32
      scf.if %cond3A_221 {
        %ge3A = arith.constant 1 : i32
        %ge3A_222 = arith.cmpi sge, %add3A_197, %ge3A : i32
        %convert_element_type3A_223 = arith.extui %ge3A_222 : i1 to i32
        %cond3A_224 = arith.constant 0 : i32
        %cond3A_225 = arith.cmpi ne, %convert_element_type3A_223, %cond3A_224 : i32
        scf.if %cond3A_225 {
          %sub3A_236 = arith.constant 1 : i32
          %sub3A_237 = arith.subi %add3A_197, %sub3A_236 : i32
          %dma_wait3A_238 = arith.constant 0 : i32
          %dma_wait3A_239 = tpu.memref_slice %arg8[%sub3A_237, %dma_wait3A_238] : memref<125x80xi32, #tpu.memory_space<vmem>> -> memref<1x80xi32, #tpu.memory_space<vmem>>
          %dma_wait3A_240 = tpu.memref_squeeze %dma_wait3A_239 : memref<1x80xi32, #tpu.memory_space<vmem>> -> memref<80xi32, #tpu.memory_space<vmem>>
          %dma_wait3A_241 = arith.constant 0 : i32
          %dma_wait3A_242 = arith.constant 0 : i32
          %dma_wait3A_243 = tpu.memref_slice %arg16[%dma_wait3A_241, %dma_wait3A_242] : memref<10000x64xf32, #tpu.memory_space<vmem_shared>> -> memref<10000x64xf32, #tpu.memory_space<vmem_shared>>
          tpu.wait_indirect_dma semaphore(%arg26 : memref<!tpu.dma_semaphore, #tpu.memory_space<semaphore_mem>>) src(%arg13 : memref<80x64xf32, #tpu.memory_space<vmem>>) dst(%dma_wait3A_243 : memref<10000x64xf32, #tpu.memory_space<vmem_shared>>)
        } else {
        }
        %add3A_226 = arith.constant 5 : i32
        %add3A_227 = arith.addi %add3A_197, %add3A_226 : i32
        %sub3A_228 = arith.constant 1 : i32
        %sub3A_229 = arith.subi %add3A_227, %sub3A_228 : i32
        %mul3A_230 = arith.constant 80 : i32
        %mul3A_231 = arith.muli %sub3A_229, %mul3A_230 : i32
        %dma_start3A_232 = tpu.memref_slice %arg7[%mul3A_231] : memref<10000xi32, #tpu.memory_space<vmem>> -> memref<80xi32, #tpu.memory_space<vmem>>
        %dma_start3A_233 = arith.constant 0 : i32
        %dma_start3A_234 = arith.constant 0 : i32
        %dma_start3A_235 = tpu.memref_slice %arg2[%dma_start3A_233, %dma_start3A_234] : memref<20000x64xf32, #tpu.memory_space<hbm>> -> memref<20000x64xf32, #tpu.memory_space<hbm>>
        tpu.enqueue_indirect_dma source(%dma_start3A_235 : memref<20000x64xf32, #tpu.memory_space<hbm>>) target(%arg13 : memref<80x64xf32, #tpu.memory_space<vmem>>) offsets(%dma_start3A_232 : memref<80xi32, #tpu.memory_space<vmem>>) semaphore(%arg21 : memref<!tpu.dma_semaphore, #tpu.memory_space<semaphore_mem>>)
      } else {
      }
    }
    %scan3A_39 = arith.constant 25 : i32
    %dma_wait3A = arith.constant 120 : i32
    %dma_wait3A_40 = arith.constant 0 : i32
    %dma_wait3A_41 = tpu.memref_slice %arg8[%dma_wait3A, %dma_wait3A_40] : memref<125x80xi32, #tpu.memory_space<vmem>> -> memref<1x80xi32, #tpu.memory_space<vmem>>
    %dma_wait3A_42 = tpu.memref_squeeze %dma_wait3A_41 : memref<1x80xi32, #tpu.memory_space<vmem>> -> memref<80xi32, #tpu.memory_space<vmem>>
    %dma_wait3A_43 = arith.constant 0 : i32
    %dma_wait3A_44 = arith.constant 0 : i32
    %dma_wait3A_45 = tpu.memref_slice %arg16[%dma_wait3A_43, %dma_wait3A_44] : memref<10000x64xf32, #tpu.memory_space<vmem_shared>> -> memref<10000x64xf32, #tpu.memory_space<vmem_shared>>
    tpu.wait_indirect_dma semaphore(%arg23 : memref<!tpu.dma_semaphore, #tpu.memory_space<semaphore_mem>>) src(%arg10 : memref<80x64xf32, #tpu.memory_space<vmem>>) dst(%dma_wait3A_45 : memref<10000x64xf32, #tpu.memory_space<vmem_shared>>)
    %dma_wait3A_46 = arith.constant 121 : i32
    %dma_wait3A_47 = arith.constant 0 : i32
    %dma_wait3A_48 = tpu.memref_slice %arg8[%dma_wait3A_46, %dma_wait3A_47] : memref<125x80xi32, #tpu.memory_space<vmem>> -> memref<1x80xi32, #tpu.memory_space<vmem>>
    %dma_wait3A_49 = tpu.memref_squeeze %dma_wait3A_48 : memref<1x80xi32, #tpu.memory_space<vmem>> -> memref<80xi32, #tpu.memory_space<vmem>>
    %dma_wait3A_50 = arith.constant 0 : i32
    %dma_wait3A_51 = arith.constant 0 : i32
    %dma_wait3A_52 = tpu.memref_slice %arg16[%dma_wait3A_50, %dma_wait3A_51] : memref<10000x64xf32, #tpu.memory_space<vmem_shared>> -> memref<10000x64xf32, #tpu.memory_space<vmem_shared>>
    tpu.wait_indirect_dma semaphore(%arg24 : memref<!tpu.dma_semaphore, #tpu.memory_space<semaphore_mem>>) src(%arg11 : memref<80x64xf32, #tpu.memory_space<vmem>>) dst(%dma_wait3A_52 : memref<10000x64xf32, #tpu.memory_space<vmem_shared>>)
    %dma_wait3A_53 = arith.constant 122 : i32
    %dma_wait3A_54 = arith.constant 0 : i32
    %dma_wait3A_55 = tpu.memref_slice %arg8[%dma_wait3A_53, %dma_wait3A_54] : memref<125x80xi32, #tpu.memory_space<vmem>> -> memref<1x80xi32, #tpu.memory_space<vmem>>
    %dma_wait3A_56 = tpu.memref_squeeze %dma_wait3A_55 : memref<1x80xi32, #tpu.memory_space<vmem>> -> memref<80xi32, #tpu.memory_space<vmem>>
    %dma_wait3A_57 = arith.constant 0 : i32
    %dma_wait3A_58 = arith.constant 0 : i32
    %dma_wait3A_59 = tpu.memref_slice %arg16[%dma_wait3A_57, %dma_wait3A_58] : memref<10000x64xf32, #tpu.memory_space<vmem_shared>> -> memref<10000x64xf32, #tpu.memory_space<vmem_shared>>
    tpu.wait_indirect_dma semaphore(%arg25 : memref<!tpu.dma_semaphore, #tpu.memory_space<semaphore_mem>>) src(%arg12 : memref<80x64xf32, #tpu.memory_space<vmem>>) dst(%dma_wait3A_59 : memref<10000x64xf32, #tpu.memory_space<vmem_shared>>)
    %dma_wait3A_60 = arith.constant 123 : i32
    %dma_wait3A_61 = arith.constant 0 : i32
    %dma_wait3A_62 = tpu.memref_slice %arg8[%dma_wait3A_60, %dma_wait3A_61] : memref<125x80xi32, #tpu.memory_space<vmem>> -> memref<1x80xi32, #tpu.memory_space<vmem>>
    %dma_wait3A_63 = tpu.memref_squeeze %dma_wait3A_62 : memref<1x80xi32, #tpu.memory_space<vmem>> -> memref<80xi32, #tpu.memory_space<vmem>>
    %dma_wait3A_64 = arith.constant 0 : i32
    %dma_wait3A_65 = arith.constant 0 : i32
    %dma_wait3A_66 = tpu.memref_slice %arg16[%dma_wait3A_64, %dma_wait3A_65] : memref<10000x64xf32, #tpu.memory_space<vmem_shared>> -> memref<10000x64xf32, #tpu.memory_space<vmem_shared>>
    tpu.wait_indirect_dma semaphore(%arg26 : memref<!tpu.dma_semaphore, #tpu.memory_space<semaphore_mem>>) src(%arg13 : memref<80x64xf32, #tpu.memory_space<vmem>>) dst(%dma_wait3A_66 : memref<10000x64xf32, #tpu.memory_space<vmem_shared>>)
    %dma_wait3A_67 = arith.constant 124 : i32
    %dma_wait3A_68 = arith.constant 0 : i32
    %dma_wait3A_69 = tpu.memref_slice %arg8[%dma_wait3A_67, %dma_wait3A_68] : memref<125x80xi32, #tpu.memory_space<vmem>> -> memref<1x80xi32, #tpu.memory_space<vmem>>
    %dma_wait3A_70 = tpu.memref_squeeze %dma_wait3A_69 : memref<1x80xi32, #tpu.memory_space<vmem>> -> memref<80xi32, #tpu.memory_space<vmem>>
    %dma_wait3A_71 = arith.constant 0 : i32
    %dma_wait3A_72 = arith.constant 0 : i32
    %dma_wait3A_73 = tpu.memref_slice %arg16[%dma_wait3A_71, %dma_wait3A_72] : memref<10000x64xf32, #tpu.memory_space<vmem_shared>> -> memref<10000x64xf32, #tpu.memory_space<vmem_shared>>
    tpu.wait_indirect_dma semaphore(%arg27 : memref<!tpu.dma_semaphore, #tpu.memory_space<semaphore_mem>>) src(%arg14 : memref<80x64xf32, #tpu.memory_space<vmem>>) dst(%dma_wait3A_73 : memref<10000x64xf32, #tpu.memory_space<vmem_shared>>)
    %barrier3A_74 = arith.constant 0 : index
    tpu.barrier barrier_id(%barrier3A_74)
    %scan3A_75 = arith.constant 0 : i32
    %scan3A_76 = arith.constant 8 : i32
    %scan3A_77 = arith.addi %scan3A_75, %scan3A_76 : i32
    %scan3A_78 = arith.constant 1 : i32
    scf.for %scan3A_81 = %scan3A_75 to %scan3A_77 step %scan3A_78  : i32 {
      %mul3A_82 = arith.constant 1 : i32
      %mul3A_83 = arith.muli %scan3A_81, %mul3A_82 : i32
      %add3A_84 = arith.constant 0 : i32
      %add3A_85 = arith.addi %add3A_84, %mul3A_83 : i32
      %mul3A_86 = arith.constant 16 : i32
      %mul3A_87 = arith.muli %add3A_85, %mul3A_86 : i32
      %add3A_88 = arith.addi %mul3A_87, %arg1 : i32
      %lt3A = arith.constant 125 : i32
      %lt3A_89 = arith.cmpi slt, %add3A_88, %lt3A : i32
      %convert_element_type3A = arith.extui %lt3A_89 : i1 to i32
      %cond3A = arith.constant 0 : i32
      %cond3A_90 = arith.cmpi ne, %convert_element_type3A, %cond3A : i32
      scf.if %cond3A_90 {
        %mul3A_91 = arith.constant 80 : i32
        %mul3A_92 = arith.muli %add3A_88, %mul3A_91 : i32
        %run_scoped3A = arith.constant 0 : i32
        "tpu.region"() ({
          %run_scoped3A_93 = tpu.sem_alloc : memref<!tpu.dma_semaphore, #tpu.memory_space<semaphore_mem>>
          %dma_start3A_94 = arith.constant 0 : i32
          %dma_start3A_95 = tpu.memref_slice %arg6[%arg0, %run_scoped3A, %mul3A_92, %dma_start3A_94] : memref<2x1x10000x128xf32, #tpu.memory_space<hbm>> -> memref<1x1x80x64xf32, #tpu.memory_space<hbm>>
          %dma_start3A_96 = tpu.memref_squeeze %dma_start3A_95 : memref<1x1x80x64xf32, #tpu.memory_space<hbm>> -> memref<80x64xf32, #tpu.memory_space<hbm>>
          %dma_start3A_97 = arith.constant 0 : i32
          %dma_start3A_98 = tpu.memref_slice %arg16[%mul3A_92, %dma_start3A_97] : memref<10000x64xf32, #tpu.memory_space<vmem_shared>> -> memref<80x64xf32, #tpu.memory_space<vmem_shared>>
          tpu.enqueue_dma source(%dma_start3A_98 : memref<80x64xf32, #tpu.memory_space<vmem_shared>>) target(%dma_start3A_96 : memref<80x64xf32, #tpu.memory_space<hbm>>) target_semaphore(%run_scoped3A_93 : memref<!tpu.dma_semaphore, #tpu.memory_space<semaphore_mem>>)
          %dma_wait3A_99 = arith.constant 0 : i32
          %dma_wait3A_100 = tpu.memref_slice %arg6[%arg0, %run_scoped3A, %mul3A_92, %dma_wait3A_99] : memref<2x1x10000x128xf32, #tpu.memory_space<hbm>> -> memref<1x1x80x64xf32, #tpu.memory_space<hbm>>
          %dma_wait3A_101 = tpu.memref_squeeze %dma_wait3A_100 : memref<1x1x80x64xf32, #tpu.memory_space<hbm>> -> memref<80x64xf32, #tpu.memory_space<hbm>>
          %dma_wait3A_102 = arith.constant 0 : i32
          %dma_wait3A_103 = tpu.memref_slice %arg16[%mul3A_92, %dma_wait3A_102] : memref<10000x64xf32, #tpu.memory_space<vmem_shared>> -> memref<80x64xf32, #tpu.memory_space<vmem_shared>>
          tpu.wait_dma2 semaphore(%run_scoped3A_93 : memref<!tpu.dma_semaphore, #tpu.memory_space<semaphore_mem>>) src(%dma_wait3A_103 : memref<80x64xf32, #tpu.memory_space<vmem_shared>>) dst(%dma_wait3A_101 : memref<80x64xf32, #tpu.memory_space<hbm>>)
          tpu.yield
        }) : () -> ()
      } else {
      }
    }
    %scan3A_79 = arith.constant 8 : i32
    %barrier3A_80 = arith.constant 0 : index
    tpu.barrier barrier_id(%barrier3A_80)
    return
  }
}

#map = affine_map<(d0, d1) -> (0, 0)>
#map1 = affine_map<(d0, d1) -> (0)>
#map2 = affine_map<(d0, d1) -> (0, 0, 0)>
#map3 = affine_map<(d0, d1) -> (0, 0, 0, 0)>
module attributes {stable_mosaic.version = 14 : i64} {
  func.func @sc_segsum(%arg0: i32, %arg1: i32, %arg2: memref<20000x64xf32, #tpu.memory_space<hbm>>, %arg3: memref<320000xi32, #tpu.memory_space<hbm>>, %arg4: memref<32x125x80xi32, #tpu.memory_space<hbm>>, %arg5: memref<320000xf32, #tpu.memory_space<hbm>>, %arg6: memref<2x2x10000x128xf32, #tpu.memory_space<hbm>>, %arg7: memref<10000xi32, #tpu.memory_space<vmem>>, %arg8: memref<125x80xi32, #tpu.memory_space<vmem>>, %arg9: memref<10000xf32, #tpu.memory_space<vmem>>, %arg10: memref<80x64xf32, #tpu.memory_space<vmem>>, %arg11: memref<80x64xf32, #tpu.memory_space<vmem>>, %arg12: memref<80x64xf32, #tpu.memory_space<vmem>>, %arg13: memref<80x64xf32, #tpu.memory_space<vmem>>, %arg14: memref<80x64xf32, #tpu.memory_space<vmem>>, %arg15: memref<80x64xf32, #tpu.memory_space<vmem>>, %arg16: memref<10000x64xf32, #tpu.memory_space<vmem_shared>>, %arg17: memref<!tpu.dma_semaphore, #tpu.memory_space<semaphore_mem>>, %arg18: memref<!tpu.dma_semaphore, #tpu.memory_space<semaphore_mem>>, %arg19: memref<!tpu.dma_semaphore, #tpu.memory_space<semaphore_mem>>, %arg20: memref<!tpu.dma_semaphore, #tpu.memory_space<semaphore_mem>>, %arg21: memref<!tpu.dma_semaphore, #tpu.memory_space<semaphore_mem>>, %arg22: memref<!tpu.dma_semaphore, #tpu.memory_space<semaphore_mem>>, %arg23: memref<!tpu.dma_semaphore, #tpu.memory_space<semaphore_mem>>, %arg24: memref<!tpu.dma_semaphore, #tpu.memory_space<semaphore_mem>>, %arg25: memref<!tpu.dma_semaphore, #tpu.memory_space<semaphore_mem>>, %arg26: memref<!tpu.dma_semaphore, #tpu.memory_space<semaphore_mem>>, %arg27: memref<!tpu.dma_semaphore, #tpu.memory_space<semaphore_mem>>) attributes {dimension_semantics = [#tpu.dimension_semantics<core_parallel>, #tpu.dimension_semantics<subcore_parallel>], iteration_bounds = array<i64: 2, 16>, scalar_prefetch = 0 : i64, scratch_operands = 21 : i64, tpu.core_type = #tpu.core_type<sc_vector_subcore>, window_params = [{transform_indices = #map}, {transform_indices = #map1}, {transform_indices = #map2}, {transform_indices = #map1}, {transform_indices = #map3}]} {
    %mul3A = arith.constant 16 : i32
    %mul3A_0 = arith.muli %arg0, %mul3A : i32
    %add3A = arith.addi %mul3A_0, %arg1 : i32
    %mul3A_1 = arith.constant 10000 : i32
    %mul3A_2 = arith.muli %add3A, %mul3A_1 : i32
    "tpu.region"() ({
      %run_scoped3A = tpu.sem_alloc : memref<!tpu.dma_semaphore, #tpu.memory_space<semaphore_mem>>
      %dma_start3A_157 = tpu.memref_slice %arg3[%mul3A_2] : memref<320000xi32, #tpu.memory_space<hbm>> -> memref<10000xi32, #tpu.memory_space<hbm>>
      %dma_start3A_158 = tpu.memref_slice %arg3[%mul3A_2] : memref<320000xi32, #tpu.memory_space<hbm>> -> memref<10000xi32, #tpu.memory_space<hbm>>
      tpu.enqueue_dma source(%dma_start3A_158 : memref<10000xi32, #tpu.memory_space<hbm>>) target(%arg7 : memref<10000xi32, #tpu.memory_space<vmem>>) target_semaphore(%run_scoped3A : memref<!tpu.dma_semaphore, #tpu.memory_space<semaphore_mem>>)
      %dma_wait3A_159 = tpu.memref_slice %arg3[%mul3A_2] : memref<320000xi32, #tpu.memory_space<hbm>> -> memref<10000xi32, #tpu.memory_space<hbm>>
      %dma_wait3A_160 = tpu.memref_slice %arg3[%mul3A_2] : memref<320000xi32, #tpu.memory_space<hbm>> -> memref<10000xi32, #tpu.memory_space<hbm>>
      tpu.wait_dma2 semaphore(%run_scoped3A : memref<!tpu.dma_semaphore, #tpu.memory_space<semaphore_mem>>) src(%dma_wait3A_160 : memref<10000xi32, #tpu.memory_space<hbm>>) dst(%arg7 : memref<10000xi32, #tpu.memory_space<vmem>>)
      tpu.yield
    }) : () -> ()
    "tpu.region"() ({
      %run_scoped3A = tpu.sem_alloc : memref<!tpu.dma_semaphore, #tpu.memory_space<semaphore_mem>>
      %dma_start3A_157 = arith.constant 0 : i32
      %dma_start3A_158 = arith.constant 0 : i32
      %dma_start3A_159 = tpu.memref_slice %arg4[%add3A, %dma_start3A_157, %dma_start3A_158] : memref<32x125x80xi32, #tpu.memory_space<hbm>> -> memref<1x125x80xi32, #tpu.memory_space<hbm>>
      %dma_start3A_160 = tpu.memref_squeeze %dma_start3A_159 : memref<1x125x80xi32, #tpu.memory_space<hbm>> -> memref<125x80xi32, #tpu.memory_space<hbm>>
      %dma_start3A_161 = arith.constant 0 : i32
      %dma_start3A_162 = arith.constant 0 : i32
      %dma_start3A_163 = tpu.memref_slice %arg4[%add3A, %dma_start3A_161, %dma_start3A_162] : memref<32x125x80xi32, #tpu.memory_space<hbm>> -> memref<1x125x80xi32, #tpu.memory_space<hbm>>
      %dma_start3A_164 = tpu.memref_squeeze %dma_start3A_163 : memref<1x125x80xi32, #tpu.memory_space<hbm>> -> memref<125x80xi32, #tpu.memory_space<hbm>>
      tpu.enqueue_dma source(%dma_start3A_164 : memref<125x80xi32, #tpu.memory_space<hbm>>) target(%arg8 : memref<125x80xi32, #tpu.memory_space<vmem>>) target_semaphore(%run_scoped3A : memref<!tpu.dma_semaphore, #tpu.memory_space<semaphore_mem>>)
      %dma_wait3A_165 = arith.constant 0 : i32
      %dma_wait3A_166 = arith.constant 0 : i32
      %dma_wait3A_167 = tpu.memref_slice %arg4[%add3A, %dma_wait3A_165, %dma_wait3A_166] : memref<32x125x80xi32, #tpu.memory_space<hbm>> -> memref<1x125x80xi32, #tpu.memory_space<hbm>>
      %dma_wait3A_168 = tpu.memref_squeeze %dma_wait3A_167 : memref<1x125x80xi32, #tpu.memory_space<hbm>> -> memref<125x80xi32, #tpu.memory_space<hbm>>
      %dma_wait3A_169 = arith.constant 0 : i32
      %dma_wait3A_170 = arith.constant 0 : i32
      %dma_wait3A_171 = tpu.memref_slice %arg4[%add3A, %dma_wait3A_169, %dma_wait3A_170] : memref<32x125x80xi32, #tpu.memory_space<hbm>> -> memref<1x125x80xi32, #tpu.memory_space<hbm>>
      %dma_wait3A_172 = tpu.memref_squeeze %dma_wait3A_171 : memref<1x125x80xi32, #tpu.memory_space<hbm>> -> memref<125x80xi32, #tpu.memory_space<hbm>>
      tpu.wait_dma2 semaphore(%run_scoped3A : memref<!tpu.dma_semaphore, #tpu.memory_space<semaphore_mem>>) src(%dma_wait3A_172 : memref<125x80xi32, #tpu.memory_space<hbm>>) dst(%arg8 : memref<125x80xi32, #tpu.memory_space<vmem>>)
      tpu.yield
    }) : () -> ()
    %mul3A_3 = arith.constant 10000 : i32
    %mul3A_4 = arith.muli %add3A, %mul3A_3 : i32
    "tpu.region"() ({
      %run_scoped3A = tpu.sem_alloc : memref<!tpu.dma_semaphore, #tpu.memory_space<semaphore_mem>>
      %dma_start3A_157 = tpu.memref_slice %arg5[%mul3A_4] : memref<320000xf32, #tpu.memory_space<hbm>> -> memref<10000xf32, #tpu.memory_space<hbm>>
      %dma_start3A_158 = tpu.memref_slice %arg5[%mul3A_4] : memref<320000xf32, #tpu.memory_space<hbm>> -> memref<10000xf32, #tpu.memory_space<hbm>>
      tpu.enqueue_dma source(%dma_start3A_158 : memref<10000xf32, #tpu.memory_space<hbm>>) target(%arg9 : memref<10000xf32, #tpu.memory_space<vmem>>) target_semaphore(%run_scoped3A : memref<!tpu.dma_semaphore, #tpu.memory_space<semaphore_mem>>)
      %dma_wait3A_159 = tpu.memref_slice %arg5[%mul3A_4] : memref<320000xf32, #tpu.memory_space<hbm>> -> memref<10000xf32, #tpu.memory_space<hbm>>
      %dma_wait3A_160 = tpu.memref_slice %arg5[%mul3A_4] : memref<320000xf32, #tpu.memory_space<hbm>> -> memref<10000xf32, #tpu.memory_space<hbm>>
      tpu.wait_dma2 semaphore(%run_scoped3A : memref<!tpu.dma_semaphore, #tpu.memory_space<semaphore_mem>>) src(%dma_wait3A_160 : memref<10000xf32, #tpu.memory_space<hbm>>) dst(%arg9 : memref<10000xf32, #tpu.memory_space<vmem>>)
      tpu.yield
    }) : () -> ()
    %parallel_loop3A = arith.constant 0 : i32
    %parallel_loop3A_5 = arith.constant 10000 : i32
    %parallel_loop3A_6 = arith.constant 16 : i32
    scf.for %parallel_loop3A_157 = %parallel_loop3A to %parallel_loop3A_5 step %parallel_loop3A_6  : i32 {
      %parallel_loop3A_158 = arith.index_cast %parallel_loop3A_157 : i32 to index
      %parallel_loop3A_159 = tpu.vector_load %arg7[%parallel_loop3A_158] {strides = array<i32>} : memref<10000xi32, #tpu.memory_space<vmem>>, vector<16xi32>,
      %parallel_loop3A_160 = arith.addi %parallel_loop3A_159, %parallel_loop3A_159 : vector<16xi32>
      %parallel_loop3A_161 = arith.index_cast %parallel_loop3A_157 : i32 to index
      %parallel_loop3A_162 = tpu.vector_load %arg7[%parallel_loop3A_161] {strides = array<i32>} : memref<10000xi32, #tpu.memory_space<vmem>>, vector<16xi32>,
      tpu.vector_store %arg7[%parallel_loop3A_161], %parallel_loop3A_160 {strides = array<i32>} : memref<10000xi32, #tpu.memory_space<vmem>>, vector<16xi32>,
    } {sc.loop_unroll_factor = 1 : i64, sc.parallel_access}
    %scan3A = arith.constant 0 : i32
    %scan3A_7 = arith.constant 80 : i32
    %scan3A_8 = arith.addi %scan3A, %scan3A_7 : i32
    %scan3A_9 = arith.constant 1 : i32
    scf.for %scan3A_157 = %scan3A to %scan3A_8 step %scan3A_9  : i32 {
      %mul3A_158 = arith.constant 1 : i32
      %mul3A_159 = arith.muli %scan3A_157, %mul3A_158 : i32
      %add3A_160 = arith.constant 0 : i32
      %add3A_161 = arith.addi %add3A_160, %mul3A_159 : i32
      %scan3A_162 = arith.constant 0 : i32
      %scan3A_163 = arith.constant 4 : i32
      %scan3A_164 = arith.addi %scan3A_162, %scan3A_163 : i32
      %scan3A_165 = arith.constant 1 : i32
      scf.for %scan3A_167 = %scan3A_162 to %scan3A_164 step %scan3A_165  : i32 {
        %mul3A_168 = arith.constant 16 : i32
        %mul3A_169 = arith.muli %scan3A_167, %mul3A_168 : i32
        %add3A_170 = arith.constant 0 : i32
        %add3A_171 = arith.addi %add3A_170, %mul3A_169 : i32
        %broadcast_in_dim3A = arith.constant 0.000000e+00 : f32
        %broadcast_in_dim3A_172 = vector.broadcast %broadcast_in_dim3A : f32 to vector<16xf32>
        %swap3A = arith.index_cast %add3A_161 : i32 to index
        %swap3A_173 = arith.index_cast %add3A_171 : i32 to index
        %swap3A_174 = tpu.vector_load %arg15[%swap3A, %swap3A_173] {strides = array<i32>} : memref<80x64xf32, #tpu.memory_space<vmem>>, vector<16xf32>,
        tpu.vector_store %arg15[%swap3A, %swap3A_173], %broadcast_in_dim3A_172 {strides = array<i32>} : memref<80x64xf32, #tpu.memory_space<vmem>>, vector<16xf32>,
      }
      %scan3A_166 = arith.constant 4 : i32
    }
    %scan3A_10 = arith.constant 80 : i32
    %scan3A_11 = arith.constant 0 : i32
    %scan3A_12 = arith.constant 8 : i32
    %scan3A_13 = arith.addi %scan3A_11, %scan3A_12 : i32
    %scan3A_14 = arith.constant 1 : i32
    scf.for %scan3A_157 = %scan3A_11 to %scan3A_13 step %scan3A_14  : i32 {
      %mul3A_158 = arith.constant 1 : i32
      %mul3A_159 = arith.muli %scan3A_157, %mul3A_158 : i32
      %add3A_160 = arith.constant 0 : i32
      %add3A_161 = arith.addi %add3A_160, %mul3A_159 : i32
      %mul3A_162 = arith.constant 16 : i32
      %mul3A_163 = arith.muli %add3A_161, %mul3A_162 : i32
      %add3A_164 = arith.addi %mul3A_163, %arg1 : i32
      %lt3A = arith.constant 125 : i32
      %lt3A_165 = arith.cmpi slt, %add3A_164, %lt3A : i32
      %convert_element_type3A = arith.extui %lt3A_165 : i1 to i32
      %cond3A = arith.constant 0 : i32
      %cond3A_166 = arith.cmpi ne, %convert_element_type3A, %cond3A : i32
      scf.if %cond3A_166 {
        %mul3A_167 = arith.constant 80 : i32
        %mul3A_168 = arith.muli %add3A_164, %mul3A_167 : i32
        "tpu.region"() ({
          %run_scoped3A = tpu.sem_alloc : memref<!tpu.dma_semaphore, #tpu.memory_space<semaphore_mem>>
          %dma_start3A_169 = arith.constant 0 : i32
          %dma_start3A_170 = tpu.memref_slice %arg16[%mul3A_168, %dma_start3A_169] : memref<10000x64xf32, #tpu.memory_space<vmem_shared>> -> memref<80x64xf32, #tpu.memory_space<vmem_shared>>
          %dma_start3A_171 = arith.constant 0 : i32
          %dma_start3A_172 = tpu.memref_slice %arg16[%mul3A_168, %dma_start3A_171] : memref<10000x64xf32, #tpu.memory_space<vmem_shared>> -> memref<80x64xf32, #tpu.memory_space<vmem_shared>>
          tpu.enqueue_dma source(%arg15 : memref<80x64xf32, #tpu.memory_space<vmem>>) target(%dma_start3A_172 : memref<80x64xf32, #tpu.memory_space<vmem_shared>>) target_semaphore(%run_scoped3A : memref<!tpu.dma_semaphore, #tpu.memory_space<semaphore_mem>>)
          %dma_wait3A_173 = arith.constant 0 : i32
          %dma_wait3A_174 = tpu.memref_slice %arg16[%mul3A_168, %dma_wait3A_173] : memref<10000x64xf32, #tpu.memory_space<vmem_shared>> -> memref<80x64xf32, #tpu.memory_space<vmem_shared>>
          %dma_wait3A_175 = arith.constant 0 : i32
          %dma_wait3A_176 = tpu.memref_slice %arg16[%mul3A_168, %dma_wait3A_175] : memref<10000x64xf32, #tpu.memory_space<vmem_shared>> -> memref<80x64xf32, #tpu.memory_space<vmem_shared>>
          tpu.wait_dma2 semaphore(%run_scoped3A : memref<!tpu.dma_semaphore, #tpu.memory_space<semaphore_mem>>) src(%arg15 : memref<80x64xf32, #tpu.memory_space<vmem>>) dst(%dma_wait3A_176 : memref<80x64xf32, #tpu.memory_space<vmem_shared>>)
          tpu.yield
        }) : () -> ()
      } else {
      }
    }
    %scan3A_15 = arith.constant 8 : i32
    %barrier3A = arith.constant 0 : index
    tpu.barrier barrier_id(%barrier3A)
    %dma_start3A = arith.constant 0 : i32
    %dma_start3A_16 = tpu.memref_slice %arg7[%dma_start3A] : memref<10000xi32, #tpu.memory_space<vmem>> -> memref<80xi32, #tpu.memory_space<vmem>>
    %dma_start3A_17 = arith.constant 0 : i32
    %dma_start3A_18 = arith.constant 0 : i32
    %dma_start3A_19 = tpu.memref_slice %arg2[%dma_start3A_17, %dma_start3A_18] : memref<20000x64xf32, #tpu.memory_space<hbm>> -> memref<20000x64xf32, #tpu.memory_space<hbm>>
    tpu.enqueue_indirect_dma source(%dma_start3A_19 : memref<20000x64xf32, #tpu.memory_space<hbm>>) target(%arg10 : memref<80x64xf32, #tpu.memory_space<vmem>>) offsets(%dma_start3A_16 : memref<80xi32, #tpu.memory_space<vmem>>) semaphore(%arg18 : memref<!tpu.dma_semaphore, #tpu.memory_space<semaphore_mem>>)
    %dma_start3A_20 = arith.constant 80 : i32
    %dma_start3A_21 = tpu.memref_slice %arg7[%dma_start3A_20] : memref<10000xi32, #tpu.memory_space<vmem>> -> memref<80xi32, #tpu.memory_space<vmem>>
    %dma_start3A_22 = arith.constant 0 : i32
    %dma_start3A_23 = arith.constant 0 : i32
    %dma_start3A_24 = tpu.memref_slice %arg2[%dma_start3A_22, %dma_start3A_23] : memref<20000x64xf32, #tpu.memory_space<hbm>> -> memref<20000x64xf32, #tpu.memory_space<hbm>>
    tpu.enqueue_indirect_dma source(%dma_start3A_24 : memref<20000x64xf32, #tpu.memory_space<hbm>>) target(%arg11 : memref<80x64xf32, #tpu.memory_space<vmem>>) offsets(%dma_start3A_21 : memref<80xi32, #tpu.memory_space<vmem>>) semaphore(%arg19 : memref<!tpu.dma_semaphore, #tpu.memory_space<semaphore_mem>>)
    %dma_start3A_25 = arith.constant 160 : i32
    %dma_start3A_26 = tpu.memref_slice %arg7[%dma_start3A_25] : memref<10000xi32, #tpu.memory_space<vmem>> -> memref<80xi32, #tpu.memory_space<vmem>>
    %dma_start3A_27 = arith.constant 0 : i32
    %dma_start3A_28 = arith.constant 0 : i32
    %dma_start3A_29 = tpu.memref_slice %arg2[%dma_start3A_27, %dma_start3A_28] : memref<20000x64xf32, #tpu.memory_space<hbm>> -> memref<20000x64xf32, #tpu.memory_space<hbm>>
    tpu.enqueue_indirect_dma source(%dma_start3A_29 : memref<20000x64xf32, #tpu.memory_space<hbm>>) target(%arg12 : memref<80x64xf32, #tpu.memory_space<vmem>>) offsets(%dma_start3A_26 : memref<80xi32, #tpu.memory_space<vmem>>) semaphore(%arg20 : memref<!tpu.dma_semaphore, #tpu.memory_space<semaphore_mem>>)
    %dma_start3A_30 = arith.constant 240 : i32
    %dma_start3A_31 = tpu.memref_slice %arg7[%dma_start3A_30] : memref<10000xi32, #tpu.memory_space<vmem>> -> memref<80xi32, #tpu.memory_space<vmem>>
    %dma_start3A_32 = arith.constant 0 : i32
    %dma_start3A_33 = arith.constant 0 : i32
    %dma_start3A_34 = tpu.memref_slice %arg2[%dma_start3A_32, %dma_start3A_33] : memref<20000x64xf32, #tpu.memory_space<hbm>> -> memref<20000x64xf32, #tpu.memory_space<hbm>>
    tpu.enqueue_indirect_dma source(%dma_start3A_34 : memref<20000x64xf32, #tpu.memory_space<hbm>>) target(%arg13 : memref<80x64xf32, #tpu.memory_space<vmem>>) offsets(%dma_start3A_31 : memref<80xi32, #tpu.memory_space<vmem>>) semaphore(%arg21 : memref<!tpu.dma_semaphore, #tpu.memory_space<semaphore_mem>>)
    %scan3A_35 = arith.constant 0 : i32
    %scan3A_36 = arith.constant 25 : i32
    %scan3A_37 = arith.addi %scan3A_35, %scan3A_36 : i32
    %scan3A_38 = arith.constant 1 : i32
    scf.for %scan3A_157 = %scan3A_35 to %scan3A_37 step %scan3A_38  : i32 {
      %mul3A_158 = arith.constant 1 : i32
      %mul3A_159 = arith.muli %scan3A_157, %mul3A_158 : i32
      %add3A_160 = arith.constant 0 : i32
      %add3A_161 = arith.addi %add3A_160, %mul3A_159 : i32
      %mul3A_162 = arith.constant 5 : i32
      %mul3A_163 = arith.muli %add3A_161, %mul3A_162 : i32
      %add3A_164 = arith.constant 0 : i32
      %add3A_165 = arith.addi %mul3A_163, %add3A_164 : i32
      %mul3A_166 = arith.constant 80 : i32
      %mul3A_167 = arith.muli %add3A_165, %mul3A_166 : i32
      %dma_wait3A_168 = tpu.memref_slice %arg7[%mul3A_167] : memref<10000xi32, #tpu.memory_space<vmem>> -> memref<80xi32, #tpu.memory_space<vmem>>
      %dma_wait3A_169 = arith.constant 0 : i32
      %dma_wait3A_170 = arith.constant 0 : i32
      %dma_wait3A_171 = tpu.memref_slice %arg2[%dma_wait3A_169, %dma_wait3A_170] : memref<20000x64xf32, #tpu.memory_space<hbm>> -> memref<20000x64xf32, #tpu.memory_space<hbm>>
      tpu.wait_indirect_dma semaphore(%arg18 : memref<!tpu.dma_semaphore, #tpu.memory_space<semaphore_mem>>) src(%dma_wait3A_171 : memref<20000x64xf32, #tpu.memory_space<hbm>>) dst(%arg10 : memref<80x64xf32, #tpu.memory_space<vmem>>)
      %parallel_loop3A_172 = arith.constant 0 : i32
      %parallel_loop3A_173 = arith.constant 80 : i32
      %parallel_loop3A_174 = arith.constant 1 : i32
      scf.for %parallel_loop3A_298 = %parallel_loop3A_172 to %parallel_loop3A_173 step %parallel_loop3A_174  : i32 {
        %parallel_loop3A_299 = arith.constant 80 : i32
        %parallel_loop3A_300 = arith.muli %add3A_165, %parallel_loop3A_299 : i32
        %parallel_loop3A_301 = arith.addi %parallel_loop3A_300, %parallel_loop3A_298 : i32
        %parallel_loop3A_302 = vector.broadcast %parallel_loop3A_301 : i32 to vector<16xi32>
        %parallel_loop3A_303 = tpu.vector_load_idx %arg9[%parallel_loop3A_302] : memref<10000xf32, #tpu.memory_space<vmem>>[vector<16xi32>], vector<16xf32>,
        %parallel_loop3A_304 = arith.index_cast %parallel_loop3A_298 : i32 to index
        %parallel_loop3A_305 = arith.constant 0 : index
        %parallel_loop3A_306 = tpu.vector_load %arg10[%parallel_loop3A_304, %parallel_loop3A_305] {strides = array<i32>} : memref<80x64xf32, #tpu.memory_space<vmem>>, vector<16xf32>,
        %parallel_loop3A_307 = arith.mulf %parallel_loop3A_306, %parallel_loop3A_303 : vector<16xf32>
        %parallel_loop3A_308 = arith.index_cast %parallel_loop3A_298 : i32 to index
        %parallel_loop3A_309 = arith.constant 0 : index
        %parallel_loop3A_310 = tpu.vector_load %arg10[%parallel_loop3A_308, %parallel_loop3A_309] {strides = array<i32>} : memref<80x64xf32, #tpu.memory_space<vmem>>, vector<16xf32>,
        tpu.vector_store %arg10[%parallel_loop3A_308, %parallel_loop3A_309], %parallel_loop3A_307 {strides = array<i32>} : memref<80x64xf32, #tpu.memory_space<vmem>>, vector<16xf32>,
        %parallel_loop3A_311 = arith.index_cast %parallel_loop3A_298 : i32 to index
        %parallel_loop3A_312 = arith.constant 16 : index
        %parallel_loop3A_313 = tpu.vector_load %arg10[%parallel_loop3A_311, %parallel_loop3A_312] {strides = array<i32>} : memref<80x64xf32, #tpu.memory_space<vmem>>, vector<16xf32>,
        %parallel_loop3A_314 = arith.mulf %parallel_loop3A_313, %parallel_loop3A_303 : vector<16xf32>
        %parallel_loop3A_315 = arith.index_cast %parallel_loop3A_298 : i32 to index
        %parallel_loop3A_316 = arith.constant 16 : index
        %parallel_loop3A_317 = tpu.vector_load %arg10[%parallel_loop3A_315, %parallel_loop3A_316] {strides = array<i32>} : memref<80x64xf32, #tpu.memory_space<vmem>>, vector<16xf32>,
        tpu.vector_store %arg10[%parallel_loop3A_315, %parallel_loop3A_316], %parallel_loop3A_314 {strides = array<i32>} : memref<80x64xf32, #tpu.memory_space<vmem>>, vector<16xf32>,
        %parallel_loop3A_318 = arith.index_cast %parallel_loop3A_298 : i32 to index
        %parallel_loop3A_319 = arith.constant 32 : index
        %parallel_loop3A_320 = tpu.vector_load %arg10[%parallel_loop3A_318, %parallel_loop3A_319] {strides = array<i32>} : memref<80x64xf32, #tpu.memory_space<vmem>>, vector<16xf32>,
        %parallel_loop3A_321 = arith.mulf %parallel_loop3A_320, %parallel_loop3A_303 : vector<16xf32>
        %parallel_loop3A_322 = arith.index_cast %parallel_loop3A_298 : i32 to index
        %parallel_loop3A_323 = arith.constant 32 : index
        %parallel_loop3A_324 = tpu.vector_load %arg10[%parallel_loop3A_322, %parallel_loop3A_323] {strides = array<i32>} : memref<80x64xf32, #tpu.memory_space<vmem>>, vector<16xf32>,
        tpu.vector_store %arg10[%parallel_loop3A_322, %parallel_loop3A_323], %parallel_loop3A_321 {strides = array<i32>} : memref<80x64xf32, #tpu.memory_space<vmem>>, vector<16xf32>,
        %parallel_loop3A_325 = arith.index_cast %parallel_loop3A_298 : i32 to index
        %parallel_loop3A_326 = arith.constant 48 : index
        %parallel_loop3A_327 = tpu.vector_load %arg10[%parallel_loop3A_325, %parallel_loop3A_326] {strides = array<i32>} : memref<80x64xf32, #tpu.memory_space<vmem>>, vector<16xf32>,
        %parallel_loop3A_328 = arith.mulf %parallel_loop3A_327, %parallel_loop3A_303 : vector<16xf32>
        %parallel_loop3A_329 = arith.index_cast %parallel_loop3A_298 : i32 to index
        %parallel_loop3A_330 = arith.constant 48 : index
        %parallel_loop3A_331 = tpu.vector_load %arg10[%parallel_loop3A_329, %parallel_loop3A_330] {strides = array<i32>} : memref<80x64xf32, #tpu.memory_space<vmem>>, vector<16xf32>,
        tpu.vector_store %arg10[%parallel_loop3A_329, %parallel_loop3A_330], %parallel_loop3A_328 {strides = array<i32>} : memref<80x64xf32, #tpu.memory_space<vmem>>, vector<16xf32>,
      } {sc.loop_unroll_factor = 4 : i64, sc.parallel_access}
      %dma_start3A_175 = arith.constant 0 : i32
      %dma_start3A_176 = tpu.memref_slice %arg8[%add3A_165, %dma_start3A_175] : memref<125x80xi32, #tpu.memory_space<vmem>> -> memref<1x80xi32, #tpu.memory_space<vmem>>
      %dma_start3A_177 = tpu.memref_squeeze %dma_start3A_176 : memref<1x80xi32, #tpu.memory_space<vmem>> -> memref<80xi32, #tpu.memory_space<vmem>>
      %dma_start3A_178 = arith.constant 0 : i32
      %dma_start3A_179 = arith.constant 0 : i32
      %dma_start3A_180 = tpu.memref_slice %arg16[%dma_start3A_178, %dma_start3A_179] : memref<10000x64xf32, #tpu.memory_space<vmem_shared>> -> memref<10000x64xf32, #tpu.memory_space<vmem_shared>>
      tpu.enqueue_indirect_dma source(%arg10 : memref<80x64xf32, #tpu.memory_space<vmem>>) target(%dma_start3A_180 : memref<10000x64xf32, #tpu.memory_space<vmem_shared>>) offsets(%dma_start3A_177 : memref<80xi32, #tpu.memory_space<vmem>>) semaphore(%arg23 : memref<!tpu.dma_semaphore, #tpu.memory_space<semaphore_mem>>) {add = true}
      %add3A_181 = arith.constant 5 : i32
      %add3A_182 = arith.addi %add3A_165, %add3A_181 : i32
      %sub3A = arith.constant 1 : i32
      %sub3A_183 = arith.subi %add3A_182, %sub3A : i32
      %lt3A = arith.constant 125 : i32
      %lt3A_184 = arith.cmpi slt, %sub3A_183, %lt3A : i32
      %convert_element_type3A = arith.extui %lt3A_184 : i1 to i32
      %cond3A = arith.constant 0 : i32
      %cond3A_185 = arith.cmpi ne, %convert_element_type3A, %cond3A : i32
      scf.if %cond3A_185 {
        %ge3A = arith.constant 1 : i32
        %ge3A_298 = arith.cmpi sge, %add3A_165, %ge3A : i32
        %convert_element_type3A_299 = arith.extui %ge3A_298 : i1 to i32
        %cond3A_300 = arith.constant 0 : i32
        %cond3A_301 = arith.cmpi ne, %convert_element_type3A_299, %cond3A_300 : i32
        scf.if %cond3A_301 {
          %sub3A_312 = arith.constant 1 : i32
          %sub3A_313 = arith.subi %add3A_165, %sub3A_312 : i32
          %dma_wait3A_314 = arith.constant 0 : i32
          %dma_wait3A_315 = tpu.memref_slice %arg8[%sub3A_313, %dma_wait3A_314] : memref<125x80xi32, #tpu.memory_space<vmem>> -> memref<1x80xi32, #tpu.memory_space<vmem>>
          %dma_wait3A_316 = tpu.memref_squeeze %dma_wait3A_315 : memref<1x80xi32, #tpu.memory_space<vmem>> -> memref<80xi32, #tpu.memory_space<vmem>>
          %dma_wait3A_317 = arith.constant 0 : i32
          %dma_wait3A_318 = arith.constant 0 : i32
          %dma_wait3A_319 = tpu.memref_slice %arg16[%dma_wait3A_317, %dma_wait3A_318] : memref<10000x64xf32, #tpu.memory_space<vmem_shared>> -> memref<10000x64xf32, #tpu.memory_space<vmem_shared>>
          tpu.wait_indirect_dma semaphore(%arg27 : memref<!tpu.dma_semaphore, #tpu.memory_space<semaphore_mem>>) src(%arg14 : memref<80x64xf32, #tpu.memory_space<vmem>>) dst(%dma_wait3A_319 : memref<10000x64xf32, #tpu.memory_space<vmem_shared>>)
        } else {
        }
        %add3A_302 = arith.constant 5 : i32
        %add3A_303 = arith.addi %add3A_165, %add3A_302 : i32
        %sub3A_304 = arith.constant 1 : i32
        %sub3A_305 = arith.subi %add3A_303, %sub3A_304 : i32
        %mul3A_306 = arith.constant 80 : i32
        %mul3A_307 = arith.muli %sub3A_305, %mul3A_306 : i32
        %dma_start3A_308 = tpu.memref_slice %arg7[%mul3A_307] : memref<10000xi32, #tpu.memory_space<vmem>> -> memref<80xi32, #tpu.memory_space<vmem>>
        %dma_start3A_309 = arith.constant 0 : i32
        %dma_start3A_310 = arith.constant 0 : i32
        %dma_start3A_311 = tpu.memref_slice %arg2[%dma_start3A_309, %dma_start3A_310] : memref<20000x64xf32, #tpu.memory_space<hbm>> -> memref<20000x64xf32, #tpu.memory_space<hbm>>
        tpu.enqueue_indirect_dma source(%dma_start3A_311 : memref<20000x64xf32, #tpu.memory_space<hbm>>) target(%arg14 : memref<80x64xf32, #tpu.memory_space<vmem>>) offsets(%dma_start3A_308 : memref<80xi32, #tpu.memory_space<vmem>>) semaphore(%arg22 : memref<!tpu.dma_semaphore, #tpu.memory_space<semaphore_mem>>)
      } else {
      }
      %mul3A_186 = arith.constant 5 : i32
      %mul3A_187 = arith.muli %add3A_161, %mul3A_186 : i32
      %add3A_188 = arith.constant 1 : i32
      %add3A_189 = arith.addi %mul3A_187, %add3A_188 : i32
      %mul3A_190 = arith.constant 80 : i32
      %mul3A_191 = arith.muli %add3A_189, %mul3A_190 : i32
      %dma_wait3A_192 = tpu.memref_slice %arg7[%mul3A_191] : memref<10000xi32, #tpu.memory_space<vmem>> -> memref<80xi32, #tpu.memory_space<vmem>>
      %dma_wait3A_193 = arith.constant 0 : i32
      %dma_wait3A_194 = arith.constant 0 : i32
      %dma_wait3A_195 = tpu.memref_slice %arg2[%dma_wait3A_193, %dma_wait3A_194] : memref<20000x64xf32, #tpu.memory_space<hbm>> -> memref<20000x64xf32, #tpu.memory_space<hbm>>
      tpu.wait_indirect_dma semaphore(%arg19 : memref<!tpu.dma_semaphore, #tpu.memory_space<semaphore_mem>>) src(%dma_wait3A_195 : memref<20000x64xf32, #tpu.memory_space<hbm>>) dst(%arg11 : memref<80x64xf32, #tpu.memory_space<vmem>>)
      %parallel_loop3A_196 = arith.constant 0 : i32
      %parallel_loop3A_197 = arith.constant 80 : i32
      %parallel_loop3A_198 = arith.constant 1 : i32
      scf.for %parallel_loop3A_298 = %parallel_loop3A_196 to %parallel_loop3A_197 step %parallel_loop3A_198  : i32 {
        %parallel_loop3A_299 = arith.constant 80 : i32
        %parallel_loop3A_300 = arith.muli %add3A_189, %parallel_loop3A_299 : i32
        %parallel_loop3A_301 = arith.addi %parallel_loop3A_300, %parallel_loop3A_298 : i32
        %parallel_loop3A_302 = vector.broadcast %parallel_loop3A_301 : i32 to vector<16xi32>
        %parallel_loop3A_303 = tpu.vector_load_idx %arg9[%parallel_loop3A_302] : memref<10000xf32, #tpu.memory_space<vmem>>[vector<16xi32>], vector<16xf32>,
        %parallel_loop3A_304 = arith.index_cast %parallel_loop3A_298 : i32 to index
        %parallel_loop3A_305 = arith.constant 0 : index
        %parallel_loop3A_306 = tpu.vector_load %arg11[%parallel_loop3A_304, %parallel_loop3A_305] {strides = array<i32>} : memref<80x64xf32, #tpu.memory_space<vmem>>, vector<16xf32>,
        %parallel_loop3A_307 = arith.mulf %parallel_loop3A_306, %parallel_loop3A_303 : vector<16xf32>
        %parallel_loop3A_308 = arith.index_cast %parallel_loop3A_298 : i32 to index
        %parallel_loop3A_309 = arith.constant 0 : index
        %parallel_loop3A_310 = tpu.vector_load %arg11[%parallel_loop3A_308, %parallel_loop3A_309] {strides = array<i32>} : memref<80x64xf32, #tpu.memory_space<vmem>>, vector<16xf32>,
        tpu.vector_store %arg11[%parallel_loop3A_308, %parallel_loop3A_309], %parallel_loop3A_307 {strides = array<i32>} : memref<80x64xf32, #tpu.memory_space<vmem>>, vector<16xf32>,
        %parallel_loop3A_311 = arith.index_cast %parallel_loop3A_298 : i32 to index
        %parallel_loop3A_312 = arith.constant 16 : index
        %parallel_loop3A_313 = tpu.vector_load %arg11[%parallel_loop3A_311, %parallel_loop3A_312] {strides = array<i32>} : memref<80x64xf32, #tpu.memory_space<vmem>>, vector<16xf32>,
        %parallel_loop3A_314 = arith.mulf %parallel_loop3A_313, %parallel_loop3A_303 : vector<16xf32>
        %parallel_loop3A_315 = arith.index_cast %parallel_loop3A_298 : i32 to index
        %parallel_loop3A_316 = arith.constant 16 : index
        %parallel_loop3A_317 = tpu.vector_load %arg11[%parallel_loop3A_315, %parallel_loop3A_316] {strides = array<i32>} : memref<80x64xf32, #tpu.memory_space<vmem>>, vector<16xf32>,
        tpu.vector_store %arg11[%parallel_loop3A_315, %parallel_loop3A_316], %parallel_loop3A_314 {strides = array<i32>} : memref<80x64xf32, #tpu.memory_space<vmem>>, vector<16xf32>,
        %parallel_loop3A_318 = arith.index_cast %parallel_loop3A_298 : i32 to index
        %parallel_loop3A_319 = arith.constant 32 : index
        %parallel_loop3A_320 = tpu.vector_load %arg11[%parallel_loop3A_318, %parallel_loop3A_319] {strides = array<i32>} : memref<80x64xf32, #tpu.memory_space<vmem>>, vector<16xf32>,
        %parallel_loop3A_321 = arith.mulf %parallel_loop3A_320, %parallel_loop3A_303 : vector<16xf32>
        %parallel_loop3A_322 = arith.index_cast %parallel_loop3A_298 : i32 to index
        %parallel_loop3A_323 = arith.constant 32 : index
        %parallel_loop3A_324 = tpu.vector_load %arg11[%parallel_loop3A_322, %parallel_loop3A_323] {strides = array<i32>} : memref<80x64xf32, #tpu.memory_space<vmem>>, vector<16xf32>,
        tpu.vector_store %arg11[%parallel_loop3A_322, %parallel_loop3A_323], %parallel_loop3A_321 {strides = array<i32>} : memref<80x64xf32, #tpu.memory_space<vmem>>, vector<16xf32>,
        %parallel_loop3A_325 = arith.index_cast %parallel_loop3A_298 : i32 to index
        %parallel_loop3A_326 = arith.constant 48 : index
        %parallel_loop3A_327 = tpu.vector_load %arg11[%parallel_loop3A_325, %parallel_loop3A_326] {strides = array<i32>} : memref<80x64xf32, #tpu.memory_space<vmem>>, vector<16xf32>,
        %parallel_loop3A_328 = arith.mulf %parallel_loop3A_327, %parallel_loop3A_303 : vector<16xf32>
        %parallel_loop3A_329 = arith.index_cast %parallel_loop3A_298 : i32 to index
        %parallel_loop3A_330 = arith.constant 48 : index
        %parallel_loop3A_331 = tpu.vector_load %arg11[%parallel_loop3A_329, %parallel_loop3A_330] {strides = array<i32>} : memref<80x64xf32, #tpu.memory_space<vmem>>, vector<16xf32>,
        tpu.vector_store %arg11[%parallel_loop3A_329, %parallel_loop3A_330], %parallel_loop3A_328 {strides = array<i32>} : memref<80x64xf32, #tpu.memory_space<vmem>>, vector<16xf32>,
      } {sc.loop_unroll_factor = 4 : i64, sc.parallel_access}
      %dma_start3A_199 = arith.constant 0 : i32
      %dma_start3A_200 = tpu.memref_slice %arg8[%add3A_189, %dma_start3A_199] : memref<125x80xi32, #tpu.memory_space<vmem>> -> memref<1x80xi32, #tpu.memory_space<vmem>>
      %dma_start3A_201 = tpu.memref_squeeze %dma_start3A_200 : memref<1x80xi32, #tpu.memory_space<vmem>> -> memref<80xi32, #tpu.memory_space<vmem>>
      %dma_start3A_202 = arith.constant 0 : i32
      %dma_start3A_203 = arith.constant 0 : i32
      %dma_start3A_204 = tpu.memref_slice %arg16[%dma_start3A_202, %dma_start3A_203] : memref<10000x64xf32, #tpu.memory_space<vmem_shared>> -> memref<10000x64xf32, #tpu.memory_space<vmem_shared>>
      tpu.enqueue_indirect_dma source(%arg11 : memref<80x64xf32, #tpu.memory_space<vmem>>) target(%dma_start3A_204 : memref<10000x64xf32, #tpu.memory_space<vmem_shared>>) offsets(%dma_start3A_201 : memref<80xi32, #tpu.memory_space<vmem>>) semaphore(%arg24 : memref<!tpu.dma_semaphore, #tpu.memory_space<semaphore_mem>>) {add = true}
      %add3A_205 = arith.constant 5 : i32
      %add3A_206 = arith.addi %add3A_189, %add3A_205 : i32
      %sub3A_207 = arith.constant 1 : i32
      %sub3A_208 = arith.subi %add3A_206, %sub3A_207 : i32
      %lt3A_209 = arith.constant 125 : i32
      %lt3A_210 = arith.cmpi slt, %sub3A_208, %lt3A_209 : i32
      %convert_element_type3A_211 = arith.extui %lt3A_210 : i1 to i32
      %cond3A_212 = arith.constant 0 : i32
      %cond3A_213 = arith.cmpi ne, %convert_element_type3A_211, %cond3A_212 : i32
      scf.if %cond3A_213 {
        %ge3A = arith.constant 1 : i32
        %ge3A_298 = arith.cmpi sge, %add3A_189, %ge3A : i32
        %convert_element_type3A_299 = arith.extui %ge3A_298 : i1 to i32
        %cond3A_300 = arith.constant 0 : i32
        %cond3A_301 = arith.cmpi ne, %convert_element_type3A_299, %cond3A_300 : i32
        scf.if %cond3A_301 {
          %sub3A_312 = arith.constant 1 : i32
          %sub3A_313 = arith.subi %add3A_189, %sub3A_312 : i32
          %dma_wait3A_314 = arith.constant 0 : i32
          %dma_wait3A_315 = tpu.memref_slice %arg8[%sub3A_313, %dma_wait3A_314] : memref<125x80xi32, #tpu.memory_space<vmem>> -> memref<1x80xi32, #tpu.memory_space<vmem>>
          %dma_wait3A_316 = tpu.memref_squeeze %dma_wait3A_315 : memref<1x80xi32, #tpu.memory_space<vmem>> -> memref<80xi32, #tpu.memory_space<vmem>>
          %dma_wait3A_317 = arith.constant 0 : i32
          %dma_wait3A_318 = arith.constant 0 : i32
          %dma_wait3A_319 = tpu.memref_slice %arg16[%dma_wait3A_317, %dma_wait3A_318] : memref<10000x64xf32, #tpu.memory_space<vmem_shared>> -> memref<10000x64xf32, #tpu.memory_space<vmem_shared>>
          tpu.wait_indirect_dma semaphore(%arg23 : memref<!tpu.dma_semaphore, #tpu.memory_space<semaphore_mem>>) src(%arg10 : memref<80x64xf32, #tpu.memory_space<vmem>>) dst(%dma_wait3A_319 : memref<10000x64xf32, #tpu.memory_space<vmem_shared>>)
        } else {
        }
        %add3A_302 = arith.constant 5 : i32
        %add3A_303 = arith.addi %add3A_189, %add3A_302 : i32
        %sub3A_304 = arith.constant 1 : i32
        %sub3A_305 = arith.subi %add3A_303, %sub3A_304 : i32
        %mul3A_306 = arith.constant 80 : i32
        %mul3A_307 = arith.muli %sub3A_305, %mul3A_306 : i32
        %dma_start3A_308 = tpu.memref_slice %arg7[%mul3A_307] : memref<10000xi32, #tpu.memory_space<vmem>> -> memref<80xi32, #tpu.memory_space<vmem>>
        %dma_start3A_309 = arith.constant 0 : i32
        %dma_start3A_310 = arith.constant 0 : i32
        %dma_start3A_311 = tpu.memref_slice %arg2[%dma_start3A_309, %dma_start3A_310] : memref<20000x64xf32, #tpu.memory_space<hbm>> -> memref<20000x64xf32, #tpu.memory_space<hbm>>
        tpu.enqueue_indirect_dma source(%dma_start3A_311 : memref<20000x64xf32, #tpu.memory_space<hbm>>) target(%arg10 : memref<80x64xf32, #tpu.memory_space<vmem>>) offsets(%dma_start3A_308 : memref<80xi32, #tpu.memory_space<vmem>>) semaphore(%arg18 : memref<!tpu.dma_semaphore, #tpu.memory_space<semaphore_mem>>)
      } else {
      }
      %mul3A_214 = arith.constant 5 : i32
      %mul3A_215 = arith.muli %add3A_161, %mul3A_214 : i32
      %add3A_216 = arith.constant 2 : i32
      %add3A_217 = arith.addi %mul3A_215, %add3A_216 : i32
      %mul3A_218 = arith.constant 80 : i32
      %mul3A_219 = arith.muli %add3A_217, %mul3A_218 : i32
      %dma_wait3A_220 = tpu.memref_slice %arg7[%mul3A_219] : memref<10000xi32, #tpu.memory_space<vmem>> -> memref<80xi32, #tpu.memory_space<vmem>>
      %dma_wait3A_221 = arith.constant 0 : i32
      %dma_wait3A_222 = arith.constant 0 : i32
      %dma_wait3A_223 = tpu.memref_slice %arg2[%dma_wait3A_221, %dma_wait3A_222] : memref<20000x64xf32, #tpu.memory_space<hbm>> -> memref<20000x64xf32, #tpu.memory_space<hbm>>
      tpu.wait_indirect_dma semaphore(%arg20 : memref<!tpu.dma_semaphore, #tpu.memory_space<semaphore_mem>>) src(%dma_wait3A_223 : memref<20000x64xf32, #tpu.memory_space<hbm>>) dst(%arg12 : memref<80x64xf32, #tpu.memory_space<vmem>>)
      %parallel_loop3A_224 = arith.constant 0 : i32
      %parallel_loop3A_225 = arith.constant 80 : i32
      %parallel_loop3A_226 = arith.constant 1 : i32
      scf.for %parallel_loop3A_298 = %parallel_loop3A_224 to %parallel_loop3A_225 step %parallel_loop3A_226  : i32 {
        %parallel_loop3A_299 = arith.constant 80 : i32
        %parallel_loop3A_300 = arith.muli %add3A_217, %parallel_loop3A_299 : i32
        %parallel_loop3A_301 = arith.addi %parallel_loop3A_300, %parallel_loop3A_298 : i32
        %parallel_loop3A_302 = vector.broadcast %parallel_loop3A_301 : i32 to vector<16xi32>
        %parallel_loop3A_303 = tpu.vector_load_idx %arg9[%parallel_loop3A_302] : memref<10000xf32, #tpu.memory_space<vmem>>[vector<16xi32>], vector<16xf32>,
        %parallel_loop3A_304 = arith.index_cast %parallel_loop3A_298 : i32 to index
        %parallel_loop3A_305 = arith.constant 0 : index
        %parallel_loop3A_306 = tpu.vector_load %arg12[%parallel_loop3A_304, %parallel_loop3A_305] {strides = array<i32>} : memref<80x64xf32, #tpu.memory_space<vmem>>, vector<16xf32>,
        %parallel_loop3A_307 = arith.mulf %parallel_loop3A_306, %parallel_loop3A_303 : vector<16xf32>
        %parallel_loop3A_308 = arith.index_cast %parallel_loop3A_298 : i32 to index
        %parallel_loop3A_309 = arith.constant 0 : index
        %parallel_loop3A_310 = tpu.vector_load %arg12[%parallel_loop3A_308, %parallel_loop3A_309] {strides = array<i32>} : memref<80x64xf32, #tpu.memory_space<vmem>>, vector<16xf32>,
        tpu.vector_store %arg12[%parallel_loop3A_308, %parallel_loop3A_309], %parallel_loop3A_307 {strides = array<i32>} : memref<80x64xf32, #tpu.memory_space<vmem>>, vector<16xf32>,
        %parallel_loop3A_311 = arith.index_cast %parallel_loop3A_298 : i32 to index
        %parallel_loop3A_312 = arith.constant 16 : index
        %parallel_loop3A_313 = tpu.vector_load %arg12[%parallel_loop3A_311, %parallel_loop3A_312] {strides = array<i32>} : memref<80x64xf32, #tpu.memory_space<vmem>>, vector<16xf32>,
        %parallel_loop3A_314 = arith.mulf %parallel_loop3A_313, %parallel_loop3A_303 : vector<16xf32>
        %parallel_loop3A_315 = arith.index_cast %parallel_loop3A_298 : i32 to index
        %parallel_loop3A_316 = arith.constant 16 : index
        %parallel_loop3A_317 = tpu.vector_load %arg12[%parallel_loop3A_315, %parallel_loop3A_316] {strides = array<i32>} : memref<80x64xf32, #tpu.memory_space<vmem>>, vector<16xf32>,
        tpu.vector_store %arg12[%parallel_loop3A_315, %parallel_loop3A_316], %parallel_loop3A_314 {strides = array<i32>} : memref<80x64xf32, #tpu.memory_space<vmem>>, vector<16xf32>,
        %parallel_loop3A_318 = arith.index_cast %parallel_loop3A_298 : i32 to index
        %parallel_loop3A_319 = arith.constant 32 : index
        %parallel_loop3A_320 = tpu.vector_load %arg12[%parallel_loop3A_318, %parallel_loop3A_319] {strides = array<i32>} : memref<80x64xf32, #tpu.memory_space<vmem>>, vector<16xf32>,
        %parallel_loop3A_321 = arith.mulf %parallel_loop3A_320, %parallel_loop3A_303 : vector<16xf32>
        %parallel_loop3A_322 = arith.index_cast %parallel_loop3A_298 : i32 to index
        %parallel_loop3A_323 = arith.constant 32 : index
        %parallel_loop3A_324 = tpu.vector_load %arg12[%parallel_loop3A_322, %parallel_loop3A_323] {strides = array<i32>} : memref<80x64xf32, #tpu.memory_space<vmem>>, vector<16xf32>,
        tpu.vector_store %arg12[%parallel_loop3A_322, %parallel_loop3A_323], %parallel_loop3A_321 {strides = array<i32>} : memref<80x64xf32, #tpu.memory_space<vmem>>, vector<16xf32>,
        %parallel_loop3A_325 = arith.index_cast %parallel_loop3A_298 : i32 to index
        %parallel_loop3A_326 = arith.constant 48 : index
        %parallel_loop3A_327 = tpu.vector_load %arg12[%parallel_loop3A_325, %parallel_loop3A_326] {strides = array<i32>} : memref<80x64xf32, #tpu.memory_space<vmem>>, vector<16xf32>,
        %parallel_loop3A_328 = arith.mulf %parallel_loop3A_327, %parallel_loop3A_303 : vector<16xf32>
        %parallel_loop3A_329 = arith.index_cast %parallel_loop3A_298 : i32 to index
        %parallel_loop3A_330 = arith.constant 48 : index
        %parallel_loop3A_331 = tpu.vector_load %arg12[%parallel_loop3A_329, %parallel_loop3A_330] {strides = array<i32>} : memref<80x64xf32, #tpu.memory_space<vmem>>, vector<16xf32>,
        tpu.vector_store %arg12[%parallel_loop3A_329, %parallel_loop3A_330], %parallel_loop3A_328 {strides = array<i32>} : memref<80x64xf32, #tpu.memory_space<vmem>>, vector<16xf32>,
      } {sc.loop_unroll_factor = 4 : i64, sc.parallel_access}
      %dma_start3A_227 = arith.constant 0 : i32
      %dma_start3A_228 = tpu.memref_slice %arg8[%add3A_217, %dma_start3A_227] : memref<125x80xi32, #tpu.memory_space<vmem>> -> memref<1x80xi32, #tpu.memory_space<vmem>>
      %dma_start3A_229 = tpu.memref_squeeze %dma_start3A_228 : memref<1x80xi32, #tpu.memory_space<vmem>> -> memref<80xi32, #tpu.memory_space<vmem>>
      %dma_start3A_230 = arith.constant 0 : i32
      %dma_start3A_231 = arith.constant 0 : i32
      %dma_start3A_232 = tpu.memref_slice %arg16[%dma_start3A_230, %dma_start3A_231] : memref<10000x64xf32, #tpu.memory_space<vmem_shared>> -> memref<10000x64xf32, #tpu.memory_space<vmem_shared>>
      tpu.enqueue_indirect_dma source(%arg12 : memref<80x64xf32, #tpu.memory_space<vmem>>) target(%dma_start3A_232 : memref<10000x64xf32, #tpu.memory_space<vmem_shared>>) offsets(%dma_start3A_229 : memref<80xi32, #tpu.memory_space<vmem>>) semaphore(%arg25 : memref<!tpu.dma_semaphore, #tpu.memory_space<semaphore_mem>>) {add = true}
      %add3A_233 = arith.constant 5 : i32
      %add3A_234 = arith.addi %add3A_217, %add3A_233 : i32
      %sub3A_235 = arith.constant 1 : i32
      %sub3A_236 = arith.subi %add3A_234, %sub3A_235 : i32
      %lt3A_237 = arith.constant 125 : i32
      %lt3A_238 = arith.cmpi slt, %sub3A_236, %lt3A_237 : i32
      %convert_element_type3A_239 = arith.extui %lt3A_238 : i1 to i32
      %cond3A_240 = arith.constant 0 : i32
      %cond3A_241 = arith.cmpi ne, %convert_element_type3A_239, %cond3A_240 : i32
      scf.if %cond3A_241 {
        %ge3A = arith.constant 1 : i32
        %ge3A_298 = arith.cmpi sge, %add3A_217, %ge3A : i32
        %convert_element_type3A_299 = arith.extui %ge3A_298 : i1 to i32
        %cond3A_300 = arith.constant 0 : i32
        %cond3A_301 = arith.cmpi ne, %convert_element_type3A_299, %cond3A_300 : i32
        scf.if %cond3A_301 {
          %sub3A_312 = arith.constant 1 : i32
          %sub3A_313 = arith.subi %add3A_217, %sub3A_312 : i32
          %dma_wait3A_314 = arith.constant 0 : i32
          %dma_wait3A_315 = tpu.memref_slice %arg8[%sub3A_313, %dma_wait3A_314] : memref<125x80xi32, #tpu.memory_space<vmem>> -> memref<1x80xi32, #tpu.memory_space<vmem>>
          %dma_wait3A_316 = tpu.memref_squeeze %dma_wait3A_315 : memref<1x80xi32, #tpu.memory_space<vmem>> -> memref<80xi32, #tpu.memory_space<vmem>>
          %dma_wait3A_317 = arith.constant 0 : i32
          %dma_wait3A_318 = arith.constant 0 : i32
          %dma_wait3A_319 = tpu.memref_slice %arg16[%dma_wait3A_317, %dma_wait3A_318] : memref<10000x64xf32, #tpu.memory_space<vmem_shared>> -> memref<10000x64xf32, #tpu.memory_space<vmem_shared>>
          tpu.wait_indirect_dma semaphore(%arg24 : memref<!tpu.dma_semaphore, #tpu.memory_space<semaphore_mem>>) src(%arg11 : memref<80x64xf32, #tpu.memory_space<vmem>>) dst(%dma_wait3A_319 : memref<10000x64xf32, #tpu.memory_space<vmem_shared>>)
        } else {
        }
        %add3A_302 = arith.constant 5 : i32
        %add3A_303 = arith.addi %add3A_217, %add3A_302 : i32
        %sub3A_304 = arith.constant 1 : i32
        %sub3A_305 = arith.subi %add3A_303, %sub3A_304 : i32
        %mul3A_306 = arith.constant 80 : i32
        %mul3A_307 = arith.muli %sub3A_305, %mul3A_306 : i32
        %dma_start3A_308 = tpu.memref_slice %arg7[%mul3A_307] : memref<10000xi32, #tpu.memory_space<vmem>> -> memref<80xi32, #tpu.memory_space<vmem>>
        %dma_start3A_309 = arith.constant 0 : i32
        %dma_start3A_310 = arith.constant 0 : i32
        %dma_start3A_311 = tpu.memref_slice %arg2[%dma_start3A_309, %dma_start3A_310] : memref<20000x64xf32, #tpu.memory_space<hbm>> -> memref<20000x64xf32, #tpu.memory_space<hbm>>
        tpu.enqueue_indirect_dma source(%dma_start3A_311 : memref<20000x64xf32, #tpu.memory_space<hbm>>) target(%arg11 : memref<80x64xf32, #tpu.memory_space<vmem>>) offsets(%dma_start3A_308 : memref<80xi32, #tpu.memory_space<vmem>>) semaphore(%arg19 : memref<!tpu.dma_semaphore, #tpu.memory_space<semaphore_mem>>)
      } else {
      }
      %mul3A_242 = arith.constant 5 : i32
      %mul3A_243 = arith.muli %add3A_161, %mul3A_242 : i32
      %add3A_244 = arith.constant 3 : i32
      %add3A_245 = arith.addi %mul3A_243, %add3A_244 : i32
      %mul3A_246 = arith.constant 80 : i32
      %mul3A_247 = arith.muli %add3A_245, %mul3A_246 : i32
      %dma_wait3A_248 = tpu.memref_slice %arg7[%mul3A_247] : memref<10000xi32, #tpu.memory_space<vmem>> -> memref<80xi32, #tpu.memory_space<vmem>>
      %dma_wait3A_249 = arith.constant 0 : i32
      %dma_wait3A_250 = arith.constant 0 : i32
      %dma_wait3A_251 = tpu.memref_slice %arg2[%dma_wait3A_249, %dma_wait3A_250] : memref<20000x64xf32, #tpu.memory_space<hbm>> -> memref<20000x64xf32, #tpu.memory_space<hbm>>
      tpu.wait_indirect_dma semaphore(%arg21 : memref<!tpu.dma_semaphore, #tpu.memory_space<semaphore_mem>>) src(%dma_wait3A_251 : memref<20000x64xf32, #tpu.memory_space<hbm>>) dst(%arg13 : memref<80x64xf32, #tpu.memory_space<vmem>>)
      %parallel_loop3A_252 = arith.constant 0 : i32
      %parallel_loop3A_253 = arith.constant 80 : i32
      %parallel_loop3A_254 = arith.constant 1 : i32
      scf.for %parallel_loop3A_298 = %parallel_loop3A_252 to %parallel_loop3A_253 step %parallel_loop3A_254  : i32 {
        %parallel_loop3A_299 = arith.constant 80 : i32
        %parallel_loop3A_300 = arith.muli %add3A_245, %parallel_loop3A_299 : i32
        %parallel_loop3A_301 = arith.addi %parallel_loop3A_300, %parallel_loop3A_298 : i32
        %parallel_loop3A_302 = vector.broadcast %parallel_loop3A_301 : i32 to vector<16xi32>
        %parallel_loop3A_303 = tpu.vector_load_idx %arg9[%parallel_loop3A_302] : memref<10000xf32, #tpu.memory_space<vmem>>[vector<16xi32>], vector<16xf32>,
        %parallel_loop3A_304 = arith.index_cast %parallel_loop3A_298 : i32 to index
        %parallel_loop3A_305 = arith.constant 0 : index
        %parallel_loop3A_306 = tpu.vector_load %arg13[%parallel_loop3A_304, %parallel_loop3A_305] {strides = array<i32>} : memref<80x64xf32, #tpu.memory_space<vmem>>, vector<16xf32>,
        %parallel_loop3A_307 = arith.mulf %parallel_loop3A_306, %parallel_loop3A_303 : vector<16xf32>
        %parallel_loop3A_308 = arith.index_cast %parallel_loop3A_298 : i32 to index
        %parallel_loop3A_309 = arith.constant 0 : index
        %parallel_loop3A_310 = tpu.vector_load %arg13[%parallel_loop3A_308, %parallel_loop3A_309] {strides = array<i32>} : memref<80x64xf32, #tpu.memory_space<vmem>>, vector<16xf32>,
        tpu.vector_store %arg13[%parallel_loop3A_308, %parallel_loop3A_309], %parallel_loop3A_307 {strides = array<i32>} : memref<80x64xf32, #tpu.memory_space<vmem>>, vector<16xf32>,
        %parallel_loop3A_311 = arith.index_cast %parallel_loop3A_298 : i32 to index
        %parallel_loop3A_312 = arith.constant 16 : index
        %parallel_loop3A_313 = tpu.vector_load %arg13[%parallel_loop3A_311, %parallel_loop3A_312] {strides = array<i32>} : memref<80x64xf32, #tpu.memory_space<vmem>>, vector<16xf32>,
        %parallel_loop3A_314 = arith.mulf %parallel_loop3A_313, %parallel_loop3A_303 : vector<16xf32>
        %parallel_loop3A_315 = arith.index_cast %parallel_loop3A_298 : i32 to index
        %parallel_loop3A_316 = arith.constant 16 : index
        %parallel_loop3A_317 = tpu.vector_load %arg13[%parallel_loop3A_315, %parallel_loop3A_316] {strides = array<i32>} : memref<80x64xf32, #tpu.memory_space<vmem>>, vector<16xf32>,
        tpu.vector_store %arg13[%parallel_loop3A_315, %parallel_loop3A_316], %parallel_loop3A_314 {strides = array<i32>} : memref<80x64xf32, #tpu.memory_space<vmem>>, vector<16xf32>,
        %parallel_loop3A_318 = arith.index_cast %parallel_loop3A_298 : i32 to index
        %parallel_loop3A_319 = arith.constant 32 : index
        %parallel_loop3A_320 = tpu.vector_load %arg13[%parallel_loop3A_318, %parallel_loop3A_319] {strides = array<i32>} : memref<80x64xf32, #tpu.memory_space<vmem>>, vector<16xf32>,
        %parallel_loop3A_321 = arith.mulf %parallel_loop3A_320, %parallel_loop3A_303 : vector<16xf32>
        %parallel_loop3A_322 = arith.index_cast %parallel_loop3A_298 : i32 to index
        %parallel_loop3A_323 = arith.constant 32 : index
        %parallel_loop3A_324 = tpu.vector_load %arg13[%parallel_loop3A_322, %parallel_loop3A_323] {strides = array<i32>} : memref<80x64xf32, #tpu.memory_space<vmem>>, vector<16xf32>,
        tpu.vector_store %arg13[%parallel_loop3A_322, %parallel_loop3A_323], %parallel_loop3A_321 {strides = array<i32>} : memref<80x64xf32, #tpu.memory_space<vmem>>, vector<16xf32>,
        %parallel_loop3A_325 = arith.index_cast %parallel_loop3A_298 : i32 to index
        %parallel_loop3A_326 = arith.constant 48 : index
        %parallel_loop3A_327 = tpu.vector_load %arg13[%parallel_loop3A_325, %parallel_loop3A_326] {strides = array<i32>} : memref<80x64xf32, #tpu.memory_space<vmem>>, vector<16xf32>,
        %parallel_loop3A_328 = arith.mulf %parallel_loop3A_327, %parallel_loop3A_303 : vector<16xf32>
        %parallel_loop3A_329 = arith.index_cast %parallel_loop3A_298 : i32 to index
        %parallel_loop3A_330 = arith.constant 48 : index
        %parallel_loop3A_331 = tpu.vector_load %arg13[%parallel_loop3A_329, %parallel_loop3A_330] {strides = array<i32>} : memref<80x64xf32, #tpu.memory_space<vmem>>, vector<16xf32>,
        tpu.vector_store %arg13[%parallel_loop3A_329, %parallel_loop3A_330], %parallel_loop3A_328 {strides = array<i32>} : memref<80x64xf32, #tpu.memory_space<vmem>>, vector<16xf32>,
      } {sc.loop_unroll_factor = 4 : i64, sc.parallel_access}
      %dma_start3A_255 = arith.constant 0 : i32
      %dma_start3A_256 = tpu.memref_slice %arg8[%add3A_245, %dma_start3A_255] : memref<125x80xi32, #tpu.memory_space<vmem>> -> memref<1x80xi32, #tpu.memory_space<vmem>>
      %dma_start3A_257 = tpu.memref_squeeze %dma_start3A_256 : memref<1x80xi32, #tpu.memory_space<vmem>> -> memref<80xi32, #tpu.memory_space<vmem>>
      %dma_start3A_258 = arith.constant 0 : i32
      %dma_start3A_259 = arith.constant 0 : i32
      %dma_start3A_260 = tpu.memref_slice %arg16[%dma_start3A_258, %dma_start3A_259] : memref<10000x64xf32, #tpu.memory_space<vmem_shared>> -> memref<10000x64xf32, #tpu.memory_space<vmem_shared>>
      tpu.enqueue_indirect_dma source(%arg13 : memref<80x64xf32, #tpu.memory_space<vmem>>) target(%dma_start3A_260 : memref<10000x64xf32, #tpu.memory_space<vmem_shared>>) offsets(%dma_start3A_257 : memref<80xi32, #tpu.memory_space<vmem>>) semaphore(%arg26 : memref<!tpu.dma_semaphore, #tpu.memory_space<semaphore_mem>>) {add = true}
      %add3A_261 = arith.constant 5 : i32
      %add3A_262 = arith.addi %add3A_245, %add3A_261 : i32
      %sub3A_263 = arith.constant 1 : i32
      %sub3A_264 = arith.subi %add3A_262, %sub3A_263 : i32
      %lt3A_265 = arith.constant 125 : i32
      %lt3A_266 = arith.cmpi slt, %sub3A_264, %lt3A_265 : i32
      %convert_element_type3A_267 = arith.extui %lt3A_266 : i1 to i32
      %cond3A_268 = arith.constant 0 : i32
      %cond3A_269 = arith.cmpi ne, %convert_element_type3A_267, %cond3A_268 : i32
      scf.if %cond3A_269 {
        %ge3A = arith.constant 1 : i32
        %ge3A_298 = arith.cmpi sge, %add3A_245, %ge3A : i32
        %convert_element_type3A_299 = arith.extui %ge3A_298 : i1 to i32
        %cond3A_300 = arith.constant 0 : i32
        %cond3A_301 = arith.cmpi ne, %convert_element_type3A_299, %cond3A_300 : i32
        scf.if %cond3A_301 {
          %sub3A_312 = arith.constant 1 : i32
          %sub3A_313 = arith.subi %add3A_245, %sub3A_312 : i32
          %dma_wait3A_314 = arith.constant 0 : i32
          %dma_wait3A_315 = tpu.memref_slice %arg8[%sub3A_313, %dma_wait3A_314] : memref<125x80xi32, #tpu.memory_space<vmem>> -> memref<1x80xi32, #tpu.memory_space<vmem>>
          %dma_wait3A_316 = tpu.memref_squeeze %dma_wait3A_315 : memref<1x80xi32, #tpu.memory_space<vmem>> -> memref<80xi32, #tpu.memory_space<vmem>>
          %dma_wait3A_317 = arith.constant 0 : i32
          %dma_wait3A_318 = arith.constant 0 : i32
          %dma_wait3A_319 = tpu.memref_slice %arg16[%dma_wait3A_317, %dma_wait3A_318] : memref<10000x64xf32, #tpu.memory_space<vmem_shared>> -> memref<10000x64xf32, #tpu.memory_space<vmem_shared>>
          tpu.wait_indirect_dma semaphore(%arg25 : memref<!tpu.dma_semaphore, #tpu.memory_space<semaphore_mem>>) src(%arg12 : memref<80x64xf32, #tpu.memory_space<vmem>>) dst(%dma_wait3A_319 : memref<10000x64xf32, #tpu.memory_space<vmem_shared>>)
        } else {
        }
        %add3A_302 = arith.constant 5 : i32
        %add3A_303 = arith.addi %add3A_245, %add3A_302 : i32
        %sub3A_304 = arith.constant 1 : i32
        %sub3A_305 = arith.subi %add3A_303, %sub3A_304 : i32
        %mul3A_306 = arith.constant 80 : i32
        %mul3A_307 = arith.muli %sub3A_305, %mul3A_306 : i32
        %dma_start3A_308 = tpu.memref_slice %arg7[%mul3A_307] : memref<10000xi32, #tpu.memory_space<vmem>> -> memref<80xi32, #tpu.memory_space<vmem>>
        %dma_start3A_309 = arith.constant 0 : i32
        %dma_start3A_310 = arith.constant 0 : i32
        %dma_start3A_311 = tpu.memref_slice %arg2[%dma_start3A_309, %dma_start3A_310] : memref<20000x64xf32, #tpu.memory_space<hbm>> -> memref<20000x64xf32, #tpu.memory_space<hbm>>
        tpu.enqueue_indirect_dma source(%dma_start3A_311 : memref<20000x64xf32, #tpu.memory_space<hbm>>) target(%arg12 : memref<80x64xf32, #tpu.memory_space<vmem>>) offsets(%dma_start3A_308 : memref<80xi32, #tpu.memory_space<vmem>>) semaphore(%arg20 : memref<!tpu.dma_semaphore, #tpu.memory_space<semaphore_mem>>)
      } else {
      }
      %mul3A_270 = arith.constant 5 : i32
      %mul3A_271 = arith.muli %add3A_161, %mul3A_270 : i32
      %add3A_272 = arith.constant 4 : i32
      %add3A_273 = arith.addi %mul3A_271, %add3A_272 : i32
      %mul3A_274 = arith.constant 80 : i32
      %mul3A_275 = arith.muli %add3A_273, %mul3A_274 : i32
      %dma_wait3A_276 = tpu.memref_slice %arg7[%mul3A_275] : memref<10000xi32, #tpu.memory_space<vmem>> -> memref<80xi32, #tpu.memory_space<vmem>>
      %dma_wait3A_277 = arith.constant 0 : i32
      %dma_wait3A_278 = arith.constant 0 : i32
      %dma_wait3A_279 = tpu.memref_slice %arg2[%dma_wait3A_277, %dma_wait3A_278] : memref<20000x64xf32, #tpu.memory_space<hbm>> -> memref<20000x64xf32, #tpu.memory_space<hbm>>
      tpu.wait_indirect_dma semaphore(%arg22 : memref<!tpu.dma_semaphore, #tpu.memory_space<semaphore_mem>>) src(%dma_wait3A_279 : memref<20000x64xf32, #tpu.memory_space<hbm>>) dst(%arg14 : memref<80x64xf32, #tpu.memory_space<vmem>>)
      %parallel_loop3A_280 = arith.constant 0 : i32
      %parallel_loop3A_281 = arith.constant 80 : i32
      %parallel_loop3A_282 = arith.constant 1 : i32
      scf.for %parallel_loop3A_298 = %parallel_loop3A_280 to %parallel_loop3A_281 step %parallel_loop3A_282  : i32 {
        %parallel_loop3A_299 = arith.constant 80 : i32
        %parallel_loop3A_300 = arith.muli %add3A_273, %parallel_loop3A_299 : i32
        %parallel_loop3A_301 = arith.addi %parallel_loop3A_300, %parallel_loop3A_298 : i32
        %parallel_loop3A_302 = vector.broadcast %parallel_loop3A_301 : i32 to vector<16xi32>
        %parallel_loop3A_303 = tpu.vector_load_idx %arg9[%parallel_loop3A_302] : memref<10000xf32, #tpu.memory_space<vmem>>[vector<16xi32>], vector<16xf32>,
        %parallel_loop3A_304 = arith.index_cast %parallel_loop3A_298 : i32 to index
        %parallel_loop3A_305 = arith.constant 0 : index
        %parallel_loop3A_306 = tpu.vector_load %arg14[%parallel_loop3A_304, %parallel_loop3A_305] {strides = array<i32>} : memref<80x64xf32, #tpu.memory_space<vmem>>, vector<16xf32>,
        %parallel_loop3A_307 = arith.mulf %parallel_loop3A_306, %parallel_loop3A_303 : vector<16xf32>
        %parallel_loop3A_308 = arith.index_cast %parallel_loop3A_298 : i32 to index
        %parallel_loop3A_309 = arith.constant 0 : index
        %parallel_loop3A_310 = tpu.vector_load %arg14[%parallel_loop3A_308, %parallel_loop3A_309] {strides = array<i32>} : memref<80x64xf32, #tpu.memory_space<vmem>>, vector<16xf32>,
        tpu.vector_store %arg14[%parallel_loop3A_308, %parallel_loop3A_309], %parallel_loop3A_307 {strides = array<i32>} : memref<80x64xf32, #tpu.memory_space<vmem>>, vector<16xf32>,
        %parallel_loop3A_311 = arith.index_cast %parallel_loop3A_298 : i32 to index
        %parallel_loop3A_312 = arith.constant 16 : index
        %parallel_loop3A_313 = tpu.vector_load %arg14[%parallel_loop3A_311, %parallel_loop3A_312] {strides = array<i32>} : memref<80x64xf32, #tpu.memory_space<vmem>>, vector<16xf32>,
        %parallel_loop3A_314 = arith.mulf %parallel_loop3A_313, %parallel_loop3A_303 : vector<16xf32>
        %parallel_loop3A_315 = arith.index_cast %parallel_loop3A_298 : i32 to index
        %parallel_loop3A_316 = arith.constant 16 : index
        %parallel_loop3A_317 = tpu.vector_load %arg14[%parallel_loop3A_315, %parallel_loop3A_316] {strides = array<i32>} : memref<80x64xf32, #tpu.memory_space<vmem>>, vector<16xf32>,
        tpu.vector_store %arg14[%parallel_loop3A_315, %parallel_loop3A_316], %parallel_loop3A_314 {strides = array<i32>} : memref<80x64xf32, #tpu.memory_space<vmem>>, vector<16xf32>,
        %parallel_loop3A_318 = arith.index_cast %parallel_loop3A_298 : i32 to index
        %parallel_loop3A_319 = arith.constant 32 : index
        %parallel_loop3A_320 = tpu.vector_load %arg14[%parallel_loop3A_318, %parallel_loop3A_319] {strides = array<i32>} : memref<80x64xf32, #tpu.memory_space<vmem>>, vector<16xf32>,
        %parallel_loop3A_321 = arith.mulf %parallel_loop3A_320, %parallel_loop3A_303 : vector<16xf32>
        %parallel_loop3A_322 = arith.index_cast %parallel_loop3A_298 : i32 to index
        %parallel_loop3A_323 = arith.constant 32 : index
        %parallel_loop3A_324 = tpu.vector_load %arg14[%parallel_loop3A_322, %parallel_loop3A_323] {strides = array<i32>} : memref<80x64xf32, #tpu.memory_space<vmem>>, vector<16xf32>,
        tpu.vector_store %arg14[%parallel_loop3A_322, %parallel_loop3A_323], %parallel_loop3A_321 {strides = array<i32>} : memref<80x64xf32, #tpu.memory_space<vmem>>, vector<16xf32>,
        %parallel_loop3A_325 = arith.index_cast %parallel_loop3A_298 : i32 to index
        %parallel_loop3A_326 = arith.constant 48 : index
        %parallel_loop3A_327 = tpu.vector_load %arg14[%parallel_loop3A_325, %parallel_loop3A_326] {strides = array<i32>} : memref<80x64xf32, #tpu.memory_space<vmem>>, vector<16xf32>,
        %parallel_loop3A_328 = arith.mulf %parallel_loop3A_327, %parallel_loop3A_303 : vector<16xf32>
        %parallel_loop3A_329 = arith.index_cast %parallel_loop3A_298 : i32 to index
        %parallel_loop3A_330 = arith.constant 48 : index
        %parallel_loop3A_331 = tpu.vector_load %arg14[%parallel_loop3A_329, %parallel_loop3A_330] {strides = array<i32>} : memref<80x64xf32, #tpu.memory_space<vmem>>, vector<16xf32>,
        tpu.vector_store %arg14[%parallel_loop3A_329, %parallel_loop3A_330], %parallel_loop3A_328 {strides = array<i32>} : memref<80x64xf32, #tpu.memory_space<vmem>>, vector<16xf32>,
      } {sc.loop_unroll_factor = 4 : i64, sc.parallel_access}
      %dma_start3A_283 = arith.constant 0 : i32
      %dma_start3A_284 = tpu.memref_slice %arg8[%add3A_273, %dma_start3A_283] : memref<125x80xi32, #tpu.memory_space<vmem>> -> memref<1x80xi32, #tpu.memory_space<vmem>>
      %dma_start3A_285 = tpu.memref_squeeze %dma_start3A_284 : memref<1x80xi32, #tpu.memory_space<vmem>> -> memref<80xi32, #tpu.memory_space<vmem>>
      %dma_start3A_286 = arith.constant 0 : i32
      %dma_start3A_287 = arith.constant 0 : i32
      %dma_start3A_288 = tpu.memref_slice %arg16[%dma_start3A_286, %dma_start3A_287] : memref<10000x64xf32, #tpu.memory_space<vmem_shared>> -> memref<10000x64xf32, #tpu.memory_space<vmem_shared>>
      tpu.enqueue_indirect_dma source(%arg14 : memref<80x64xf32, #tpu.memory_space<vmem>>) target(%dma_start3A_288 : memref<10000x64xf32, #tpu.memory_space<vmem_shared>>) offsets(%dma_start3A_285 : memref<80xi32, #tpu.memory_space<vmem>>) semaphore(%arg27 : memref<!tpu.dma_semaphore, #tpu.memory_space<semaphore_mem>>) {add = true}
      %add3A_289 = arith.constant 5 : i32
      %add3A_290 = arith.addi %add3A_273, %add3A_289 : i32
      %sub3A_291 = arith.constant 1 : i32
      %sub3A_292 = arith.subi %add3A_290, %sub3A_291 : i32
      %lt3A_293 = arith.constant 125 : i32
      %lt3A_294 = arith.cmpi slt, %sub3A_292, %lt3A_293 : i32
      %convert_element_type3A_295 = arith.extui %lt3A_294 : i1 to i32
      %cond3A_296 = arith.constant 0 : i32
      %cond3A_297 = arith.cmpi ne, %convert_element_type3A_295, %cond3A_296 : i32
      scf.if %cond3A_297 {
        %ge3A = arith.constant 1 : i32
        %ge3A_298 = arith.cmpi sge, %add3A_273, %ge3A : i32
        %convert_element_type3A_299 = arith.extui %ge3A_298 : i1 to i32
        %cond3A_300 = arith.constant 0 : i32
        %cond3A_301 = arith.cmpi ne, %convert_element_type3A_299, %cond3A_300 : i32
        scf.if %cond3A_301 {
          %sub3A_312 = arith.constant 1 : i32
          %sub3A_313 = arith.subi %add3A_273, %sub3A_312 : i32
          %dma_wait3A_314 = arith.constant 0 : i32
          %dma_wait3A_315 = tpu.memref_slice %arg8[%sub3A_313, %dma_wait3A_314] : memref<125x80xi32, #tpu.memory_space<vmem>> -> memref<1x80xi32, #tpu.memory_space<vmem>>
          %dma_wait3A_316 = tpu.memref_squeeze %dma_wait3A_315 : memref<1x80xi32, #tpu.memory_space<vmem>> -> memref<80xi32, #tpu.memory_space<vmem>>
          %dma_wait3A_317 = arith.constant 0 : i32
          %dma_wait3A_318 = arith.constant 0 : i32
          %dma_wait3A_319 = tpu.memref_slice %arg16[%dma_wait3A_317, %dma_wait3A_318] : memref<10000x64xf32, #tpu.memory_space<vmem_shared>> -> memref<10000x64xf32, #tpu.memory_space<vmem_shared>>
          tpu.wait_indirect_dma semaphore(%arg26 : memref<!tpu.dma_semaphore, #tpu.memory_space<semaphore_mem>>) src(%arg13 : memref<80x64xf32, #tpu.memory_space<vmem>>) dst(%dma_wait3A_319 : memref<10000x64xf32, #tpu.memory_space<vmem_shared>>)
        } else {
        }
        %add3A_302 = arith.constant 5 : i32
        %add3A_303 = arith.addi %add3A_273, %add3A_302 : i32
        %sub3A_304 = arith.constant 1 : i32
        %sub3A_305 = arith.subi %add3A_303, %sub3A_304 : i32
        %mul3A_306 = arith.constant 80 : i32
        %mul3A_307 = arith.muli %sub3A_305, %mul3A_306 : i32
        %dma_start3A_308 = tpu.memref_slice %arg7[%mul3A_307] : memref<10000xi32, #tpu.memory_space<vmem>> -> memref<80xi32, #tpu.memory_space<vmem>>
        %dma_start3A_309 = arith.constant 0 : i32
        %dma_start3A_310 = arith.constant 0 : i32
        %dma_start3A_311 = tpu.memref_slice %arg2[%dma_start3A_309, %dma_start3A_310] : memref<20000x64xf32, #tpu.memory_space<hbm>> -> memref<20000x64xf32, #tpu.memory_space<hbm>>
        tpu.enqueue_indirect_dma source(%dma_start3A_311 : memref<20000x64xf32, #tpu.memory_space<hbm>>) target(%arg13 : memref<80x64xf32, #tpu.memory_space<vmem>>) offsets(%dma_start3A_308 : memref<80xi32, #tpu.memory_space<vmem>>) semaphore(%arg21 : memref<!tpu.dma_semaphore, #tpu.memory_space<semaphore_mem>>)
      } else {
      }
    }
    %scan3A_39 = arith.constant 25 : i32
    %dma_wait3A = arith.constant 120 : i32
    %dma_wait3A_40 = arith.constant 0 : i32
    %dma_wait3A_41 = tpu.memref_slice %arg8[%dma_wait3A, %dma_wait3A_40] : memref<125x80xi32, #tpu.memory_space<vmem>> -> memref<1x80xi32, #tpu.memory_space<vmem>>
    %dma_wait3A_42 = tpu.memref_squeeze %dma_wait3A_41 : memref<1x80xi32, #tpu.memory_space<vmem>> -> memref<80xi32, #tpu.memory_space<vmem>>
    %dma_wait3A_43 = arith.constant 0 : i32
    %dma_wait3A_44 = arith.constant 0 : i32
    %dma_wait3A_45 = tpu.memref_slice %arg16[%dma_wait3A_43, %dma_wait3A_44] : memref<10000x64xf32, #tpu.memory_space<vmem_shared>> -> memref<10000x64xf32, #tpu.memory_space<vmem_shared>>
    tpu.wait_indirect_dma semaphore(%arg23 : memref<!tpu.dma_semaphore, #tpu.memory_space<semaphore_mem>>) src(%arg10 : memref<80x64xf32, #tpu.memory_space<vmem>>) dst(%dma_wait3A_45 : memref<10000x64xf32, #tpu.memory_space<vmem_shared>>)
    %dma_wait3A_46 = arith.constant 121 : i32
    %dma_wait3A_47 = arith.constant 0 : i32
    %dma_wait3A_48 = tpu.memref_slice %arg8[%dma_wait3A_46, %dma_wait3A_47] : memref<125x80xi32, #tpu.memory_space<vmem>> -> memref<1x80xi32, #tpu.memory_space<vmem>>
    %dma_wait3A_49 = tpu.memref_squeeze %dma_wait3A_48 : memref<1x80xi32, #tpu.memory_space<vmem>> -> memref<80xi32, #tpu.memory_space<vmem>>
    %dma_wait3A_50 = arith.constant 0 : i32
    %dma_wait3A_51 = arith.constant 0 : i32
    %dma_wait3A_52 = tpu.memref_slice %arg16[%dma_wait3A_50, %dma_wait3A_51] : memref<10000x64xf32, #tpu.memory_space<vmem_shared>> -> memref<10000x64xf32, #tpu.memory_space<vmem_shared>>
    tpu.wait_indirect_dma semaphore(%arg24 : memref<!tpu.dma_semaphore, #tpu.memory_space<semaphore_mem>>) src(%arg11 : memref<80x64xf32, #tpu.memory_space<vmem>>) dst(%dma_wait3A_52 : memref<10000x64xf32, #tpu.memory_space<vmem_shared>>)
    %dma_wait3A_53 = arith.constant 122 : i32
    %dma_wait3A_54 = arith.constant 0 : i32
    %dma_wait3A_55 = tpu.memref_slice %arg8[%dma_wait3A_53, %dma_wait3A_54] : memref<125x80xi32, #tpu.memory_space<vmem>> -> memref<1x80xi32, #tpu.memory_space<vmem>>
    %dma_wait3A_56 = tpu.memref_squeeze %dma_wait3A_55 : memref<1x80xi32, #tpu.memory_space<vmem>> -> memref<80xi32, #tpu.memory_space<vmem>>
    %dma_wait3A_57 = arith.constant 0 : i32
    %dma_wait3A_58 = arith.constant 0 : i32
    %dma_wait3A_59 = tpu.memref_slice %arg16[%dma_wait3A_57, %dma_wait3A_58] : memref<10000x64xf32, #tpu.memory_space<vmem_shared>> -> memref<10000x64xf32, #tpu.memory_space<vmem_shared>>
    tpu.wait_indirect_dma semaphore(%arg25 : memref<!tpu.dma_semaphore, #tpu.memory_space<semaphore_mem>>) src(%arg12 : memref<80x64xf32, #tpu.memory_space<vmem>>) dst(%dma_wait3A_59 : memref<10000x64xf32, #tpu.memory_space<vmem_shared>>)
    %dma_wait3A_60 = arith.constant 123 : i32
    %dma_wait3A_61 = arith.constant 0 : i32
    %dma_wait3A_62 = tpu.memref_slice %arg8[%dma_wait3A_60, %dma_wait3A_61] : memref<125x80xi32, #tpu.memory_space<vmem>> -> memref<1x80xi32, #tpu.memory_space<vmem>>
    %dma_wait3A_63 = tpu.memref_squeeze %dma_wait3A_62 : memref<1x80xi32, #tpu.memory_space<vmem>> -> memref<80xi32, #tpu.memory_space<vmem>>
    %dma_wait3A_64 = arith.constant 0 : i32
    %dma_wait3A_65 = arith.constant 0 : i32
    %dma_wait3A_66 = tpu.memref_slice %arg16[%dma_wait3A_64, %dma_wait3A_65] : memref<10000x64xf32, #tpu.memory_space<vmem_shared>> -> memref<10000x64xf32, #tpu.memory_space<vmem_shared>>
    tpu.wait_indirect_dma semaphore(%arg26 : memref<!tpu.dma_semaphore, #tpu.memory_space<semaphore_mem>>) src(%arg13 : memref<80x64xf32, #tpu.memory_space<vmem>>) dst(%dma_wait3A_66 : memref<10000x64xf32, #tpu.memory_space<vmem_shared>>)
    %dma_wait3A_67 = arith.constant 124 : i32
    %dma_wait3A_68 = arith.constant 0 : i32
    %dma_wait3A_69 = tpu.memref_slice %arg8[%dma_wait3A_67, %dma_wait3A_68] : memref<125x80xi32, #tpu.memory_space<vmem>> -> memref<1x80xi32, #tpu.memory_space<vmem>>
    %dma_wait3A_70 = tpu.memref_squeeze %dma_wait3A_69 : memref<1x80xi32, #tpu.memory_space<vmem>> -> memref<80xi32, #tpu.memory_space<vmem>>
    %dma_wait3A_71 = arith.constant 0 : i32
    %dma_wait3A_72 = arith.constant 0 : i32
    %dma_wait3A_73 = tpu.memref_slice %arg16[%dma_wait3A_71, %dma_wait3A_72] : memref<10000x64xf32, #tpu.memory_space<vmem_shared>> -> memref<10000x64xf32, #tpu.memory_space<vmem_shared>>
    tpu.wait_indirect_dma semaphore(%arg27 : memref<!tpu.dma_semaphore, #tpu.memory_space<semaphore_mem>>) src(%arg14 : memref<80x64xf32, #tpu.memory_space<vmem>>) dst(%dma_wait3A_73 : memref<10000x64xf32, #tpu.memory_space<vmem_shared>>)
    %barrier3A_74 = arith.constant 0 : index
    tpu.barrier barrier_id(%barrier3A_74)
    %scan3A_75 = arith.constant 0 : i32
    %scan3A_76 = arith.constant 8 : i32
    %scan3A_77 = arith.addi %scan3A_75, %scan3A_76 : i32
    %scan3A_78 = arith.constant 1 : i32
    scf.for %scan3A_157 = %scan3A_75 to %scan3A_77 step %scan3A_78  : i32 {
      %mul3A_158 = arith.constant 1 : i32
      %mul3A_159 = arith.muli %scan3A_157, %mul3A_158 : i32
      %add3A_160 = arith.constant 0 : i32
      %add3A_161 = arith.addi %add3A_160, %mul3A_159 : i32
      %mul3A_162 = arith.constant 16 : i32
      %mul3A_163 = arith.muli %add3A_161, %mul3A_162 : i32
      %add3A_164 = arith.addi %mul3A_163, %arg1 : i32
      %lt3A = arith.constant 125 : i32
      %lt3A_165 = arith.cmpi slt, %add3A_164, %lt3A : i32
      %convert_element_type3A = arith.extui %lt3A_165 : i1 to i32
      %cond3A = arith.constant 0 : i32
      %cond3A_166 = arith.cmpi ne, %convert_element_type3A, %cond3A : i32
      scf.if %cond3A_166 {
        %mul3A_167 = arith.constant 80 : i32
        %mul3A_168 = arith.muli %add3A_164, %mul3A_167 : i32
        %run_scoped3A = arith.constant 0 : i32
        "tpu.region"() ({
          %run_scoped3A_169 = tpu.sem_alloc : memref<!tpu.dma_semaphore, #tpu.memory_space<semaphore_mem>>
          %dma_start3A_170 = arith.constant 0 : i32
          %dma_start3A_171 = tpu.memref_slice %arg6[%arg0, %run_scoped3A, %mul3A_168, %dma_start3A_170] : memref<2x2x10000x128xf32, #tpu.memory_space<hbm>> -> memref<1x1x80x64xf32, #tpu.memory_space<hbm>>
          %dma_start3A_172 = tpu.memref_squeeze %dma_start3A_171 : memref<1x1x80x64xf32, #tpu.memory_space<hbm>> -> memref<80x64xf32, #tpu.memory_space<hbm>>
          %dma_start3A_173 = arith.constant 0 : i32
          %dma_start3A_174 = tpu.memref_slice %arg16[%mul3A_168, %dma_start3A_173] : memref<10000x64xf32, #tpu.memory_space<vmem_shared>> -> memref<80x64xf32, #tpu.memory_space<vmem_shared>>
          tpu.enqueue_dma source(%dma_start3A_174 : memref<80x64xf32, #tpu.memory_space<vmem_shared>>) target(%dma_start3A_172 : memref<80x64xf32, #tpu.memory_space<hbm>>) target_semaphore(%run_scoped3A_169 : memref<!tpu.dma_semaphore, #tpu.memory_space<semaphore_mem>>)
          %dma_wait3A_175 = arith.constant 0 : i32
          %dma_wait3A_176 = tpu.memref_slice %arg6[%arg0, %run_scoped3A, %mul3A_168, %dma_wait3A_175] : memref<2x2x10000x128xf32, #tpu.memory_space<hbm>> -> memref<1x1x80x64xf32, #tpu.memory_space<hbm>>
          %dma_wait3A_177 = tpu.memref_squeeze %dma_wait3A_176 : memref<1x1x80x64xf32, #tpu.memory_space<hbm>> -> memref<80x64xf32, #tpu.memory_space<hbm>>
          %dma_wait3A_178 = arith.constant 0 : i32
          %dma_wait3A_179 = tpu.memref_slice %arg16[%mul3A_168, %dma_wait3A_178] : memref<10000x64xf32, #tpu.memory_space<vmem_shared>> -> memref<80x64xf32, #tpu.memory_space<vmem_shared>>
          tpu.wait_dma2 semaphore(%run_scoped3A_169 : memref<!tpu.dma_semaphore, #tpu.memory_space<semaphore_mem>>) src(%dma_wait3A_179 : memref<80x64xf32, #tpu.memory_space<vmem_shared>>) dst(%dma_wait3A_177 : memref<80x64xf32, #tpu.memory_space<hbm>>)
          tpu.yield
        }) : () -> ()
      } else {
      }
    }
    %scan3A_79 = arith.constant 8 : i32
    %barrier3A_80 = arith.constant 0 : index
    tpu.barrier barrier_id(%barrier3A_80)
    %parallel_loop3A_81 = arith.constant 0 : i32
    %parallel_loop3A_82 = arith.constant 10000 : i32
    %parallel_loop3A_83 = arith.constant 16 : i32
    scf.for %parallel_loop3A_157 = %parallel_loop3A_81 to %parallel_loop3A_82 step %parallel_loop3A_83  : i32 {
      %parallel_loop3A_158 = arith.index_cast %parallel_loop3A_157 : i32 to index
      %parallel_loop3A_159 = tpu.vector_load %arg7[%parallel_loop3A_158] {strides = array<i32>} : memref<10000xi32, #tpu.memory_space<vmem>>, vector<16xi32>,
      %parallel_loop3A_160 = arith.constant 1 : i32
      %parallel_loop3A_161 = vector.broadcast %parallel_loop3A_160 : i32 to vector<16xi32>
      %parallel_loop3A_162 = arith.addi %parallel_loop3A_159, %parallel_loop3A_161 : vector<16xi32>
      %parallel_loop3A_163 = arith.index_cast %parallel_loop3A_157 : i32 to index
      %parallel_loop3A_164 = tpu.vector_load %arg7[%parallel_loop3A_163] {strides = array<i32>} : memref<10000xi32, #tpu.memory_space<vmem>>, vector<16xi32>,
      tpu.vector_store %arg7[%parallel_loop3A_163], %parallel_loop3A_162 {strides = array<i32>} : memref<10000xi32, #tpu.memory_space<vmem>>, vector<16xi32>,
    } {sc.loop_unroll_factor = 1 : i64, sc.parallel_access}
    %scan3A_84 = arith.constant 0 : i32
    %scan3A_85 = arith.constant 8 : i32
    %scan3A_86 = arith.addi %scan3A_84, %scan3A_85 : i32
    %scan3A_87 = arith.constant 1 : i32
    scf.for %scan3A_157 = %scan3A_84 to %scan3A_86 step %scan3A_87  : i32 {
      %mul3A_158 = arith.constant 1 : i32
      %mul3A_159 = arith.muli %scan3A_157, %mul3A_158 : i32
      %add3A_160 = arith.constant 0 : i32
      %add3A_161 = arith.addi %add3A_160, %mul3A_159 : i32
      %mul3A_162 = arith.constant 16 : i32
      %mul3A_163 = arith.muli %add3A_161, %mul3A_162 : i32
      %add3A_164 = arith.addi %mul3A_163, %arg1 : i32
      %lt3A = arith.constant 125 : i32
      %lt3A_165 = arith.cmpi slt, %add3A_164, %lt3A : i32
      %convert_element_type3A = arith.extui %lt3A_165 : i1 to i32
      %cond3A = arith.constant 0 : i32
      %cond3A_166 = arith.cmpi ne, %convert_element_type3A, %cond3A : i32
      scf.if %cond3A_166 {
        %mul3A_167 = arith.constant 80 : i32
        %mul3A_168 = arith.muli %add3A_164, %mul3A_167 : i32
        "tpu.region"() ({
          %run_scoped3A = tpu.sem_alloc : memref<!tpu.dma_semaphore, #tpu.memory_space<semaphore_mem>>
          %dma_start3A_169 = arith.constant 0 : i32
          %dma_start3A_170 = tpu.memref_slice %arg16[%mul3A_168, %dma_start3A_169] : memref<10000x64xf32, #tpu.memory_space<vmem_shared>> -> memref<80x64xf32, #tpu.memory_space<vmem_shared>>
          %dma_start3A_171 = arith.constant 0 : i32
          %dma_start3A_172 = tpu.memref_slice %arg16[%mul3A_168, %dma_start3A_171] : memref<10000x64xf32, #tpu.memory_space<vmem_shared>> -> memref<80x64xf32, #tpu.memory_space<vmem_shared>>
          tpu.enqueue_dma source(%arg15 : memref<80x64xf32, #tpu.memory_space<vmem>>) target(%dma_start3A_172 : memref<80x64xf32, #tpu.memory_space<vmem_shared>>) target_semaphore(%run_scoped3A : memref<!tpu.dma_semaphore, #tpu.memory_space<semaphore_mem>>)
          %dma_wait3A_173 = arith.constant 0 : i32
          %dma_wait3A_174 = tpu.memref_slice %arg16[%mul3A_168, %dma_wait3A_173] : memref<10000x64xf32, #tpu.memory_space<vmem_shared>> -> memref<80x64xf32, #tpu.memory_space<vmem_shared>>
          %dma_wait3A_175 = arith.constant 0 : i32
          %dma_wait3A_176 = tpu.memref_slice %arg16[%mul3A_168, %dma_wait3A_175] : memref<10000x64xf32, #tpu.memory_space<vmem_shared>> -> memref<80x64xf32, #tpu.memory_space<vmem_shared>>
          tpu.wait_dma2 semaphore(%run_scoped3A : memref<!tpu.dma_semaphore, #tpu.memory_space<semaphore_mem>>) src(%arg15 : memref<80x64xf32, #tpu.memory_space<vmem>>) dst(%dma_wait3A_176 : memref<80x64xf32, #tpu.memory_space<vmem_shared>>)
          tpu.yield
        }) : () -> ()
      } else {
      }
    }
    %scan3A_88 = arith.constant 8 : i32
    %barrier3A_89 = arith.constant 0 : index
    tpu.barrier barrier_id(%barrier3A_89)
    %dma_start3A_90 = arith.constant 0 : i32
    %dma_start3A_91 = tpu.memref_slice %arg7[%dma_start3A_90] : memref<10000xi32, #tpu.memory_space<vmem>> -> memref<80xi32, #tpu.memory_space<vmem>>
    %dma_start3A_92 = arith.constant 0 : i32
    %dma_start3A_93 = arith.constant 0 : i32
    %dma_start3A_94 = tpu.memref_slice %arg2[%dma_start3A_92, %dma_start3A_93] : memref<20000x64xf32, #tpu.memory_space<hbm>> -> memref<20000x64xf32, #tpu.memory_space<hbm>>
    tpu.enqueue_indirect_dma source(%dma_start3A_94 : memref<20000x64xf32, #tpu.memory_space<hbm>>) target(%arg10 : memref<80x64xf32, #tpu.memory_space<vmem>>) offsets(%dma_start3A_91 : memref<80xi32, #tpu.memory_space<vmem>>) semaphore(%arg18 : memref<!tpu.dma_semaphore, #tpu.memory_space<semaphore_mem>>)
    %dma_start3A_95 = arith.constant 80 : i32
    %dma_start3A_96 = tpu.memref_slice %arg7[%dma_start3A_95] : memref<10000xi32, #tpu.memory_space<vmem>> -> memref<80xi32, #tpu.memory_space<vmem>>
    %dma_start3A_97 = arith.constant 0 : i32
    %dma_start3A_98 = arith.constant 0 : i32
    %dma_start3A_99 = tpu.memref_slice %arg2[%dma_start3A_97, %dma_start3A_98] : memref<20000x64xf32, #tpu.memory_space<hbm>> -> memref<20000x64xf32, #tpu.memory_space<hbm>>
    tpu.enqueue_indirect_dma source(%dma_start3A_99 : memref<20000x64xf32, #tpu.memory_space<hbm>>) target(%arg11 : memref<80x64xf32, #tpu.memory_space<vmem>>) offsets(%dma_start3A_96 : memref<80xi32, #tpu.memory_space<vmem>>) semaphore(%arg19 : memref<!tpu.dma_semaphore, #tpu.memory_space<semaphore_mem>>)
    %dma_start3A_100 = arith.constant 160 : i32
    %dma_start3A_101 = tpu.memref_slice %arg7[%dma_start3A_100] : memref<10000xi32, #tpu.memory_space<vmem>> -> memref<80xi32, #tpu.memory_space<vmem>>
    %dma_start3A_102 = arith.constant 0 : i32
    %dma_start3A_103 = arith.constant 0 : i32
    %dma_start3A_104 = tpu.memref_slice %arg2[%dma_start3A_102, %dma_start3A_103] : memref<20000x64xf32, #tpu.memory_space<hbm>> -> memref<20000x64xf32, #tpu.memory_space<hbm>>
    tpu.enqueue_indirect_dma source(%dma_start3A_104 : memref<20000x64xf32, #tpu.memory_space<hbm>>) target(%arg12 : memref<80x64xf32, #tpu.memory_space<vmem>>) offsets(%dma_start3A_101 : memref<80xi32, #tpu.memory_space<vmem>>) semaphore(%arg20 : memref<!tpu.dma_semaphore, #tpu.memory_space<semaphore_mem>>)
    %dma_start3A_105 = arith.constant 240 : i32
    %dma_start3A_106 = tpu.memref_slice %arg7[%dma_start3A_105] : memref<10000xi32, #tpu.memory_space<vmem>> -> memref<80xi32, #tpu.memory_space<vmem>>
    %dma_start3A_107 = arith.constant 0 : i32
    %dma_start3A_108 = arith.constant 0 : i32
    %dma_start3A_109 = tpu.memref_slice %arg2[%dma_start3A_107, %dma_start3A_108] : memref<20000x64xf32, #tpu.memory_space<hbm>> -> memref<20000x64xf32, #tpu.memory_space<hbm>>
    tpu.enqueue_indirect_dma source(%dma_start3A_109 : memref<20000x64xf32, #tpu.memory_space<hbm>>) target(%arg13 : memref<80x64xf32, #tpu.memory_space<vmem>>) offsets(%dma_start3A_106 : memref<80xi32, #tpu.memory_space<vmem>>) semaphore(%arg21 : memref<!tpu.dma_semaphore, #tpu.memory_space<semaphore_mem>>)
    %scan3A_110 = arith.constant 0 : i32
    %scan3A_111 = arith.constant 25 : i32
    %scan3A_112 = arith.addi %scan3A_110, %scan3A_111 : i32
    %scan3A_113 = arith.constant 1 : i32
    scf.for %scan3A_157 = %scan3A_110 to %scan3A_112 step %scan3A_113  : i32 {
      %mul3A_158 = arith.constant 1 : i32
      %mul3A_159 = arith.muli %scan3A_157, %mul3A_158 : i32
      %add3A_160 = arith.constant 0 : i32
      %add3A_161 = arith.addi %add3A_160, %mul3A_159 : i32
      %mul3A_162 = arith.constant 5 : i32
      %mul3A_163 = arith.muli %add3A_161, %mul3A_162 : i32
      %add3A_164 = arith.constant 0 : i32
      %add3A_165 = arith.addi %mul3A_163, %add3A_164 : i32
      %mul3A_166 = arith.constant 80 : i32
      %mul3A_167 = arith.muli %add3A_165, %mul3A_166 : i32
      %dma_wait3A_168 = tpu.memref_slice %arg7[%mul3A_167] : memref<10000xi32, #tpu.memory_space<vmem>> -> memref<80xi32, #tpu.memory_space<vmem>>
      %dma_wait3A_169 = arith.constant 0 : i32
      %dma_wait3A_170 = arith.constant 0 : i32
      %dma_wait3A_171 = tpu.memref_slice %arg2[%dma_wait3A_169, %dma_wait3A_170] : memref<20000x64xf32, #tpu.memory_space<hbm>> -> memref<20000x64xf32, #tpu.memory_space<hbm>>
      tpu.wait_indirect_dma semaphore(%arg18 : memref<!tpu.dma_semaphore, #tpu.memory_space<semaphore_mem>>) src(%dma_wait3A_171 : memref<20000x64xf32, #tpu.memory_space<hbm>>) dst(%arg10 : memref<80x64xf32, #tpu.memory_space<vmem>>)
      %parallel_loop3A_172 = arith.constant 0 : i32
      %parallel_loop3A_173 = arith.constant 80 : i32
      %parallel_loop3A_174 = arith.constant 1 : i32
      scf.for %parallel_loop3A_298 = %parallel_loop3A_172 to %parallel_loop3A_173 step %parallel_loop3A_174  : i32 {
        %parallel_loop3A_299 = arith.constant 80 : i32
        %parallel_loop3A_300 = arith.muli %add3A_165, %parallel_loop3A_299 : i32
        %parallel_loop3A_301 = arith.addi %parallel_loop3A_300, %parallel_loop3A_298 : i32
        %parallel_loop3A_302 = vector.broadcast %parallel_loop3A_301 : i32 to vector<16xi32>
        %parallel_loop3A_303 = tpu.vector_load_idx %arg9[%parallel_loop3A_302] : memref<10000xf32, #tpu.memory_space<vmem>>[vector<16xi32>], vector<16xf32>,
        %parallel_loop3A_304 = arith.index_cast %parallel_loop3A_298 : i32 to index
        %parallel_loop3A_305 = arith.constant 0 : index
        %parallel_loop3A_306 = tpu.vector_load %arg10[%parallel_loop3A_304, %parallel_loop3A_305] {strides = array<i32>} : memref<80x64xf32, #tpu.memory_space<vmem>>, vector<16xf32>,
        %parallel_loop3A_307 = arith.mulf %parallel_loop3A_306, %parallel_loop3A_303 : vector<16xf32>
        %parallel_loop3A_308 = arith.index_cast %parallel_loop3A_298 : i32 to index
        %parallel_loop3A_309 = arith.constant 0 : index
        %parallel_loop3A_310 = tpu.vector_load %arg10[%parallel_loop3A_308, %parallel_loop3A_309] {strides = array<i32>} : memref<80x64xf32, #tpu.memory_space<vmem>>, vector<16xf32>,
        tpu.vector_store %arg10[%parallel_loop3A_308, %parallel_loop3A_309], %parallel_loop3A_307 {strides = array<i32>} : memref<80x64xf32, #tpu.memory_space<vmem>>, vector<16xf32>,
        %parallel_loop3A_311 = arith.index_cast %parallel_loop3A_298 : i32 to index
        %parallel_loop3A_312 = arith.constant 16 : index
        %parallel_loop3A_313 = tpu.vector_load %arg10[%parallel_loop3A_311, %parallel_loop3A_312] {strides = array<i32>} : memref<80x64xf32, #tpu.memory_space<vmem>>, vector<16xf32>,
        %parallel_loop3A_314 = arith.mulf %parallel_loop3A_313, %parallel_loop3A_303 : vector<16xf32>
        %parallel_loop3A_315 = arith.index_cast %parallel_loop3A_298 : i32 to index
        %parallel_loop3A_316 = arith.constant 16 : index
        %parallel_loop3A_317 = tpu.vector_load %arg10[%parallel_loop3A_315, %parallel_loop3A_316] {strides = array<i32>} : memref<80x64xf32, #tpu.memory_space<vmem>>, vector<16xf32>,
        tpu.vector_store %arg10[%parallel_loop3A_315, %parallel_loop3A_316], %parallel_loop3A_314 {strides = array<i32>} : memref<80x64xf32, #tpu.memory_space<vmem>>, vector<16xf32>,
        %parallel_loop3A_318 = arith.index_cast %parallel_loop3A_298 : i32 to index
        %parallel_loop3A_319 = arith.constant 32 : index
        %parallel_loop3A_320 = tpu.vector_load %arg10[%parallel_loop3A_318, %parallel_loop3A_319] {strides = array<i32>} : memref<80x64xf32, #tpu.memory_space<vmem>>, vector<16xf32>,
        %parallel_loop3A_321 = arith.mulf %parallel_loop3A_320, %parallel_loop3A_303 : vector<16xf32>
        %parallel_loop3A_322 = arith.index_cast %parallel_loop3A_298 : i32 to index
        %parallel_loop3A_323 = arith.constant 32 : index
        %parallel_loop3A_324 = tpu.vector_load %arg10[%parallel_loop3A_322, %parallel_loop3A_323] {strides = array<i32>} : memref<80x64xf32, #tpu.memory_space<vmem>>, vector<16xf32>,
        tpu.vector_store %arg10[%parallel_loop3A_322, %parallel_loop3A_323], %parallel_loop3A_321 {strides = array<i32>} : memref<80x64xf32, #tpu.memory_space<vmem>>, vector<16xf32>,
        %parallel_loop3A_325 = arith.index_cast %parallel_loop3A_298 : i32 to index
        %parallel_loop3A_326 = arith.constant 48 : index
        %parallel_loop3A_327 = tpu.vector_load %arg10[%parallel_loop3A_325, %parallel_loop3A_326] {strides = array<i32>} : memref<80x64xf32, #tpu.memory_space<vmem>>, vector<16xf32>,
        %parallel_loop3A_328 = arith.mulf %parallel_loop3A_327, %parallel_loop3A_303 : vector<16xf32>
        %parallel_loop3A_329 = arith.index_cast %parallel_loop3A_298 : i32 to index
        %parallel_loop3A_330 = arith.constant 48 : index
        %parallel_loop3A_331 = tpu.vector_load %arg10[%parallel_loop3A_329, %parallel_loop3A_330] {strides = array<i32>} : memref<80x64xf32, #tpu.memory_space<vmem>>, vector<16xf32>,
        tpu.vector_store %arg10[%parallel_loop3A_329, %parallel_loop3A_330], %parallel_loop3A_328 {strides = array<i32>} : memref<80x64xf32, #tpu.memory_space<vmem>>, vector<16xf32>,
      } {sc.loop_unroll_factor = 4 : i64, sc.parallel_access}
      %dma_start3A_175 = arith.constant 0 : i32
      %dma_start3A_176 = tpu.memref_slice %arg8[%add3A_165, %dma_start3A_175] : memref<125x80xi32, #tpu.memory_space<vmem>> -> memref<1x80xi32, #tpu.memory_space<vmem>>
      %dma_start3A_177 = tpu.memref_squeeze %dma_start3A_176 : memref<1x80xi32, #tpu.memory_space<vmem>> -> memref<80xi32, #tpu.memory_space<vmem>>
      %dma_start3A_178 = arith.constant 0 : i32
      %dma_start3A_179 = arith.constant 0 : i32
      %dma_start3A_180 = tpu.memref_slice %arg16[%dma_start3A_178, %dma_start3A_179] : memref<10000x64xf32, #tpu.memory_space<vmem_shared>> -> memref<10000x64xf32, #tpu.memory_space<vmem_shared>>
      tpu.enqueue_indirect_dma source(%arg10 : memref<80x64xf32, #tpu.memory_space<vmem>>) target(%dma_start3A_180 : memref<10000x64xf32, #tpu.memory_space<vmem_shared>>) offsets(%dma_start3A_177 : memref<80xi32, #tpu.memory_space<vmem>>) semaphore(%arg23 : memref<!tpu.dma_semaphore, #tpu.memory_space<semaphore_mem>>) {add = true}
      %add3A_181 = arith.constant 5 : i32
      %add3A_182 = arith.addi %add3A_165, %add3A_181 : i32
      %sub3A = arith.constant 1 : i32
      %sub3A_183 = arith.subi %add3A_182, %sub3A : i32
      %lt3A = arith.constant 125 : i32
      %lt3A_184 = arith.cmpi slt, %sub3A_183, %lt3A : i32
      %convert_element_type3A = arith.extui %lt3A_184 : i1 to i32
      %cond3A = arith.constant 0 : i32
      %cond3A_185 = arith.cmpi ne, %convert_element_type3A, %cond3A : i32
      scf.if %cond3A_185 {
        %ge3A = arith.constant 1 : i32
        %ge3A_298 = arith.cmpi sge, %add3A_165, %ge3A : i32
        %convert_element_type3A_299 = arith.extui %ge3A_298 : i1 to i32
        %cond3A_300 = arith.constant 0 : i32
        %cond3A_301 = arith.cmpi ne, %convert_element_type3A_299, %cond3A_300 : i32
        scf.if %cond3A_301 {
          %sub3A_312 = arith.constant 1 : i32
          %sub3A_313 = arith.subi %add3A_165, %sub3A_312 : i32
          %dma_wait3A_314 = arith.constant 0 : i32
          %dma_wait3A_315 = tpu.memref_slice %arg8[%sub3A_313, %dma_wait3A_314] : memref<125x80xi32, #tpu.memory_space<vmem>> -> memref<1x80xi32, #tpu.memory_space<vmem>>
          %dma_wait3A_316 = tpu.memref_squeeze %dma_wait3A_315 : memref<1x80xi32, #tpu.memory_space<vmem>> -> memref<80xi32, #tpu.memory_space<vmem>>
          %dma_wait3A_317 = arith.constant 0 : i32
          %dma_wait3A_318 = arith.constant 0 : i32
          %dma_wait3A_319 = tpu.memref_slice %arg16[%dma_wait3A_317, %dma_wait3A_318] : memref<10000x64xf32, #tpu.memory_space<vmem_shared>> -> memref<10000x64xf32, #tpu.memory_space<vmem_shared>>
          tpu.wait_indirect_dma semaphore(%arg27 : memref<!tpu.dma_semaphore, #tpu.memory_space<semaphore_mem>>) src(%arg14 : memref<80x64xf32, #tpu.memory_space<vmem>>) dst(%dma_wait3A_319 : memref<10000x64xf32, #tpu.memory_space<vmem_shared>>)
        } else {
        }
        %add3A_302 = arith.constant 5 : i32
        %add3A_303 = arith.addi %add3A_165, %add3A_302 : i32
        %sub3A_304 = arith.constant 1 : i32
        %sub3A_305 = arith.subi %add3A_303, %sub3A_304 : i32
        %mul3A_306 = arith.constant 80 : i32
        %mul3A_307 = arith.muli %sub3A_305, %mul3A_306 : i32
        %dma_start3A_308 = tpu.memref_slice %arg7[%mul3A_307] : memref<10000xi32, #tpu.memory_space<vmem>> -> memref<80xi32, #tpu.memory_space<vmem>>
        %dma_start3A_309 = arith.constant 0 : i32
        %dma_start3A_310 = arith.constant 0 : i32
        %dma_start3A_311 = tpu.memref_slice %arg2[%dma_start3A_309, %dma_start3A_310] : memref<20000x64xf32, #tpu.memory_space<hbm>> -> memref<20000x64xf32, #tpu.memory_space<hbm>>
        tpu.enqueue_indirect_dma source(%dma_start3A_311 : memref<20000x64xf32, #tpu.memory_space<hbm>>) target(%arg14 : memref<80x64xf32, #tpu.memory_space<vmem>>) offsets(%dma_start3A_308 : memref<80xi32, #tpu.memory_space<vmem>>) semaphore(%arg22 : memref<!tpu.dma_semaphore, #tpu.memory_space<semaphore_mem>>)
      } else {
      }
      %mul3A_186 = arith.constant 5 : i32
      %mul3A_187 = arith.muli %add3A_161, %mul3A_186 : i32
      %add3A_188 = arith.constant 1 : i32
      %add3A_189 = arith.addi %mul3A_187, %add3A_188 : i32
      %mul3A_190 = arith.constant 80 : i32
      %mul3A_191 = arith.muli %add3A_189, %mul3A_190 : i32
      %dma_wait3A_192 = tpu.memref_slice %arg7[%mul3A_191] : memref<10000xi32, #tpu.memory_space<vmem>> -> memref<80xi32, #tpu.memory_space<vmem>>
      %dma_wait3A_193 = arith.constant 0 : i32
      %dma_wait3A_194 = arith.constant 0 : i32
      %dma_wait3A_195 = tpu.memref_slice %arg2[%dma_wait3A_193, %dma_wait3A_194] : memref<20000x64xf32, #tpu.memory_space<hbm>> -> memref<20000x64xf32, #tpu.memory_space<hbm>>
      tpu.wait_indirect_dma semaphore(%arg19 : memref<!tpu.dma_semaphore, #tpu.memory_space<semaphore_mem>>) src(%dma_wait3A_195 : memref<20000x64xf32, #tpu.memory_space<hbm>>) dst(%arg11 : memref<80x64xf32, #tpu.memory_space<vmem>>)
      %parallel_loop3A_196 = arith.constant 0 : i32
      %parallel_loop3A_197 = arith.constant 80 : i32
      %parallel_loop3A_198 = arith.constant 1 : i32
      scf.for %parallel_loop3A_298 = %parallel_loop3A_196 to %parallel_loop3A_197 step %parallel_loop3A_198  : i32 {
        %parallel_loop3A_299 = arith.constant 80 : i32
        %parallel_loop3A_300 = arith.muli %add3A_189, %parallel_loop3A_299 : i32
        %parallel_loop3A_301 = arith.addi %parallel_loop3A_300, %parallel_loop3A_298 : i32
        %parallel_loop3A_302 = vector.broadcast %parallel_loop3A_301 : i32 to vector<16xi32>
        %parallel_loop3A_303 = tpu.vector_load_idx %arg9[%parallel_loop3A_302] : memref<10000xf32, #tpu.memory_space<vmem>>[vector<16xi32>], vector<16xf32>,
        %parallel_loop3A_304 = arith.index_cast %parallel_loop3A_298 : i32 to index
        %parallel_loop3A_305 = arith.constant 0 : index
        %parallel_loop3A_306 = tpu.vector_load %arg11[%parallel_loop3A_304, %parallel_loop3A_305] {strides = array<i32>} : memref<80x64xf32, #tpu.memory_space<vmem>>, vector<16xf32>,
        %parallel_loop3A_307 = arith.mulf %parallel_loop3A_306, %parallel_loop3A_303 : vector<16xf32>
        %parallel_loop3A_308 = arith.index_cast %parallel_loop3A_298 : i32 to index
        %parallel_loop3A_309 = arith.constant 0 : index
        %parallel_loop3A_310 = tpu.vector_load %arg11[%parallel_loop3A_308, %parallel_loop3A_309] {strides = array<i32>} : memref<80x64xf32, #tpu.memory_space<vmem>>, vector<16xf32>,
        tpu.vector_store %arg11[%parallel_loop3A_308, %parallel_loop3A_309], %parallel_loop3A_307 {strides = array<i32>} : memref<80x64xf32, #tpu.memory_space<vmem>>, vector<16xf32>,
        %parallel_loop3A_311 = arith.index_cast %parallel_loop3A_298 : i32 to index
        %parallel_loop3A_312 = arith.constant 16 : index
        %parallel_loop3A_313 = tpu.vector_load %arg11[%parallel_loop3A_311, %parallel_loop3A_312] {strides = array<i32>} : memref<80x64xf32, #tpu.memory_space<vmem>>, vector<16xf32>,
        %parallel_loop3A_314 = arith.mulf %parallel_loop3A_313, %parallel_loop3A_303 : vector<16xf32>
        %parallel_loop3A_315 = arith.index_cast %parallel_loop3A_298 : i32 to index
        %parallel_loop3A_316 = arith.constant 16 : index
        %parallel_loop3A_317 = tpu.vector_load %arg11[%parallel_loop3A_315, %parallel_loop3A_316] {strides = array<i32>} : memref<80x64xf32, #tpu.memory_space<vmem>>, vector<16xf32>,
        tpu.vector_store %arg11[%parallel_loop3A_315, %parallel_loop3A_316], %parallel_loop3A_314 {strides = array<i32>} : memref<80x64xf32, #tpu.memory_space<vmem>>, vector<16xf32>,
        %parallel_loop3A_318 = arith.index_cast %parallel_loop3A_298 : i32 to index
        %parallel_loop3A_319 = arith.constant 32 : index
        %parallel_loop3A_320 = tpu.vector_load %arg11[%parallel_loop3A_318, %parallel_loop3A_319] {strides = array<i32>} : memref<80x64xf32, #tpu.memory_space<vmem>>, vector<16xf32>,
        %parallel_loop3A_321 = arith.mulf %parallel_loop3A_320, %parallel_loop3A_303 : vector<16xf32>
        %parallel_loop3A_322 = arith.index_cast %parallel_loop3A_298 : i32 to index
        %parallel_loop3A_323 = arith.constant 32 : index
        %parallel_loop3A_324 = tpu.vector_load %arg11[%parallel_loop3A_322, %parallel_loop3A_323] {strides = array<i32>} : memref<80x64xf32, #tpu.memory_space<vmem>>, vector<16xf32>,
        tpu.vector_store %arg11[%parallel_loop3A_322, %parallel_loop3A_323], %parallel_loop3A_321 {strides = array<i32>} : memref<80x64xf32, #tpu.memory_space<vmem>>, vector<16xf32>,
        %parallel_loop3A_325 = arith.index_cast %parallel_loop3A_298 : i32 to index
        %parallel_loop3A_326 = arith.constant 48 : index
        %parallel_loop3A_327 = tpu.vector_load %arg11[%parallel_loop3A_325, %parallel_loop3A_326] {strides = array<i32>} : memref<80x64xf32, #tpu.memory_space<vmem>>, vector<16xf32>,
        %parallel_loop3A_328 = arith.mulf %parallel_loop3A_327, %parallel_loop3A_303 : vector<16xf32>
        %parallel_loop3A_329 = arith.index_cast %parallel_loop3A_298 : i32 to index
        %parallel_loop3A_330 = arith.constant 48 : index
        %parallel_loop3A_331 = tpu.vector_load %arg11[%parallel_loop3A_329, %parallel_loop3A_330] {strides = array<i32>} : memref<80x64xf32, #tpu.memory_space<vmem>>, vector<16xf32>,
        tpu.vector_store %arg11[%parallel_loop3A_329, %parallel_loop3A_330], %parallel_loop3A_328 {strides = array<i32>} : memref<80x64xf32, #tpu.memory_space<vmem>>, vector<16xf32>,
      } {sc.loop_unroll_factor = 4 : i64, sc.parallel_access}
      %dma_start3A_199 = arith.constant 0 : i32
      %dma_start3A_200 = tpu.memref_slice %arg8[%add3A_189, %dma_start3A_199] : memref<125x80xi32, #tpu.memory_space<vmem>> -> memref<1x80xi32, #tpu.memory_space<vmem>>
      %dma_start3A_201 = tpu.memref_squeeze %dma_start3A_200 : memref<1x80xi32, #tpu.memory_space<vmem>> -> memref<80xi32, #tpu.memory_space<vmem>>
      %dma_start3A_202 = arith.constant 0 : i32
      %dma_start3A_203 = arith.constant 0 : i32
      %dma_start3A_204 = tpu.memref_slice %arg16[%dma_start3A_202, %dma_start3A_203] : memref<10000x64xf32, #tpu.memory_space<vmem_shared>> -> memref<10000x64xf32, #tpu.memory_space<vmem_shared>>
      tpu.enqueue_indirect_dma source(%arg11 : memref<80x64xf32, #tpu.memory_space<vmem>>) target(%dma_start3A_204 : memref<10000x64xf32, #tpu.memory_space<vmem_shared>>) offsets(%dma_start3A_201 : memref<80xi32, #tpu.memory_space<vmem>>) semaphore(%arg24 : memref<!tpu.dma_semaphore, #tpu.memory_space<semaphore_mem>>) {add = true}
      %add3A_205 = arith.constant 5 : i32
      %add3A_206 = arith.addi %add3A_189, %add3A_205 : i32
      %sub3A_207 = arith.constant 1 : i32
      %sub3A_208 = arith.subi %add3A_206, %sub3A_207 : i32
      %lt3A_209 = arith.constant 125 : i32
      %lt3A_210 = arith.cmpi slt, %sub3A_208, %lt3A_209 : i32
      %convert_element_type3A_211 = arith.extui %lt3A_210 : i1 to i32
      %cond3A_212 = arith.constant 0 : i32
      %cond3A_213 = arith.cmpi ne, %convert_element_type3A_211, %cond3A_212 : i32
      scf.if %cond3A_213 {
        %ge3A = arith.constant 1 : i32
        %ge3A_298 = arith.cmpi sge, %add3A_189, %ge3A : i32
        %convert_element_type3A_299 = arith.extui %ge3A_298 : i1 to i32
        %cond3A_300 = arith.constant 0 : i32
        %cond3A_301 = arith.cmpi ne, %convert_element_type3A_299, %cond3A_300 : i32
        scf.if %cond3A_301 {
          %sub3A_312 = arith.constant 1 : i32
          %sub3A_313 = arith.subi %add3A_189, %sub3A_312 : i32
          %dma_wait3A_314 = arith.constant 0 : i32
          %dma_wait3A_315 = tpu.memref_slice %arg8[%sub3A_313, %dma_wait3A_314] : memref<125x80xi32, #tpu.memory_space<vmem>> -> memref<1x80xi32, #tpu.memory_space<vmem>>
          %dma_wait3A_316 = tpu.memref_squeeze %dma_wait3A_315 : memref<1x80xi32, #tpu.memory_space<vmem>> -> memref<80xi32, #tpu.memory_space<vmem>>
          %dma_wait3A_317 = arith.constant 0 : i32
          %dma_wait3A_318 = arith.constant 0 : i32
          %dma_wait3A_319 = tpu.memref_slice %arg16[%dma_wait3A_317, %dma_wait3A_318] : memref<10000x64xf32, #tpu.memory_space<vmem_shared>> -> memref<10000x64xf32, #tpu.memory_space<vmem_shared>>
          tpu.wait_indirect_dma semaphore(%arg23 : memref<!tpu.dma_semaphore, #tpu.memory_space<semaphore_mem>>) src(%arg10 : memref<80x64xf32, #tpu.memory_space<vmem>>) dst(%dma_wait3A_319 : memref<10000x64xf32, #tpu.memory_space<vmem_shared>>)
        } else {
        }
        %add3A_302 = arith.constant 5 : i32
        %add3A_303 = arith.addi %add3A_189, %add3A_302 : i32
        %sub3A_304 = arith.constant 1 : i32
        %sub3A_305 = arith.subi %add3A_303, %sub3A_304 : i32
        %mul3A_306 = arith.constant 80 : i32
        %mul3A_307 = arith.muli %sub3A_305, %mul3A_306 : i32
        %dma_start3A_308 = tpu.memref_slice %arg7[%mul3A_307] : memref<10000xi32, #tpu.memory_space<vmem>> -> memref<80xi32, #tpu.memory_space<vmem>>
        %dma_start3A_309 = arith.constant 0 : i32
        %dma_start3A_310 = arith.constant 0 : i32
        %dma_start3A_311 = tpu.memref_slice %arg2[%dma_start3A_309, %dma_start3A_310] : memref<20000x64xf32, #tpu.memory_space<hbm>> -> memref<20000x64xf32, #tpu.memory_space<hbm>>
        tpu.enqueue_indirect_dma source(%dma_start3A_311 : memref<20000x64xf32, #tpu.memory_space<hbm>>) target(%arg10 : memref<80x64xf32, #tpu.memory_space<vmem>>) offsets(%dma_start3A_308 : memref<80xi32, #tpu.memory_space<vmem>>) semaphore(%arg18 : memref<!tpu.dma_semaphore, #tpu.memory_space<semaphore_mem>>)
      } else {
      }
      %mul3A_214 = arith.constant 5 : i32
      %mul3A_215 = arith.muli %add3A_161, %mul3A_214 : i32
      %add3A_216 = arith.constant 2 : i32
      %add3A_217 = arith.addi %mul3A_215, %add3A_216 : i32
      %mul3A_218 = arith.constant 80 : i32
      %mul3A_219 = arith.muli %add3A_217, %mul3A_218 : i32
      %dma_wait3A_220 = tpu.memref_slice %arg7[%mul3A_219] : memref<10000xi32, #tpu.memory_space<vmem>> -> memref<80xi32, #tpu.memory_space<vmem>>
      %dma_wait3A_221 = arith.constant 0 : i32
      %dma_wait3A_222 = arith.constant 0 : i32
      %dma_wait3A_223 = tpu.memref_slice %arg2[%dma_wait3A_221, %dma_wait3A_222] : memref<20000x64xf32, #tpu.memory_space<hbm>> -> memref<20000x64xf32, #tpu.memory_space<hbm>>
      tpu.wait_indirect_dma semaphore(%arg20 : memref<!tpu.dma_semaphore, #tpu.memory_space<semaphore_mem>>) src(%dma_wait3A_223 : memref<20000x64xf32, #tpu.memory_space<hbm>>) dst(%arg12 : memref<80x64xf32, #tpu.memory_space<vmem>>)
      %parallel_loop3A_224 = arith.constant 0 : i32
      %parallel_loop3A_225 = arith.constant 80 : i32
      %parallel_loop3A_226 = arith.constant 1 : i32
      scf.for %parallel_loop3A_298 = %parallel_loop3A_224 to %parallel_loop3A_225 step %parallel_loop3A_226  : i32 {
        %parallel_loop3A_299 = arith.constant 80 : i32
        %parallel_loop3A_300 = arith.muli %add3A_217, %parallel_loop3A_299 : i32
        %parallel_loop3A_301 = arith.addi %parallel_loop3A_300, %parallel_loop3A_298 : i32
        %parallel_loop3A_302 = vector.broadcast %parallel_loop3A_301 : i32 to vector<16xi32>
        %parallel_loop3A_303 = tpu.vector_load_idx %arg9[%parallel_loop3A_302] : memref<10000xf32, #tpu.memory_space<vmem>>[vector<16xi32>], vector<16xf32>,
        %parallel_loop3A_304 = arith.index_cast %parallel_loop3A_298 : i32 to index
        %parallel_loop3A_305 = arith.constant 0 : index
        %parallel_loop3A_306 = tpu.vector_load %arg12[%parallel_loop3A_304, %parallel_loop3A_305] {strides = array<i32>} : memref<80x64xf32, #tpu.memory_space<vmem>>, vector<16xf32>,
        %parallel_loop3A_307 = arith.mulf %parallel_loop3A_306, %parallel_loop3A_303 : vector<16xf32>
        %parallel_loop3A_308 = arith.index_cast %parallel_loop3A_298 : i32 to index
        %parallel_loop3A_309 = arith.constant 0 : index
        %parallel_loop3A_310 = tpu.vector_load %arg12[%parallel_loop3A_308, %parallel_loop3A_309] {strides = array<i32>} : memref<80x64xf32, #tpu.memory_space<vmem>>, vector<16xf32>,
        tpu.vector_store %arg12[%parallel_loop3A_308, %parallel_loop3A_309], %parallel_loop3A_307 {strides = array<i32>} : memref<80x64xf32, #tpu.memory_space<vmem>>, vector<16xf32>,
        %parallel_loop3A_311 = arith.index_cast %parallel_loop3A_298 : i32 to index
        %parallel_loop3A_312 = arith.constant 16 : index
        %parallel_loop3A_313 = tpu.vector_load %arg12[%parallel_loop3A_311, %parallel_loop3A_312] {strides = array<i32>} : memref<80x64xf32, #tpu.memory_space<vmem>>, vector<16xf32>,
        %parallel_loop3A_314 = arith.mulf %parallel_loop3A_313, %parallel_loop3A_303 : vector<16xf32>
        %parallel_loop3A_315 = arith.index_cast %parallel_loop3A_298 : i32 to index
        %parallel_loop3A_316 = arith.constant 16 : index
        %parallel_loop3A_317 = tpu.vector_load %arg12[%parallel_loop3A_315, %parallel_loop3A_316] {strides = array<i32>} : memref<80x64xf32, #tpu.memory_space<vmem>>, vector<16xf32>,
        tpu.vector_store %arg12[%parallel_loop3A_315, %parallel_loop3A_316], %parallel_loop3A_314 {strides = array<i32>} : memref<80x64xf32, #tpu.memory_space<vmem>>, vector<16xf32>,
        %parallel_loop3A_318 = arith.index_cast %parallel_loop3A_298 : i32 to index
        %parallel_loop3A_319 = arith.constant 32 : index
        %parallel_loop3A_320 = tpu.vector_load %arg12[%parallel_loop3A_318, %parallel_loop3A_319] {strides = array<i32>} : memref<80x64xf32, #tpu.memory_space<vmem>>, vector<16xf32>,
        %parallel_loop3A_321 = arith.mulf %parallel_loop3A_320, %parallel_loop3A_303 : vector<16xf32>
        %parallel_loop3A_322 = arith.index_cast %parallel_loop3A_298 : i32 to index
        %parallel_loop3A_323 = arith.constant 32 : index
        %parallel_loop3A_324 = tpu.vector_load %arg12[%parallel_loop3A_322, %parallel_loop3A_323] {strides = array<i32>} : memref<80x64xf32, #tpu.memory_space<vmem>>, vector<16xf32>,
        tpu.vector_store %arg12[%parallel_loop3A_322, %parallel_loop3A_323], %parallel_loop3A_321 {strides = array<i32>} : memref<80x64xf32, #tpu.memory_space<vmem>>, vector<16xf32>,
        %parallel_loop3A_325 = arith.index_cast %parallel_loop3A_298 : i32 to index
        %parallel_loop3A_326 = arith.constant 48 : index
        %parallel_loop3A_327 = tpu.vector_load %arg12[%parallel_loop3A_325, %parallel_loop3A_326] {strides = array<i32>} : memref<80x64xf32, #tpu.memory_space<vmem>>, vector<16xf32>,
        %parallel_loop3A_328 = arith.mulf %parallel_loop3A_327, %parallel_loop3A_303 : vector<16xf32>
        %parallel_loop3A_329 = arith.index_cast %parallel_loop3A_298 : i32 to index
        %parallel_loop3A_330 = arith.constant 48 : index
        %parallel_loop3A_331 = tpu.vector_load %arg12[%parallel_loop3A_329, %parallel_loop3A_330] {strides = array<i32>} : memref<80x64xf32, #tpu.memory_space<vmem>>, vector<16xf32>,
        tpu.vector_store %arg12[%parallel_loop3A_329, %parallel_loop3A_330], %parallel_loop3A_328 {strides = array<i32>} : memref<80x64xf32, #tpu.memory_space<vmem>>, vector<16xf32>,
      } {sc.loop_unroll_factor = 4 : i64, sc.parallel_access}
      %dma_start3A_227 = arith.constant 0 : i32
      %dma_start3A_228 = tpu.memref_slice %arg8[%add3A_217, %dma_start3A_227] : memref<125x80xi32, #tpu.memory_space<vmem>> -> memref<1x80xi32, #tpu.memory_space<vmem>>
      %dma_start3A_229 = tpu.memref_squeeze %dma_start3A_228 : memref<1x80xi32, #tpu.memory_space<vmem>> -> memref<80xi32, #tpu.memory_space<vmem>>
      %dma_start3A_230 = arith.constant 0 : i32
      %dma_start3A_231 = arith.constant 0 : i32
      %dma_start3A_232 = tpu.memref_slice %arg16[%dma_start3A_230, %dma_start3A_231] : memref<10000x64xf32, #tpu.memory_space<vmem_shared>> -> memref<10000x64xf32, #tpu.memory_space<vmem_shared>>
      tpu.enqueue_indirect_dma source(%arg12 : memref<80x64xf32, #tpu.memory_space<vmem>>) target(%dma_start3A_232 : memref<10000x64xf32, #tpu.memory_space<vmem_shared>>) offsets(%dma_start3A_229 : memref<80xi32, #tpu.memory_space<vmem>>) semaphore(%arg25 : memref<!tpu.dma_semaphore, #tpu.memory_space<semaphore_mem>>) {add = true}
      %add3A_233 = arith.constant 5 : i32
      %add3A_234 = arith.addi %add3A_217, %add3A_233 : i32
      %sub3A_235 = arith.constant 1 : i32
      %sub3A_236 = arith.subi %add3A_234, %sub3A_235 : i32
      %lt3A_237 = arith.constant 125 : i32
      %lt3A_238 = arith.cmpi slt, %sub3A_236, %lt3A_237 : i32
      %convert_element_type3A_239 = arith.extui %lt3A_238 : i1 to i32
      %cond3A_240 = arith.constant 0 : i32
      %cond3A_241 = arith.cmpi ne, %convert_element_type3A_239, %cond3A_240 : i32
      scf.if %cond3A_241 {
        %ge3A = arith.constant 1 : i32
        %ge3A_298 = arith.cmpi sge, %add3A_217, %ge3A : i32
        %convert_element_type3A_299 = arith.extui %ge3A_298 : i1 to i32
        %cond3A_300 = arith.constant 0 : i32
        %cond3A_301 = arith.cmpi ne, %convert_element_type3A_299, %cond3A_300 : i32
        scf.if %cond3A_301 {
          %sub3A_312 = arith.constant 1 : i32
          %sub3A_313 = arith.subi %add3A_217, %sub3A_312 : i32
          %dma_wait3A_314 = arith.constant 0 : i32
          %dma_wait3A_315 = tpu.memref_slice %arg8[%sub3A_313, %dma_wait3A_314] : memref<125x80xi32, #tpu.memory_space<vmem>> -> memref<1x80xi32, #tpu.memory_space<vmem>>
          %dma_wait3A_316 = tpu.memref_squeeze %dma_wait3A_315 : memref<1x80xi32, #tpu.memory_space<vmem>> -> memref<80xi32, #tpu.memory_space<vmem>>
          %dma_wait3A_317 = arith.constant 0 : i32
          %dma_wait3A_318 = arith.constant 0 : i32
          %dma_wait3A_319 = tpu.memref_slice %arg16[%dma_wait3A_317, %dma_wait3A_318] : memref<10000x64xf32, #tpu.memory_space<vmem_shared>> -> memref<10000x64xf32, #tpu.memory_space<vmem_shared>>
          tpu.wait_indirect_dma semaphore(%arg24 : memref<!tpu.dma_semaphore, #tpu.memory_space<semaphore_mem>>) src(%arg11 : memref<80x64xf32, #tpu.memory_space<vmem>>) dst(%dma_wait3A_319 : memref<10000x64xf32, #tpu.memory_space<vmem_shared>>)
        } else {
        }
        %add3A_302 = arith.constant 5 : i32
        %add3A_303 = arith.addi %add3A_217, %add3A_302 : i32
        %sub3A_304 = arith.constant 1 : i32
        %sub3A_305 = arith.subi %add3A_303, %sub3A_304 : i32
        %mul3A_306 = arith.constant 80 : i32
        %mul3A_307 = arith.muli %sub3A_305, %mul3A_306 : i32
        %dma_start3A_308 = tpu.memref_slice %arg7[%mul3A_307] : memref<10000xi32, #tpu.memory_space<vmem>> -> memref<80xi32, #tpu.memory_space<vmem>>
        %dma_start3A_309 = arith.constant 0 : i32
        %dma_start3A_310 = arith.constant 0 : i32
        %dma_start3A_311 = tpu.memref_slice %arg2[%dma_start3A_309, %dma_start3A_310] : memref<20000x64xf32, #tpu.memory_space<hbm>> -> memref<20000x64xf32, #tpu.memory_space<hbm>>
        tpu.enqueue_indirect_dma source(%dma_start3A_311 : memref<20000x64xf32, #tpu.memory_space<hbm>>) target(%arg11 : memref<80x64xf32, #tpu.memory_space<vmem>>) offsets(%dma_start3A_308 : memref<80xi32, #tpu.memory_space<vmem>>) semaphore(%arg19 : memref<!tpu.dma_semaphore, #tpu.memory_space<semaphore_mem>>)
      } else {
      }
      %mul3A_242 = arith.constant 5 : i32
      %mul3A_243 = arith.muli %add3A_161, %mul3A_242 : i32
      %add3A_244 = arith.constant 3 : i32
      %add3A_245 = arith.addi %mul3A_243, %add3A_244 : i32
      %mul3A_246 = arith.constant 80 : i32
      %mul3A_247 = arith.muli %add3A_245, %mul3A_246 : i32
      %dma_wait3A_248 = tpu.memref_slice %arg7[%mul3A_247] : memref<10000xi32, #tpu.memory_space<vmem>> -> memref<80xi32, #tpu.memory_space<vmem>>
      %dma_wait3A_249 = arith.constant 0 : i32
      %dma_wait3A_250 = arith.constant 0 : i32
      %dma_wait3A_251 = tpu.memref_slice %arg2[%dma_wait3A_249, %dma_wait3A_250] : memref<20000x64xf32, #tpu.memory_space<hbm>> -> memref<20000x64xf32, #tpu.memory_space<hbm>>
      tpu.wait_indirect_dma semaphore(%arg21 : memref<!tpu.dma_semaphore, #tpu.memory_space<semaphore_mem>>) src(%dma_wait3A_251 : memref<20000x64xf32, #tpu.memory_space<hbm>>) dst(%arg13 : memref<80x64xf32, #tpu.memory_space<vmem>>)
      %parallel_loop3A_252 = arith.constant 0 : i32
      %parallel_loop3A_253 = arith.constant 80 : i32
      %parallel_loop3A_254 = arith.constant 1 : i32
      scf.for %parallel_loop3A_298 = %parallel_loop3A_252 to %parallel_loop3A_253 step %parallel_loop3A_254  : i32 {
        %parallel_loop3A_299 = arith.constant 80 : i32
        %parallel_loop3A_300 = arith.muli %add3A_245, %parallel_loop3A_299 : i32
        %parallel_loop3A_301 = arith.addi %parallel_loop3A_300, %parallel_loop3A_298 : i32
        %parallel_loop3A_302 = vector.broadcast %parallel_loop3A_301 : i32 to vector<16xi32>
        %parallel_loop3A_303 = tpu.vector_load_idx %arg9[%parallel_loop3A_302] : memref<10000xf32, #tpu.memory_space<vmem>>[vector<16xi32>], vector<16xf32>,
        %parallel_loop3A_304 = arith.index_cast %parallel_loop3A_298 : i32 to index
        %parallel_loop3A_305 = arith.constant 0 : index
        %parallel_loop3A_306 = tpu.vector_load %arg13[%parallel_loop3A_304, %parallel_loop3A_305] {strides = array<i32>} : memref<80x64xf32, #tpu.memory_space<vmem>>, vector<16xf32>,
        %parallel_loop3A_307 = arith.mulf %parallel_loop3A_306, %parallel_loop3A_303 : vector<16xf32>
        %parallel_loop3A_308 = arith.index_cast %parallel_loop3A_298 : i32 to index
        %parallel_loop3A_309 = arith.constant 0 : index
        %parallel_loop3A_310 = tpu.vector_load %arg13[%parallel_loop3A_308, %parallel_loop3A_309] {strides = array<i32>} : memref<80x64xf32, #tpu.memory_space<vmem>>, vector<16xf32>,
        tpu.vector_store %arg13[%parallel_loop3A_308, %parallel_loop3A_309], %parallel_loop3A_307 {strides = array<i32>} : memref<80x64xf32, #tpu.memory_space<vmem>>, vector<16xf32>,
        %parallel_loop3A_311 = arith.index_cast %parallel_loop3A_298 : i32 to index
        %parallel_loop3A_312 = arith.constant 16 : index
        %parallel_loop3A_313 = tpu.vector_load %arg13[%parallel_loop3A_311, %parallel_loop3A_312] {strides = array<i32>} : memref<80x64xf32, #tpu.memory_space<vmem>>, vector<16xf32>,
        %parallel_loop3A_314 = arith.mulf %parallel_loop3A_313, %parallel_loop3A_303 : vector<16xf32>
        %parallel_loop3A_315 = arith.index_cast %parallel_loop3A_298 : i32 to index
        %parallel_loop3A_316 = arith.constant 16 : index
        %parallel_loop3A_317 = tpu.vector_load %arg13[%parallel_loop3A_315, %parallel_loop3A_316] {strides = array<i32>} : memref<80x64xf32, #tpu.memory_space<vmem>>, vector<16xf32>,
        tpu.vector_store %arg13[%parallel_loop3A_315, %parallel_loop3A_316], %parallel_loop3A_314 {strides = array<i32>} : memref<80x64xf32, #tpu.memory_space<vmem>>, vector<16xf32>,
        %parallel_loop3A_318 = arith.index_cast %parallel_loop3A_298 : i32 to index
        %parallel_loop3A_319 = arith.constant 32 : index
        %parallel_loop3A_320 = tpu.vector_load %arg13[%parallel_loop3A_318, %parallel_loop3A_319] {strides = array<i32>} : memref<80x64xf32, #tpu.memory_space<vmem>>, vector<16xf32>,
        %parallel_loop3A_321 = arith.mulf %parallel_loop3A_320, %parallel_loop3A_303 : vector<16xf32>
        %parallel_loop3A_322 = arith.index_cast %parallel_loop3A_298 : i32 to index
        %parallel_loop3A_323 = arith.constant 32 : index
        %parallel_loop3A_324 = tpu.vector_load %arg13[%parallel_loop3A_322, %parallel_loop3A_323] {strides = array<i32>} : memref<80x64xf32, #tpu.memory_space<vmem>>, vector<16xf32>,
        tpu.vector_store %arg13[%parallel_loop3A_322, %parallel_loop3A_323], %parallel_loop3A_321 {strides = array<i32>} : memref<80x64xf32, #tpu.memory_space<vmem>>, vector<16xf32>,
        %parallel_loop3A_325 = arith.index_cast %parallel_loop3A_298 : i32 to index
        %parallel_loop3A_326 = arith.constant 48 : index
        %parallel_loop3A_327 = tpu.vector_load %arg13[%parallel_loop3A_325, %parallel_loop3A_326] {strides = array<i32>} : memref<80x64xf32, #tpu.memory_space<vmem>>, vector<16xf32>,
        %parallel_loop3A_328 = arith.mulf %parallel_loop3A_327, %parallel_loop3A_303 : vector<16xf32>
        %parallel_loop3A_329 = arith.index_cast %parallel_loop3A_298 : i32 to index
        %parallel_loop3A_330 = arith.constant 48 : index
        %parallel_loop3A_331 = tpu.vector_load %arg13[%parallel_loop3A_329, %parallel_loop3A_330] {strides = array<i32>} : memref<80x64xf32, #tpu.memory_space<vmem>>, vector<16xf32>,
        tpu.vector_store %arg13[%parallel_loop3A_329, %parallel_loop3A_330], %parallel_loop3A_328 {strides = array<i32>} : memref<80x64xf32, #tpu.memory_space<vmem>>, vector<16xf32>,
      } {sc.loop_unroll_factor = 4 : i64, sc.parallel_access}
      %dma_start3A_255 = arith.constant 0 : i32
      %dma_start3A_256 = tpu.memref_slice %arg8[%add3A_245, %dma_start3A_255] : memref<125x80xi32, #tpu.memory_space<vmem>> -> memref<1x80xi32, #tpu.memory_space<vmem>>
      %dma_start3A_257 = tpu.memref_squeeze %dma_start3A_256 : memref<1x80xi32, #tpu.memory_space<vmem>> -> memref<80xi32, #tpu.memory_space<vmem>>
      %dma_start3A_258 = arith.constant 0 : i32
      %dma_start3A_259 = arith.constant 0 : i32
      %dma_start3A_260 = tpu.memref_slice %arg16[%dma_start3A_258, %dma_start3A_259] : memref<10000x64xf32, #tpu.memory_space<vmem_shared>> -> memref<10000x64xf32, #tpu.memory_space<vmem_shared>>
      tpu.enqueue_indirect_dma source(%arg13 : memref<80x64xf32, #tpu.memory_space<vmem>>) target(%dma_start3A_260 : memref<10000x64xf32, #tpu.memory_space<vmem_shared>>) offsets(%dma_start3A_257 : memref<80xi32, #tpu.memory_space<vmem>>) semaphore(%arg26 : memref<!tpu.dma_semaphore, #tpu.memory_space<semaphore_mem>>) {add = true}
      %add3A_261 = arith.constant 5 : i32
      %add3A_262 = arith.addi %add3A_245, %add3A_261 : i32
      %sub3A_263 = arith.constant 1 : i32
      %sub3A_264 = arith.subi %add3A_262, %sub3A_263 : i32
      %lt3A_265 = arith.constant 125 : i32
      %lt3A_266 = arith.cmpi slt, %sub3A_264, %lt3A_265 : i32
      %convert_element_type3A_267 = arith.extui %lt3A_266 : i1 to i32
      %cond3A_268 = arith.constant 0 : i32
      %cond3A_269 = arith.cmpi ne, %convert_element_type3A_267, %cond3A_268 : i32
      scf.if %cond3A_269 {
        %ge3A = arith.constant 1 : i32
        %ge3A_298 = arith.cmpi sge, %add3A_245, %ge3A : i32
        %convert_element_type3A_299 = arith.extui %ge3A_298 : i1 to i32
        %cond3A_300 = arith.constant 0 : i32
        %cond3A_301 = arith.cmpi ne, %convert_element_type3A_299, %cond3A_300 : i32
        scf.if %cond3A_301 {
          %sub3A_312 = arith.constant 1 : i32
          %sub3A_313 = arith.subi %add3A_245, %sub3A_312 : i32
          %dma_wait3A_314 = arith.constant 0 : i32
          %dma_wait3A_315 = tpu.memref_slice %arg8[%sub3A_313, %dma_wait3A_314] : memref<125x80xi32, #tpu.memory_space<vmem>> -> memref<1x80xi32, #tpu.memory_space<vmem>>
          %dma_wait3A_316 = tpu.memref_squeeze %dma_wait3A_315 : memref<1x80xi32, #tpu.memory_space<vmem>> -> memref<80xi32, #tpu.memory_space<vmem>>
          %dma_wait3A_317 = arith.constant 0 : i32
          %dma_wait3A_318 = arith.constant 0 : i32
          %dma_wait3A_319 = tpu.memref_slice %arg16[%dma_wait3A_317, %dma_wait3A_318] : memref<10000x64xf32, #tpu.memory_space<vmem_shared>> -> memref<10000x64xf32, #tpu.memory_space<vmem_shared>>
          tpu.wait_indirect_dma semaphore(%arg25 : memref<!tpu.dma_semaphore, #tpu.memory_space<semaphore_mem>>) src(%arg12 : memref<80x64xf32, #tpu.memory_space<vmem>>) dst(%dma_wait3A_319 : memref<10000x64xf32, #tpu.memory_space<vmem_shared>>)
        } else {
        }
        %add3A_302 = arith.constant 5 : i32
        %add3A_303 = arith.addi %add3A_245, %add3A_302 : i32
        %sub3A_304 = arith.constant 1 : i32
        %sub3A_305 = arith.subi %add3A_303, %sub3A_304 : i32
        %mul3A_306 = arith.constant 80 : i32
        %mul3A_307 = arith.muli %sub3A_305, %mul3A_306 : i32
        %dma_start3A_308 = tpu.memref_slice %arg7[%mul3A_307] : memref<10000xi32, #tpu.memory_space<vmem>> -> memref<80xi32, #tpu.memory_space<vmem>>
        %dma_start3A_309 = arith.constant 0 : i32
        %dma_start3A_310 = arith.constant 0 : i32
        %dma_start3A_311 = tpu.memref_slice %arg2[%dma_start3A_309, %dma_start3A_310] : memref<20000x64xf32, #tpu.memory_space<hbm>> -> memref<20000x64xf32, #tpu.memory_space<hbm>>
        tpu.enqueue_indirect_dma source(%dma_start3A_311 : memref<20000x64xf32, #tpu.memory_space<hbm>>) target(%arg12 : memref<80x64xf32, #tpu.memory_space<vmem>>) offsets(%dma_start3A_308 : memref<80xi32, #tpu.memory_space<vmem>>) semaphore(%arg20 : memref<!tpu.dma_semaphore, #tpu.memory_space<semaphore_mem>>)
      } else {
      }
      %mul3A_270 = arith.constant 5 : i32
      %mul3A_271 = arith.muli %add3A_161, %mul3A_270 : i32
      %add3A_272 = arith.constant 4 : i32
      %add3A_273 = arith.addi %mul3A_271, %add3A_272 : i32
      %mul3A_274 = arith.constant 80 : i32
      %mul3A_275 = arith.muli %add3A_273, %mul3A_274 : i32
      %dma_wait3A_276 = tpu.memref_slice %arg7[%mul3A_275] : memref<10000xi32, #tpu.memory_space<vmem>> -> memref<80xi32, #tpu.memory_space<vmem>>
      %dma_wait3A_277 = arith.constant 0 : i32
      %dma_wait3A_278 = arith.constant 0 : i32
      %dma_wait3A_279 = tpu.memref_slice %arg2[%dma_wait3A_277, %dma_wait3A_278] : memref<20000x64xf32, #tpu.memory_space<hbm>> -> memref<20000x64xf32, #tpu.memory_space<hbm>>
      tpu.wait_indirect_dma semaphore(%arg22 : memref<!tpu.dma_semaphore, #tpu.memory_space<semaphore_mem>>) src(%dma_wait3A_279 : memref<20000x64xf32, #tpu.memory_space<hbm>>) dst(%arg14 : memref<80x64xf32, #tpu.memory_space<vmem>>)
      %parallel_loop3A_280 = arith.constant 0 : i32
      %parallel_loop3A_281 = arith.constant 80 : i32
      %parallel_loop3A_282 = arith.constant 1 : i32
      scf.for %parallel_loop3A_298 = %parallel_loop3A_280 to %parallel_loop3A_281 step %parallel_loop3A_282  : i32 {
        %parallel_loop3A_299 = arith.constant 80 : i32
        %parallel_loop3A_300 = arith.muli %add3A_273, %parallel_loop3A_299 : i32
        %parallel_loop3A_301 = arith.addi %parallel_loop3A_300, %parallel_loop3A_298 : i32
        %parallel_loop3A_302 = vector.broadcast %parallel_loop3A_301 : i32 to vector<16xi32>
        %parallel_loop3A_303 = tpu.vector_load_idx %arg9[%parallel_loop3A_302] : memref<10000xf32, #tpu.memory_space<vmem>>[vector<16xi32>], vector<16xf32>,
        %parallel_loop3A_304 = arith.index_cast %parallel_loop3A_298 : i32 to index
        %parallel_loop3A_305 = arith.constant 0 : index
        %parallel_loop3A_306 = tpu.vector_load %arg14[%parallel_loop3A_304, %parallel_loop3A_305] {strides = array<i32>} : memref<80x64xf32, #tpu.memory_space<vmem>>, vector<16xf32>,
        %parallel_loop3A_307 = arith.mulf %parallel_loop3A_306, %parallel_loop3A_303 : vector<16xf32>
        %parallel_loop3A_308 = arith.index_cast %parallel_loop3A_298 : i32 to index
        %parallel_loop3A_309 = arith.constant 0 : index
        %parallel_loop3A_310 = tpu.vector_load %arg14[%parallel_loop3A_308, %parallel_loop3A_309] {strides = array<i32>} : memref<80x64xf32, #tpu.memory_space<vmem>>, vector<16xf32>,
        tpu.vector_store %arg14[%parallel_loop3A_308, %parallel_loop3A_309], %parallel_loop3A_307 {strides = array<i32>} : memref<80x64xf32, #tpu.memory_space<vmem>>, vector<16xf32>,
        %parallel_loop3A_311 = arith.index_cast %parallel_loop3A_298 : i32 to index
        %parallel_loop3A_312 = arith.constant 16 : index
        %parallel_loop3A_313 = tpu.vector_load %arg14[%parallel_loop3A_311, %parallel_loop3A_312] {strides = array<i32>} : memref<80x64xf32, #tpu.memory_space<vmem>>, vector<16xf32>,
        %parallel_loop3A_314 = arith.mulf %parallel_loop3A_313, %parallel_loop3A_303 : vector<16xf32>
        %parallel_loop3A_315 = arith.index_cast %parallel_loop3A_298 : i32 to index
        %parallel_loop3A_316 = arith.constant 16 : index
        %parallel_loop3A_317 = tpu.vector_load %arg14[%parallel_loop3A_315, %parallel_loop3A_316] {strides = array<i32>} : memref<80x64xf32, #tpu.memory_space<vmem>>, vector<16xf32>,
        tpu.vector_store %arg14[%parallel_loop3A_315, %parallel_loop3A_316], %parallel_loop3A_314 {strides = array<i32>} : memref<80x64xf32, #tpu.memory_space<vmem>>, vector<16xf32>,
        %parallel_loop3A_318 = arith.index_cast %parallel_loop3A_298 : i32 to index
        %parallel_loop3A_319 = arith.constant 32 : index
        %parallel_loop3A_320 = tpu.vector_load %arg14[%parallel_loop3A_318, %parallel_loop3A_319] {strides = array<i32>} : memref<80x64xf32, #tpu.memory_space<vmem>>, vector<16xf32>,
        %parallel_loop3A_321 = arith.mulf %parallel_loop3A_320, %parallel_loop3A_303 : vector<16xf32>
        %parallel_loop3A_322 = arith.index_cast %parallel_loop3A_298 : i32 to index
        %parallel_loop3A_323 = arith.constant 32 : index
        %parallel_loop3A_324 = tpu.vector_load %arg14[%parallel_loop3A_322, %parallel_loop3A_323] {strides = array<i32>} : memref<80x64xf32, #tpu.memory_space<vmem>>, vector<16xf32>,
        tpu.vector_store %arg14[%parallel_loop3A_322, %parallel_loop3A_323], %parallel_loop3A_321 {strides = array<i32>} : memref<80x64xf32, #tpu.memory_space<vmem>>, vector<16xf32>,
        %parallel_loop3A_325 = arith.index_cast %parallel_loop3A_298 : i32 to index
        %parallel_loop3A_326 = arith.constant 48 : index
        %parallel_loop3A_327 = tpu.vector_load %arg14[%parallel_loop3A_325, %parallel_loop3A_326] {strides = array<i32>} : memref<80x64xf32, #tpu.memory_space<vmem>>, vector<16xf32>,
        %parallel_loop3A_328 = arith.mulf %parallel_loop3A_327, %parallel_loop3A_303 : vector<16xf32>
        %parallel_loop3A_329 = arith.index_cast %parallel_loop3A_298 : i32 to index
        %parallel_loop3A_330 = arith.constant 48 : index
        %parallel_loop3A_331 = tpu.vector_load %arg14[%parallel_loop3A_329, %parallel_loop3A_330] {strides = array<i32>} : memref<80x64xf32, #tpu.memory_space<vmem>>, vector<16xf32>,
        tpu.vector_store %arg14[%parallel_loop3A_329, %parallel_loop3A_330], %parallel_loop3A_328 {strides = array<i32>} : memref<80x64xf32, #tpu.memory_space<vmem>>, vector<16xf32>,
      } {sc.loop_unroll_factor = 4 : i64, sc.parallel_access}
      %dma_start3A_283 = arith.constant 0 : i32
      %dma_start3A_284 = tpu.memref_slice %arg8[%add3A_273, %dma_start3A_283] : memref<125x80xi32, #tpu.memory_space<vmem>> -> memref<1x80xi32, #tpu.memory_space<vmem>>
      %dma_start3A_285 = tpu.memref_squeeze %dma_start3A_284 : memref<1x80xi32, #tpu.memory_space<vmem>> -> memref<80xi32, #tpu.memory_space<vmem>>
      %dma_start3A_286 = arith.constant 0 : i32
      %dma_start3A_287 = arith.constant 0 : i32
      %dma_start3A_288 = tpu.memref_slice %arg16[%dma_start3A_286, %dma_start3A_287] : memref<10000x64xf32, #tpu.memory_space<vmem_shared>> -> memref<10000x64xf32, #tpu.memory_space<vmem_shared>>
      tpu.enqueue_indirect_dma source(%arg14 : memref<80x64xf32, #tpu.memory_space<vmem>>) target(%dma_start3A_288 : memref<10000x64xf32, #tpu.memory_space<vmem_shared>>) offsets(%dma_start3A_285 : memref<80xi32, #tpu.memory_space<vmem>>) semaphore(%arg27 : memref<!tpu.dma_semaphore, #tpu.memory_space<semaphore_mem>>) {add = true}
      %add3A_289 = arith.constant 5 : i32
      %add3A_290 = arith.addi %add3A_273, %add3A_289 : i32
      %sub3A_291 = arith.constant 1 : i32
      %sub3A_292 = arith.subi %add3A_290, %sub3A_291 : i32
      %lt3A_293 = arith.constant 125 : i32
      %lt3A_294 = arith.cmpi slt, %sub3A_292, %lt3A_293 : i32
      %convert_element_type3A_295 = arith.extui %lt3A_294 : i1 to i32
      %cond3A_296 = arith.constant 0 : i32
      %cond3A_297 = arith.cmpi ne, %convert_element_type3A_295, %cond3A_296 : i32
      scf.if %cond3A_297 {
        %ge3A = arith.constant 1 : i32
        %ge3A_298 = arith.cmpi sge, %add3A_273, %ge3A : i32
        %convert_element_type3A_299 = arith.extui %ge3A_298 : i1 to i32
        %cond3A_300 = arith.constant 0 : i32
        %cond3A_301 = arith.cmpi ne, %convert_element_type3A_299, %cond3A_300 : i32
        scf.if %cond3A_301 {
          %sub3A_312 = arith.constant 1 : i32
          %sub3A_313 = arith.subi %add3A_273, %sub3A_312 : i32
          %dma_wait3A_314 = arith.constant 0 : i32
          %dma_wait3A_315 = tpu.memref_slice %arg8[%sub3A_313, %dma_wait3A_314] : memref<125x80xi32, #tpu.memory_space<vmem>> -> memref<1x80xi32, #tpu.memory_space<vmem>>
          %dma_wait3A_316 = tpu.memref_squeeze %dma_wait3A_315 : memref<1x80xi32, #tpu.memory_space<vmem>> -> memref<80xi32, #tpu.memory_space<vmem>>
          %dma_wait3A_317 = arith.constant 0 : i32
          %dma_wait3A_318 = arith.constant 0 : i32
          %dma_wait3A_319 = tpu.memref_slice %arg16[%dma_wait3A_317, %dma_wait3A_318] : memref<10000x64xf32, #tpu.memory_space<vmem_shared>> -> memref<10000x64xf32, #tpu.memory_space<vmem_shared>>
          tpu.wait_indirect_dma semaphore(%arg26 : memref<!tpu.dma_semaphore, #tpu.memory_space<semaphore_mem>>) src(%arg13 : memref<80x64xf32, #tpu.memory_space<vmem>>) dst(%dma_wait3A_319 : memref<10000x64xf32, #tpu.memory_space<vmem_shared>>)
        } else {
        }
        %add3A_302 = arith.constant 5 : i32
        %add3A_303 = arith.addi %add3A_273, %add3A_302 : i32
        %sub3A_304 = arith.constant 1 : i32
        %sub3A_305 = arith.subi %add3A_303, %sub3A_304 : i32
        %mul3A_306 = arith.constant 80 : i32
        %mul3A_307 = arith.muli %sub3A_305, %mul3A_306 : i32
        %dma_start3A_308 = tpu.memref_slice %arg7[%mul3A_307] : memref<10000xi32, #tpu.memory_space<vmem>> -> memref<80xi32, #tpu.memory_space<vmem>>
        %dma_start3A_309 = arith.constant 0 : i32
        %dma_start3A_310 = arith.constant 0 : i32
        %dma_start3A_311 = tpu.memref_slice %arg2[%dma_start3A_309, %dma_start3A_310] : memref<20000x64xf32, #tpu.memory_space<hbm>> -> memref<20000x64xf32, #tpu.memory_space<hbm>>
        tpu.enqueue_indirect_dma source(%dma_start3A_311 : memref<20000x64xf32, #tpu.memory_space<hbm>>) target(%arg13 : memref<80x64xf32, #tpu.memory_space<vmem>>) offsets(%dma_start3A_308 : memref<80xi32, #tpu.memory_space<vmem>>) semaphore(%arg21 : memref<!tpu.dma_semaphore, #tpu.memory_space<semaphore_mem>>)
      } else {
      }
    }
    %scan3A_114 = arith.constant 25 : i32
    %dma_wait3A_115 = arith.constant 120 : i32
    %dma_wait3A_116 = arith.constant 0 : i32
    %dma_wait3A_117 = tpu.memref_slice %arg8[%dma_wait3A_115, %dma_wait3A_116] : memref<125x80xi32, #tpu.memory_space<vmem>> -> memref<1x80xi32, #tpu.memory_space<vmem>>
    %dma_wait3A_118 = tpu.memref_squeeze %dma_wait3A_117 : memref<1x80xi32, #tpu.memory_space<vmem>> -> memref<80xi32, #tpu.memory_space<vmem>>
    %dma_wait3A_119 = arith.constant 0 : i32
    %dma_wait3A_120 = arith.constant 0 : i32
    %dma_wait3A_121 = tpu.memref_slice %arg16[%dma_wait3A_119, %dma_wait3A_120] : memref<10000x64xf32, #tpu.memory_space<vmem_shared>> -> memref<10000x64xf32, #tpu.memory_space<vmem_shared>>
    tpu.wait_indirect_dma semaphore(%arg23 : memref<!tpu.dma_semaphore, #tpu.memory_space<semaphore_mem>>) src(%arg10 : memref<80x64xf32, #tpu.memory_space<vmem>>) dst(%dma_wait3A_121 : memref<10000x64xf32, #tpu.memory_space<vmem_shared>>)
    %dma_wait3A_122 = arith.constant 121 : i32
    %dma_wait3A_123 = arith.constant 0 : i32
    %dma_wait3A_124 = tpu.memref_slice %arg8[%dma_wait3A_122, %dma_wait3A_123] : memref<125x80xi32, #tpu.memory_space<vmem>> -> memref<1x80xi32, #tpu.memory_space<vmem>>
    %dma_wait3A_125 = tpu.memref_squeeze %dma_wait3A_124 : memref<1x80xi32, #tpu.memory_space<vmem>> -> memref<80xi32, #tpu.memory_space<vmem>>
    %dma_wait3A_126 = arith.constant 0 : i32
    %dma_wait3A_127 = arith.constant 0 : i32
    %dma_wait3A_128 = tpu.memref_slice %arg16[%dma_wait3A_126, %dma_wait3A_127] : memref<10000x64xf32, #tpu.memory_space<vmem_shared>> -> memref<10000x64xf32, #tpu.memory_space<vmem_shared>>
    tpu.wait_indirect_dma semaphore(%arg24 : memref<!tpu.dma_semaphore, #tpu.memory_space<semaphore_mem>>) src(%arg11 : memref<80x64xf32, #tpu.memory_space<vmem>>) dst(%dma_wait3A_128 : memref<10000x64xf32, #tpu.memory_space<vmem_shared>>)
    %dma_wait3A_129 = arith.constant 122 : i32
    %dma_wait3A_130 = arith.constant 0 : i32
    %dma_wait3A_131 = tpu.memref_slice %arg8[%dma_wait3A_129, %dma_wait3A_130] : memref<125x80xi32, #tpu.memory_space<vmem>> -> memref<1x80xi32, #tpu.memory_space<vmem>>
    %dma_wait3A_132 = tpu.memref_squeeze %dma_wait3A_131 : memref<1x80xi32, #tpu.memory_space<vmem>> -> memref<80xi32, #tpu.memory_space<vmem>>
    %dma_wait3A_133 = arith.constant 0 : i32
    %dma_wait3A_134 = arith.constant 0 : i32
    %dma_wait3A_135 = tpu.memref_slice %arg16[%dma_wait3A_133, %dma_wait3A_134] : memref<10000x64xf32, #tpu.memory_space<vmem_shared>> -> memref<10000x64xf32, #tpu.memory_space<vmem_shared>>
    tpu.wait_indirect_dma semaphore(%arg25 : memref<!tpu.dma_semaphore, #tpu.memory_space<semaphore_mem>>) src(%arg12 : memref<80x64xf32, #tpu.memory_space<vmem>>) dst(%dma_wait3A_135 : memref<10000x64xf32, #tpu.memory_space<vmem_shared>>)
    %dma_wait3A_136 = arith.constant 123 : i32
    %dma_wait3A_137 = arith.constant 0 : i32
    %dma_wait3A_138 = tpu.memref_slice %arg8[%dma_wait3A_136, %dma_wait3A_137] : memref<125x80xi32, #tpu.memory_space<vmem>> -> memref<1x80xi32, #tpu.memory_space<vmem>>
    %dma_wait3A_139 = tpu.memref_squeeze %dma_wait3A_138 : memref<1x80xi32, #tpu.memory_space<vmem>> -> memref<80xi32, #tpu.memory_space<vmem>>
    %dma_wait3A_140 = arith.constant 0 : i32
    %dma_wait3A_141 = arith.constant 0 : i32
    %dma_wait3A_142 = tpu.memref_slice %arg16[%dma_wait3A_140, %dma_wait3A_141] : memref<10000x64xf32, #tpu.memory_space<vmem_shared>> -> memref<10000x64xf32, #tpu.memory_space<vmem_shared>>
    tpu.wait_indirect_dma semaphore(%arg26 : memref<!tpu.dma_semaphore, #tpu.memory_space<semaphore_mem>>) src(%arg13 : memref<80x64xf32, #tpu.memory_space<vmem>>) dst(%dma_wait3A_142 : memref<10000x64xf32, #tpu.memory_space<vmem_shared>>)
    %dma_wait3A_143 = arith.constant 124 : i32
    %dma_wait3A_144 = arith.constant 0 : i32
    %dma_wait3A_145 = tpu.memref_slice %arg8[%dma_wait3A_143, %dma_wait3A_144] : memref<125x80xi32, #tpu.memory_space<vmem>> -> memref<1x80xi32, #tpu.memory_space<vmem>>
    %dma_wait3A_146 = tpu.memref_squeeze %dma_wait3A_145 : memref<1x80xi32, #tpu.memory_space<vmem>> -> memref<80xi32, #tpu.memory_space<vmem>>
    %dma_wait3A_147 = arith.constant 0 : i32
    %dma_wait3A_148 = arith.constant 0 : i32
    %dma_wait3A_149 = tpu.memref_slice %arg16[%dma_wait3A_147, %dma_wait3A_148] : memref<10000x64xf32, #tpu.memory_space<vmem_shared>> -> memref<10000x64xf32, #tpu.memory_space<vmem_shared>>
    tpu.wait_indirect_dma semaphore(%arg27 : memref<!tpu.dma_semaphore, #tpu.memory_space<semaphore_mem>>) src(%arg14 : memref<80x64xf32, #tpu.memory_space<vmem>>) dst(%dma_wait3A_149 : memref<10000x64xf32, #tpu.memory_space<vmem_shared>>)
    %barrier3A_150 = arith.constant 0 : index
    tpu.barrier barrier_id(%barrier3A_150)
    %scan3A_151 = arith.constant 0 : i32
    %scan3A_152 = arith.constant 8 : i32
    %scan3A_153 = arith.addi %scan3A_151, %scan3A_152 : i32
    %scan3A_154 = arith.constant 1 : i32
    scf.for %scan3A_157 = %scan3A_151 to %scan3A_153 step %scan3A_154  : i32 {
      %mul3A_158 = arith.constant 1 : i32
      %mul3A_159 = arith.muli %scan3A_157, %mul3A_158 : i32
      %add3A_160 = arith.constant 0 : i32
      %add3A_161 = arith.addi %add3A_160, %mul3A_159 : i32
      %mul3A_162 = arith.constant 16 : i32
      %mul3A_163 = arith.muli %add3A_161, %mul3A_162 : i32
      %add3A_164 = arith.addi %mul3A_163, %arg1 : i32
      %lt3A = arith.constant 125 : i32
      %lt3A_165 = arith.cmpi slt, %add3A_164, %lt3A : i32
      %convert_element_type3A = arith.extui %lt3A_165 : i1 to i32
      %cond3A = arith.constant 0 : i32
      %cond3A_166 = arith.cmpi ne, %convert_element_type3A, %cond3A : i32
      scf.if %cond3A_166 {
        %mul3A_167 = arith.constant 80 : i32
        %mul3A_168 = arith.muli %add3A_164, %mul3A_167 : i32
        %run_scoped3A = arith.constant 1 : i32
        "tpu.region"() ({
          %run_scoped3A_169 = tpu.sem_alloc : memref<!tpu.dma_semaphore, #tpu.memory_space<semaphore_mem>>
          %dma_start3A_170 = arith.constant 0 : i32
          %dma_start3A_171 = tpu.memref_slice %arg6[%arg0, %run_scoped3A, %mul3A_168, %dma_start3A_170] : memref<2x2x10000x128xf32, #tpu.memory_space<hbm>> -> memref<1x1x80x64xf32, #tpu.memory_space<hbm>>
          %dma_start3A_172 = tpu.memref_squeeze %dma_start3A_171 : memref<1x1x80x64xf32, #tpu.memory_space<hbm>> -> memref<80x64xf32, #tpu.memory_space<hbm>>
          %dma_start3A_173 = arith.constant 0 : i32
          %dma_start3A_174 = tpu.memref_slice %arg16[%mul3A_168, %dma_start3A_173] : memref<10000x64xf32, #tpu.memory_space<vmem_shared>> -> memref<80x64xf32, #tpu.memory_space<vmem_shared>>
          tpu.enqueue_dma source(%dma_start3A_174 : memref<80x64xf32, #tpu.memory_space<vmem_shared>>) target(%dma_start3A_172 : memref<80x64xf32, #tpu.memory_space<hbm>>) target_semaphore(%run_scoped3A_169 : memref<!tpu.dma_semaphore, #tpu.memory_space<semaphore_mem>>)
          %dma_wait3A_175 = arith.constant 0 : i32
          %dma_wait3A_176 = tpu.memref_slice %arg6[%arg0, %run_scoped3A, %mul3A_168, %dma_wait3A_175] : memref<2x2x10000x128xf32, #tpu.memory_space<hbm>> -> memref<1x1x80x64xf32, #tpu.memory_space<hbm>>
          %dma_wait3A_177 = tpu.memref_squeeze %dma_wait3A_176 : memref<1x1x80x64xf32, #tpu.memory_space<hbm>> -> memref<80x64xf32, #tpu.memory_space<hbm>>
          %dma_wait3A_178 = arith.constant 0 : i32
          %dma_wait3A_179 = tpu.memref_slice %arg16[%mul3A_168, %dma_wait3A_178] : memref<10000x64xf32, #tpu.memory_space<vmem_shared>> -> memref<80x64xf32, #tpu.memory_space<vmem_shared>>
          tpu.wait_dma2 semaphore(%run_scoped3A_169 : memref<!tpu.dma_semaphore, #tpu.memory_space<semaphore_mem>>) src(%dma_wait3A_179 : memref<80x64xf32, #tpu.memory_space<vmem_shared>>) dst(%dma_wait3A_177 : memref<80x64xf32, #tpu.memory_space<hbm>>)
          tpu.yield
        }) : () -> ()
      } else {
      }
    }
    %scan3A_155 = arith.constant 8 : i32
    %barrier3A_156 = arith.constant 0 : index
    tpu.barrier barrier_id(%barrier3A_156)
    return
  }
}

module attributes {stable_mosaic.version = 14 : i64} {
  func.func @body(%arg0: i32, %arg1: memref<1x1x1000x128xf32, #tpu.memory_space<vmem>>, %arg2: memref<1x1x1000x128xf32, #tpu.memory_space<vmem>>, %arg3: memref<1x1x1000x128xf32, #tpu.memory_space<vmem>>, %arg4: memref<1x1x1000x128xf32, #tpu.memory_space<vmem>>, %arg5: memref<1000x128xf32, #tpu.memory_space<vmem>>, %arg6: memref<128x256xf32, #tpu.memory_space<vmem>>, %arg7: memref<1x256xf32, #tpu.memory_space<vmem>>, %arg8: memref<128x256xf32, #tpu.memory_space<vmem>>, %arg9: memref<256x64xf32, #tpu.memory_space<vmem>>, %arg10: memref<256x64xf32, #tpu.memory_space<vmem>>, %arg11: memref<1x64xf32, #tpu.memory_space<vmem>>, %arg12: memref<1000x128xf32, #tpu.memory_space<vmem>>, %arg13: memref<1000x64xf32, #tpu.memory_space<vmem>>) attributes {dimension_semantics = [#tpu.dimension_semantics<arbitrary>], iteration_bounds = array<i64: 10>, scalar_prefetch = 0 : i64, scratch_operands = 0 : i64, tpu.core_type = #tpu.core_type<tc>, window_params = [{transform_indices = @transform_0, window_bounds = array<i64: 1, 1, 1000, 128>}, {transform_indices = @transform_1, window_bounds = array<i64: 1, 1, 1000, 128>}, {transform_indices = @transform_2, window_bounds = array<i64: 1, 1, 1000, 128>}, {transform_indices = @transform_3, window_bounds = array<i64: 1, 1, 1000, 128>}, {transform_indices = @transform_4, window_bounds = array<i64: 1000, 128>}, {pipeline_mode = #tpu.pipeline_mode<synchronous>, transform_indices = @transform_5, window_bounds = array<i64: 128, 256>}, {pipeline_mode = #tpu.pipeline_mode<synchronous>, transform_indices = @transform_6, window_bounds = array<i64: 1, 256>}, {pipeline_mode = #tpu.pipeline_mode<synchronous>, transform_indices = @transform_7, window_bounds = array<i64: 128, 256>}, {pipeline_mode = #tpu.pipeline_mode<synchronous>, transform_indices = @transform_8, window_bounds = array<i64: 256, 64>}, {pipeline_mode = #tpu.pipeline_mode<synchronous>, transform_indices = @transform_9, window_bounds = array<i64: 256, 64>}, {pipeline_mode = #tpu.pipeline_mode<synchronous>, transform_indices = @transform_10, window_bounds = array<i64: 1, 64>}, {transform_indices = @transform_11, window_bounds = array<i64: 1000, 128>}, {transform_indices = @transform_12, window_bounds = array<i64: 1000, 64>}]} {
    %get3A = arith.constant 0 : index
    %get3A_0 = arith.constant 0 : index
    %get3A_1 = arith.constant 0 : index
    %get3A_2 = arith.constant 0 : index
    %get3A_3 = vector.load %arg1[%get3A, %get3A_0, %get3A_1, %get3A_2] : memref<1x1x1000x128xf32, #tpu.memory_space<vmem>>, vector<1x1x1000x64xf32>
    %get3A_4 = vector.shape_cast %get3A_3 : vector<1x1x1000x64xf32> to vector<1000x64xf32>
    %get3A_5 = arith.constant 0 : index
    %get3A_6 = arith.constant 0 : index
    %get3A_7 = arith.constant 0 : index
    %get3A_8 = arith.constant 0 : index
    %get3A_9 = vector.load %arg3[%get3A_5, %get3A_6, %get3A_7, %get3A_8] : memref<1x1x1000x128xf32, #tpu.memory_space<vmem>>, vector<1x1x1000x64xf32>
    %get3A_10 = vector.shape_cast %get3A_9 : vector<1x1x1000x64xf32> to vector<1000x64xf32>
    %add3A = arith.addf %get3A_4, %get3A_10 : vector<1000x64xf32>
    %get3A_11 = arith.constant 0 : index
    %get3A_12 = arith.constant 0 : index
    %get3A_13 = arith.constant 0 : index
    %get3A_14 = arith.constant 0 : index
    %get3A_15 = vector.load %arg2[%get3A_11, %get3A_12, %get3A_13, %get3A_14] : memref<1x1x1000x128xf32, #tpu.memory_space<vmem>>, vector<1x1x1000x64xf32>
    %get3A_16 = vector.shape_cast %get3A_15 : vector<1x1x1000x64xf32> to vector<1000x64xf32>
    %get3A_17 = arith.constant 0 : index
    %get3A_18 = arith.constant 0 : index
    %get3A_19 = arith.constant 0 : index
    %get3A_20 = arith.constant 0 : index
    %get3A_21 = vector.load %arg4[%get3A_17, %get3A_18, %get3A_19, %get3A_20] : memref<1x1x1000x128xf32, #tpu.memory_space<vmem>>, vector<1x1x1000x64xf32>
    %get3A_22 = vector.shape_cast %get3A_21 : vector<1x1x1000x64xf32> to vector<1000x64xf32>
    %add3A_23 = arith.addf %get3A_16, %get3A_22 : vector<1000x64xf32>
    %concatenate3A = tpu.concatenate %add3A, %add3A_23 in 1 : vector<1000x64xf32>, vector<1000x64xf32> -> vector<1000x128xf32>
    %convert_element_type3A = arith.truncf %concatenate3A : vector<1000x128xf32> to vector<1000x128xbf16>
    %get3A_24 = arith.constant 0 : index
    %get3A_25 = arith.constant 0 : index
    %get3A_26 = vector.load %arg6[%get3A_24, %get3A_25] : memref<128x256xf32, #tpu.memory_space<vmem>>, vector<128x256xf32>
    %convert_element_type3A_27 = arith.truncf %get3A_26 : vector<128x256xf32> to vector<128x256xbf16>
    %dot_general3A = arith.constant dense<0.000000e+00> : vector<1000x256xf32>
    %dot_general3A_28 = tpu.matmul %convert_element_type3A, %convert_element_type3A_27, %dot_general3A {dimension_numbers = #tpu.dot_dimension_numbers<[1], [0], [0], [1], [0, 0, 1, 1], [], []>, transpose_lhs_hint = false} : vector<1000x128xbf16>, vector<128x256xbf16>, vector<1000x256xf32> -> vector<1000x256xf32>
    %get3A_29 = arith.constant 0 : index
    %get3A_30 = arith.constant 0 : index
    %get3A_31 = vector.load %arg5[%get3A_29, %get3A_30] : memref<1000x128xf32, #tpu.memory_space<vmem>>, vector<1000x128xf32>
    %convert_element_type3A_32 = arith.truncf %get3A_31 : vector<1000x128xf32> to vector<1000x128xbf16>
    %get3A_33 = arith.constant 0 : index
    %get3A_34 = arith.constant 0 : index
    %get3A_35 = vector.load %arg8[%get3A_33, %get3A_34] : memref<128x256xf32, #tpu.memory_space<vmem>>, vector<128x256xf32>
    %convert_element_type3A_36 = arith.truncf %get3A_35 : vector<128x256xf32> to vector<128x256xbf16>
    %dot_general3A_37 = arith.constant dense<0.000000e+00> : vector<1000x256xf32>
    %dot_general3A_38 = tpu.matmul %convert_element_type3A_32, %convert_element_type3A_36, %dot_general3A_37 {dimension_numbers = #tpu.dot_dimension_numbers<[1], [0], [0], [1], [0, 0, 1, 1], [], []>, transpose_lhs_hint = false} : vector<1000x128xbf16>, vector<128x256xbf16>, vector<1000x256xf32> -> vector<1000x256xf32>
    %add3A_39 = arith.addf %dot_general3A_28, %dot_general3A_38 : vector<1000x256xf32>
    %get3A_40 = arith.constant 0 : index
    %get3A_41 = arith.constant 0 : index
    %get3A_42 = vector.load %arg7[%get3A_40, %get3A_41] : memref<1x256xf32, #tpu.memory_space<vmem>>, vector<1x256xf32>
    %add3A_43 = vector.broadcast %get3A_42 : vector<1x256xf32> to vector<1000x256xf32>
    %add3A_44 = arith.addf %add3A_39, %add3A_43 : vector<1000x256xf32>
    %max3A = arith.constant 0.000000e+00 : f32
    %max3A_45 = vector.broadcast %max3A : f32 to vector<1000x256xf32>
    %max3A_46 = arith.maximumf %add3A_44, %max3A_45 : vector<1000x256xf32>
    %convert_element_type3A_47 = arith.truncf %max3A_46 : vector<1000x256xf32> to vector<1000x256xbf16>
    %get3A_48 = arith.constant 0 : index
    %get3A_49 = arith.constant 0 : index
    %get3A_50 = vector.load %arg9[%get3A_48, %get3A_49] : memref<256x64xf32, #tpu.memory_space<vmem>>, vector<256x64xf32>
    %convert_element_type3A_51 = arith.truncf %get3A_50 : vector<256x64xf32> to vector<256x64xbf16>
    %dot_general3A_52 = arith.constant dense<0.000000e+00> : vector<1000x64xf32>
    %dot_general3A_53 = tpu.matmul %convert_element_type3A_47, %convert_element_type3A_51, %dot_general3A_52 {dimension_numbers = #tpu.dot_dimension_numbers<[1], [0], [0], [1], [0, 0, 1, 1], [], []>, transpose_lhs_hint = false} : vector<1000x256xbf16>, vector<256x64xbf16>, vector<1000x64xf32> -> vector<1000x64xf32>
    %swap3A = arith.constant 0 : index
    %swap3A_54 = arith.constant 0 : index
    %swap3A_55 = vector.load %arg12[%swap3A, %swap3A_54] : memref<1000x128xf32, #tpu.memory_space<vmem>>, vector<1000x64xf32>
    tpu.vector_store %arg12[%swap3A, %swap3A_54], %dot_general3A_53 {strides = array<i32>} : memref<1000x128xf32, #tpu.memory_space<vmem>>, vector<1000x64xf32>,
    %get3A_56 = arith.constant 0 : index
    %get3A_57 = arith.constant 0 : index
    %get3A_58 = vector.load %arg10[%get3A_56, %get3A_57] : memref<256x64xf32, #tpu.memory_space<vmem>>, vector<256x64xf32>
    %convert_element_type3A_59 = arith.truncf %get3A_58 : vector<256x64xf32> to vector<256x64xbf16>
    %dot_general3A_60 = arith.constant dense<0.000000e+00> : vector<1000x64xf32>
    %dot_general3A_61 = tpu.matmul %convert_element_type3A_47, %convert_element_type3A_59, %dot_general3A_60 {dimension_numbers = #tpu.dot_dimension_numbers<[1], [0], [0], [1], [0, 0, 1, 1], [], []>, transpose_lhs_hint = false} : vector<1000x256xbf16>, vector<256x64xbf16>, vector<1000x64xf32> -> vector<1000x64xf32>
    %get3A_62 = arith.constant 0 : index
    %get3A_63 = arith.constant 0 : index
    %get3A_64 = vector.load %arg11[%get3A_62, %get3A_63] : memref<1x64xf32, #tpu.memory_space<vmem>>, vector<1x64xf32>
    %add3A_65 = vector.broadcast %get3A_64 : vector<1x64xf32> to vector<1000x64xf32>
    %add3A_66 = arith.addf %dot_general3A_61, %add3A_65 : vector<1000x64xf32>
    %swap3A_67 = arith.constant 0 : index
    %swap3A_68 = arith.constant 0 : index
    %swap3A_69 = vector.load %arg13[%swap3A_67, %swap3A_68] : memref<1000x64xf32, #tpu.memory_space<vmem>>, vector<1000x64xf32>
    tpu.vector_store %arg13[%swap3A_67, %swap3A_68], %add3A_66 {strides = array<i32>} : memref<1000x64xf32, #tpu.memory_space<vmem>>, vector<1000x64xf32>,
    return
  }
  func.func @transform_0(%arg0: i32) -> (i32, i32, i32, i32) {
    %c0_i32 = arith.constant 0 : i32
    %c0_i32_0 = arith.constant 0 : i32
    %c0_i32_1 = arith.constant 0 : i32
    %c0_i32_2 = arith.constant 0 : i32
    return %c0_i32, %c0_i32_0, %arg0, %c0_i32_1 : i32, i32, i32, i32
  }
  func.func @transform_1(%arg0: i32) -> (i32, i32, i32, i32) {
    %c0_i32 = arith.constant 0 : i32
    %c1_i32 = arith.constant 1 : i32
    %c0_i32_0 = arith.constant 0 : i32
    %c0_i32_1 = arith.constant 0 : i32
    return %c0_i32, %c1_i32, %arg0, %c0_i32_0 : i32, i32, i32, i32
  }
  func.func @transform_2(%arg0: i32) -> (i32, i32, i32, i32) {
    %c1_i32 = arith.constant 1 : i32
    %c0_i32 = arith.constant 0 : i32
    %c0_i32_0 = arith.constant 0 : i32
    %c0_i32_1 = arith.constant 0 : i32
    return %c1_i32, %c0_i32, %arg0, %c0_i32_0 : i32, i32, i32, i32
  }
  func.func @transform_3(%arg0: i32) -> (i32, i32, i32, i32) {
    %c1_i32 = arith.constant 1 : i32
    %c1_i32_0 = arith.constant 1 : i32
    %c0_i32 = arith.constant 0 : i32
    %c0_i32_1 = arith.constant 0 : i32
    return %c1_i32, %c1_i32_0, %arg0, %c0_i32 : i32, i32, i32, i32
  }
  func.func @transform_4(%arg0: i32) -> (i32, i32) {
    %c0_i32 = arith.constant 0 : i32
    %c0_i32_0 = arith.constant 0 : i32
    return %arg0, %c0_i32 : i32, i32
  }
  func.func @transform_5(%arg0: i32) -> (i32, i32) {
    %c0_i32 = arith.constant 0 : i32
    %c0_i32_0 = arith.constant 0 : i32
    %c0_i32_1 = arith.constant 0 : i32
    return %c0_i32, %c0_i32_0 : i32, i32
  }
  func.func @transform_6(%arg0: i32) -> (i32, i32) {
    %c0_i32 = arith.constant 0 : i32
    %c0_i32_0 = arith.constant 0 : i32
    %c0_i32_1 = arith.constant 0 : i32
    return %c0_i32, %c0_i32_0 : i32, i32
  }
  func.func @transform_7(%arg0: i32) -> (i32, i32) {
    %c0_i32 = arith.constant 0 : i32
    %c0_i32_0 = arith.constant 0 : i32
    %c0_i32_1 = arith.constant 0 : i32
    return %c0_i32, %c0_i32_0 : i32, i32
  }
  func.func @transform_8(%arg0: i32) -> (i32, i32) {
    %c0_i32 = arith.constant 0 : i32
    %c0_i32_0 = arith.constant 0 : i32
    %c0_i32_1 = arith.constant 0 : i32
    return %c0_i32, %c0_i32_0 : i32, i32
  }
  func.func @transform_9(%arg0: i32) -> (i32, i32) {
    %c0_i32 = arith.constant 0 : i32
    %c0_i32_0 = arith.constant 0 : i32
    %c0_i32_1 = arith.constant 0 : i32
    return %c0_i32, %c0_i32_0 : i32, i32
  }
  func.func @transform_10(%arg0: i32) -> (i32, i32) {
    %c0_i32 = arith.constant 0 : i32
    %c0_i32_0 = arith.constant 0 : i32
    %c0_i32_1 = arith.constant 0 : i32
    return %c0_i32, %c0_i32_0 : i32, i32
  }
  func.func @transform_11(%arg0: i32) -> (i32, i32) {
    %c0_i32 = arith.constant 0 : i32
    %c0_i32_0 = arith.constant 0 : i32
    return %arg0, %c0_i32 : i32, i32
  }
  func.func @transform_12(%arg0: i32) -> (i32, i32) {
    %c0_i32 = arith.constant 0 : i32
    %c0_i32_0 = arith.constant 0 : i32
    return %arg0, %c0_i32 : i32, i32
  }
}

module attributes {stable_mosaic.version = 14 : i64} {
  func.func @body(%arg0: i32, %arg1: memref<1x1x1000x128xf32, #tpu.memory_space<vmem>>, %arg2: memref<1x1x1000x128xf32, #tpu.memory_space<vmem>>, %arg3: memref<1000x64xf32, #tpu.memory_space<vmem>>, %arg4: memref<1x1x1000xi32, #tpu.memory_space<vmem>>, %arg5: memref<64x10xf32, #tpu.memory_space<vmem>>, %arg6: memref<1x10xf32, #tpu.memory_space<vmem>>, %arg7: memref<64x10xf32, #tpu.memory_space<vmem>>, %arg8: memref<64x64xf32, #tpu.memory_space<vmem>>, %arg9: memref<64x1xf32, #tpu.memory_space<vmem>>) attributes {dimension_semantics = [#tpu.dimension_semantics<arbitrary>], iteration_bounds = array<i64: 10>, scalar_prefetch = 0 : i64, scratch_operands = 2 : i64, tpu.core_type = #tpu.core_type<tc>, window_params = [{transform_indices = @transform_0, window_bounds = array<i64: 1, 1, 1000, 128>}, {transform_indices = @transform_1, window_bounds = array<i64: 1, 1, 1000, 128>}, {transform_indices = @transform_2, window_bounds = array<i64: 1000, 64>}, {transform_indices = @transform_3, window_bounds = array<i64: 1, 1, 1000>}, {pipeline_mode = #tpu.pipeline_mode<synchronous>, transform_indices = @transform_4, window_bounds = array<i64: 64, 10>}, {pipeline_mode = #tpu.pipeline_mode<synchronous>, transform_indices = @transform_5, window_bounds = array<i64: 1, 10>}, {pipeline_mode = #tpu.pipeline_mode<synchronous>, transform_indices = @transform_6, window_bounds = array<i64: 64, 10>}]} {
    %eq3A = arith.constant 0 : i32
    %eq3A_0 = arith.cmpi eq, %arg0, %eq3A : i32
    %convert_element_type3A = arith.extui %eq3A_0 : i1 to i32
    %cond3A = arith.constant 0 : i32
    %cond3A_1 = arith.cmpi ne, %convert_element_type3A, %cond3A : i32
    scf.if %cond3A_1 {
      %broadcast_in_dim3A_50 = arith.constant 0.000000e+00 : f32
      %broadcast_in_dim3A_51 = vector.broadcast %broadcast_in_dim3A_50 : f32 to vector<64x64xf32>
      %swap3A_52 = arith.constant 0 : index
      %swap3A_53 = arith.constant 0 : index
      %swap3A_54 = vector.load %arg8[%swap3A_52, %swap3A_53] : memref<64x64xf32, #tpu.memory_space<vmem>>, vector<64x64xf32>
      tpu.vector_store %arg8[%swap3A_52, %swap3A_53], %broadcast_in_dim3A_51 {strides = array<i32>} : memref<64x64xf32, #tpu.memory_space<vmem>>, vector<64x64xf32>,
      %broadcast_in_dim3A_55 = arith.constant 0.000000e+00 : f32
      %broadcast_in_dim3A_56 = vector.broadcast %broadcast_in_dim3A_55 : f32 to vector<64x1xf32>
      %swap3A_57 = arith.constant 0 : index
      %swap3A_58 = arith.constant 0 : index
      %swap3A_59 = vector.load %arg9[%swap3A_57, %swap3A_58] : memref<64x1xf32, #tpu.memory_space<vmem>>, vector<64x1xf32>
      tpu.vector_store %arg9[%swap3A_57, %swap3A_58], %broadcast_in_dim3A_56 {strides = array<i32>} : memref<64x1xf32, #tpu.memory_space<vmem>>, vector<64x1xf32>,
    } else {
    }
    %get3A = arith.constant 0 : index
    %get3A_2 = arith.constant 0 : index
    %get3A_3 = arith.constant 0 : index
    %get3A_4 = arith.constant 0 : index
    %get3A_5 = vector.load %arg1[%get3A, %get3A_2, %get3A_3, %get3A_4] : memref<1x1x1000x128xf32, #tpu.memory_space<vmem>>, vector<1x1x1000x64xf32>
    %get3A_6 = vector.shape_cast %get3A_5 : vector<1x1x1000x64xf32> to vector<1000x64xf32>
    %get3A_7 = arith.constant 0 : index
    %get3A_8 = arith.constant 0 : index
    %get3A_9 = arith.constant 0 : index
    %get3A_10 = arith.constant 0 : index
    %get3A_11 = vector.load %arg2[%get3A_7, %get3A_8, %get3A_9, %get3A_10] : memref<1x1x1000x128xf32, #tpu.memory_space<vmem>>, vector<1x1x1000x64xf32>
    %get3A_12 = vector.shape_cast %get3A_11 : vector<1x1x1000x64xf32> to vector<1000x64xf32>
    %add3A = arith.addf %get3A_6, %get3A_12 : vector<1000x64xf32>
    %get3A_13 = arith.constant 0 : index
    %get3A_14 = arith.constant 0 : index
    %get3A_15 = vector.load %arg3[%get3A_13, %get3A_14] : memref<1000x64xf32, #tpu.memory_space<vmem>>, vector<1000x64xf32>
    %add3A_16 = arith.addf %add3A, %get3A_15 : vector<1000x64xf32>
    %max3A = arith.constant 0.000000e+00 : f32
    %max3A_17 = vector.broadcast %max3A : f32 to vector<1000x64xf32>
    %max3A_18 = arith.maximumf %add3A_16, %max3A_17 : vector<1000x64xf32>
    %get3A_19 = arith.constant 0 : index
    %get3A_20 = arith.constant 0 : index
    %get3A_21 = arith.constant 0 : index
    %get3A_22 = vector.load %arg4[%get3A_19, %get3A_20, %get3A_21] : memref<1x1x1000xi32, #tpu.memory_space<vmem>>, vector<1x1x1000xi32>
    %get3A_23 = vector.shape_cast %get3A_22 : vector<1x1x1000xi32> to vector<1000xi32>
    %broadcast_in_dim3A = vector.shape_cast %get3A_23 : vector<1000xi32> to vector<1x1000xi32>
    %iota3A = tpu.iota {dimensions = array<i32: 0>} : vector<64x1000xi32>
    %eq3A_24 = vector.broadcast %broadcast_in_dim3A : vector<1x1000xi32> to vector<64x1000xi32>
    %eq3A_25 = arith.cmpi eq, %eq3A_24, %iota3A : vector<64x1000xi32>
    %jit3A = arith.constant 1.000000e+00 : f32
    %jit3A_26 = arith.constant 0.000000e+00 : f32
    %broadcast_in_dim3A_27 = vector.broadcast %jit3A : f32 to vector<64x1000xf32>
    %broadcast_in_dim3A_28 = vector.broadcast %jit3A_26 : f32 to vector<64x1000xf32>
    %select_n3A = arith.select %eq3A_25, %broadcast_in_dim3A_27, %broadcast_in_dim3A_28 : vector<64x1000xi1>, vector<64x1000xf32>
    %get3A_29 = arith.constant 0 : index
    %get3A_30 = arith.constant 0 : index
    %get3A_31 = vector.load %arg8[%get3A_29, %get3A_30] : memref<64x64xf32, #tpu.memory_space<vmem>>, vector<64x64xf32>
    %dot_general3A = arith.constant dense<0.000000e+00> : vector<64x64xf32>
    %dot_general3A_32 = tpu.matmul %select_n3A, %max3A_18, %dot_general3A {dimension_numbers = #tpu.dot_dimension_numbers<[1], [0], [0], [1], [0, 0, 1, 1], [], []>, transpose_lhs_hint = false} : vector<64x1000xf32>, vector<1000x64xf32>, vector<64x64xf32> -> vector<64x64xf32>
    %add3A_33 = arith.addf %get3A_31, %dot_general3A_32 : vector<64x64xf32>
    %swap3A = arith.constant 0 : index
    %swap3A_34 = arith.constant 0 : index
    %swap3A_35 = vector.load %arg8[%swap3A, %swap3A_34] : memref<64x64xf32, #tpu.memory_space<vmem>>, vector<64x64xf32>
    tpu.vector_store %arg8[%swap3A, %swap3A_34], %add3A_33 {strides = array<i32>} : memref<64x64xf32, #tpu.memory_space<vmem>>, vector<64x64xf32>,
    %get3A_36 = arith.constant 0 : index
    %get3A_37 = arith.constant 0 : index
    %get3A_38 = vector.load %arg9[%get3A_36, %get3A_37] : memref<64x1xf32, #tpu.memory_space<vmem>>, vector<64x1xf32>
    %reduce_sum3A = arith.constant dense<0.000000e+00> : vector<64xf32>
    %reduce_sum3A_39 = vector.multi_reduction <add>, %select_n3A, %reduce_sum3A [1] : vector<64x1000xf32> to vector<64xf32>
    %broadcast_in_dim3A_40 = vector.shape_cast %reduce_sum3A_39 : vector<64xf32> to vector<64x1xf32>
    %add3A_41 = arith.addf %get3A_38, %broadcast_in_dim3A_40 : vector<64x1xf32>
    %swap3A_42 = arith.constant 0 : index
    %swap3A_43 = arith.constant 0 : index
    %swap3A_44 = vector.load %arg9[%swap3A_42, %swap3A_43] : memref<64x1xf32, #tpu.memory_space<vmem>>, vector<64x1xf32>
    tpu.vector_store %arg9[%swap3A_42, %swap3A_43], %add3A_41 {strides = array<i32>} : memref<64x1xf32, #tpu.memory_space<vmem>>, vector<64x1xf32>,
    %eq3A_45 = arith.constant 9 : i32
    %eq3A_46 = arith.cmpi eq, %arg0, %eq3A_45 : i32
    %convert_element_type3A_47 = arith.extui %eq3A_46 : i1 to i32
    %cond3A_48 = arith.constant 0 : i32
    %cond3A_49 = arith.cmpi ne, %convert_element_type3A_47, %cond3A_48 : i32
    scf.if %cond3A_49 {
      %get3A_50 = arith.constant 0 : index
      %get3A_51 = arith.constant 0 : index
      %get3A_52 = vector.load %arg8[%get3A_50, %get3A_51] : memref<64x64xf32, #tpu.memory_space<vmem>>, vector<64x64xf32>
      %get3A_53 = arith.constant 0 : index
      %get3A_54 = arith.constant 0 : index
      %get3A_55 = vector.load %arg9[%get3A_53, %get3A_54] : memref<64x1xf32, #tpu.memory_space<vmem>>, vector<64x1xf32>
      %max3A_56 = arith.constant 1.000000e+00 : f32
      %max3A_57 = vector.broadcast %max3A_56 : f32 to vector<64x1xf32>
      %max3A_58 = arith.maximumf %get3A_55, %max3A_57 : vector<64x1xf32>
      %div3A = vector.broadcast %max3A_58 : vector<64x1xf32> to vector<64x64xf32>
      %div3A_59 = arith.divf %get3A_52, %div3A : vector<64x64xf32>
      %get3A_60 = arith.constant 0 : index
      %get3A_61 = arith.constant 0 : index
      %get3A_62 = vector.load %arg5[%get3A_60, %get3A_61] : memref<64x10xf32, #tpu.memory_space<vmem>>, vector<64x10xf32>
      %dot_general3A_63 = arith.constant dense<0.000000e+00> : vector<64x10xf32>
      %dot_general3A_64 = tpu.matmul %div3A_59, %get3A_62, %dot_general3A_63 {dimension_numbers = #tpu.dot_dimension_numbers<[1], [0], [0], [1], [0, 0, 1, 1], [], []>, transpose_lhs_hint = false} : vector<64x64xf32>, vector<64x10xf32>, vector<64x10xf32> -> vector<64x10xf32>
      %get3A_65 = arith.constant 0 : index
      %get3A_66 = arith.constant 0 : index
      %get3A_67 = vector.load %arg6[%get3A_65, %get3A_66] : memref<1x10xf32, #tpu.memory_space<vmem>>, vector<1x10xf32>
      %add3A_68 = vector.broadcast %get3A_67 : vector<1x10xf32> to vector<64x10xf32>
      %add3A_69 = arith.addf %dot_general3A_64, %add3A_68 : vector<64x10xf32>
      %swap3A_70 = arith.constant 0 : index
      %swap3A_71 = arith.constant 0 : index
      %swap3A_72 = vector.load %arg7[%swap3A_70, %swap3A_71] : memref<64x10xf32, #tpu.memory_space<vmem>>, vector<64x10xf32>
      tpu.vector_store %arg7[%swap3A_70, %swap3A_71], %add3A_69 {strides = array<i32>} : memref<64x10xf32, #tpu.memory_space<vmem>>, vector<64x10xf32>,
    } else {
    }
    return
  }
  func.func @transform_0(%arg0: i32) -> (i32, i32, i32, i32) {
    %c0_i32 = arith.constant 0 : i32
    %c0_i32_0 = arith.constant 0 : i32
    %c0_i32_1 = arith.constant 0 : i32
    %c0_i32_2 = arith.constant 0 : i32
    return %c0_i32, %c0_i32_0, %arg0, %c0_i32_1 : i32, i32, i32, i32
  }
  func.func @transform_1(%arg0: i32) -> (i32, i32, i32, i32) {
    %c1_i32 = arith.constant 1 : i32
    %c0_i32 = arith.constant 0 : i32
    %c0_i32_0 = arith.constant 0 : i32
    %c0_i32_1 = arith.constant 0 : i32
    return %c1_i32, %c0_i32, %arg0, %c0_i32_0 : i32, i32, i32, i32
  }
  func.func @transform_2(%arg0: i32) -> (i32, i32) {
    %c0_i32 = arith.constant 0 : i32
    %c0_i32_0 = arith.constant 0 : i32
    return %arg0, %c0_i32 : i32, i32
  }
  func.func @transform_3(%arg0: i32) -> (i32, i32, i32) {
    %c0_i32 = arith.constant 0 : i32
    %c0_i32_0 = arith.constant 0 : i32
    %c0_i32_1 = arith.constant 0 : i32
    return %arg0, %c0_i32, %c0_i32_0 : i32, i32, i32
  }
  func.func @transform_4(%arg0: i32) -> (i32, i32) {
    %c0_i32 = arith.constant 0 : i32
    %c0_i32_0 = arith.constant 0 : i32
    %c0_i32_1 = arith.constant 0 : i32
    return %c0_i32, %c0_i32_0 : i32, i32
  }
  func.func @transform_5(%arg0: i32) -> (i32, i32) {
    %c0_i32 = arith.constant 0 : i32
    %c0_i32_0 = arith.constant 0 : i32
    %c0_i32_1 = arith.constant 0 : i32
    return %c0_i32, %c0_i32_0 : i32, i32
  }
  func.func @transform_6(%arg0: i32) -> (i32, i32) {
    %c0_i32 = arith.constant 0 : i32
    %c0_i32_0 = arith.constant 0 : i32
    %c0_i32_1 = arith.constant 0 : i32
    return %c0_i32, %c0_i32_0 : i32, i32
  }
}

</mosaic_0001>

<sc_bundles>
// kernel: kernel.6.cloned.1.call-start
scs
__scs_entry_jumppad:
0x0: {  	(pc) =	sbr.rel $0x88, $3  }
0x1: {  	(tag) =	ssettag $0x0;
	lr =	simm.s32 $0x1  }
0x2: {  	[smem:$0x3F95] =	sst lr;
	_ =	strace $0xD0000000  }
0x3: {  	_ = 	snop  }
0x4: {  	_ = 	snop  }
0x5: {  	_ = 	snop  }
0x6: {  	_ = 	snop  }
0x7: {  	_ = 	snop  }
__scs_overlays_trampoline_lowered:
0x8: {  	[smem:$0x3FA4] =	sst s0  }
0x9: {  	[smem:$0x3FA5] =	sst s1  }
0xa: {  	[smem:$0x3FA6] =	sst s2  }
0xb: {  	[smem:$0x3FA7] =	sst s3  }
0xc: {  	[smem:$0x3FA8] =	sst s4  }
0xd: {  	[smem:$0x3FA9] =	sst s5  }
0xe: {  	[smem:$0x3FAA] =	sst s6  }
0xf: {  	[smem:$0x3FAB] =	sst s7  }
0x10: {  	[smem:$0x3FAC] =	sst s8  }
0x11: {  	[smem:$0x3FAD] =	sst s9;
	s0 =	simm.s32 @!p0 $0x0  }
0x12: {  	s1 =	sld [smem:$0x3F93];
	s0 =	simm.s32 @p0 $0x1  }
0x13: {  	[smem:$0x3FAE] =	sst s0;
	s0 =	simm.s32 @!p1 $0x0  }
0x14: {  	s2 =	sld [smem:$0x3F92];
	s0 =	simm.s32 @p1 $0x1  }
0x15: {  	[smem:$0x3FAF] =	sst s0;
	s0 =	simm.s32 @!p2 $0x0  }
0x16: {  	s3 =	sld [smem:$0x3FDB];
	s0 =	simm.s32 @p2 $0x1  }
0x17: {  	s4 =	simm.s32 $0x1BF5;
	[smem:$0x3FB1] =	sst s0  }
0x18: {  	s0 =	sld [smem:$0x3F94];
	_ =	swait.ge [sflag:s4], $0x0  }
0x19: {  	s7 =	sld [smem:$0x3F95]  }
0x1a: {  	s8 =	sadd.s32 $0xFFFFE003, lr  }
0x1b: {  	s9 =	sadd.s32 $0xFFFFFEF7, lr;
	s5 =	simm.s32 $0xFFFFFFFF;
	p2 =	slt.u32 s8, $0xFFFFF086  }
0x1c: {  	p1 =	slt.u32 s9, $0xF7A;
	s5 =	simm.s32 @!p2 $0x0  }
0x1d: {  	s5 =	simm.s32 @p1 $0x1;
	p0 =	seq.s32 s7, s2  }
0x1e: {  	s7 =	smul.u32 @!p0 $0xF7A, s2;
	p2 =	seq.s32 @!p0 s5, $0x0  }
0x1f: {  	s9 =	smul.u32 $0xF7A, s1;
	s8 =	simm.s32 @!p0 $0x1BF5;
	p2 =	por !p2, p0  }
0x20: {  	[sflag:s8] =	ssyncset.s32 @!p0 $0xFFFFF086;
	s6 =	sadd.s32 @!p0 s3, s7;
	s7 =	simm.s32 @!p0 $0x108  }
0x21: {  	s3 =	sadd.s32 s3, s9;
	s6 =	sadd.s32 @!p0 $0x88, s6;
	s7 =	simm.s32 @p2 $0x1082  }
0x22: {  	[simem:s7], [sflag:s8] =	dma.local @!p0 [hbm:s6], $0xF7A  }
0x23: {  	s9 =	sor.u32 $0xD0000000, s2;
	s6 =	simm.s32 $0x108;
	_ =	swait.ge @!p0 [sflag:s8], $0x0  }
0x24: {  	s3 =	sadd.s32 $0x88, s3;
	s6 =	simm.s32 @!p1 $0x1082;
	[sflag:s4] =	ssyncset.s32 $0xFFFFF086  }
0x25: {  	[simem:s6], [sflag:s4] =	dma.local [hbm:s3], $0xF7A  }
0x26: {  	[smem:$0x3F95] =	sst s1;
	(tag) =	ssettag s2;
	_ =	strace s9  }
0x27: {  	s1 =	sld [smem:$0x3FA5]  }
0x28: {  	s2 =	sld [smem:$0x3FA6]  }
0x29: {  	s4 =	sld [smem:$0x3FA8]  }
0x2a: {  	p0 =	seq.s32 s5, $0x0;
	s5 =	sld [smem:$0x3FA9]  }
0x2b: {  	s6 =	sld [smem:$0x3FAA]  }
0x2c: {  	s7 =	sld [smem:$0x3FAB]  }
0x2d: {  	s3 =	simm.s32 $0x108;
	s8 =	sld [smem:$0x3FAC]  }
0x2e: {  	s3 =	simm.s32 @!p0 $0x1082;
	s9 =	sld [smem:$0x3FAD]  }
0x2f: {  	lr =	sadd.s32 s0, s3;
	s0 =	sld [smem:$0x3FA4]  }
0x30: {  	s3 =	sld [smem:$0x3FA7]  }
0x31: {  	[smem:$0x3FB0] =	sst s10  }
0x32: {  	s10 =	sld [smem:$0x3FAE];
	_ =	sdelay $0x3  }
0x33: {  	p0 =	seq.s32 s10, $0x1;
	s10 =	sld [smem:$0x3FB0];
	_ =	sdelay $0x3  }
0x34: {  	[smem:$0x3FB0] =	sst s10  }
0x35: {  	s10 =	sld [smem:$0x3FAF];
	_ =	sdelay $0x3  }
0x36: {  	p1 =	seq.s32 s10, $0x1;
	s10 =	sld [smem:$0x3FB0];
	_ =	sdelay $0x3  }
0x37: {  	[smem:$0x3FB0] =	sst s10  }
0x38: {  	s10 =	sld [smem:$0x3FB1]  }
0x39: {  	_ = 	snop;
	(pc) =	sbr.ind lr, $3  }
0x3a: {  	_ = 	snop  }
0x3b: {  	_ = 	snop  }
0x3c: {  	p2 =	seq.s32 s10, $0x1;
	s10 =	sld [smem:$0x3FB0]  }
0x3d: {  	_ =	shalt  }
0x3e: {  	_ =	shalt  }
0x3f: {  	_ =	shalt  }
0x40: {  	_ =	shalt  }
0x41: {  	_ =	shalt  }
0x42: {  	_ =	shalt  }
0x43: {  	_ =	shalt  }
0x44: {  	_ =	shalt  }
0x45: {  	_ =	shalt  }
0x46: {  	_ =	shalt  }
0x47: {  	_ =	shalt  }
0x48: {  	_ =	shalt  }
0x49: {  	_ =	shalt  }
0x4a: {  	_ =	shalt  }
0x4b: {  	_ =	shalt  }
0x4c: {  	_ =	shalt  }
0x4d: {  	_ =	shalt  }
0x4e: {  	_ =	shalt  }
0x4f: {  	_ =	shalt  }
0x50: {  	_ =	shalt  }
0x51: {  	_ =	shalt  }
0x52: {  	_ =	shalt  }
0x53: {  	_ =	shalt  }
0x54: {  	_ =	shalt  }
0x55: {  	_ =	shalt  }
0x56: {  	_ =	shalt  }
0x57: {  	_ =	shalt  }
0x58: {  	_ =	shalt  }
0x59: {  	_ =	shalt  }
0x5a: {  	_ =	shalt  }
0x5b: {  	_ =	shalt  }
0x5c: {  	_ =	shalt  }
0x5d: {  	_ =	shalt  }
0x5e: {  	_ =	shalt  }
0x5f: {  	_ =	shalt  }
0x60: {  	_ =	shalt  }
0x61: {  	_ =	shalt  }
0x62: {  	_ =	shalt  }
0x63: {  	_ =	shalt  }
0x64: {  	_ =	shalt  }
0x65: {  	_ =	shalt  }
0x66: {  	_ =	shalt  }
0x67: {  	_ =	shalt  }
0x68: {  	_ =	shalt  }
0x69: {  	_ =	shalt  }
0x6a: {  	_ =	shalt  }
0x6b: {  	_ =	shalt  }
0x6c: {  	_ =	shalt  }
0x6d: {  	_ =	shalt  }
0x6e: {  	_ =	shalt  }
0x6f: {  	_ =	shalt  }
0x70: {  	_ =	shalt  }
0x71: {  	_ =	shalt  }
0x72: {  	_ =	shalt  }
0x73: {  	_ =	shalt  }
0x74: {  	_ =	shalt  }
0x75: {  	_ =	shalt  }
0x76: {  	_ =	shalt  }
0x77: {  	_ =	shalt  }
0x78: {  	_ =	shalt  }
0x79: {  	_ =	shalt  }
0x7a: {  	_ =	shalt  }
0x7b: {  	_ =	shalt  }
0x7c: {  	_ =	shalt  }
0x7d: {  	_ =	shalt  }
0x7e: {  	_ =	shalt  }
0x7f: {  	_ =	shalt  }
0x80: {  	_ =	shalt  }
0x81: {  	_ =	shalt  }
0x82: {  	_ =	shalt  }
0x83: {  	_ =	shalt  }
0x84: {  	_ =	shalt  }
0x85: {  	_ =	shalt  }
0x86: {  	_ =	shalt  }
0x87: {  	_ =	shalt  }
.Lfunc_end0:
.L_simem_size_0:
called_computation_lowered:
.L_overlay_start_0:
0x88: {  	s2 =	sld [smem:$0x3FD9]  }
0x89: {  	s3 =	sld [smem:$0x3FFE];
	_ =	sdelay $0x1  }
0x8a: {  	s1 =	srdreg.scid  }
0x8b: {  	s0 =	sand.u32 $0x1, s1  }
0x8c: {  	s17 =	sshll.u32 s0, $0xA;
	s2 =	sadd.s32 s3, s2  }
0x8d: {  	s2 =	sadd.s32 s2, s17  }
0x8e: {  	[smem:$0x3FBC] =	sst s2  }
0x8f: {  	_ = 	snop  }
0x90: {  	s2 =	sld [smem:$0x3FC9]  }
0x91: {  	s18 =	sld [smem:$0x3FC7];
	(tm) =	ssettm $0x1  }
0x92: {  	s4 =	sld [smem:$0x3FFB];
	_ =	sdelay $0x3  }
0x93: {  	_ =	strace s4  }
0x94: {  	s4 =	sld [smem:$0x3FFC];
	_ =	sdelay $0x3  }
0x95: {  	_ =	strace s4  }
0x96: {  	s4 =	sld [smem:$0x3FFD];
	_ =	sdelay $0x3  }
0x97: {  	_ =	strace s4  }
0x98: {  	_ =	strace $0x8FFFFFFF  }
0x99: {  	s19 =	sld [smem:$0x3FDB];
	_ =	sdelay $0x1  }
0x9a: {  	s5 =	simm.s32 $_scs_section_size  }
0x9b: {  	s6 =	simm.s32 $_size__tile_overlayer_lowered;
	s7 =	simm.s32 $_tile_overlayer_lowered  }
0x9c: {  	s22 =	simm.s32 $0x1BFF;
	s21 =	sshll.u32 s7, $0x1;
	s4 =	sadd.s32 s5, s19  }
0x9d: {  	s8 =	simm.s32 $0x0;
	s20 =	sshll.u32 s6, $0x1;
	s6 =	sadd.s32 s21, s4  }
0x9e: {  	[timem:s8], [sflag:s22] =	dma.local [hbm:s6], s20  }
0x9f: {  	_ =	swait.ge [sflag:s22], s20  }
0xa0: {  	s5 =	ssub.s32 $0x0, s20;
	[sflag:s22] =	ssyncset.done $0x0  }
0xa1: {  	[sflag:s22] =	ssyncadd.s32 s5;
	_ =	sdelay $0x1  }
0xa2: {  	s23 =	simm.s32 $0x1B8B  }
0xa3: {  	_ =	swait.ge [sflag:s23], $0x1  }
0xa4: {  	[sflag:s23] =	ssyncset.done $0x0  }
0xa5: {  	s25 =	simm.s32 $0x1B8E;
	s24 =	sld [smem:$0x3FFE];
	[sflag:s23] =	ssyncadd.s32 $0xFFFFFFFF  }
0xa6: {  	s26 =	simm.s32 $execute0_lowered;
	[smem:$0x3FD2] =	sst s25  }
0xa7: {  	s6 =	sshll.u32 s26, $0x1;
	_ =	strace $0x80000046;
	[dreg:$0x1] =	wrdreg $0xFFFFFFFF  }
0xa8: {  	s28 =	simm.s32 $_size_execute0_lowered;
	s4 =	sadd.s32 s4, s6;
	[dreg:$0x0] =	wrdreg $0x0  }
0xa9: {  	s6 =	sshll.u32 s28, $0x1;
	[dreg:$0x2] =	wrdreg s4  }
0xaa: {  	[dreg:$0x3] =	wrdreg s6  }
0xab: {  	[dreg:$0x4] =	wrdreg $0xC0  }
0xac: {  	_ =	task [dreg:s8], $0x5FFFF  }
0xad: {  	[dreg:$0x1] =	wrdreg $0xFFFFFFFF  }
0xae: {  	[dreg:$0x0] =	wrdreg $0x60  }
0xaf: {  	[dreg:$0x2] =	wrdreg s2  }
0xb0: {  	[dreg:$0x3] =	wrdreg s24  }
0xb1: {  	[dreg:$0x4] =	wrdreg s18  }
0xb2: {  	[dreg:$0x5] =	wrdreg $0xED300  }
0xb3: {  	[dreg:$0x6] =	wrdreg $0x9  }
0xb4: {  	_ =	task.clear_ibuf [dreg:s8], $0x7FFFF;
	_ =	strace $0x90000046  }
0xb5: {  	s29 =	simm.s32 $0x9;
	_ =	strace $0x80000048  }
0xb6: {  	_ =	swait.ge [sflag:s29], $0x1  }
0xb7: {  	[sflag:s29] =	ssyncadd.s32 $0xFFFFFFFF  }
0xb8: {  	_ =	strace $0x90000048  }
0xb9: {  	_ =	sfence  }
0xba: {  	s30 =	sld [smem:$0x0];
	_ =	sdelay $0x2  }
0xbb: {  	s31 =	sshll.u32 s1, $0xD;
	s1 =	sshrl.u32 s1, $0x2  }
0xbc: {  	s3 =	sand.u32 $0x4000, s31;
	s1 =	sadd.s32 s1, s30  }
0xbd: {  	s0 =	sor.u32 s3, s0;
	s1 =	sshll.u32 s1, $0x11  }
0xbe: {  	s0 =	sor.u32 s1, s0  }
0xbf: {  	s0 =	sadd.s32 $0x8F2B, s0  }
0xc0: {  	[sflag:s0] =	ssyncadd.remote.s32 $0x1  }
0xc1: {  	_ =	sfence.sel $0xFFFF  }
0xc2: {  	[dreg:$0x0] =	wrdreg $0xFFFFFFFF;
	(pc) =	sbr.abs _section_cstart, $3  }
0xc3: {  	[dreg:$0x1] =	wrdreg $0xFFFFFFFF  }
0xc4: {  	_ =	task.clear_ibuf [dreg:s8], $0x2FFFF;
	_ =	strace $0x9FFFFFFF  }
0xc5: {  	(tm) =	ssettm $0x7FFFFFFF  }
tec
execute0_lowered:
.L_overlay_start_1:
0x0: {  	(tag) =	ssettag $0x1  }
0x1: {  	s0 =	srdreg.scid;
	s28 =	stileid.u32  }
0x2: {  	s0 =	sand.u32 $0x1, s0;
	s10 =	smul.u32 $0x2800, s28  }
0x3: {  	s9 =	sor.u32 $0x10, s28;
	s8 =	smul.u32 $0x271000, s0  }
0x4: {  	s6 =	sor.u32 $0x20, s28;
	s11 =	smul.u32 $0x2800, s9  }
0x5: {  	s2 =	sor.u32 $0x30, s28;
	s12 =	smul.u32 $0x2800, s6  }
0x6: {  	s3 =	sor.u32 $0x40, s28;
	s13 =	smul.u32 $0x2800, s2  }
0x7: {  	s4 =	sor.u32 $0x50, s28;
	s15 =	smul.u32 $0x2800, s3  }
0x8: {  	s16 =	smul.u32 $0x2800, s4  }
0x9: {  	s9 =	smul.u32 $0x5000, s9  }
0xa: {  	s6 =	smul.u32 $0x5000, s6  }
0xb: {  	s25 =	simm.s32 $0x0;
	s2 =	smul.u32 $0x5000, s2  }
0xc: {  	s30 =	rddreg [dreg:$0x1];
	s1 =	sshll.u32 s0, $0x4;
	s3 =	smul.u32 $0x5000, s3  }
0xd: {  	s0 =	ssub.s32 $0x2, s0;
	s4 =	smul.u32 $0x5000, s4;
	s1 =	sor.u32 s28, s1  }
0xe: {  	[smem:$0x7FF] =	sst s25;
	s26 =	sshrl.u32 s0, $0x1;
	s7 =	smul.u32 $0x4E2, s1  }
0xf: {  	s5 =	ssub.s32 s0, s26;
	s14 =	sadd.s32 $0x138800, s8;
	s1 =	sor.u32 $0x60, s28  }
0x10: {  	s0 =	sor.u32 $0x70, s28;
	s17 =	sadd.s32 s8, s10;
	s18 =	sadd.s32 s8, s11  }
0x11: {  	s20 =	sadd.s32 s8, s12;
	s21 =	sadd.s32 s8, s13;
	s23 =	sadd.s32 s8, s15  }
0x12: {  	s24 =	sadd.s32 s8, s16;
	s26 =	rddreg [dreg:$0x2];
	s19 =	smul.u32 $0x2800, s1  }
0x13: {  	s2 =	sshrl.u32 s2, $0x2;
	s3 =	sshrl.u32 s3, $0x2;
	s22 =	smul.u32 $0x2800, s0  }
0x14: {  	s10 =	sadd.s32 s10, s14;
	s11 =	sadd.s32 s11, s14;
	s12 =	sadd.s32 s12, s14  }
0x15: {  	s13 =	sadd.s32 s13, s14;
	s15 =	sadd.s32 s15, s14;
	s16 =	sadd.s32 s16, s14  }
0x16: {  	s17 =	sshrl.u32 s17, $0x3;
	s31 =	sshrl.u32 s18, $0x3;
	s18 =	sshrl.u32 s20, $0x3  }
0x17: {  	s20 =	sshrl.u32 s21, $0x3;
	s23 =	sshrl.u32 s23, $0x3;
	s24 =	sshrl.u32 s24, $0x3  }
0x18: {  	s5 =	smax.u32 s5, $0x1;
	s1 =	smul.u32 $0x5000, s1;
	p0 =	sgt.u32 s0, $0x7C  }
0x19: {  	s0 =	smul.u32 $0x5000, s0;
	s29 =	sadd.s32 s26, s7;
	s7 =	sadd.s32 s7, s30  }
0x1a: {  	s12 =	sshrl.u32 s12, $0x3;
	s25 =	sadd.s32 s8, s19;
	s8 =	sadd.s32 s8, s22  }
0x1b: {  	s19 =	sadd.s32 s19, s14;
	s14 =	sadd.s32 s22, s14;
	s22 =	sadd.s32 $0x15C00, s30  }
0x1c: {  	s13 =	sshrl.u32 s13, $0x3;
	[dreg:$0x5] =	wrdreg s29;
	s17 =	sadd.s32 s22, s17  }
0x1d: {  	s15 =	sshrl.u32 s15, $0x3;
	s21 =	sadd.s32 s22, s20;
	[dreg:$0x6] =	wrdreg s17  }
0x1e: {  	s26 =	sshrl.u32 s25, $0x3;
	s17 =	sadd.s32 s22, s31;
	[dreg:$0x9] =	wrdreg s21  }
0x1f: {  	s8 =	sshrl.u32 s8, $0x3;
	s29 =	sadd.s32 s22, s26;
	[dreg:$0x7] =	wrdreg s17  }
0x20: {  	s30 =	sshrl.u32 s10, $0x3;
	s8 =	sadd.s32 s22, s8;
	[dreg:$0xc] =	wrdreg s29  }
0x21: {  	s1 =	sshrl.u32 s1, $0x2;
	s17 =	sadd.s32 s22, s18;
	[dreg:$0xd] =	wrdreg s8  }
0x22: {  	s31 =	sshrl.u32 s11, $0x3;
	s8 =	sadd.s32 s22, s30;
	[dreg:$0x8] =	wrdreg s17  }
0x23: {  	s0 =	sshrl.u32 s0, $0x2;
	s11 =	sadd.s32 s22, s31;
	[dreg:$0xe] =	wrdreg s8  }
0x24: {  	s10 =	simm.s32 $0x9;
	s17 =	sadd.s32 s22, s23;
	[dreg:$0xf] =	wrdreg s11  }
0x25: {  	s20 =	sshrl.u32 s19, $0x3;
	s8 =	sadd.s32 s22, s12;
	[dreg:$0xa] =	wrdreg s17  }
0x26: {  	s19 =	simm.s32 $0x5;
	s17 =	sadd.s32 s22, s24;
	[dreg:$0x10] =	wrdreg s8  }
0x27: {  	s21 =	sshrl.u32 s14, $0x3;
	s8 =	sadd.s32 s22, s13;
	[dreg:$0xb] =	wrdreg s17  }
0x28: {  	s26 =	sshrl.u32 s9, $0x2;
	s18 =	sshrl.u32 s16, $0x3;
	[dreg:$0x11] =	wrdreg s8  }
0x29: {  	s17 =	sadd.s32 s22, s15;
	s8 =	sadd.s32 s22, s18;
	s18 =	rddreg [dreg:$0x0]  }
0x2a: {  	s9 =	simm.s32 $0x9D30;
	s14 =	simm.s32 $0x2;
	[dreg:$0x12] =	wrdreg s17  }
0x2b: {  	s29 =	sshrl.u32 s6, $0x2;
	s31 =	sshrl.u32 s4, $0x2;
	[dreg:$0x13] =	wrdreg s8  }
0x2c: {  	s6 =	simm.s32 $0x7530;
	s8 =	sadd.s32 s22, s20;
	s20 =	rddreg [dreg:$0x3]  }
0x2d: {  	s16 =	simm.s32 $0x4;
	[dreg:$0x14] =	wrdreg s8;
	s8 =	sadd.s32 s22, s21  }
0x2e: {  	s23 =	sadd.s32 $0xBE00, s7;
	s7 =	sadd.s32 $0x2000, s7;
	[dreg:$0x15] =	wrdreg s8  }
0x2f: {  	s11 =	simm.s32 $0xB130;
	_ =	strace $0x80000047;
	[dreg:$0x16] =	wrdreg s23  }
0x30: {  	s12 =	simm.s32 $0x1;
	s24 =	smul.u32 $0x5000, s28;
	[dreg:$0x17] =	wrdreg s7  }
0x31: {  	s13 =	simm.s32 $0xC530;
	s28 =	sadd.s32 s26, s20;
	[dreg:$0x18] =	wrdreg s5  }
0x32: {  	s15 =	simm.s32 $0x3;
	s2 =	sadd.s32 s2, s20;
	[dreg:$0x1a] =	wrdreg s28  }
0x33: {  	s25 =	sshrl.u32 s24, $0x2;
	s30 =	sadd.s32 s3, s20;
	[dreg:$0x1c] =	wrdreg s2  }
0x34: {  	s1 =	sadd.s32 s1, s20;
	s0 =	sadd.s32 s0, s20;
	[dreg:$0x1d] =	wrdreg s30  }
.Ltmp0:
0x35: {  	s3 =	simm.s32 $0x4E20;
	[dreg:$0x1f] =	wrdreg s1;
	(pc) =	sbr.rel .LBB2_1-.Ltmp0, $4  }
0x36: {  	s22 =	simm.s32 $0x8;
	s5 =	sadd.s32 s25, s20;
	[smem:$0x7FD] =	sst s0  }
0x37: {  	s2 =	sadd.s32 s31, s20;
	s7 =	simm.s32 $0x8930;
	[dreg:$0x19] =	wrdreg s5  }
0x38: {  	s1 =	simm.s32 $0x0;
	s5 =	sadd.s32 s29, s20;
	[dreg:$0x1e] =	wrdreg s2  }
0x39: {  	v0 =	vimm.f32 $0.0e+00;
	s2 =	simm.s32 $0xB;
	[dreg:$0x1b] =	wrdreg s5;
	s5 =	simm.s32 $0x50  }
.LBB2_33:
0x3a: {  	s0 =	simm.s32 $0x6  }
0x3b: {  	_ =	swait.ge [sflag:s0], $0x1400  }
0x3c: {  	[sflag:s0] =	ssyncset.done $0x0  }
0x3d: {  	s23 =	simm.s32 $0x7;
	[sflag:s0] =	ssyncadd.s32 $0xFFFFEC00  }
0x3e: {  	_ =	swait.ge [sflag:s23], $0x1400  }
0x3f: {  	[sflag:s23] =	ssyncset.done $0x0  }
0x40: {  	[sflag:s23] =	ssyncadd.s32 $0xFFFFEC00  }
0x41: {  	_ =	swait.ge [sflag:s22], $0x1400  }
0x42: {  	[sflag:s22] =	ssyncset.done $0x0  }
0x43: {  	[sflag:s22] =	ssyncadd.s32 $0xFFFFEC00  }
0x44: {  	_ =	swait.ge [sflag:s10], $0x1400  }
0x45: {  	[sflag:s10] =	ssyncset.done $0x0  }
0x46: {  	s24 =	simm.s32 $0xA;
	[sflag:s10] =	ssyncadd.s32 $0xFFFFEC00  }
0x47: {  	_ =	swait.ge [sflag:s24], $0x1400  }
0x48: {  	[sflag:s24] =	ssyncset.done $0x0  }
0x49: {  	[sflag:s24] =	ssyncadd.s32 $0xFFFFEC00  }
0x4a: {  	[bflag:$0x0] =	sbarrier.arrive $0xFFFF  }
0x4b: {  	s4 =	sld [smem:$0x7F4];
	_ =	sdelay $0x1  }
0x4c: {  	s1 =	simm.s32 $0x10;
	s26 =	rddreg [dreg:$0xe]  }
0x4d: {  	[hbm:s26@s1], [sflag:s25] =	dma.strided [spmem:s4@s22], $0x280, s12, $0x8   }
0x4e: {  	_ =	swait.ge [sflag:s2], $0x280  }
0x4f: {  	s29 =	sld [smem:$0x7F5]  }
0x50: {  	[sflag:s2] =	ssyncset.done $0x0  }
0x51: {  	s28 =	rddreg [dreg:$0xf];
	[sflag:s2] =	ssyncadd.s32 $0xFFFFFD80  }
0x52: {  	[hbm:s28@s1], [sflag:s25] =	dma.strided [spmem:s29@s22], $0x280, s12, $0x8   }
0x53: {  	_ =	swait.ge [sflag:s2], $0x280  }
0x54: {  	s31 =	sld [smem:$0x7F6]  }
0x55: {  	[sflag:s2] =	ssyncset.done $0x0  }
0x56: {  	s30 =	rddreg [dreg:$0x10];
	[sflag:s2] =	ssyncadd.s32 $0xFFFFFD80  }
0x57: {  	[hbm:s30@s1], [sflag:s25] =	dma.strided [spmem:s31@s22], $0x280, s12, $0x8   }
0x58: {  	_ =	swait.ge [sflag:s2], $0x280  }
0x59: {  	s17 =	sld [smem:$0x7F7]  }
0x5a: {  	[sflag:s2] =	ssyncset.done $0x0  }
0x5b: {  	s8 =	rddreg [dreg:$0x11];
	[sflag:s2] =	ssyncadd.s32 $0xFFFFFD80  }
0x5c: {  	[hbm:s8@s1], [sflag:s25] =	dma.strided [spmem:s17@s22], $0x280, s12, $0x8   }
0x5d: {  	_ =	swait.ge [sflag:s2], $0x280  }
0x5e: {  	s23 =	sld [smem:$0x7F8]  }
0x5f: {  	[sflag:s2] =	ssyncset.done $0x0  }
0x60: {  	s21 =	rddreg [dreg:$0x12];
	[sflag:s2] =	ssyncadd.s32 $0xFFFFFD80  }
0x61: {  	[hbm:s21@s1], [sflag:s25] =	dma.strided [spmem:s23@s22], $0x280, s12, $0x8   }
0x62: {  	_ =	swait.ge [sflag:s2], $0x280  }
0x63: {  	s26 =	sld [smem:$0x7F9]  }
0x64: {  	[sflag:s2] =	ssyncset.done $0x0  }
0x65: {  	s24 =	rddreg [dreg:$0x13];
	[sflag:s2] =	ssyncadd.s32 $0xFFFFFD80  }
0x66: {  	[hbm:s24@s1], [sflag:s25] =	dma.strided [spmem:s26@s22], $0x280, s12, $0x8   }
0x67: {  	_ =	swait.ge [sflag:s2], $0x280  }
0x68: {  	s29 =	sld [smem:$0x7FA]  }
0x69: {  	[sflag:s2] =	ssyncset.done $0x0  }
0x6a: {  	s28 =	rddreg [dreg:$0x14];
	[sflag:s2] =	ssyncadd.s32 $0xFFFFFD80  }
0x6b: {  	[hbm:s28@s1], [sflag:s25] =	dma.strided [spmem:s29@s22], $0x280, s12, $0x8   }
0x6c: {  	_ =	swait.ge [sflag:s2], $0x280  }
0x6d: {  	s17 =	sld [smem:$0x7FB]  }
0x6e: {  	s0 =	simm.s32 @!p0 $0x1;
	s4 =	simm.s32 @!p0 $0x8;
	[sflag:s2] =	ssyncset.done $0x0  }
0x6f: {  	s1 =	simm.s32 @!p0 $0x10;
	s8 =	rddreg [dreg:$0x15];
	[sflag:s2] =	ssyncadd.s32 $0xFFFFFD80  }
0x70: {  	[hbm:s8@s1], [sflag:s25] =	dma.strided @!p0 [spmem:s17@s4], $0x280, s0, $0x8   }
0x71: {  	s0 =	simm.s32 @!p0 $0xB  }
0x72: {  	_ =	swait.ge @!p0 [sflag:s0], $0x280  }
0x73: {  	s30 =	sld [smem:$0x7FC];
	_ =	sdelay $0x2  }
0x74: {  	s31 =	rddreg [dreg:$0x18];
	s1 =	sadd.s32 $0x1, s30  }
0x75: {  	p1 =	sne.s32 s1, s31  }
.Ltmp1:
0x76: {  	_ = 	snop;
	(pc) =	sbr.rel @!p1 .LBB2_34-.Ltmp1, $3  }
0x77: {  	[sflag:s0] =	ssyncset.done @!p0 $0x0  }
0x78: {  	[sflag:s0] =	ssyncadd.s32 @!p0 $0xFFFFFD80  }
0x79: {  	[bflag:$0x0] =	sbarrier.arrive $0xFFFF;
	_ =	sdelay $0x1  }
.LBB2_1:
0x7a: {  	[smem:$0x7FC] =	sst s1  }
0x7b: {  	s0 =	simm.s32 $0x0;
	s29 =	rddreg [dreg:$0x16]  }
0x7c: {  	[tilespmem:s0], [sflag:$0xB] =	stream.linear.gather [hbm4b:s29+s0], $0x2710, $0x38;
	[tilespmem:$0x18970] =	vst v63  }
0x7d: {  	_ =	swait.ge [sflag:s2], $0x2710  }
0x7e: {  	[sflag:s2] =	ssyncset.done $0x0  }
0x7f: {  	s4 =	simm.s32 $0x2710;
	s30 =	rddreg [dreg:$0x17];
	[sflag:s2] =	ssyncadd.s32 $0xFFFFD8F0  }
0x80: {  	[tilespmem:s4], [sflag:$0xB] =	stream.linear.gather [hbm4b:s30+s0], $0x2710, $0x38;
	[tilespmem:$0x18970] =	vst v63  }
0x81: {  	_ =	swait.ge [sflag:s2], $0x2710  }
0x82: {  	[sflag:s2] =	ssyncset.done $0x0  }
0x83: {  	s31 =	rddreg [dreg:$0x5];
	[sflag:s2] =	ssyncadd.s32 $0xFFFFD8F0  }
0x84: {  	[tilespmem:s3], [sflag:$0xB] =	stream.linear.gather [hbm4b:s31+s0], $0x2710, $0x38;
	[tilespmem:$0x18970] =	vst v63  }
0x85: {  	_ =	swait.ge [sflag:s2], $0x2710  }
0x86: {  	[sflag:s2] =	ssyncset.done $0x0  }
0x87: {  	[sflag:s2] =	ssyncadd.s32 $0xFFFFD8F0  }
0x88: {  	v1 =	vld [tilespmem:s0+$0x0];
	_ =	sdelay $0x4  }
0x89: {  	s8 =	simm.s32 $0x10;
	s17 =	simm.s32 $0x0;
	s0 =	simm.s32 $0x10;
	v1 =	vshll.u32 v1, $0x1  }
.LBB2_2:
0x8a: {  	s8 =	sadd.s32 $0x10, s8  }
0x8b: {  	v2 =	vld [tilespmem:s0+$0x0];
	[tilespmem:s17+$0x0] =	vst v1;
	s17 =	smov.u32 s0;
	p1 =	slt.u32 s8, $0x2700  }
.Ltmp2:
0x8c: {  	(pc) =	sbr.rel @p1 .LBB2_2-.Ltmp2, $2  }
0x8d: {  	_ =	sdelay $0x2  }
0x8e: {  	s0 =	sadd.s32 $0x10, s0;
	v1 =	vshll.u32 v2, $0x1  }
0x8f: {  	v2 =	vld [tilespmem:s0+$0x0];
	_ =	sdelay $0x4  }
0x90: {  	[tilespmem:s17+$0x0] =	vst v1;
	v1 =	vshll.u32 v2, $0x1  }
0x91: {  	s8 =	simm.s32 $0x100;
	[tilespmem:s0+$0x0] =	vst v1;
	s0 =	simm.s32 $0x0  }
.LBB2_4:
0x92: {  	p1 =	sne.s32 s8, $0x4F00;
	[tilespmem:s0+$0xD960] =	vst v0;
	s17 =	smov.u32 s8;
	s8 =	sadd.s32 $0x100, s8  }
.Ltmp3:
0x93: {  	[tilespmem:s0+$0xD950] =	vst v0;
	(pc) =	sbr.rel @p1 .LBB2_4-.Ltmp3, $3  }
0x94: {  	[tilespmem:s0+$0xD930] =	vst v0  }
0x95: {  	[tilespmem:s0+$0xD940] =	vst v0;
	_ =	sdelay $0x1  }
0x96: {  	s0 =	sshra.s32 s17, $0x2  }
0x97: {  	[tilespmem:s0+$0xD960] =	vst v0  }
0x98: {  	[tilespmem:s0+$0xD950] =	vst v0  }
0x99: {  	[tilespmem:s0+$0xD930] =	vst v0  }
0x9a: {  	[tilespmem:s0+$0xD940] =	vst v0;
	s21 =	rddreg [dreg:$0x19];
	s1 =	simm.s32 $0xD930  }
0x9b: {  	[spmem:s21] =	stream.linear.scatter [tilespmem:s1], [sflag:$0xB], $0x1400, $0x38;
	[tilespmem:$0x18970] =	vst v63  }
0x9c: {  	_ =	swait.ge [sflag:s2], $0x1400  }
0x9d: {  	[sflag:s2] =	ssyncset.done $0x0  }
0x9e: {  	s23 =	rddreg [dreg:$0x1a];
	[sflag:s2] =	ssyncadd.s32 $0xFFFFEC00  }
0x9f: {  	[spmem:s23] =	stream.linear.scatter [tilespmem:s1], [sflag:$0xB], $0x1400, $0x38;
	[tilespmem:$0x18970] =	vst v63  }
0xa0: {  	_ =	swait.ge [sflag:s2], $0x1400  }
0xa1: {  	[sflag:s2] =	ssyncset.done $0x0  }
0xa2: {  	s24 =	rddreg [dreg:$0x1b];
	[sflag:s2] =	ssyncadd.s32 $0xFFFFEC00  }
0xa3: {  	[spmem:s24] =	stream.linear.scatter [tilespmem:s1], [sflag:$0xB], $0x1400, $0x38;
	[tilespmem:$0x18970] =	vst v63  }
0xa4: {  	_ =	swait.ge [sflag:s2], $0x1400  }
0xa5: {  	[sflag:s2] =	ssyncset.done $0x0  }
0xa6: {  	s25 =	rddreg [dreg:$0x1c];
	[sflag:s2] =	ssyncadd.s32 $0xFFFFEC00  }
0xa7: {  	[spmem:s25] =	stream.linear.scatter [tilespmem:s1], [sflag:$0xB], $0x1400, $0x38;
	[tilespmem:$0x18970] =	vst v63  }
0xa8: {  	_ =	swait.ge [sflag:s2], $0x1400  }
0xa9: {  	[sflag:s2] =	ssyncset.done $0x0  }
0xaa: {  	s26 =	rddreg [dreg:$0x1d];
	[sflag:s2] =	ssyncadd.s32 $0xFFFFEC00  }
0xab: {  	[spmem:s26] =	stream.linear.scatter [tilespmem:s1], [sflag:$0xB], $0x1400, $0x38;
	[tilespmem:$0x18970] =	vst v63  }
0xac: {  	_ =	swait.ge [sflag:s2], $0x1400  }
0xad: {  	[sflag:s2] =	ssyncset.done $0x0  }
0xae: {  	s28 =	rddreg [dreg:$0x1e];
	[sflag:s2] =	ssyncadd.s32 $0xFFFFEC00  }
0xaf: {  	[spmem:s28] =	stream.linear.scatter [tilespmem:s1], [sflag:$0xB], $0x1400, $0x38;
	[tilespmem:$0x18970] =	vst v63  }
0xb0: {  	_ =	swait.ge [sflag:s2], $0x1400  }
0xb1: {  	[sflag:s2] =	ssyncset.done $0x0  }
0xb2: {  	s29 =	rddreg [dreg:$0x1f];
	[sflag:s2] =	ssyncadd.s32 $0xFFFFEC00  }
0xb3: {  	[spmem:s29] =	stream.linear.scatter [tilespmem:s1], [sflag:$0xB], $0x1400, $0x38;
	[tilespmem:$0x18970] =	vst v63  }
0xb4: {  	_ =	swait.ge [sflag:s2], $0x1400  }
0xb5: {  	s1 =	sld [smem:$0x7FD]  }
0xb6: {  	[sflag:s2] =	ssyncset.done $0x0  }
0xb7: {  	s0 =	simm.s32 @!p0 $0xD930;
	[sflag:s2] =	ssyncadd.s32 $0xFFFFEC00  }
0xb8: {  	[spmem:s1] =	stream.linear.scatter @!p0 [tilespmem:s0], [sflag:$0xB], $0x1400, $0x38;
	[tilespmem:$0x18970] =	vst v63  }
0xb9: {  	s0 =	simm.s32 @!p0 $0xB  }
0xba: {  	_ =	swait.ge @!p0 [sflag:s0], $0x1400  }
0xbb: {  	[sflag:s0] =	ssyncset.done @!p0 $0x0  }
0xbc: {  	[sflag:s0] =	ssyncadd.s32 @!p0 $0xFFFFEC00  }
0xbd: {  	s0 =	simm.s32 $0x0;
	[bflag:$0x0] =	sbarrier.arrive $0xFFFF  }
0xbe: {  	[tilespmem:s6], [sflag:$0x1] =	stream.indirect.gather [hbm4b:s18+s5], $0x40, s0, s5, $0xb8;
	[tilespmem:$0x18970] =	vst v63  }
0xbf: {  	_ = 	snop  }
0xc0: {  	[tilespmem:s7], [sflag:$0x2] =	stream.indirect.gather [hbm4b:s18+s5], $0x40, s5, s5, $0xb8;
	[tilespmem:$0x18970] =	vst v63  }
0xc1: {  	s30 =	simm.s32 $0xA0  }
0xc2: {  	[tilespmem:s9], [sflag:$0x3] =	stream.indirect.gather [hbm4b:s18+s5], $0x40, s30, s5, $0xb8;
	[tilespmem:$0x18970] =	vst v63  }
0xc3: {  	s31 =	simm.s32 $0xF0;
	s8 =	simm.s32 $0x0  }
0xc4: {  	[tilespmem:s11], [sflag:$0x4] =	stream.indirect.gather [hbm4b:s18+s5], $0x40, s31, s5, $0xb8;
	[tilespmem:$0x18970] =	vst v63  }
.LBB2_6:
0xc5: {  	s17 =	sadd.s32 $0xFFFFFFFC, s0  }
0xc6: {  	s21 =	sadd.s32 $0x6, s17  }
0xc7: {  	v1 =	vmov s21  }
0xc8: {  	v1 =	vand.u32 $0xFFFFFFFE, v1  }
0xc9: {  	s30 =	sadd.s32 $0x4, s17;
	v1 =	vbroadcast v1, $0x0  }
0xca: {  	_ =	swait.ge [sflag:s12], $0x1400;
	v2 =	vmov s30  }
0xcb: {  	s31 =	sadd.s32 $0x5, s17;
	[sflag:s12] =	ssyncset.done $0x0;
	s17 =	sadd.s32 $0x7, s17;
	v2 =	vand.u32 $0xFFFFFFFC, v2  }
0xcc: {  	[sflag:s12] =	ssyncadd.s32 $0xFFFFEC00;
	v5 =	vmov s17;
	s17 =	simm.s32 $0x75B0;
	v4 =	vbroadcast v2, $0x0  }
0xcd: {  	v3 =	vmov s31;
	v6 =	vld [tilespmem:s17+$0x30]  }
0xce: {  	v9 =	vld [tilespmem:s17+$0xFFFFFF80];
	v2 =	vand.u32 $0xFFFFFFFD, v3  }
0xcf: {  	v3 =	vbroadcast v2, $0x0;
	v2 =	vld.idx.msk [tilespmem:v1+s3+$0x0], $0xffff  }
0xd0: {  	v8 =	vld [tilespmem:s17+$0xFFFFFF90]  }
0xd1: {  	v7 =	vld [tilespmem:s17+$0xFFFFFFA0]  }
0xd2: {  	v4 =	vld.idx.msk [tilespmem:v4+s3+$0x0], $0xffff  }
0xd3: {  	v1 =	vld.idx.msk [tilespmem:v5+s3+$0x0], $0xffff  }
0xd4: {  	v5 =	vld [tilespmem:s17+$0xFFFFFFB0];
	v6 =	vmul.f32 v6, v2  }
0xd5: {  	v3 =	vld.idx.msk [tilespmem:v3+s3+$0x0], $0xffff  }
0xd6: {  	s23 =	simm.s32 $0x0;
	s21 =	simm.s32 $0x75B0;
	[tilespmem:s17+$0x30] =	vst v6;
	v6 =	vld [tilespmem:s17+$0xFFFFFFC0]  }
.LBB2_7:
0xd7: {  	s25 =	sadd.s32 s23, s0;
	s23 =	sadd.s32 $0x4, s23;
	v9 =	vmul.f32 v9, v4;
	v10 =	vld [tilespmem:s17+$0xFFFFFFD0]  }
0xd8: {  	s26 =	sadd.s32 $0x4, s25;
	s28 =	sadd.s32 $0x6, s25;
	p1 =	slt.u32 s23, $0x4C;
	v8 =	vmul.f32 v8, v4;
	v11 =	vld [tilespmem:s17+$0xFFFFFFE0]  }
0xd9: {  	v12 =	vmov s26;
	s26 =	sadd.s32 $0x5, s25;
	v13 =	vmov s28;
	s25 =	sadd.s32 $0x7, s25;
	[tilespmem:s17+$0xFFFFFF80] =	vst v9;
	v7 =	vmul.f32 v7, v4;
	v9 =	vld [tilespmem:s17+$0xFFFFFFF0]  }
0xda: {  	v12 =	vand.u32 $0xFFFFFFFC, v12;
	v14 =	vmov s26;
	v13 =	vand.u32 $0xFFFFFFFE, v13;
	[tilespmem:s17+$0xFFFFFF90] =	vst v8;
	v8 =	vld [tilespmem:s17+$0x0]  }
0xdb: {  	v12 =	vbroadcast v12, $0x0;
	v14 =	vand.u32 $0xFFFFFFFD, v14;
	v13 =	vbroadcast v13, $0x0;
	[tilespmem:s17+$0xFFFFFFA0] =	vst v7;
	v7 =	vld [tilespmem:s17+$0x10]  }
0xdc: {  	v15 =	vmov s25;
	v4 =	vmul.f32 v5, v4;
	v14 =	vbroadcast v14, $0x0;
	v5 =	vld [tilespmem:s17+$0x20]  }
0xdd: {  	v6 =	vmul.f32 v6, v3;
	v10 =	vmul.f32 v10, v3;
	v16 =	vld [tilespmem:s17+$0x40]  }
0xde: {  	[tilespmem:s17+$0xFFFFFFB0] =	vst v4;
	v4 =	vmul.f32 v11, v3;
	v3 =	vmul.f32 v9, v3;
	v9 =	vld [tilespmem:s17+$0x50]  }
0xdf: {  	[tilespmem:s17+$0xFFFFFFC0] =	vst v6;
	v6 =	vmul.f32 v8, v2;
	v8 =	vld [tilespmem:s17+$0x60]  }
0xe0: {  	[tilespmem:s17+$0xFFFFFFD0] =	vst v10;
	v7 =	vmul.f32 v7, v2;
	v10 =	vld [tilespmem:s17+$0x70]  }
0xe1: {  	s17 =	sadd.s32 $0x100, s17;
	[tilespmem:s21+$0xFFFFFFE0] =	vst v4;
	v5 =	vmul.f32 v5, v2;
	v2 =	vld.idx.msk [tilespmem:v13+s3+$0x0], $0xffff  }
0xe2: {  	v11 =	vld [tilespmem:s17+$0x30];
	[tilespmem:s21+$0xFFFFFFF0] =	vst v3;
	v13 =	vmul.f32 v16, v1  }
0xe3: {  	v4 =	vld.idx.msk [tilespmem:v12+s3+$0x0], $0xffff;
	[tilespmem:s21+$0x0] =	vst v6;
	v6 =	vmul.f32 v9, v1  }
0xe4: {  	v3 =	vld.idx.msk [tilespmem:v14+s3+$0x0], $0xffff;
	[tilespmem:s21+$0x10] =	vst v7;
	v12 =	vmul.f32 v8, v1  }
0xe5: {  	[tilespmem:s21+$0x20] =	vst v5;
	v10 =	vmul.f32 v10, v1;
	v1 =	vld.idx.msk [tilespmem:v15+s3+$0x0], $0xffff  }
.Ltmp4:
0xe6: {  	v9 =	vld [tilespmem:s17+$0xFFFFFF80];
	[tilespmem:s21+$0x40] =	vst v13;
	(pc) =	sbr.rel @p1 .LBB2_7-.Ltmp4, $4  }
0xe7: {  	v8 =	vld [tilespmem:s17+$0xFFFFFF90];
	v11 =	vmul.f32 v11, v2;
	[tilespmem:s21+$0x50] =	vst v6  }
0xe8: {  	v7 =	vld [tilespmem:s17+$0xFFFFFFA0];
	[tilespmem:s21+$0x60] =	vst v12  }
0xe9: {  	v5 =	vld [tilespmem:s17+$0xFFFFFFB0];
	[tilespmem:s17+$0x30] =	vst v11  }
0xea: {  	v6 =	vld [tilespmem:s17+$0xFFFFFFC0];
	[tilespmem:s21+$0x70] =	vst v10;
	s21 =	smov.u32 s17  }
0xeb: {  	v9 =	vmul.f32 v9, v4;
	v10 =	vld [tilespmem:s17+$0xFFFFFFD0]  }
0xec: {  	v11 =	vld [tilespmem:s17+$0xFFFFFFE0];
	v8 =	vmul.f32 v8, v4  }
0xed: {  	[tilespmem:s17+$0xFFFFFF80] =	vst v9;
	v7 =	vmul.f32 v7, v4;
	v9 =	vld [tilespmem:s17+$0xFFFFFFF0]  }
0xee: {  	[tilespmem:s17+$0xFFFFFF90] =	vst v8;
	v8 =	vld [tilespmem:s17+$0x0];
	v4 =	vmul.f32 v5, v4  }
0xef: {  	v5 =	vld [tilespmem:s17+$0x10];
	[tilespmem:s17+$0xFFFFFFA0] =	vst v7;
	v6 =	vmul.f32 v6, v3  }
0xf0: {  	v7 =	vld [tilespmem:s17+$0x20];
	v10 =	vmul.f32 v10, v3;
	[tilespmem:s17+$0xFFFFFFB0] =	vst v4  }
0xf1: {  	v4 =	vld [tilespmem:s17+$0x40];
	v11 =	vmul.f32 v11, v3;
	[tilespmem:s17+$0xFFFFFFC0] =	vst v6  }
0xf2: {  	v6 =	vld [tilespmem:s17+$0x50];
	v3 =	vmul.f32 v9, v3;
	[tilespmem:s17+$0xFFFFFFD0] =	vst v10  }
0xf3: {  	v9 =	vld [tilespmem:s17+$0x60];
	v8 =	vmul.f32 v8, v2;
	[tilespmem:s21+$0xFFFFFFE0] =	vst v11  }
0xf4: {  	v10 =	vld [tilespmem:s17+$0x70];
	v5 =	vmul.f32 v5, v2;
	[tilespmem:s21+$0xFFFFFFF0] =	vst v3  }
0xf5: {  	v2 =	vmul.f32 v7, v2;
	[tilespmem:s21+$0x0] =	vst v8  }
0xf6: {  	v3 =	vmul.f32 v4, v1;
	[tilespmem:s21+$0x10] =	vst v5  }
0xf7: {  	v4 =	vmul.f32 v6, v1;
	[tilespmem:s21+$0x20] =	vst v2  }
0xf8: {  	s25 =	smul.u32 $0x640, s8;
	v2 =	vmul.f32 v9, v1;
	[tilespmem:s21+$0x40] =	vst v3  }
0xf9: {  	v1 =	vmul.f32 v10, v1;
	[tilespmem:s21+$0x50] =	vst v4  }
0xfa: {  	s17 =	sshra.s32 s25, $0x2;
	[tilespmem:s21+$0x60] =	vst v2  }
0xfb: {  	s23 =	sadd.s32 $0x2710, s17;
	[tilespmem:s21+$0x70] =	vst v1  }
0xfc: {  	[spmem:s20] =	stream.indirect.scatter.add.f32 [tilespmem:s6], [sflag:$0x6], $0x40, s23, s5, $0xb8;
	[tilespmem:$0x18970] =	vst v63  }
0xfd: {  	s26 =	sadd.s32 $0xFFFFFFFC, s0;
	p1 =	seq.s32 s8, $0x0;
	s23 =	smul.u32 $0x5, s8  }
0xfe: {  	s24 =	sadd.s32 $0x56, s26;
	s29 =	simm.s32 @!p1 $0xA  }
0xff: {  	v1 =	vmov s24;
	_ =	swait.ge @!p1 [sflag:s29], $0x1400;
	s28 =	sadd.s32 $0x4, s23  }
0x100: {  	v1 =	vand.u32 $0xFFFFFFFE, v1;
	[sflag:s29] =	ssyncset.done @!p1 $0x0;
	s31 =	smul.u32 $0x140, s28  }
0x101: {  	v1 =	vbroadcast v1, $0x0;
	s28 =	sadd.s32 $0x54, s26;
	[sflag:s29] =	ssyncadd.s32 @!p1 $0xFFFFEC00  }
0x102: {  	v2 =	vmov s28;
	s28 =	sadd.s32 $0x55, s26;
	s26 =	sadd.s32 $0x57, s26;
	s21 =	sshra.s32 s31, $0x2  }
0x103: {  	[tilespmem:s13], [sflag:$0x5] =	stream.indirect.gather [hbm4b:s18+s5], $0x40, s21, s5, $0xb8;
	[tilespmem:$0x18970] =	vst v63  }
0x104: {  	v5 =	vmov s26;
	_ =	swait.ge [sflag:s14], $0x1400  }
0x105: {  	v2 =	vand.u32 $0xFFFFFFFC, v2;
	v3 =	vmov s28;
	[sflag:s14] =	ssyncset.done $0x0  }
0x106: {  	v4 =	vbroadcast v2, $0x0;
	v2 =	vand.u32 $0xFFFFFFFD, v3;
	[sflag:s14] =	ssyncadd.s32 $0xFFFFEC00  }
0x107: {  	s26 =	simm.s32 $0x89B0;
	v3 =	vbroadcast v2, $0x0;
	v2 =	vld.idx.msk [tilespmem:v1+s3+$0x0], $0xffff  }
0x108: {  	v6 =	vld [tilespmem:s26+$0x30]  }
0x109: {  	v1 =	vld.idx.msk [tilespmem:v5+s3+$0x0], $0xffff  }
0x10a: {  	v9 =	vld [tilespmem:s26+$0xFFFFFF80]  }
0x10b: {  	v8 =	vld [tilespmem:s26+$0xFFFFFF90]  }
0x10c: {  	v4 =	vld.idx.msk [tilespmem:v4+s3+$0x0], $0xffff  }
0x10d: {  	v7 =	vld [tilespmem:s26+$0xFFFFFFA0]  }
0x10e: {  	v5 =	vld [tilespmem:s26+$0xFFFFFFB0];
	v6 =	vmul.f32 v6, v2  }
0x10f: {  	v3 =	vld.idx.msk [tilespmem:v3+s3+$0x0], $0xffff  }
0x110: {  	s30 =	simm.s32 $0x0;
	s29 =	sadd.s32 $0x1, s23;
	s28 =	simm.s32 $0x89B0;
	[tilespmem:s26+$0x30] =	vst v6;
	v6 =	vld [tilespmem:s26+$0xFFFFFFC0]  }
.LBB2_9:
0x111: {  	s31 =	sadd.s32 s30, s0;
	s30 =	sadd.s32 $0x4, s30;
	v9 =	vmul.f32 v9, v4;
	v10 =	vld [tilespmem:s26+$0xFFFFFFD0]  }
0x112: {  	s4 =	sadd.s32 $0x54, s31;
	s24 =	sadd.s32 $0x56, s31;
	p1 =	slt.u32 s30, $0x4C;
	v8 =	vmul.f32 v8, v4;
	v11 =	vld [tilespmem:s26+$0xFFFFFFE0]  }
0x113: {  	v12 =	vmov s4;
	s4 =	sadd.s32 $0x55, s31;
	v13 =	vmov s24;
	s24 =	sadd.s32 $0x57, s31;
	[tilespmem:s26+$0xFFFFFF80] =	vst v9;
	v7 =	vmul.f32 v7, v4;
	v9 =	vld [tilespmem:s26+$0xFFFFFFF0]  }
0x114: {  	v12 =	vand.u32 $0xFFFFFFFC, v12;
	v14 =	vmov s4;
	v13 =	vand.u32 $0xFFFFFFFE, v13;
	[tilespmem:s26+$0xFFFFFF90] =	vst v8;
	v8 =	vld [tilespmem:s26+$0x0]  }
0x115: {  	v12 =	vbroadcast v12, $0x0;
	v14 =	vand.u32 $0xFFFFFFFD, v14;
	v13 =	vbroadcast v13, $0x0;
	[tilespmem:s26+$0xFFFFFFA0] =	vst v7;
	v7 =	vld [tilespmem:s26+$0x10]  }
0x116: {  	v15 =	vmov s24;
	v4 =	vmul.f32 v5, v4;
	v14 =	vbroadcast v14, $0x0;
	v5 =	vld [tilespmem:s26+$0x20]  }
0x117: {  	v6 =	vmul.f32 v6, v3;
	v10 =	vmul.f32 v10, v3;
	v16 =	vld [tilespmem:s26+$0x40]  }
0x118: {  	[tilespmem:s26+$0xFFFFFFB0] =	vst v4;
	v4 =	vmul.f32 v11, v3;
	v3 =	vmul.f32 v9, v3;
	v9 =	vld [tilespmem:s26+$0x50]  }
0x119: {  	[tilespmem:s26+$0xFFFFFFC0] =	vst v6;
	v6 =	vmul.f32 v8, v2;
	v8 =	vld [tilespmem:s26+$0x60]  }
0x11a: {  	[tilespmem:s26+$0xFFFFFFD0] =	vst v10;
	v7 =	vmul.f32 v7, v2;
	v10 =	vld [tilespmem:s26+$0x70]  }
0x11b: {  	s26 =	sadd.s32 $0x100, s26;
	[tilespmem:s28+$0xFFFFFFE0] =	vst v4;
	v5 =	vmul.f32 v5, v2;
	v2 =	vld.idx.msk [tilespmem:v13+s3+$0x0], $0xffff  }
0x11c: {  	v11 =	vld [tilespmem:s26+$0x30];
	[tilespmem:s28+$0xFFFFFFF0] =	vst v3;
	v13 =	vmul.f32 v16, v1  }
0x11d: {  	v4 =	vld.idx.msk [tilespmem:v12+s3+$0x0], $0xffff;
	[tilespmem:s28+$0x0] =	vst v6;
	v6 =	vmul.f32 v9, v1  }
0x11e: {  	v3 =	vld.idx.msk [tilespmem:v14+s3+$0x0], $0xffff;
	[tilespmem:s28+$0x10] =	vst v7;
	v12 =	vmul.f32 v8, v1  }
0x11f: {  	[tilespmem:s28+$0x20] =	vst v5;
	v10 =	vmul.f32 v10, v1;
	v1 =	vld.idx.msk [tilespmem:v15+s3+$0x0], $0xffff  }
.Ltmp5:
0x120: {  	v9 =	vld [tilespmem:s26+$0xFFFFFF80];
	[tilespmem:s28+$0x40] =	vst v13;
	(pc) =	sbr.rel @p1 .LBB2_9-.Ltmp5, $4  }
0x121: {  	v8 =	vld [tilespmem:s26+$0xFFFFFF90];
	v11 =	vmul.f32 v11, v2;
	[tilespmem:s28+$0x50] =	vst v6  }
0x122: {  	v7 =	vld [tilespmem:s26+$0xFFFFFFA0];
	[tilespmem:s28+$0x60] =	vst v12  }
0x123: {  	v5 =	vld [tilespmem:s26+$0xFFFFFFB0];
	[tilespmem:s26+$0x30] =	vst v11  }
0x124: {  	v6 =	vld [tilespmem:s26+$0xFFFFFFC0];
	[tilespmem:s28+$0x70] =	vst v10;
	s28 =	smov.u32 s26  }
0x125: {  	v9 =	vmul.f32 v9, v4;
	v10 =	vld [tilespmem:s26+$0xFFFFFFD0]  }
0x126: {  	v11 =	vld [tilespmem:s26+$0xFFFFFFE0];
	v8 =	vmul.f32 v8, v4  }
0x127: {  	[tilespmem:s26+$0xFFFFFF80] =	vst v9;
	v7 =	vmul.f32 v7, v4;
	v9 =	vld [tilespmem:s26+$0xFFFFFFF0]  }
0x128: {  	[tilespmem:s26+$0xFFFFFF90] =	vst v8;
	v8 =	vld [tilespmem:s26+$0x0];
	v4 =	vmul.f32 v5, v4  }
0x129: {  	v5 =	vld [tilespmem:s26+$0x10];
	[tilespmem:s26+$0xFFFFFFA0] =	vst v7;
	v6 =	vmul.f32 v6, v3  }
0x12a: {  	v7 =	vld [tilespmem:s26+$0x20];
	v10 =	vmul.f32 v10, v3;
	[tilespmem:s26+$0xFFFFFFB0] =	vst v4  }
0x12b: {  	v4 =	vld [tilespmem:s26+$0x40];
	v11 =	vmul.f32 v11, v3;
	[tilespmem:s26+$0xFFFFFFC0] =	vst v6  }
0x12c: {  	v6 =	vld [tilespmem:s26+$0x50];
	v3 =	vmul.f32 v9, v3;
	[tilespmem:s26+$0xFFFFFFD0] =	vst v10  }
0x12d: {  	v9 =	vld [tilespmem:s26+$0x60];
	v8 =	vmul.f32 v8, v2;
	[tilespmem:s28+$0xFFFFFFE0] =	vst v11  }
0x12e: {  	v10 =	vld [tilespmem:s26+$0x70];
	v5 =	vmul.f32 v5, v2;
	[tilespmem:s28+$0xFFFFFFF0] =	vst v3  }
0x12f: {  	v2 =	vmul.f32 v7, v2;
	[tilespmem:s28+$0x0] =	vst v8  }
0x130: {  	v3 =	vmul.f32 v4, v1;
	[tilespmem:s28+$0x10] =	vst v5  }
0x131: {  	v4 =	vmul.f32 v6, v1;
	[tilespmem:s28+$0x20] =	vst v2  }
0x132: {  	s4 =	smul.u32 $0x140, s29;
	v2 =	vmul.f32 v9, v1;
	[tilespmem:s28+$0x40] =	vst v3  }
0x133: {  	v1 =	vmul.f32 v10, v1;
	[tilespmem:s28+$0x50] =	vst v4  }
0x134: {  	s4 =	sshra.s32 s4, $0x2;
	[tilespmem:s28+$0x60] =	vst v2  }
0x135: {  	p1 =	seq.s32 s8, $0x18;
	s4 =	sadd.s32 $0x2710, s4;
	[tilespmem:s28+$0x70] =	vst v1  }
0x136: {  	[spmem:s20] =	stream.indirect.scatter.add.f32 [tilespmem:s7], [sflag:$0x7], $0x40, s4, s5, $0xb8;
	[tilespmem:$0x18970] =	vst v63  }
0x137: {  	s24 =	simm.s32 @!p1 $0x6;
	s4 =	sadd.s32 $0xFFFFFFFC, s0  }
0x138: {  	s25 =	sshra.s32 @!p1 s25, $0x2;
	s31 =	sadd.s32 $0xA6, s4;
	_ =	swait.ge @!p1 [sflag:s24], $0x1400  }
0x139: {  	s29 =	simm.s32 @!p1 $0x7530;
	s26 =	sadd.s32 @!p1 $0x190, s25;
	v1 =	vmov s31;
	[sflag:s24] =	ssyncset.done @!p1 $0x0  }
0x13a: {  	s28 =	simm.s32 @!p1 $0x50;
	s1 =	sadd.s32 $0xA4, s4;
	v1 =	vand.u32 $0xFFFFFFFE, v1;
	[sflag:s24] =	ssyncadd.s32 @!p1 $0xFFFFEC00  }
0x13b: {  	v1 =	vbroadcast v1, $0x0;
	[tilespmem:s29], [sflag:$0x1] =	stream.indirect.gather @!p1 [hbm4b:s18+s28], $0x40, s26, s28, $0xb8;
	[tilespmem:$0x18970] =	vst v63  }
0x13c: {  	v2 =	vmov s1;
	_ =	swait.ge [sflag:s15], $0x1400  }
0x13d: {  	v2 =	vand.u32 $0xFFFFFFFC, v2;
	[sflag:s15] =	ssyncset.done $0x0  }
0x13e: {  	s31 =	sadd.s32 $0xA5, s4;
	v4 =	vbroadcast v2, $0x0;
	s26 =	simm.s32 $0x9DB0;
	[sflag:s15] =	ssyncadd.s32 $0xFFFFEC00  }
0x13f: {  	s4 =	sadd.s32 $0xA7, s4;
	v3 =	vmov s31;
	v6 =	vld [tilespmem:s26+$0x30]  }
0x140: {  	v5 =	vmov s4;
	v2 =	vand.u32 $0xFFFFFFFD, v3;
	v9 =	vld [tilespmem:s26+$0xFFFFFF80]  }
0x141: {  	v3 =	vbroadcast v2, $0x0;
	v2 =	vld.idx.msk [tilespmem:v1+s3+$0x0], $0xffff  }
0x142: {  	v8 =	vld [tilespmem:s26+$0xFFFFFF90]  }
0x143: {  	v7 =	vld [tilespmem:s26+$0xFFFFFFA0]  }
0x144: {  	v4 =	vld.idx.msk [tilespmem:v4+s3+$0x0], $0xffff  }
0x145: {  	v1 =	vld.idx.msk [tilespmem:v5+s3+$0x0], $0xffff  }
0x146: {  	v5 =	vld [tilespmem:s26+$0xFFFFFFB0];
	v6 =	vmul.f32 v6, v2  }
0x147: {  	v3 =	vld.idx.msk [tilespmem:v3+s3+$0x0], $0xffff  }
0x148: {  	s30 =	simm.s32 $0x0;
	s29 =	sadd.s32 $0x2, s23;
	s28 =	simm.s32 $0x9DB0;
	[tilespmem:s26+$0x30] =	vst v6;
	v6 =	vld [tilespmem:s26+$0xFFFFFFC0]  }
.LBB2_11:
0x149: {  	s4 =	sadd.s32 s30, s0;
	s30 =	sadd.s32 $0x4, s30;
	v9 =	vmul.f32 v9, v4;
	v10 =	vld [tilespmem:s26+$0xFFFFFFD0]  }
0x14a: {  	s24 =	sadd.s32 $0xA4, s4;
	s31 =	sadd.s32 $0xA6, s4;
	p2 =	slt.u32 s30, $0x4C;
	v8 =	vmul.f32 v8, v4;
	v11 =	vld [tilespmem:s26+$0xFFFFFFE0]  }
0x14b: {  	v12 =	vmov s24;
	s24 =	sadd.s32 $0xA5, s4;
	v13 =	vmov s31;
	s4 =	sadd.s32 $0xA7, s4;
	[tilespmem:s26+$0xFFFFFF80] =	vst v9;
	v7 =	vmul.f32 v7, v4;
	v9 =	vld [tilespmem:s26+$0xFFFFFFF0]  }
0x14c: {  	v12 =	vand.u32 $0xFFFFFFFC, v12;
	v14 =	vmov s24;
	v13 =	vand.u32 $0xFFFFFFFE, v13;
	[tilespmem:s26+$0xFFFFFF90] =	vst v8;
	v8 =	vld [tilespmem:s26+$0x0]  }
0x14d: {  	v12 =	vbroadcast v12, $0x0;
	v14 =	vand.u32 $0xFFFFFFFD, v14;
	v13 =	vbroadcast v13, $0x0;
	[tilespmem:s26+$0xFFFFFFA0] =	vst v7;
	v7 =	vld [tilespmem:s26+$0x10]  }
0x14e: {  	v15 =	vmov s4;
	v4 =	vmul.f32 v5, v4;
	v14 =	vbroadcast v14, $0x0;
	v5 =	vld [tilespmem:s26+$0x20]  }
0x14f: {  	v6 =	vmul.f32 v6, v3;
	v10 =	vmul.f32 v10, v3;
	v16 =	vld [tilespmem:s26+$0x40]  }
0x150: {  	[tilespmem:s26+$0xFFFFFFB0] =	vst v4;
	v4 =	vmul.f32 v11, v3;
	v3 =	vmul.f32 v9, v3;
	v9 =	vld [tilespmem:s26+$0x50]  }
0x151: {  	[tilespmem:s26+$0xFFFFFFC0] =	vst v6;
	v6 =	vmul.f32 v8, v2;
	v8 =	vld [tilespmem:s26+$0x60]  }
0x152: {  	[tilespmem:s26+$0xFFFFFFD0] =	vst v10;
	v7 =	vmul.f32 v7, v2;
	v10 =	vld [tilespmem:s26+$0x70]  }
0x153: {  	s26 =	sadd.s32 $0x100, s26;
	[tilespmem:s28+$0xFFFFFFE0] =	vst v4;
	v5 =	vmul.f32 v5, v2;
	v2 =	vld.idx.msk [tilespmem:v13+s3+$0x0], $0xffff  }
0x154: {  	v11 =	vld [tilespmem:s26+$0x30];
	[tilespmem:s28+$0xFFFFFFF0] =	vst v3;
	v13 =	vmul.f32 v16, v1  }
0x155: {  	v4 =	vld.idx.msk [tilespmem:v12+s3+$0x0], $0xffff;
	[tilespmem:s28+$0x0] =	vst v6;
	v6 =	vmul.f32 v9, v1  }
0x156: {  	v3 =	vld.idx.msk [tilespmem:v14+s3+$0x0], $0xffff;
	[tilespmem:s28+$0x10] =	vst v7;
	v12 =	vmul.f32 v8, v1  }
0x157: {  	[tilespmem:s28+$0x20] =	vst v5;
	v10 =	vmul.f32 v10, v1;
	v1 =	vld.idx.msk [tilespmem:v15+s3+$0x0], $0xffff  }
.Ltmp6:
0x158: {  	v9 =	vld [tilespmem:s26+$0xFFFFFF80];
	[tilespmem:s28+$0x40] =	vst v13;
	(pc) =	sbr.rel @p2 .LBB2_11-.Ltmp6, $4  }
0x159: {  	v8 =	vld [tilespmem:s26+$0xFFFFFF90];
	v11 =	vmul.f32 v11, v2;
	[tilespmem:s28+$0x50] =	vst v6  }
0x15a: {  	v7 =	vld [tilespmem:s26+$0xFFFFFFA0];
	[tilespmem:s28+$0x60] =	vst v12  }
0x15b: {  	v5 =	vld [tilespmem:s26+$0xFFFFFFB0];
	[tilespmem:s26+$0x30] =	vst v11  }
0x15c: {  	v6 =	vld [tilespmem:s26+$0xFFFFFFC0];
	[tilespmem:s28+$0x70] =	vst v10;
	s28 =	smov.u32 s26  }
0x15d: {  	v9 =	vmul.f32 v9, v4;
	v10 =	vld [tilespmem:s26+$0xFFFFFFD0]  }
0x15e: {  	v11 =	vld [tilespmem:s26+$0xFFFFFFE0];
	v8 =	vmul.f32 v8, v4  }
0x15f: {  	[tilespmem:s26+$0xFFFFFF80] =	vst v9;
	v7 =	vmul.f32 v7, v4;
	v9 =	vld [tilespmem:s26+$0xFFFFFFF0]  }
0x160: {  	[tilespmem:s26+$0xFFFFFF90] =	vst v8;
	v8 =	vld [tilespmem:s26+$0x0];
	v4 =	vmul.f32 v5, v4  }
0x161: {  	v5 =	vld [tilespmem:s26+$0x10];
	[tilespmem:s26+$0xFFFFFFA0] =	vst v7;
	v6 =	vmul.f32 v6, v3  }
0x162: {  	v7 =	vld [tilespmem:s26+$0x20];
	v10 =	vmul.f32 v10, v3;
	[tilespmem:s26+$0xFFFFFFB0] =	vst v4  }
0x163: {  	v4 =	vld [tilespmem:s26+$0x40];
	v11 =	vmul.f32 v11, v3;
	[tilespmem:s26+$0xFFFFFFC0] =	vst v6  }
0x164: {  	v6 =	vld [tilespmem:s26+$0x50];
	v3 =	vmul.f32 v9, v3;
	[tilespmem:s26+$0xFFFFFFD0] =	vst v10  }
0x165: {  	v9 =	vld [tilespmem:s26+$0x60];
	v8 =	vmul.f32 v8, v2;
	[tilespmem:s28+$0xFFFFFFE0] =	vst v11  }
0x166: {  	v10 =	vld [tilespmem:s26+$0x70];
	v5 =	vmul.f32 v5, v2;
	[tilespmem:s28+$0xFFFFFFF0] =	vst v3  }
0x167: {  	v2 =	vmul.f32 v7, v2;
	[tilespmem:s28+$0x0] =	vst v8  }
0x168: {  	v3 =	vmul.f32 v4, v1;
	[tilespmem:s28+$0x10] =	vst v5  }
0x169: {  	v4 =	vmul.f32 v6, v1;
	[tilespmem:s28+$0x20] =	vst v2  }
0x16a: {  	s4 =	smul.u32 $0x140, s29;
	v2 =	vmul.f32 v9, v1;
	[tilespmem:s28+$0x40] =	vst v3  }
0x16b: {  	v1 =	vmul.f32 v10, v1;
	[tilespmem:s28+$0x50] =	vst v4  }
0x16c: {  	s4 =	sshra.s32 s4, $0x2;
	[tilespmem:s28+$0x60] =	vst v2  }
0x16d: {  	s4 =	sadd.s32 $0x2710, s4;
	[tilespmem:s28+$0x70] =	vst v1  }
0x16e: {  	[spmem:s20] =	stream.indirect.scatter.add.f32 [tilespmem:s9], [sflag:$0x8], $0x40, s4, s5, $0xb8;
	[tilespmem:$0x18970] =	vst v63  }
0x16f: {  	s24 =	simm.s32 @!p1 $0x7;
	s4 =	sadd.s32 $0xFFFFFFFC, s0  }
0x170: {  	s1 =	sadd.s32 $0xF6, s4;
	_ =	swait.ge @!p1 [sflag:s24], $0x1400  }
0x171: {  	s29 =	simm.s32 @!p1 $0x8930;
	s26 =	sadd.s32 @!p1 $0x1E0, s25;
	v1 =	vmov s1;
	[sflag:s24] =	ssyncset.done @!p1 $0x0  }
0x172: {  	s28 =	simm.s32 @!p1 $0x50;
	s30 =	sadd.s32 $0xF4, s4;
	v1 =	vand.u32 $0xFFFFFFFE, v1;
	[sflag:s24] =	ssyncadd.s32 @!p1 $0xFFFFEC00  }
0x173: {  	v1 =	vbroadcast v1, $0x0;
	[tilespmem:s29], [sflag:$0x2] =	stream.indirect.gather @!p1 [hbm4b:s18+s28], $0x40, s26, s28, $0xb8;
	[tilespmem:$0x18970] =	vst v63  }
0x174: {  	v2 =	vmov s30;
	_ =	swait.ge [sflag:s16], $0x1400  }
0x175: {  	v2 =	vand.u32 $0xFFFFFFFC, v2;
	[sflag:s16] =	ssyncset.done $0x0  }
0x176: {  	s31 =	sadd.s32 $0xF5, s4;
	v4 =	vbroadcast v2, $0x0;
	s26 =	simm.s32 $0xB1B0;
	[sflag:s16] =	ssyncadd.s32 $0xFFFFEC00  }
0x177: {  	s4 =	sadd.s32 $0xF7, s4;
	v3 =	vmov s31;
	v6 =	vld [tilespmem:s26+$0x30]  }
0x178: {  	v5 =	vmov s4;
	v2 =	vand.u32 $0xFFFFFFFD, v3;
	v9 =	vld [tilespmem:s26+$0xFFFFFF80]  }
0x179: {  	v3 =	vbroadcast v2, $0x0;
	v2 =	vld.idx.msk [tilespmem:v1+s3+$0x0], $0xffff  }
0x17a: {  	v8 =	vld [tilespmem:s26+$0xFFFFFF90]  }
0x17b: {  	v7 =	vld [tilespmem:s26+$0xFFFFFFA0]  }
0x17c: {  	v4 =	vld.idx.msk [tilespmem:v4+s3+$0x0], $0xffff  }
0x17d: {  	v1 =	vld.idx.msk [tilespmem:v5+s3+$0x0], $0xffff  }
0x17e: {  	v5 =	vld [tilespmem:s26+$0xFFFFFFB0];
	v6 =	vmul.f32 v6, v2  }
0x17f: {  	v3 =	vld.idx.msk [tilespmem:v3+s3+$0x0], $0xffff  }
0x180: {  	s28 =	sadd.s32 $0x3, s23;
	s29 =	simm.s32 $0x0;
	s23 =	simm.s32 $0xB1B0;
	[tilespmem:s26+$0x30] =	vst v6;
	v6 =	vld [tilespmem:s26+$0xFFFFFFC0]  }
.LBB2_13:
0x181: {  	s4 =	sadd.s32 s29, s0;
	s29 =	sadd.s32 $0x4, s29;
	v9 =	vmul.f32 v9, v4;
	v10 =	vld [tilespmem:s26+$0xFFFFFFD0]  }
0x182: {  	s24 =	sadd.s32 $0xF4, s4;
	s30 =	sadd.s32 $0xF6, s4;
	p2 =	slt.u32 s29, $0x4C;
	v8 =	vmul.f32 v8, v4;
	v11 =	vld [tilespmem:s26+$0xFFFFFFE0]  }
0x183: {  	v12 =	vmov s24;
	s24 =	sadd.s32 $0xF5, s4;
	v13 =	vmov s30;
	s4 =	sadd.s32 $0xF7, s4;
	[tilespmem:s26+$0xFFFFFF80] =	vst v9;
	v7 =	vmul.f32 v7, v4;
	v9 =	vld [tilespmem:s26+$0xFFFFFFF0]  }
0x184: {  	v12 =	vand.u32 $0xFFFFFFFC, v12;
	v14 =	vmov s24;
	v13 =	vand.u32 $0xFFFFFFFE, v13;
	[tilespmem:s26+$0xFFFFFF90] =	vst v8;
	v8 =	vld [tilespmem:s26+$0x0]  }
0x185: {  	v12 =	vbroadcast v12, $0x0;
	v14 =	vand.u32 $0xFFFFFFFD, v14;
	v13 =	vbroadcast v13, $0x0;
	[tilespmem:s26+$0xFFFFFFA0] =	vst v7;
	v7 =	vld [tilespmem:s26+$0x10]  }
0x186: {  	v15 =	vmov s4;
	v4 =	vmul.f32 v5, v4;
	v14 =	vbroadcast v14, $0x0;
	v5 =	vld [tilespmem:s26+$0x20]  }
0x187: {  	v6 =	vmul.f32 v6, v3;
	v10 =	vmul.f32 v10, v3;
	v16 =	vld [tilespmem:s26+$0x40]  }
0x188: {  	[tilespmem:s26+$0xFFFFFFB0] =	vst v4;
	v4 =	vmul.f32 v11, v3;
	v3 =	vmul.f32 v9, v3;
	v9 =	vld [tilespmem:s26+$0x50]  }
0x189: {  	[tilespmem:s26+$0xFFFFFFC0] =	vst v6;
	v6 =	vmul.f32 v8, v2;
	v8 =	vld [tilespmem:s26+$0x60]  }
0x18a: {  	[tilespmem:s26+$0xFFFFFFD0] =	vst v10;
	v7 =	vmul.f32 v7, v2;
	v10 =	vld [tilespmem:s26+$0x70]  }
0x18b: {  	s26 =	sadd.s32 $0x100, s26;
	[tilespmem:s23+$0xFFFFFFE0] =	vst v4;
	v5 =	vmul.f32 v5, v2;
	v2 =	vld.idx.msk [tilespmem:v13+s3+$0x0], $0xffff  }
0x18c: {  	v11 =	vld [tilespmem:s26+$0x30];
	[tilespmem:s23+$0xFFFFFFF0] =	vst v3;
	v13 =	vmul.f32 v16, v1  }
0x18d: {  	v4 =	vld.idx.msk [tilespmem:v12+s3+$0x0], $0xffff;
	[tilespmem:s23+$0x0] =	vst v6;
	v6 =	vmul.f32 v9, v1  }
0x18e: {  	v3 =	vld.idx.msk [tilespmem:v14+s3+$0x0], $0xffff;
	[tilespmem:s23+$0x10] =	vst v7;
	v12 =	vmul.f32 v8, v1  }
0x18f: {  	[tilespmem:s23+$0x20] =	vst v5;
	v10 =	vmul.f32 v10, v1;
	v1 =	vld.idx.msk [tilespmem:v15+s3+$0x0], $0xffff  }
.Ltmp7:
0x190: {  	v9 =	vld [tilespmem:s26+$0xFFFFFF80];
	[tilespmem:s23+$0x40] =	vst v13;
	(pc) =	sbr.rel @p2 .LBB2_13-.Ltmp7, $4  }
0x191: {  	v8 =	vld [tilespmem:s26+$0xFFFFFF90];
	v11 =	vmul.f32 v11, v2;
	[tilespmem:s23+$0x50] =	vst v6  }
0x192: {  	v7 =	vld [tilespmem:s26+$0xFFFFFFA0];
	[tilespmem:s23+$0x60] =	vst v12  }
0x193: {  	v5 =	vld [tilespmem:s26+$0xFFFFFFB0];
	[tilespmem:s26+$0x30] =	vst v11  }
0x194: {  	v6 =	vld [tilespmem:s26+$0xFFFFFFC0];
	[tilespmem:s23+$0x70] =	vst v10;
	s23 =	smov.u32 s26  }
0x195: {  	v9 =	vmul.f32 v9, v4;
	v10 =	vld [tilespmem:s26+$0xFFFFFFD0]  }
0x196: {  	v11 =	vld [tilespmem:s26+$0xFFFFFFE0];
	v8 =	vmul.f32 v8, v4  }
0x197: {  	[tilespmem:s26+$0xFFFFFF80] =	vst v9;
	v7 =	vmul.f32 v7, v4;
	v9 =	vld [tilespmem:s26+$0xFFFFFFF0]  }
0x198: {  	[tilespmem:s26+$0xFFFFFF90] =	vst v8;
	v8 =	vld [tilespmem:s26+$0x0];
	v4 =	vmul.f32 v5, v4  }
0x199: {  	v5 =	vld [tilespmem:s26+$0x10];
	[tilespmem:s26+$0xFFFFFFA0] =	vst v7;
	v6 =	vmul.f32 v6, v3  }
0x19a: {  	v7 =	vld [tilespmem:s26+$0x20];
	v10 =	vmul.f32 v10, v3;
	[tilespmem:s26+$0xFFFFFFB0] =	vst v4  }
0x19b: {  	v4 =	vld [tilespmem:s26+$0x40];
	v11 =	vmul.f32 v11, v3;
	[tilespmem:s26+$0xFFFFFFC0] =	vst v6  }
0x19c: {  	v6 =	vld [tilespmem:s26+$0x50];
	v3 =	vmul.f32 v9, v3;
	[tilespmem:s26+$0xFFFFFFD0] =	vst v10  }
0x19d: {  	v9 =	vld [tilespmem:s26+$0x60];
	v8 =	vmul.f32 v8, v2;
	[tilespmem:s23+$0xFFFFFFE0] =	vst v11  }
0x19e: {  	v10 =	vld [tilespmem:s26+$0x70];
	v5 =	vmul.f32 v5, v2;
	[tilespmem:s23+$0xFFFFFFF0] =	vst v3  }
0x19f: {  	v2 =	vmul.f32 v7, v2;
	[tilespmem:s23+$0x0] =	vst v8  }
0x1a0: {  	v3 =	vmul.f32 v4, v1;
	[tilespmem:s23+$0x10] =	vst v5  }
0x1a1: {  	v4 =	vmul.f32 v6, v1;
	[tilespmem:s23+$0x20] =	vst v2  }
0x1a2: {  	s4 =	smul.u32 $0x140, s28;
	v2 =	vmul.f32 v9, v1;
	[tilespmem:s23+$0x40] =	vst v3  }
0x1a3: {  	v1 =	vmul.f32 v10, v1;
	[tilespmem:s23+$0x50] =	vst v4  }
0x1a4: {  	s29 =	sadd.s32 $0xFFFFFFFC, s0;
	s4 =	sshra.s32 s4, $0x2;
	[tilespmem:s23+$0x60] =	vst v2  }
0x1a5: {  	s24 =	sadd.s32 $0x146, s29;
	s4 =	sadd.s32 $0x2710, s4;
	[tilespmem:s23+$0x70] =	vst v1;
	s23 =	simm.s32 @!p1 $0x8  }
0x1a6: {  	v1 =	vmov s24;
	[spmem:s20] =	stream.indirect.scatter.add.f32 [tilespmem:s11], [sflag:$0x9], $0x40, s4, s5, $0xb8;
	[tilespmem:$0x18970] =	vst v63  }
0x1a7: {  	s30 =	sadd.s32 $0x144, s29;
	v1 =	vand.u32 $0xFFFFFFFE, v1;
	_ =	swait.ge @!p1 [sflag:s23], $0x1400  }
0x1a8: {  	s31 =	sadd.s32 $0x145, s29;
	s26 =	simm.s32 @!p1 $0x9D30;
	v2 =	vmov s30;
	v1 =	vbroadcast v1, $0x0;
	[sflag:s23] =	ssyncset.done @!p1 $0x0  }
0x1a9: {  	v3 =	vmov s31;
	s24 =	sadd.s32 @!p1 $0x230, s25;
	s25 =	simm.s32 @!p1 $0x50;
	v2 =	vand.u32 $0xFFFFFFFC, v2;
	[sflag:s23] =	ssyncadd.s32 @!p1 $0xFFFFEC00  }
0x1aa: {  	v4 =	vbroadcast v2, $0x0;
	v2 =	vand.u32 $0xFFFFFFFD, v3;
	[tilespmem:s26], [sflag:$0x3] =	stream.indirect.gather @!p1 [hbm4b:s18+s25], $0x40, s24, s25, $0xb8;
	[tilespmem:$0x18970] =	vst v63  }
0x1ab: {  	v3 =	vbroadcast v2, $0x0;
	_ =	swait.ge [sflag:s19], $0x1400  }
0x1ac: {  	s4 =	sadd.s32 $0x147, s29;
	[sflag:s19] =	ssyncset.done $0x0  }
0x1ad: {  	v5 =	vmov s4;
	[sflag:s19] =	ssyncadd.s32 $0xFFFFEC00  }
0x1ae: {  	s23 =	simm.s32 $0xC5B0;
	v2 =	vld.idx.msk [tilespmem:v1+s3+$0x0], $0xffff  }
0x1af: {  	v6 =	vld [tilespmem:s23+$0x30]  }
0x1b0: {  	v4 =	vld.idx.msk [tilespmem:v4+s3+$0x0], $0xffff  }
0x1b1: {  	v3 =	vld.idx.msk [tilespmem:v3+s3+$0x0], $0xffff  }
0x1b2: {  	v1 =	vld.idx.msk [tilespmem:v5+s3+$0x0], $0xffff  }
0x1b3: {  	v9 =	vld [tilespmem:s23+$0xFFFFFF80]  }
0x1b4: {  	v8 =	vld [tilespmem:s23+$0xFFFFFF90]  }
0x1b5: {  	v7 =	vld [tilespmem:s23+$0xFFFFFFA0];
	v6 =	vmul.f32 v6, v2  }
0x1b6: {  	v5 =	vld [tilespmem:s23+$0xFFFFFFB0]  }
0x1b7: {  	s26 =	simm.s32 $0x0;
	s25 =	simm.s32 $0xC5B0;
	[tilespmem:s23+$0x30] =	vst v6;
	v6 =	vld [tilespmem:s23+$0xFFFFFFC0]  }
.LBB2_15:
0x1b8: {  	s4 =	sadd.s32 s26, s0;
	s26 =	sadd.s32 $0x4, s26;
	v9 =	vmul.f32 v9, v4;
	v10 =	vld [tilespmem:s23+$0xFFFFFFD0]  }
0x1b9: {  	s24 =	sadd.s32 $0x144, s4;
	s28 =	sadd.s32 $0x146, s4;
	p2 =	slt.u32 s26, $0x4C;
	v8 =	vmul.f32 v8, v4;
	v11 =	vld [tilespmem:s23+$0xFFFFFFE0]  }
0x1ba: {  	v12 =	vmov s24;
	s24 =	sadd.s32 $0x145, s4;
	v13 =	vmov s28;
	s4 =	sadd.s32 $0x147, s4;
	[tilespmem:s23+$0xFFFFFF80] =	vst v9;
	v7 =	vmul.f32 v7, v4;
	v9 =	vld [tilespmem:s23+$0xFFFFFFF0]  }
0x1bb: {  	v12 =	vand.u32 $0xFFFFFFFC, v12;
	v14 =	vmov s24;
	v13 =	vand.u32 $0xFFFFFFFE, v13;
	[tilespmem:s23+$0xFFFFFF90] =	vst v8;
	v8 =	vld [tilespmem:s23+$0x0]  }
0x1bc: {  	v12 =	vbroadcast v12, $0x0;
	v14 =	vand.u32 $0xFFFFFFFD, v14;
	v13 =	vbroadcast v13, $0x0;
	[tilespmem:s23+$0xFFFFFFA0] =	vst v7;
	v7 =	vld [tilespmem:s23+$0x10]  }
0x1bd: {  	v15 =	vmov s4;
	v4 =	vmul.f32 v5, v4;
	v14 =	vbroadcast v14, $0x0;
	v5 =	vld [tilespmem:s23+$0x20]  }
0x1be: {  	v6 =	vmul.f32 v6, v3;
	v10 =	vmul.f32 v10, v3;
	v16 =	vld [tilespmem:s23+$0x40]  }
0x1bf: {  	[tilespmem:s23+$0xFFFFFFB0] =	vst v4;
	v4 =	vmul.f32 v11, v3;
	v3 =	vmul.f32 v9, v3;
	v9 =	vld [tilespmem:s23+$0x50]  }
0x1c0: {  	[tilespmem:s23+$0xFFFFFFC0] =	vst v6;
	v6 =	vmul.f32 v8, v2;
	v8 =	vld [tilespmem:s23+$0x60]  }
0x1c1: {  	[tilespmem:s23+$0xFFFFFFD0] =	vst v10;
	v7 =	vmul.f32 v7, v2;
	v10 =	vld [tilespmem:s23+$0x70]  }
0x1c2: {  	s23 =	sadd.s32 $0x100, s23;
	[tilespmem:s25+$0xFFFFFFE0] =	vst v4;
	v5 =	vmul.f32 v5, v2;
	v2 =	vld.idx.msk [tilespmem:v13+s3+$0x0], $0xffff  }
0x1c3: {  	v11 =	vld [tilespmem:s23+$0x30];
	[tilespmem:s25+$0xFFFFFFF0] =	vst v3;
	v13 =	vmul.f32 v16, v1  }
0x1c4: {  	v4 =	vld.idx.msk [tilespmem:v12+s3+$0x0], $0xffff;
	[tilespmem:s25+$0x0] =	vst v6;
	v6 =	vmul.f32 v9, v1  }
0x1c5: {  	v3 =	vld.idx.msk [tilespmem:v14+s3+$0x0], $0xffff;
	[tilespmem:s25+$0x10] =	vst v7;
	v12 =	vmul.f32 v8, v1  }
0x1c6: {  	[tilespmem:s25+$0x20] =	vst v5;
	v10 =	vmul.f32 v10, v1;
	v1 =	vld.idx.msk [tilespmem:v15+s3+$0x0], $0xffff  }
.Ltmp8:
0x1c7: {  	v9 =	vld [tilespmem:s23+$0xFFFFFF80];
	[tilespmem:s25+$0x40] =	vst v13;
	(pc) =	sbr.rel @p2 .LBB2_15-.Ltmp8, $4  }
0x1c8: {  	v8 =	vld [tilespmem:s23+$0xFFFFFF90];
	v11 =	vmul.f32 v11, v2;
	[tilespmem:s25+$0x50] =	vst v6  }
0x1c9: {  	v7 =	vld [tilespmem:s23+$0xFFFFFFA0];
	[tilespmem:s25+$0x60] =	vst v12  }
0x1ca: {  	v5 =	vld [tilespmem:s23+$0xFFFFFFB0];
	[tilespmem:s23+$0x30] =	vst v11  }
0x1cb: {  	v6 =	vld [tilespmem:s23+$0xFFFFFFC0];
	[tilespmem:s25+$0x70] =	vst v10;
	s25 =	smov.u32 s23  }
0x1cc: {  	v9 =	vmul.f32 v9, v4;
	v10 =	vld [tilespmem:s23+$0xFFFFFFD0]  }
0x1cd: {  	v55 =	vld [tilespmem:s23+$0x0];
	v8 =	vmul.f32 v8, v4  }
0x1ce: {  	v57 =	vld [tilespmem:s23+$0x10];
	[tilespmem:s23+$0xFFFFFF80] =	vst v9;
	v7 =	vmul.f32 v7, v4  }
0x1cf: {  	v58 =	vld [tilespmem:s23+$0x20];
	[tilespmem:s23+$0xFFFFFF90] =	vst v8;
	v56 =	vmul.f32 v5, v4  }
0x1d0: {  	v60 =	vld [tilespmem:s23+$0x50];
	[tilespmem:s23+$0xFFFFFFA0] =	vst v7;
	v6 =	vmul.f32 v6, v3  }
0x1d1: {  	v11 =	vld [tilespmem:s23+$0xFFFFFFE0];
	v10 =	vmul.f32 v10, v3;
	[tilespmem:s23+$0xFFFFFFB0] =	vst v56  }
0x1d2: {  	v54 =	vld [tilespmem:s23+$0xFFFFFFF0];
	v8 =	vmul.f32 v55, v2;
	[tilespmem:s23+$0xFFFFFFC0] =	vst v6  }
0x1d3: {  	v61 =	vld [tilespmem:s23+$0x60];
	v5 =	vmul.f32 v57, v2;
	[tilespmem:s23+$0xFFFFFFD0] =	vst v10  }
0x1d4: {  	v59 =	vld [tilespmem:s23+$0x40];
	v2 =	vmul.f32 v58, v2;
	[tilespmem:s25+$0x0] =	vst v8  }
0x1d5: {  	v62 =	vld [tilespmem:s23+$0x70];
	v63 =	vmul.f32 v60, v1;
	[tilespmem:s25+$0x10] =	vst v5  }
0x1d6: {  	v11 =	vmul.f32 v11, v3;
	[tilespmem:s25+$0x20] =	vst v2  }
0x1d7: {  	v3 =	vmul.f32 v54, v3;
	[tilespmem:s25+$0x50] =	vst v63  }
0x1d8: {  	v2 =	vmul.f32 v61, v1;
	[tilespmem:s25+$0xFFFFFFE0] =	vst v11  }
.Ltmp9:
0x1d9: {  	[tilespmem:s25+$0xFFFFFFF0] =	vst v3;
	v3 =	vmul.f32 v59, v1;
	(pc) =	sbr.rel @p1 .LBB2_18-.Ltmp9, $4  }
0x1da: {  	v1 =	vmul.f32 v62, v1;
	[tilespmem:s25+$0x60] =	vst v2  }
0x1db: {  	[tilespmem:s25+$0x40] =	vst v3  }
0x1dc: {  	s4 =	sadd.s32 $0x2710, s21;
	[tilespmem:s25+$0x70] =	vst v1  }
0x1dd: {  	[spmem:s20] =	stream.indirect.scatter.add.f32 [tilespmem:s13], [sflag:$0xA], $0x40, s4, s5, $0xb8;
	[tilespmem:$0x18970] =	vst v63  }
.Ltmp10:
0x1de: {  	(pc) =	sbr.rel .LBB2_6-.Ltmp10, $4  }
0x1df: {  	_ =	swait.ge [sflag:s10], $0x1400  }
0x1e0: {  	s4 =	sadd.s32 $0x280, s17;
	[sflag:s10] =	ssyncset.done $0x0  }
0x1e1: {  	s8 =	sadd.s32 $0x1, s8;
	s0 =	sadd.s32 $0x190, s0;
	[sflag:s10] =	ssyncadd.s32 $0xFFFFEC00  }
0x1e2: {  	[tilespmem:s11], [sflag:$0x4] =	stream.indirect.gather [hbm4b:s18+s5], $0x40, s4, s5, $0xb8;
	[tilespmem:$0x18970] =	vst v63  }
.LBB2_18:
0x1e3: {  	s0 =	simm.s32 $0x6  }
0x1e4: {  	_ =	swait.ge [sflag:s0], $0x1400  }
0x1e5: {  	[sflag:s0] =	ssyncset.done $0x0  }
0x1e6: {  	s1 =	simm.s32 $0x7;
	[sflag:s0] =	ssyncadd.s32 $0xFFFFEC00  }
0x1e7: {  	_ =	swait.ge [sflag:s1], $0x1400  }
0x1e8: {  	[sflag:s1] =	ssyncset.done $0x0  }
0x1e9: {  	[sflag:s1] =	ssyncadd.s32 $0xFFFFEC00  }
0x1ea: {  	_ =	swait.ge [sflag:s22], $0x1400  }
0x1eb: {  	[sflag:s22] =	ssyncset.done $0x0  }
0x1ec: {  	[sflag:s22] =	ssyncadd.s32 $0xFFFFEC00  }
0x1ed: {  	_ =	swait.ge [sflag:s10], $0x1400  }
0x1ee: {  	[sflag:s10] =	ssyncset.done $0x0  }
0x1ef: {  	s4 =	simm.s32 $0xA;
	[sflag:s10] =	ssyncadd.s32 $0xFFFFEC00  }
0x1f0: {  	_ =	swait.ge [sflag:s4], $0x1400  }
0x1f1: {  	[sflag:s4] =	ssyncset.done $0x0  }
0x1f2: {  	[sflag:s4] =	ssyncadd.s32 $0xFFFFEC00  }
0x1f3: {  	[bflag:$0x0] =	sbarrier.arrive $0xFFFF  }
0x1f4: {  	s8 =	stileid.u32;
	s17 =	rddreg [dreg:$0x19]  }
0x1f5: {  	s0 =	sshll.u32 s8, $0x6;
	s21 =	rddreg [dreg:$0x6];
	s4 =	sshrl.u32 s17, $0x3  }
0x1f6: {  	s25 =	sor.u32 $0x1C0B, s0;
	s1 =	simm.s32 $0x10;
	[smem:$0x7F4] =	sst s4  }
0x1f7: {  	[hbm:s21@s1], [sflag:s25] =	dma.strided [spmem:s4@s22], $0x280, s12, $0x8   }
0x1f8: {  	_ =	swait.ge [sflag:s2], $0x280  }
0x1f9: {  	s23 =	rddreg [dreg:$0x1a]  }
0x1fa: {  	[sflag:s2] =	ssyncset.done $0x0;
	s26 =	rddreg [dreg:$0x7];
	s24 =	sshrl.u32 s23, $0x3  }
0x1fb: {  	[sflag:s2] =	ssyncadd.s32 $0xFFFFFD80;
	[smem:$0x7F5] =	sst s24  }
0x1fc: {  	[hbm:s26@s1], [sflag:s25] =	dma.strided [spmem:s24@s22], $0x280, s12, $0x8   }
0x1fd: {  	_ =	swait.ge [sflag:s2], $0x280  }
0x1fe: {  	s28 =	rddreg [dreg:$0x1b]  }
0x1ff: {  	[sflag:s2] =	ssyncset.done $0x0;
	s30 =	rddreg [dreg:$0x8];
	s29 =	sshrl.u32 s28, $0x3  }
0x200: {  	[sflag:s2] =	ssyncadd.s32 $0xFFFFFD80;
	[smem:$0x7F6] =	sst s29  }
0x201: {  	[hbm:s30@s1], [sflag:s25] =	dma.strided [spmem:s29@s22], $0x280, s12, $0x8   }
0x202: {  	_ =	swait.ge [sflag:s2], $0x280  }
0x203: {  	s31 =	rddreg [dreg:$0x1c]  }
0x204: {  	[sflag:s2] =	ssyncset.done $0x0;
	s8 =	rddreg [dreg:$0x9];
	s0 =	sshrl.u32 s31, $0x3  }
0x205: {  	[sflag:s2] =	ssyncadd.s32 $0xFFFFFD80;
	[smem:$0x7F7] =	sst s0  }
0x206: {  	[hbm:s8@s1], [sflag:s25] =	dma.strided [spmem:s0@s22], $0x280, s12, $0x8   }
0x207: {  	_ =	swait.ge [sflag:s2], $0x280  }
0x208: {  	s17 =	rddreg [dreg:$0x1d]  }
0x209: {  	[sflag:s2] =	ssyncset.done $0x0;
	s23 =	rddreg [dreg:$0xa];
	s21 =	sshrl.u32 s17, $0x3  }
0x20a: {  	[sflag:s2] =	ssyncadd.s32 $0xFFFFFD80;
	[smem:$0x7F8] =	sst s21  }
0x20b: {  	[hbm:s23@s1], [sflag:s25] =	dma.strided [spmem:s21@s22], $0x280, s12, $0x8   }
0x20c: {  	_ =	swait.ge [sflag:s2], $0x280  }
0x20d: {  	s24 =	rddreg [dreg:$0x1e]  }
0x20e: {  	[sflag:s2] =	ssyncset.done $0x0;
	s28 =	rddreg [dreg:$0xb];
	s26 =	sshrl.u32 s24, $0x3  }
0x20f: {  	[sflag:s2] =	ssyncadd.s32 $0xFFFFFD80;
	[smem:$0x7F9] =	sst s26  }
0x210: {  	[hbm:s28@s1], [sflag:s25] =	dma.strided [spmem:s26@s22], $0x280, s12, $0x8   }
0x211: {  	_ =	swait.ge [sflag:s2], $0x280  }
0x212: {  	s29 =	rddreg [dreg:$0x1f]  }
0x213: {  	[sflag:s2] =	ssyncset.done $0x0;
	s31 =	rddreg [dreg:$0xc];
	s30 =	sshrl.u32 s29, $0x3  }
0x214: {  	[sflag:s2] =	ssyncadd.s32 $0xFFFFFD80;
	[smem:$0x7FA] =	sst s30  }
0x215: {  	[hbm:s31@s1], [sflag:s25] =	dma.strided [spmem:s30@s22], $0x280, s12, $0x8   }
0x216: {  	_ =	swait.ge [sflag:s2], $0x280  }
0x217: {  	s0 =	sld [smem:$0x7FD];
	_ =	sdelay $0x1  }
0x218: {  	s4 =	simm.s32 @!p0 $0x10;
	s8 =	simm.s32 @!p0 $0x8  }
0x219: {  	[sflag:s2] =	ssyncset.done $0x0;
	s1 =	rddreg [dreg:$0xd];
	s17 =	sshrl.u32 @!p0 s0, $0x3  }
0x21a: {  	[sflag:s2] =	ssyncadd.s32 $0xFFFFFD80;
	s0 =	simm.s32 @!p0 $0x1;
	[smem:$0x7FB] =	sst s17  }
0x21b: {  	[hbm:s1@s4], [sflag:s25] =	dma.strided @!p0 [spmem:s17@s8], $0x280, s0, $0x8   }
0x21c: {  	s0 =	simm.s32 @!p0 $0xB  }
0x21d: {  	_ =	swait.ge @!p0 [sflag:s0], $0x280  }
0x21e: {  	[sflag:s0] =	ssyncset.done @!p0 $0x0  }
0x21f: {  	[sflag:s0] =	ssyncadd.s32 @!p0 $0xFFFFFD80  }
0x220: {  	s0 =	simm.s32 $0x0;
	[bflag:$0x0] =	sbarrier.arrive $0xFFFF  }
0x221: {  	v1 =	vld [tilespmem:s0+$0x0];
	_ =	sdelay $0x4  }
0x222: {  	s17 =	simm.s32 $0x10;
	s8 =	simm.s32 $0x10;
	v1 =	vadd.s32 $0x1, v1  }
.LBB2_19:
0x223: {  	s17 =	sadd.s32 $0x10, s17  }
0x224: {  	v2 =	vld [tilespmem:s8+$0x0];
	[tilespmem:s0+$0x0] =	vst v1;
	s0 =	smov.u32 s8;
	p1 =	slt.u32 s17, $0x2700  }
.Ltmp11:
0x225: {  	(pc) =	sbr.rel @p1 .LBB2_19-.Ltmp11, $2  }
0x226: {  	_ =	sdelay $0x2  }
0x227: {  	s8 =	sadd.s32 $0x10, s8;
	v1 =	vadd.s32 $0x1, v2  }
0x228: {  	v2 =	vld [tilespmem:s8+$0x0];
	_ =	sdelay $0x4  }
0x229: {  	[tilespmem:s0+$0x0] =	vst v1;
	v1 =	vadd.s32 $0x1, v2  }
0x22a: {  	[tilespmem:s8+$0x0] =	vst v1  }
0x22b: {  	s1 =	simm.s32 $0xD930;
	s0 =	rddreg [dreg:$0x19]  }
0x22c: {  	[spmem:s0] =	stream.linear.scatter [tilespmem:s1], [sflag:$0xB], $0x1400, $0x38;
	[tilespmem:$0x18970] =	vst v63  }
0x22d: {  	_ =	swait.ge [sflag:s2], $0x1400  }
0x22e: {  	[sflag:s2] =	ssyncset.done $0x0  }
0x22f: {  	s21 =	rddreg [dreg:$0x1a];
	[sflag:s2] =	ssyncadd.s32 $0xFFFFEC00  }
0x230: {  	[spmem:s21] =	stream.linear.scatter [tilespmem:s1], [sflag:$0xB], $0x1400, $0x38;
	[tilespmem:$0x18970] =	vst v63  }
0x231: {  	_ =	swait.ge [sflag:s2], $0x1400  }
0x232: {  	[sflag:s2] =	ssyncset.done $0x0  }
0x233: {  	s23 =	rddreg [dreg:$0x1b];
	[sflag:s2] =	ssyncadd.s32 $0xFFFFEC00  }
0x234: {  	[spmem:s23] =	stream.linear.scatter [tilespmem:s1], [sflag:$0xB], $0x1400, $0x38;
	[tilespmem:$0x18970] =	vst v63  }
0x235: {  	_ =	swait.ge [sflag:s2], $0x1400  }
0x236: {  	[sflag:s2] =	ssyncset.done $0x0  }
0x237: {  	s24 =	rddreg [dreg:$0x1c];
	[sflag:s2] =	ssyncadd.s32 $0xFFFFEC00  }
0x238: {  	[spmem:s24] =	stream.linear.scatter [tilespmem:s1], [sflag:$0xB], $0x1400, $0x38;
	[tilespmem:$0x18970] =	vst v63  }
0x239: {  	_ =	swait.ge [sflag:s2], $0x1400  }
0x23a: {  	[sflag:s2] =	ssyncset.done $0x0  }
0x23b: {  	s26 =	rddreg [dreg:$0x1d];
	[sflag:s2] =	ssyncadd.s32 $0xFFFFEC00  }
0x23c: {  	[spmem:s26] =	stream.linear.scatter [tilespmem:s1], [sflag:$0xB], $0x1400, $0x38;
	[tilespmem:$0x18970] =	vst v63  }
0x23d: {  	_ =	swait.ge [sflag:s2], $0x1400  }
0x23e: {  	[sflag:s2] =	ssyncset.done $0x0  }
0x23f: {  	s28 =	rddreg [dreg:$0x1e];
	[sflag:s2] =	ssyncadd.s32 $0xFFFFEC00  }
0x240: {  	[spmem:s28] =	stream.linear.scatter [tilespmem:s1], [sflag:$0xB], $0x1400, $0x38;
	[tilespmem:$0x18970] =	vst v63  }
0x241: {  	_ =	swait.ge [sflag:s2], $0x1400  }
0x242: {  	[sflag:s2] =	ssyncset.done $0x0  }
0x243: {  	s29 =	rddreg [dreg:$0x1f];
	[sflag:s2] =	ssyncadd.s32 $0xFFFFEC00  }
0x244: {  	[spmem:s29] =	stream.linear.scatter [tilespmem:s1], [sflag:$0xB], $0x1400, $0x38;
	[tilespmem:$0x18970] =	vst v63  }
0x245: {  	_ =	swait.ge [sflag:s2], $0x1400  }
0x246: {  	s1 =	sld [smem:$0x7FD]  }
0x247: {  	[sflag:s2] =	ssyncset.done $0x0  }
0x248: {  	s0 =	simm.s32 @!p0 $0xD930;
	[sflag:s2] =	ssyncadd.s32 $0xFFFFEC00  }
0x249: {  	[spmem:s1] =	stream.linear.scatter @!p0 [tilespmem:s0], [sflag:$0xB], $0x1400, $0x38;
	[tilespmem:$0x18970] =	vst v63  }
0x24a: {  	s0 =	simm.s32 @!p0 $0xB  }
0x24b: {  	_ =	swait.ge @!p0 [sflag:s0], $0x1400  }
0x24c: {  	[sflag:s0] =	ssyncset.done @!p0 $0x0  }
0x24d: {  	[sflag:s0] =	ssyncadd.s32 @!p0 $0xFFFFEC00  }
0x24e: {  	s8 =	simm.s32 $0x0;
	[bflag:$0x0] =	sbarrier.arrive $0xFFFF  }
0x24f: {  	[tilespmem:s6], [sflag:$0x1] =	stream.indirect.gather [hbm4b:s18+s5], $0x40, s8, s5, $0xb8;
	[tilespmem:$0x18970] =	vst v63  }
0x250: {  	_ = 	snop  }
0x251: {  	[tilespmem:s7], [sflag:$0x2] =	stream.indirect.gather [hbm4b:s18+s5], $0x40, s5, s5, $0xb8;
	[tilespmem:$0x18970] =	vst v63  }
0x252: {  	s30 =	simm.s32 $0xA0  }
0x253: {  	[tilespmem:s9], [sflag:$0x3] =	stream.indirect.gather [hbm4b:s18+s5], $0x40, s30, s5, $0xb8;
	[tilespmem:$0x18970] =	vst v63  }
0x254: {  	s31 =	simm.s32 $0xF0;
	s23 =	simm.s32 $0x0  }
0x255: {  	[tilespmem:s11], [sflag:$0x4] =	stream.indirect.gather [hbm4b:s18+s5], $0x40, s31, s5, $0xb8;
	[tilespmem:$0x18970] =	vst v63  }
.LBB2_21:
0x256: {  	s0 =	sadd.s32 $0xFFFFFFFC, s8  }
0x257: {  	s4 =	sadd.s32 $0x6, s0  }
0x258: {  	v1 =	vmov s4  }
0x259: {  	v1 =	vand.u32 $0xFFFFFFFE, v1  }
0x25a: {  	s30 =	sadd.s32 $0x4, s0;
	v1 =	vbroadcast v1, $0x0  }
0x25b: {  	_ =	swait.ge [sflag:s12], $0x1400;
	v2 =	vmov s30  }
0x25c: {  	s31 =	sadd.s32 $0x5, s0;
	[sflag:s12] =	ssyncset.done $0x0;
	s0 =	sadd.s32 $0x7, s0;
	v2 =	vand.u32 $0xFFFFFFFC, v2  }
0x25d: {  	[sflag:s12] =	ssyncadd.s32 $0xFFFFEC00;
	v5 =	vmov s0;
	s0 =	simm.s32 $0x75B0;
	v4 =	vbroadcast v2, $0x0  }
0x25e: {  	v3 =	vmov s31;
	v6 =	vld [tilespmem:s0+$0x30]  }
0x25f: {  	v9 =	vld [tilespmem:s0+$0xFFFFFF80];
	v2 =	vand.u32 $0xFFFFFFFD, v3  }
0x260: {  	v3 =	vbroadcast v2, $0x0;
	v2 =	vld.idx.msk [tilespmem:v1+s3+$0x0], $0xffff  }
0x261: {  	v8 =	vld [tilespmem:s0+$0xFFFFFF90]  }
0x262: {  	v7 =	vld [tilespmem:s0+$0xFFFFFFA0]  }
0x263: {  	v4 =	vld.idx.msk [tilespmem:v4+s3+$0x0], $0xffff  }
0x264: {  	v1 =	vld.idx.msk [tilespmem:v5+s3+$0x0], $0xffff  }
0x265: {  	v5 =	vld [tilespmem:s0+$0xFFFFFFB0];
	v6 =	vmul.f32 v6, v2  }
0x266: {  	v3 =	vld.idx.msk [tilespmem:v3+s3+$0x0], $0xffff  }
0x267: {  	s26 =	simm.s32 $0x0;
	s17 =	simm.s32 $0x75B0;
	[tilespmem:s0+$0x30] =	vst v6;
	v6 =	vld [tilespmem:s0+$0xFFFFFFC0]  }
.LBB2_22:
0x268: {  	s4 =	sadd.s32 s26, s8;
	s26 =	sadd.s32 $0x4, s26;
	v9 =	vmul.f32 v9, v4;
	v10 =	vld [tilespmem:s0+$0xFFFFFFD0]  }
0x269: {  	s21 =	sadd.s32 $0x4, s4;
	s24 =	sadd.s32 $0x6, s4;
	p1 =	slt.u32 s26, $0x4C;
	v8 =	vmul.f32 v8, v4;
	v11 =	vld [tilespmem:s0+$0xFFFFFFE0]  }
0x26a: {  	v12 =	vmov s21;
	s21 =	sadd.s32 $0x5, s4;
	v13 =	vmov s24;
	s4 =	sadd.s32 $0x7, s4;
	[tilespmem:s0+$0xFFFFFF80] =	vst v9;
	v7 =	vmul.f32 v7, v4;
	v9 =	vld [tilespmem:s0+$0xFFFFFFF0]  }
0x26b: {  	v12 =	vand.u32 $0xFFFFFFFC, v12;
	v14 =	vmov s21;
	v13 =	vand.u32 $0xFFFFFFFE, v13;
	[tilespmem:s0+$0xFFFFFF90] =	vst v8;
	v8 =	vld [tilespmem:s0+$0x0]  }
0x26c: {  	v12 =	vbroadcast v12, $0x0;
	v14 =	vand.u32 $0xFFFFFFFD, v14;
	v13 =	vbroadcast v13, $0x0;
	[tilespmem:s0+$0xFFFFFFA0] =	vst v7;
	v7 =	vld [tilespmem:s0+$0x10]  }
0x26d: {  	v15 =	vmov s4;
	v4 =	vmul.f32 v5, v4;
	v14 =	vbroadcast v14, $0x0;
	v5 =	vld [tilespmem:s0+$0x20]  }
0x26e: {  	v6 =	vmul.f32 v6, v3;
	v10 =	vmul.f32 v10, v3;
	v16 =	vld [tilespmem:s0+$0x40]  }
0x26f: {  	[tilespmem:s0+$0xFFFFFFB0] =	vst v4;
	v4 =	vmul.f32 v11, v3;
	v3 =	vmul.f32 v9, v3;
	v9 =	vld [tilespmem:s0+$0x50]  }
0x270: {  	[tilespmem:s0+$0xFFFFFFC0] =	vst v6;
	v6 =	vmul.f32 v8, v2;
	v8 =	vld [tilespmem:s0+$0x60]  }
0x271: {  	[tilespmem:s0+$0xFFFFFFD0] =	vst v10;
	v7 =	vmul.f32 v7, v2;
	v10 =	vld [tilespmem:s0+$0x70]  }
0x272: {  	s0 =	sadd.s32 $0x100, s0;
	[tilespmem:s17+$0xFFFFFFE0] =	vst v4;
	v5 =	vmul.f32 v5, v2;
	v2 =	vld.idx.msk [tilespmem:v13+s3+$0x0], $0xffff  }
0x273: {  	v11 =	vld [tilespmem:s0+$0x30];
	[tilespmem:s17+$0xFFFFFFF0] =	vst v3;
	v13 =	vmul.f32 v16, v1  }
0x274: {  	v4 =	vld.idx.msk [tilespmem:v12+s3+$0x0], $0xffff;
	[tilespmem:s17+$0x0] =	vst v6;
	v6 =	vmul.f32 v9, v1  }
0x275: {  	v3 =	vld.idx.msk [tilespmem:v14+s3+$0x0], $0xffff;
	[tilespmem:s17+$0x10] =	vst v7;
	v12 =	vmul.f32 v8, v1  }
0x276: {  	[tilespmem:s17+$0x20] =	vst v5;
	v10 =	vmul.f32 v10, v1;
	v1 =	vld.idx.msk [tilespmem:v15+s3+$0x0], $0xffff  }
.Ltmp12:
0x277: {  	v9 =	vld [tilespmem:s0+$0xFFFFFF80];
	[tilespmem:s17+$0x40] =	vst v13;
	(pc) =	sbr.rel @p1 .LBB2_22-.Ltmp12, $4  }
0x278: {  	v8 =	vld [tilespmem:s0+$0xFFFFFF90];
	v11 =	vmul.f32 v11, v2;
	[tilespmem:s17+$0x50] =	vst v6  }
0x279: {  	v7 =	vld [tilespmem:s0+$0xFFFFFFA0];
	[tilespmem:s17+$0x60] =	vst v12  }
0x27a: {  	v5 =	vld [tilespmem:s0+$0xFFFFFFB0];
	[tilespmem:s0+$0x30] =	vst v11  }
0x27b: {  	v6 =	vld [tilespmem:s0+$0xFFFFFFC0];
	[tilespmem:s17+$0x70] =	vst v10;
	s17 =	smov.u32 s0  }
0x27c: {  	v9 =	vmul.f32 v9, v4;
	v10 =	vld [tilespmem:s0+$0xFFFFFFD0]  }
0x27d: {  	v11 =	vld [tilespmem:s0+$0xFFFFFFE0];
	v8 =	vmul.f32 v8, v4  }
0x27e: {  	[tilespmem:s0+$0xFFFFFF80] =	vst v9;
	v7 =	vmul.f32 v7, v4;
	v9 =	vld [tilespmem:s0+$0xFFFFFFF0]  }
0x27f: {  	[tilespmem:s0+$0xFFFFFF90] =	vst v8;
	v8 =	vld [tilespmem:s0+$0x0];
	v4 =	vmul.f32 v5, v4  }
0x280: {  	v5 =	vld [tilespmem:s0+$0x10];
	[tilespmem:s0+$0xFFFFFFA0] =	vst v7;
	v6 =	vmul.f32 v6, v3  }
0x281: {  	v7 =	vld [tilespmem:s0+$0x20];
	v10 =	vmul.f32 v10, v3;
	[tilespmem:s0+$0xFFFFFFB0] =	vst v4  }
0x282: {  	v4 =	vld [tilespmem:s0+$0x40];
	v11 =	vmul.f32 v11, v3;
	[tilespmem:s0+$0xFFFFFFC0] =	vst v6  }
0x283: {  	v6 =	vld [tilespmem:s0+$0x50];
	v3 =	vmul.f32 v9, v3;
	[tilespmem:s0+$0xFFFFFFD0] =	vst v10  }
0x284: {  	v9 =	vld [tilespmem:s0+$0x60];
	v8 =	vmul.f32 v8, v2;
	[tilespmem:s17+$0xFFFFFFE0] =	vst v11  }
0x285: {  	v10 =	vld [tilespmem:s0+$0x70];
	v5 =	vmul.f32 v5, v2;
	[tilespmem:s17+$0xFFFFFFF0] =	vst v3  }
0x286: {  	v2 =	vmul.f32 v7, v2;
	[tilespmem:s17+$0x0] =	vst v8  }
0x287: {  	v3 =	vmul.f32 v4, v1;
	[tilespmem:s17+$0x10] =	vst v5  }
0x288: {  	v4 =	vmul.f32 v6, v1;
	[tilespmem:s17+$0x20] =	vst v2  }
0x289: {  	s30 =	smul.u32 $0x640, s23;
	v2 =	vmul.f32 v9, v1;
	[tilespmem:s17+$0x40] =	vst v3  }
0x28a: {  	v1 =	vmul.f32 v10, v1;
	[tilespmem:s17+$0x50] =	vst v4  }
0x28b: {  	s29 =	smul.u32 $0x5, s23;
	s26 =	sshra.s32 s30, $0x2;
	s0 =	sadd.s32 $0xFFFFFFFC, s8;
	[tilespmem:s17+$0x60] =	vst v2  }
0x28c: {  	p1 =	seq.s32 s23, $0x0;
	s21 =	sadd.s32 $0x2710, s26;
	s4 =	sadd.s32 $0x56, s0;
	[tilespmem:s17+$0x70] =	vst v1  }
0x28d: {  	[spmem:s20] =	stream.indirect.scatter.add.f32 [tilespmem:s6], [sflag:$0x6], $0x40, s21, s5, $0xb8;
	[tilespmem:$0x18970] =	vst v63  }
0x28e: {  	s24 =	sadd.s32 $0x4, s29;
	v1 =	vmov s4;
	s21 =	simm.s32 @!p1 $0xA  }
0x28f: {  	s1 =	sadd.s32 $0x54, s0;
	s4 =	smul.u32 $0x140, s24;
	v1 =	vand.u32 $0xFFFFFFFE, v1;
	_ =	swait.ge @!p1 [sflag:s21], $0x1400  }
0x290: {  	v2 =	vmov s1;
	s24 =	sadd.s32 $0x55, s0;
	v1 =	vbroadcast v1, $0x0;
	[sflag:s21] =	ssyncset.done @!p1 $0x0  }
0x291: {  	v2 =	vand.u32 $0xFFFFFFFC, v2;
	v3 =	vmov s24;
	s28 =	sshra.s32 s4, $0x2;
	[sflag:s21] =	ssyncadd.s32 @!p1 $0xFFFFEC00  }
0x292: {  	v4 =	vbroadcast v2, $0x0;
	v2 =	vand.u32 $0xFFFFFFFD, v3;
	[tilespmem:s13], [sflag:$0x5] =	stream.indirect.gather [hbm4b:s18+s5], $0x40, s28, s5, $0xb8;
	[tilespmem:$0x18970] =	vst v63  }
0x293: {  	v3 =	vbroadcast v2, $0x0;
	_ =	swait.ge [sflag:s14], $0x1400  }
0x294: {  	s0 =	sadd.s32 $0x57, s0;
	[sflag:s14] =	ssyncset.done $0x0  }
0x295: {  	v5 =	vmov s0;
	[sflag:s14] =	ssyncadd.s32 $0xFFFFEC00  }
0x296: {  	s17 =	simm.s32 $0x89B0;
	v2 =	vld.idx.msk [tilespmem:v1+s3+$0x0], $0xffff  }
0x297: {  	v6 =	vld [tilespmem:s17+$0x30]  }
0x298: {  	v4 =	vld.idx.msk [tilespmem:v4+s3+$0x0], $0xffff  }
0x299: {  	v3 =	vld.idx.msk [tilespmem:v3+s3+$0x0], $0xffff  }
0x29a: {  	v1 =	vld.idx.msk [tilespmem:v5+s3+$0x0], $0xffff  }
0x29b: {  	v9 =	vld [tilespmem:s17+$0xFFFFFF80]  }
0x29c: {  	v8 =	vld [tilespmem:s17+$0xFFFFFF90]  }
0x29d: {  	v7 =	vld [tilespmem:s17+$0xFFFFFFA0];
	v6 =	vmul.f32 v6, v2  }
0x29e: {  	v5 =	vld [tilespmem:s17+$0xFFFFFFB0]  }
0x29f: {  	s31 =	simm.s32 $0x89B0;
	s0 =	sadd.s32 $0x1, s29;
	s21 =	simm.s32 $0x0;
	[tilespmem:s17+$0x30] =	vst v6;
	v6 =	vld [tilespmem:s17+$0xFFFFFFC0]  }
.LBB2_24:
0x2a0: {  	s4 =	sadd.s32 s21, s8;
	s21 =	sadd.s32 $0x4, s21;
	v9 =	vmul.f32 v9, v4;
	v10 =	vld [tilespmem:s17+$0xFFFFFFD0]  }
0x2a1: {  	s24 =	sadd.s32 $0x54, s4;
	s1 =	sadd.s32 $0x56, s4;
	p1 =	slt.u32 s21, $0x4C;
	v8 =	vmul.f32 v8, v4;
	v11 =	vld [tilespmem:s17+$0xFFFFFFE0]  }
0x2a2: {  	v12 =	vmov s24;
	s24 =	sadd.s32 $0x55, s4;
	v13 =	vmov s1;
	s1 =	sadd.s32 $0x57, s4;
	[tilespmem:s17+$0xFFFFFF80] =	vst v9;
	v7 =	vmul.f32 v7, v4;
	v9 =	vld [tilespmem:s17+$0xFFFFFFF0]  }
0x2a3: {  	v12 =	vand.u32 $0xFFFFFFFC, v12;
	v14 =	vmov s24;
	v13 =	vand.u32 $0xFFFFFFFE, v13;
	[tilespmem:s17+$0xFFFFFF90] =	vst v8;
	v8 =	vld [tilespmem:s17+$0x0]  }
0x2a4: {  	v12 =	vbroadcast v12, $0x0;
	v14 =	vand.u32 $0xFFFFFFFD, v14;
	v13 =	vbroadcast v13, $0x0;
	[tilespmem:s17+$0xFFFFFFA0] =	vst v7;
	v7 =	vld [tilespmem:s17+$0x10]  }
0x2a5: {  	v15 =	vmov s1;
	v4 =	vmul.f32 v5, v4;
	v14 =	vbroadcast v14, $0x0;
	v5 =	vld [tilespmem:s17+$0x20]  }
0x2a6: {  	v6 =	vmul.f32 v6, v3;
	v10 =	vmul.f32 v10, v3;
	v16 =	vld [tilespmem:s17+$0x40]  }
0x2a7: {  	[tilespmem:s17+$0xFFFFFFB0] =	vst v4;
	v4 =	vmul.f32 v11, v3;
	v3 =	vmul.f32 v9, v3;
	v9 =	vld [tilespmem:s17+$0x50]  }
0x2a8: {  	[tilespmem:s17+$0xFFFFFFC0] =	vst v6;
	v6 =	vmul.f32 v8, v2;
	v8 =	vld [tilespmem:s17+$0x60]  }
0x2a9: {  	[tilespmem:s17+$0xFFFFFFD0] =	vst v10;
	v7 =	vmul.f32 v7, v2;
	v10 =	vld [tilespmem:s17+$0x70]  }
0x2aa: {  	s17 =	sadd.s32 $0x100, s17;
	[tilespmem:s31+$0xFFFFFFE0] =	vst v4;
	v5 =	vmul.f32 v5, v2;
	v2 =	vld.idx.msk [tilespmem:v13+s3+$0x0], $0xffff  }
0x2ab: {  	v11 =	vld [tilespmem:s17+$0x30];
	[tilespmem:s31+$0xFFFFFFF0] =	vst v3;
	v13 =	vmul.f32 v16, v1  }
0x2ac: {  	v4 =	vld.idx.msk [tilespmem:v12+s3+$0x0], $0xffff;
	[tilespmem:s31+$0x0] =	vst v6;
	v6 =	vmul.f32 v9, v1  }
0x2ad: {  	v3 =	vld.idx.msk [tilespmem:v14+s3+$0x0], $0xffff;
	[tilespmem:s31+$0x10] =	vst v7;
	v12 =	vmul.f32 v8, v1  }
0x2ae: {  	[tilespmem:s31+$0x20] =	vst v5;
	v10 =	vmul.f32 v10, v1;
	v1 =	vld.idx.msk [tilespmem:v15+s3+$0x0], $0xffff  }
.Ltmp13:
0x2af: {  	v9 =	vld [tilespmem:s17+$0xFFFFFF80];
	[tilespmem:s31+$0x40] =	vst v13;
	(pc) =	sbr.rel @p1 .LBB2_24-.Ltmp13, $4  }
0x2b0: {  	v8 =	vld [tilespmem:s17+$0xFFFFFF90];
	v11 =	vmul.f32 v11, v2;
	[tilespmem:s31+$0x50] =	vst v6  }
0x2b1: {  	v7 =	vld [tilespmem:s17+$0xFFFFFFA0];
	[tilespmem:s31+$0x60] =	vst v12  }
0x2b2: {  	v5 =	vld [tilespmem:s17+$0xFFFFFFB0];
	[tilespmem:s17+$0x30] =	vst v11  }
0x2b3: {  	v6 =	vld [tilespmem:s17+$0xFFFFFFC0];
	[tilespmem:s31+$0x70] =	vst v10;
	s31 =	smov.u32 s17  }
0x2b4: {  	v9 =	vmul.f32 v9, v4;
	v10 =	vld [tilespmem:s17+$0xFFFFFFD0]  }
0x2b5: {  	v11 =	vld [tilespmem:s17+$0xFFFFFFE0];
	v8 =	vmul.f32 v8, v4  }
0x2b6: {  	[tilespmem:s17+$0xFFFFFF80] =	vst v9;
	v7 =	vmul.f32 v7, v4;
	v9 =	vld [tilespmem:s17+$0xFFFFFFF0]  }
0x2b7: {  	[tilespmem:s17+$0xFFFFFF90] =	vst v8;
	v8 =	vld [tilespmem:s17+$0x0];
	v4 =	vmul.f32 v5, v4  }
0x2b8: {  	v5 =	vld [tilespmem:s17+$0x10];
	[tilespmem:s17+$0xFFFFFFA0] =	vst v7;
	v6 =	vmul.f32 v6, v3  }
0x2b9: {  	v7 =	vld [tilespmem:s17+$0x20];
	v10 =	vmul.f32 v10, v3;
	[tilespmem:s17+$0xFFFFFFB0] =	vst v4  }
0x2ba: {  	v4 =	vld [tilespmem:s17+$0x40];
	v11 =	vmul.f32 v11, v3;
	[tilespmem:s17+$0xFFFFFFC0] =	vst v6  }
0x2bb: {  	v6 =	vld [tilespmem:s17+$0x50];
	v3 =	vmul.f32 v9, v3;
	[tilespmem:s17+$0xFFFFFFD0] =	vst v10  }
0x2bc: {  	v9 =	vld [tilespmem:s17+$0x60];
	v8 =	vmul.f32 v8, v2;
	[tilespmem:s31+$0xFFFFFFE0] =	vst v11  }
0x2bd: {  	v10 =	vld [tilespmem:s17+$0x70];
	v5 =	vmul.f32 v5, v2;
	[tilespmem:s31+$0xFFFFFFF0] =	vst v3  }
0x2be: {  	v2 =	vmul.f32 v7, v2;
	[tilespmem:s31+$0x0] =	vst v8  }
0x2bf: {  	v3 =	vmul.f32 v4, v1;
	[tilespmem:s31+$0x10] =	vst v5  }
0x2c0: {  	v4 =	vmul.f32 v6, v1;
	[tilespmem:s31+$0x20] =	vst v2  }
0x2c1: {  	s0 =	smul.u32 $0x140, s0;
	v2 =	vmul.f32 v9, v1;
	[tilespmem:s31+$0x40] =	vst v3  }
0x2c2: {  	v1 =	vmul.f32 v10, v1;
	[tilespmem:s31+$0x50] =	vst v4  }
0x2c3: {  	s0 =	sshra.s32 s0, $0x2;
	[tilespmem:s31+$0x60] =	vst v2  }
0x2c4: {  	p1 =	seq.s32 s23, $0x18;
	s0 =	sadd.s32 $0x2710, s0;
	[tilespmem:s31+$0x70] =	vst v1  }
0x2c5: {  	[spmem:s20] =	stream.indirect.scatter.add.f32 [tilespmem:s7], [sflag:$0x7], $0x40, s0, s5, $0xb8;
	[tilespmem:$0x18970] =	vst v63  }
0x2c6: {  	s1 =	simm.s32 @!p1 $0x6;
	s0 =	sadd.s32 $0xFFFFFFFC, s8  }
0x2c7: {  	s30 =	sshra.s32 @!p1 s30, $0x2;
	s4 =	sadd.s32 $0xA6, s0;
	_ =	swait.ge @!p1 [sflag:s1], $0x1400  }
0x2c8: {  	s17 =	simm.s32 @!p1 $0x50;
	s21 =	sadd.s32 $0xA4, s0;
	v1 =	vmov s4;
	[sflag:s1] =	ssyncset.done @!p1 $0x0  }
0x2c9: {  	v2 =	vmov s21;
	s4 =	sadd.s32 @!p1 $0x190, s30;
	s21 =	simm.s32 @!p1 $0x7530;
	v1 =	vand.u32 $0xFFFFFFFE, v1;
	[sflag:s1] =	ssyncadd.s32 @!p1 $0xFFFFEC00  }
0x2ca: {  	v1 =	vbroadcast v1, $0x0;
	[tilespmem:s21], [sflag:$0x1] =	stream.indirect.gather @!p1 [hbm4b:s18+s17], $0x40, s4, s17, $0xb8;
	[tilespmem:$0x18970] =	vst v63  }
0x2cb: {  	_ =	swait.ge [sflag:s15], $0x1400  }
0x2cc: {  	v2 =	vand.u32 $0xFFFFFFFC, v2;
	[sflag:s15] =	ssyncset.done $0x0  }
0x2cd: {  	s24 =	sadd.s32 $0xA5, s0;
	v4 =	vbroadcast v2, $0x0;
	s17 =	simm.s32 $0x9DB0;
	[sflag:s15] =	ssyncadd.s32 $0xFFFFEC00  }
0x2ce: {  	s0 =	sadd.s32 $0xA7, s0;
	v3 =	vmov s24;
	v6 =	vld [tilespmem:s17+$0x30]  }
0x2cf: {  	v5 =	vmov s0;
	v2 =	vand.u32 $0xFFFFFFFD, v3;
	v9 =	vld [tilespmem:s17+$0xFFFFFF80]  }
0x2d0: {  	v3 =	vbroadcast v2, $0x0;
	v2 =	vld.idx.msk [tilespmem:v1+s3+$0x0], $0xffff  }
0x2d1: {  	v8 =	vld [tilespmem:s17+$0xFFFFFF90]  }
0x2d2: {  	v7 =	vld [tilespmem:s17+$0xFFFFFFA0]  }
0x2d3: {  	v4 =	vld.idx.msk [tilespmem:v4+s3+$0x0], $0xffff  }
0x2d4: {  	v1 =	vld.idx.msk [tilespmem:v5+s3+$0x0], $0xffff  }
0x2d5: {  	v5 =	vld [tilespmem:s17+$0xFFFFFFB0];
	v6 =	vmul.f32 v6, v2  }
0x2d6: {  	v3 =	vld.idx.msk [tilespmem:v3+s3+$0x0], $0xffff  }
0x2d7: {  	s31 =	simm.s32 $0x9DB0;
	s0 =	sadd.s32 $0x2, s29;
	s21 =	simm.s32 $0x0;
	[tilespmem:s17+$0x30] =	vst v6;
	v6 =	vld [tilespmem:s17+$0xFFFFFFC0]  }
.LBB2_26:
0x2d8: {  	s1 =	sadd.s32 s21, s8;
	s21 =	sadd.s32 $0x4, s21;
	v9 =	vmul.f32 v9, v4;
	v10 =	vld [tilespmem:s17+$0xFFFFFFD0]  }
0x2d9: {  	s4 =	sadd.s32 $0xA4, s1;
	s24 =	sadd.s32 $0xA6, s1;
	p2 =	slt.u32 s21, $0x4C;
	v8 =	vmul.f32 v8, v4;
	v11 =	vld [tilespmem:s17+$0xFFFFFFE0]  }
0x2da: {  	v12 =	vmov s4;
	s4 =	sadd.s32 $0xA5, s1;
	v13 =	vmov s24;
	s1 =	sadd.s32 $0xA7, s1;
	[tilespmem:s17+$0xFFFFFF80] =	vst v9;
	v7 =	vmul.f32 v7, v4;
	v9 =	vld [tilespmem:s17+$0xFFFFFFF0]  }
0x2db: {  	v12 =	vand.u32 $0xFFFFFFFC, v12;
	v14 =	vmov s4;
	v13 =	vand.u32 $0xFFFFFFFE, v13;
	[tilespmem:s17+$0xFFFFFF90] =	vst v8;
	v8 =	vld [tilespmem:s17+$0x0]  }
0x2dc: {  	v12 =	vbroadcast v12, $0x0;
	v14 =	vand.u32 $0xFFFFFFFD, v14;
	v13 =	vbroadcast v13, $0x0;
	[tilespmem:s17+$0xFFFFFFA0] =	vst v7;
	v7 =	vld [tilespmem:s17+$0x10]  }
0x2dd: {  	v15 =	vmov s1;
	v4 =	vmul.f32 v5, v4;
	v14 =	vbroadcast v14, $0x0;
	v5 =	vld [tilespmem:s17+$0x20]  }
0x2de: {  	v6 =	vmul.f32 v6, v3;
	v10 =	vmul.f32 v10, v3;
	v16 =	vld [tilespmem:s17+$0x40]  }
0x2df: {  	[tilespmem:s17+$0xFFFFFFB0] =	vst v4;
	v4 =	vmul.f32 v11, v3;
	v3 =	vmul.f32 v9, v3;
	v9 =	vld [tilespmem:s17+$0x50]  }
0x2e0: {  	[tilespmem:s17+$0xFFFFFFC0] =	vst v6;
	v6 =	vmul.f32 v8, v2;
	v8 =	vld [tilespmem:s17+$0x60]  }
0x2e1: {  	[tilespmem:s17+$0xFFFFFFD0] =	vst v10;
	v7 =	vmul.f32 v7, v2;
	v10 =	vld [tilespmem:s17+$0x70]  }
0x2e2: {  	s17 =	sadd.s32 $0x100, s17;
	[tilespmem:s31+$0xFFFFFFE0] =	vst v4;
	v5 =	vmul.f32 v5, v2;
	v2 =	vld.idx.msk [tilespmem:v13+s3+$0x0], $0xffff  }
0x2e3: {  	v11 =	vld [tilespmem:s17+$0x30];
	[tilespmem:s31+$0xFFFFFFF0] =	vst v3;
	v13 =	vmul.f32 v16, v1  }
0x2e4: {  	v4 =	vld.idx.msk [tilespmem:v12+s3+$0x0], $0xffff;
	[tilespmem:s31+$0x0] =	vst v6;
	v6 =	vmul.f32 v9, v1  }
0x2e5: {  	v3 =	vld.idx.msk [tilespmem:v14+s3+$0x0], $0xffff;
	[tilespmem:s31+$0x10] =	vst v7;
	v12 =	vmul.f32 v8, v1  }
0x2e6: {  	[tilespmem:s31+$0x20] =	vst v5;
	v10 =	vmul.f32 v10, v1;
	v1 =	vld.idx.msk [tilespmem:v15+s3+$0x0], $0xffff  }
.Ltmp14:
0x2e7: {  	v9 =	vld [tilespmem:s17+$0xFFFFFF80];
	[tilespmem:s31+$0x40] =	vst v13;
	(pc) =	sbr.rel @p2 .LBB2_26-.Ltmp14, $4  }
0x2e8: {  	v8 =	vld [tilespmem:s17+$0xFFFFFF90];
	v11 =	vmul.f32 v11, v2;
	[tilespmem:s31+$0x50] =	vst v6  }
0x2e9: {  	v7 =	vld [tilespmem:s17+$0xFFFFFFA0];
	[tilespmem:s31+$0x60] =	vst v12  }
0x2ea: {  	v5 =	vld [tilespmem:s17+$0xFFFFFFB0];
	[tilespmem:s17+$0x30] =	vst v11  }
0x2eb: {  	v6 =	vld [tilespmem:s17+$0xFFFFFFC0];
	[tilespmem:s31+$0x70] =	vst v10;
	s31 =	smov.u32 s17  }
0x2ec: {  	v9 =	vmul.f32 v9, v4;
	v10 =	vld [tilespmem:s17+$0xFFFFFFD0]  }
0x2ed: {  	v11 =	vld [tilespmem:s17+$0xFFFFFFE0];
	v8 =	vmul.f32 v8, v4  }
0x2ee: {  	[tilespmem:s17+$0xFFFFFF80] =	vst v9;
	v7 =	vmul.f32 v7, v4;
	v9 =	vld [tilespmem:s17+$0xFFFFFFF0]  }
0x2ef: {  	[tilespmem:s17+$0xFFFFFF90] =	vst v8;
	v8 =	vld [tilespmem:s17+$0x0];
	v4 =	vmul.f32 v5, v4  }
0x2f0: {  	v5 =	vld [tilespmem:s17+$0x10];
	[tilespmem:s17+$0xFFFFFFA0] =	vst v7;
	v6 =	vmul.f32 v6, v3  }
0x2f1: {  	v7 =	vld [tilespmem:s17+$0x20];
	v10 =	vmul.f32 v10, v3;
	[tilespmem:s17+$0xFFFFFFB0] =	vst v4  }
0x2f2: {  	v4 =	vld [tilespmem:s17+$0x40];
	v11 =	vmul.f32 v11, v3;
	[tilespmem:s17+$0xFFFFFFC0] =	vst v6  }
0x2f3: {  	v6 =	vld [tilespmem:s17+$0x50];
	v3 =	vmul.f32 v9, v3;
	[tilespmem:s17+$0xFFFFFFD0] =	vst v10  }
0x2f4: {  	v9 =	vld [tilespmem:s17+$0x60];
	v8 =	vmul.f32 v8, v2;
	[tilespmem:s31+$0xFFFFFFE0] =	vst v11  }
0x2f5: {  	v10 =	vld [tilespmem:s17+$0x70];
	v5 =	vmul.f32 v5, v2;
	[tilespmem:s31+$0xFFFFFFF0] =	vst v3  }
0x2f6: {  	v2 =	vmul.f32 v7, v2;
	[tilespmem:s31+$0x0] =	vst v8  }
0x2f7: {  	v3 =	vmul.f32 v4, v1;
	[tilespmem:s31+$0x10] =	vst v5  }
0x2f8: {  	v4 =	vmul.f32 v6, v1;
	[tilespmem:s31+$0x20] =	vst v2  }
0x2f9: {  	s0 =	smul.u32 $0x140, s0;
	v2 =	vmul.f32 v9, v1;
	[tilespmem:s31+$0x40] =	vst v3  }
0x2fa: {  	v1 =	vmul.f32 v10, v1;
	[tilespmem:s31+$0x50] =	vst v4  }
0x2fb: {  	s0 =	sshra.s32 s0, $0x2;
	[tilespmem:s31+$0x60] =	vst v2  }
0x2fc: {  	s0 =	sadd.s32 $0x2710, s0;
	[tilespmem:s31+$0x70] =	vst v1  }
0x2fd: {  	[spmem:s20] =	stream.indirect.scatter.add.f32 [tilespmem:s9], [sflag:$0x8], $0x40, s0, s5, $0xb8;
	[tilespmem:$0x18970] =	vst v63  }
0x2fe: {  	s1 =	simm.s32 @!p1 $0x7;
	s0 =	sadd.s32 $0xFFFFFFFC, s8  }
0x2ff: {  	s4 =	sadd.s32 $0xF6, s0;
	_ =	swait.ge @!p1 [sflag:s1], $0x1400  }
0x300: {  	s21 =	simm.s32 @!p1 $0x8930;
	s17 =	simm.s32 @!p1 $0x50;
	v1 =	vmov s4;
	[sflag:s1] =	ssyncset.done @!p1 $0x0  }
0x301: {  	s24 =	sadd.s32 $0xF4, s0;
	s4 =	sadd.s32 @!p1 $0x1E0, s30;
	v1 =	vand.u32 $0xFFFFFFFE, v1;
	[sflag:s1] =	ssyncadd.s32 @!p1 $0xFFFFEC00  }
0x302: {  	v1 =	vbroadcast v1, $0x0;
	[tilespmem:s21], [sflag:$0x2] =	stream.indirect.gather @!p1 [hbm4b:s18+s17], $0x40, s4, s17, $0xb8;
	[tilespmem:$0x18970] =	vst v63  }
0x303: {  	v2 =	vmov s24;
	_ =	swait.ge [sflag:s16], $0x1400  }
0x304: {  	v2 =	vand.u32 $0xFFFFFFFC, v2;
	[sflag:s16] =	ssyncset.done $0x0  }
0x305: {  	s31 =	sadd.s32 $0xF5, s0;
	v4 =	vbroadcast v2, $0x0;
	s17 =	simm.s32 $0xB1B0;
	[sflag:s16] =	ssyncadd.s32 $0xFFFFEC00  }
0x306: {  	s0 =	sadd.s32 $0xF7, s0;
	v3 =	vmov s31;
	v6 =	vld [tilespmem:s17+$0x30]  }
0x307: {  	v5 =	vmov s0;
	v2 =	vand.u32 $0xFFFFFFFD, v3;
	v9 =	vld [tilespmem:s17+$0xFFFFFF80]  }
0x308: {  	v3 =	vbroadcast v2, $0x0;
	v2 =	vld.idx.msk [tilespmem:v1+s3+$0x0], $0xffff  }
0x309: {  	v8 =	vld [tilespmem:s17+$0xFFFFFF90]  }
0x30a: {  	v7 =	vld [tilespmem:s17+$0xFFFFFFA0]  }
0x30b: {  	v4 =	vld.idx.msk [tilespmem:v4+s3+$0x0], $0xffff  }
0x30c: {  	v1 =	vld.idx.msk [tilespmem:v5+s3+$0x0], $0xffff  }
0x30d: {  	v5 =	vld [tilespmem:s17+$0xFFFFFFB0];
	v6 =	vmul.f32 v6, v2  }
0x30e: {  	v3 =	vld.idx.msk [tilespmem:v3+s3+$0x0], $0xffff  }
0x30f: {  	s0 =	sadd.s32 $0x3, s29;
	s29 =	simm.s32 $0xB1B0;
	s21 =	simm.s32 $0x0;
	[tilespmem:s17+$0x30] =	vst v6;
	v6 =	vld [tilespmem:s17+$0xFFFFFFC0]  }
.LBB2_28:
0x310: {  	s1 =	sadd.s32 s21, s8;
	s21 =	sadd.s32 $0x4, s21;
	v9 =	vmul.f32 v9, v4;
	v10 =	vld [tilespmem:s17+$0xFFFFFFD0]  }
0x311: {  	s4 =	sadd.s32 $0xF4, s1;
	s24 =	sadd.s32 $0xF6, s1;
	p2 =	slt.u32 s21, $0x4C;
	v8 =	vmul.f32 v8, v4;
	v11 =	vld [tilespmem:s17+$0xFFFFFFE0]  }
0x312: {  	v12 =	vmov s4;
	s4 =	sadd.s32 $0xF5, s1;
	v13 =	vmov s24;
	s1 =	sadd.s32 $0xF7, s1;
	[tilespmem:s17+$0xFFFFFF80] =	vst v9;
	v7 =	vmul.f32 v7, v4;
	v9 =	vld [tilespmem:s17+$0xFFFFFFF0]  }
0x313: {  	v12 =	vand.u32 $0xFFFFFFFC, v12;
	v14 =	vmov s4;
	v13 =	vand.u32 $0xFFFFFFFE, v13;
	[tilespmem:s17+$0xFFFFFF90] =	vst v8;
	v8 =	vld [tilespmem:s17+$0x0]  }
0x314: {  	v12 =	vbroadcast v12, $0x0;
	v14 =	vand.u32 $0xFFFFFFFD, v14;
	v13 =	vbroadcast v13, $0x0;
	[tilespmem:s17+$0xFFFFFFA0] =	vst v7;
	v7 =	vld [tilespmem:s17+$0x10]  }
0x315: {  	v15 =	vmov s1;
	v4 =	vmul.f32 v5, v4;
	v14 =	vbroadcast v14, $0x0;
	v5 =	vld [tilespmem:s17+$0x20]  }
0x316: {  	v6 =	vmul.f32 v6, v3;
	v10 =	vmul.f32 v10, v3;
	v16 =	vld [tilespmem:s17+$0x40]  }
0x317: {  	[tilespmem:s17+$0xFFFFFFB0] =	vst v4;
	v4 =	vmul.f32 v11, v3;
	v3 =	vmul.f32 v9, v3;
	v9 =	vld [tilespmem:s17+$0x50]  }
0x318: {  	[tilespmem:s17+$0xFFFFFFC0] =	vst v6;
	v6 =	vmul.f32 v8, v2;
	v8 =	vld [tilespmem:s17+$0x60]  }
0x319: {  	[tilespmem:s17+$0xFFFFFFD0] =	vst v10;
	v7 =	vmul.f32 v7, v2;
	v10 =	vld [tilespmem:s17+$0x70]  }
0x31a: {  	s17 =	sadd.s32 $0x100, s17;
	[tilespmem:s29+$0xFFFFFFE0] =	vst v4;
	v5 =	vmul.f32 v5, v2;
	v2 =	vld.idx.msk [tilespmem:v13+s3+$0x0], $0xffff  }
0x31b: {  	v11 =	vld [tilespmem:s17+$0x30];
	[tilespmem:s29+$0xFFFFFFF0] =	vst v3;
	v13 =	vmul.f32 v16, v1  }
0x31c: {  	v4 =	vld.idx.msk [tilespmem:v12+s3+$0x0], $0xffff;
	[tilespmem:s29+$0x0] =	vst v6;
	v6 =	vmul.f32 v9, v1  }
0x31d: {  	v3 =	vld.idx.msk [tilespmem:v14+s3+$0x0], $0xffff;
	[tilespmem:s29+$0x10] =	vst v7;
	v12 =	vmul.f32 v8, v1  }
0x31e: {  	[tilespmem:s29+$0x20] =	vst v5;
	v10 =	vmul.f32 v10, v1;
	v1 =	vld.idx.msk [tilespmem:v15+s3+$0x0], $0xffff  }
.Ltmp15:
0x31f: {  	v9 =	vld [tilespmem:s17+$0xFFFFFF80];
	[tilespmem:s29+$0x40] =	vst v13;
	(pc) =	sbr.rel @p2 .LBB2_28-.Ltmp15, $4  }
0x320: {  	v8 =	vld [tilespmem:s17+$0xFFFFFF90];
	v11 =	vmul.f32 v11, v2;
	[tilespmem:s29+$0x50] =	vst v6  }
0x321: {  	v7 =	vld [tilespmem:s17+$0xFFFFFFA0];
	[tilespmem:s29+$0x60] =	vst v12  }
0x322: {  	v5 =	vld [tilespmem:s17+$0xFFFFFFB0];
	[tilespmem:s17+$0x30] =	vst v11  }
0x323: {  	v6 =	vld [tilespmem:s17+$0xFFFFFFC0];
	[tilespmem:s29+$0x70] =	vst v10;
	s29 =	smov.u32 s17  }
0x324: {  	v9 =	vmul.f32 v9, v4;
	v10 =	vld [tilespmem:s17+$0xFFFFFFD0]  }
0x325: {  	v11 =	vld [tilespmem:s17+$0xFFFFFFE0];
	v8 =	vmul.f32 v8, v4  }
0x326: {  	[tilespmem:s17+$0xFFFFFF80] =	vst v9;
	v7 =	vmul.f32 v7, v4;
	v9 =	vld [tilespmem:s17+$0xFFFFFFF0]  }
0x327: {  	[tilespmem:s17+$0xFFFFFF90] =	vst v8;
	v8 =	vld [tilespmem:s17+$0x0];
	v4 =	vmul.f32 v5, v4  }
0x328: {  	v5 =	vld [tilespmem:s17+$0x10];
	[tilespmem:s17+$0xFFFFFFA0] =	vst v7;
	v6 =	vmul.f32 v6, v3  }
0x329: {  	v7 =	vld [tilespmem:s17+$0x20];
	v10 =	vmul.f32 v10, v3;
	[tilespmem:s17+$0xFFFFFFB0] =	vst v4  }
0x32a: {  	v4 =	vld [tilespmem:s17+$0x40];
	v11 =	vmul.f32 v11, v3;
	[tilespmem:s17+$0xFFFFFFC0] =	vst v6  }
0x32b: {  	v6 =	vld [tilespmem:s17+$0x50];
	v3 =	vmul.f32 v9, v3;
	[tilespmem:s17+$0xFFFFFFD0] =	vst v10  }
0x32c: {  	v9 =	vld [tilespmem:s17+$0x60];
	v8 =	vmul.f32 v8, v2;
	[tilespmem:s29+$0xFFFFFFE0] =	vst v11  }
0x32d: {  	v10 =	vld [tilespmem:s17+$0x70];
	v5 =	vmul.f32 v5, v2;
	[tilespmem:s29+$0xFFFFFFF0] =	vst v3  }
0x32e: {  	v2 =	vmul.f32 v7, v2;
	[tilespmem:s29+$0x0] =	vst v8  }
0x32f: {  	v3 =	vmul.f32 v4, v1;
	[tilespmem:s29+$0x10] =	vst v5  }
0x330: {  	v4 =	vmul.f32 v6, v1;
	[tilespmem:s29+$0x20] =	vst v2  }
0x331: {  	s0 =	smul.u32 $0x140, s0;
	v2 =	vmul.f32 v9, v1;
	[tilespmem:s29+$0x40] =	vst v3  }
0x332: {  	v1 =	vmul.f32 v10, v1;
	[tilespmem:s29+$0x50] =	vst v4  }
0x333: {  	s24 =	sadd.s32 $0xFFFFFFFC, s8;
	s0 =	sshra.s32 s0, $0x2;
	[tilespmem:s29+$0x60] =	vst v2  }
0x334: {  	s1 =	simm.s32 @!p1 $0x8;
	s4 =	sadd.s32 $0x146, s24;
	s0 =	sadd.s32 $0x2710, s0;
	[tilespmem:s29+$0x70] =	vst v1  }
0x335: {  	v1 =	vmov s4;
	[spmem:s20] =	stream.indirect.scatter.add.f32 [tilespmem:s11], [sflag:$0x9], $0x40, s0, s5, $0xb8;
	[tilespmem:$0x18970] =	vst v63  }
0x336: {  	s29 =	sadd.s32 $0x144, s24;
	v1 =	vand.u32 $0xFFFFFFFE, v1;
	_ =	swait.ge @!p1 [sflag:s1], $0x1400  }
0x337: {  	s21 =	simm.s32 @!p1 $0x9D30;
	v2 =	vmov s29;
	v1 =	vbroadcast v1, $0x0;
	[sflag:s1] =	ssyncset.done @!p1 $0x0  }
0x338: {  	s17 =	simm.s32 @!p1 $0x50;
	s4 =	sadd.s32 @!p1 $0x230, s30;
	v2 =	vand.u32 $0xFFFFFFFC, v2;
	[sflag:s1] =	ssyncadd.s32 @!p1 $0xFFFFEC00  }
0x339: {  	v4 =	vbroadcast v2, $0x0;
	[tilespmem:s21], [sflag:$0x3] =	stream.indirect.gather @!p1 [hbm4b:s18+s17], $0x40, s4, s17, $0xb8;
	[tilespmem:$0x18970] =	vst v63  }
0x33a: {  	s31 =	sadd.s32 $0x145, s24;
	s0 =	sadd.s32 $0x147, s24;
	_ =	swait.ge [sflag:s19], $0x1400  }
0x33b: {  	v3 =	vmov s31;
	v5 =	vmov s0;
	[sflag:s19] =	ssyncset.done $0x0  }
0x33c: {  	v2 =	vand.u32 $0xFFFFFFFD, v3;
	[sflag:s19] =	ssyncadd.s32 $0xFFFFEC00  }
0x33d: {  	s0 =	simm.s32 $0xC5B0;
	v3 =	vbroadcast v2, $0x0;
	v2 =	vld.idx.msk [tilespmem:v1+s3+$0x0], $0xffff  }
0x33e: {  	v6 =	vld [tilespmem:s0+$0x30]  }
0x33f: {  	v4 =	vld.idx.msk [tilespmem:v4+s3+$0x0], $0xffff  }
0x340: {  	v1 =	vld.idx.msk [tilespmem:v5+s3+$0x0], $0xffff  }
0x341: {  	v9 =	vld [tilespmem:s0+$0xFFFFFF80]  }
0x342: {  	v8 =	vld [tilespmem:s0+$0xFFFFFF90]  }
0x343: {  	v7 =	vld [tilespmem:s0+$0xFFFFFFA0]  }
0x344: {  	v5 =	vld [tilespmem:s0+$0xFFFFFFB0];
	v6 =	vmul.f32 v6, v2  }
0x345: {  	v3 =	vld.idx.msk [tilespmem:v3+s3+$0x0], $0xffff  }
0x346: {  	s21 =	simm.s32 $0x0;
	s17 =	simm.s32 $0xC5B0;
	[tilespmem:s0+$0x30] =	vst v6;
	v6 =	vld [tilespmem:s0+$0xFFFFFFC0]  }
.LBB2_30:
0x347: {  	s1 =	sadd.s32 s21, s8;
	s21 =	sadd.s32 $0x4, s21;
	v9 =	vmul.f32 v9, v4;
	v10 =	vld [tilespmem:s0+$0xFFFFFFD0]  }
0x348: {  	s4 =	sadd.s32 $0x144, s1;
	s24 =	sadd.s32 $0x146, s1;
	p2 =	slt.u32 s21, $0x4C;
	v8 =	vmul.f32 v8, v4;
	v11 =	vld [tilespmem:s0+$0xFFFFFFE0]  }
0x349: {  	v12 =	vmov s4;
	s4 =	sadd.s32 $0x145, s1;
	v13 =	vmov s24;
	s1 =	sadd.s32 $0x147, s1;
	[tilespmem:s0+$0xFFFFFF80] =	vst v9;
	v7 =	vmul.f32 v7, v4;
	v9 =	vld [tilespmem:s0+$0xFFFFFFF0]  }
0x34a: {  	v12 =	vand.u32 $0xFFFFFFFC, v12;
	v14 =	vmov s4;
	v13 =	vand.u32 $0xFFFFFFFE, v13;
	[tilespmem:s0+$0xFFFFFF90] =	vst v8;
	v8 =	vld [tilespmem:s0+$0x0]  }
0x34b: {  	v12 =	vbroadcast v12, $0x0;
	v14 =	vand.u32 $0xFFFFFFFD, v14;
	v13 =	vbroadcast v13, $0x0;
	[tilespmem:s0+$0xFFFFFFA0] =	vst v7;
	v7 =	vld [tilespmem:s0+$0x10]  }
0x34c: {  	v15 =	vmov s1;
	v4 =	vmul.f32 v5, v4;
	v14 =	vbroadcast v14, $0x0;
	v5 =	vld [tilespmem:s0+$0x20]  }
0x34d: {  	v6 =	vmul.f32 v6, v3;
	v10 =	vmul.f32 v10, v3;
	v16 =	vld [tilespmem:s0+$0x40]  }
0x34e: {  	[tilespmem:s0+$0xFFFFFFB0] =	vst v4;
	v4 =	vmul.f32 v11, v3;
	v3 =	vmul.f32 v9, v3;
	v9 =	vld [tilespmem:s0+$0x50]  }
0x34f: {  	[tilespmem:s0+$0xFFFFFFC0] =	vst v6;
	v6 =	vmul.f32 v8, v2;
	v8 =	vld [tilespmem:s0+$0x60]  }
0x350: {  	[tilespmem:s0+$0xFFFFFFD0] =	vst v10;
	v7 =	vmul.f32 v7, v2;
	v10 =	vld [tilespmem:s0+$0x70]  }
0x351: {  	s0 =	sadd.s32 $0x100, s0;
	[tilespmem:s17+$0xFFFFFFE0] =	vst v4;
	v5 =	vmul.f32 v5, v2;
	v2 =	vld.idx.msk [tilespmem:v13+s3+$0x0], $0xffff  }
0x352: {  	v11 =	vld [tilespmem:s0+$0x30];
	[tilespmem:s17+$0xFFFFFFF0] =	vst v3;
	v13 =	vmul.f32 v16, v1  }
0x353: {  	v4 =	vld.idx.msk [tilespmem:v12+s3+$0x0], $0xffff;
	[tilespmem:s17+$0x0] =	vst v6;
	v6 =	vmul.f32 v9, v1  }
0x354: {  	v3 =	vld.idx.msk [tilespmem:v14+s3+$0x0], $0xffff;
	[tilespmem:s17+$0x10] =	vst v7;
	v12 =	vmul.f32 v8, v1  }
0x355: {  	[tilespmem:s17+$0x20] =	vst v5;
	v10 =	vmul.f32 v10, v1;
	v1 =	vld.idx.msk [tilespmem:v15+s3+$0x0], $0xffff  }
.Ltmp16:
0x356: {  	v9 =	vld [tilespmem:s0+$0xFFFFFF80];
	[tilespmem:s17+$0x40] =	vst v13;
	(pc) =	sbr.rel @p2 .LBB2_30-.Ltmp16, $4  }
0x357: {  	v8 =	vld [tilespmem:s0+$0xFFFFFF90];
	v11 =	vmul.f32 v11, v2;
	[tilespmem:s17+$0x50] =	vst v6  }
0x358: {  	v7 =	vld [tilespmem:s0+$0xFFFFFFA0];
	[tilespmem:s17+$0x60] =	vst v12  }
0x359: {  	v5 =	vld [tilespmem:s0+$0xFFFFFFB0];
	[tilespmem:s0+$0x30] =	vst v11  }
0x35a: {  	v6 =	vld [tilespmem:s0+$0xFFFFFFC0];
	[tilespmem:s17+$0x70] =	vst v10;
	s17 =	smov.u32 s0  }
0x35b: {  	v9 =	vmul.f32 v9, v4;
	v10 =	vld [tilespmem:s0+$0xFFFFFFD0]  }
0x35c: {  	v55 =	vld [tilespmem:s0+$0x0];
	v8 =	vmul.f32 v8, v4  }
0x35d: {  	v57 =	vld [tilespmem:s0+$0x10];
	[tilespmem:s0+$0xFFFFFF80] =	vst v9;
	v7 =	vmul.f32 v7, v4  }
0x35e: {  	v58 =	vld [tilespmem:s0+$0x20];
	[tilespmem:s0+$0xFFFFFF90] =	vst v8;
	v56 =	vmul.f32 v5, v4  }
0x35f: {  	v60 =	vld [tilespmem:s0+$0x50];
	[tilespmem:s0+$0xFFFFFFA0] =	vst v7;
	v6 =	vmul.f32 v6, v3  }
0x360: {  	v11 =	vld [tilespmem:s0+$0xFFFFFFE0];
	v10 =	vmul.f32 v10, v3;
	[tilespmem:s0+$0xFFFFFFB0] =	vst v56  }
0x361: {  	v54 =	vld [tilespmem:s0+$0xFFFFFFF0];
	v8 =	vmul.f32 v55, v2;
	[tilespmem:s0+$0xFFFFFFC0] =	vst v6  }
0x362: {  	v61 =	vld [tilespmem:s0+$0x60];
	v5 =	vmul.f32 v57, v2;
	[tilespmem:s0+$0xFFFFFFD0] =	vst v10  }
0x363: {  	v59 =	vld [tilespmem:s0+$0x40];
	v2 =	vmul.f32 v58, v2;
	[tilespmem:s17+$0x0] =	vst v8  }
0x364: {  	v62 =	vld [tilespmem:s0+$0x70];
	v63 =	vmul.f32 v60, v1;
	[tilespmem:s17+$0x10] =	vst v5  }
0x365: {  	v11 =	vmul.f32 v11, v3;
	[tilespmem:s17+$0x20] =	vst v2  }
0x366: {  	v3 =	vmul.f32 v54, v3;
	[tilespmem:s17+$0x50] =	vst v63  }
0x367: {  	v2 =	vmul.f32 v61, v1;
	[tilespmem:s17+$0xFFFFFFE0] =	vst v11  }
.Ltmp17:
0x368: {  	[tilespmem:s17+$0xFFFFFFF0] =	vst v3;
	v3 =	vmul.f32 v59, v1;
	(pc) =	sbr.rel @p1 .LBB2_33-.Ltmp17, $4  }
0x369: {  	v1 =	vmul.f32 v62, v1;
	[tilespmem:s17+$0x60] =	vst v2  }
0x36a: {  	[tilespmem:s17+$0x40] =	vst v3  }
0x36b: {  	s31 =	sadd.s32 $0x2710, s28;
	[tilespmem:s17+$0x70] =	vst v1  }
0x36c: {  	[spmem:s20] =	stream.indirect.scatter.add.f32 [tilespmem:s13], [sflag:$0xA], $0x40, s31, s5, $0xb8;
	[tilespmem:$0x18970] =	vst v63  }
.Ltmp18:
0x36d: {  	(pc) =	sbr.rel .LBB2_21-.Ltmp18, $4  }
0x36e: {  	_ =	swait.ge [sflag:s10], $0x1400  }
0x36f: {  	s0 =	sadd.s32 $0x280, s26;
	[sflag:s10] =	ssyncset.done $0x0  }
0x370: {  	s23 =	sadd.s32 $0x1, s23;
	s8 =	sadd.s32 $0x190, s8;
	[sflag:s10] =	ssyncadd.s32 $0xFFFFEC00  }
0x371: {  	[tilespmem:s11], [sflag:$0x4] =	stream.indirect.gather [hbm4b:s18+s5], $0x40, s0, s5, $0xb8;
	[tilespmem:$0x18970] =	vst v63  }
.LBB2_34:
0x372: {  	_ =	sfence.sel $0x180000  }
0x373: {  	[bflag:$0x0] =	sbarrier.arrive $0xFFFF  }
0x374: {  	_ =	strace $0x90000047  }
0x375: {  	s0 =	stileid.u32;
	[bflag:$0x2] =	sbarrier.arrive $0xFFFF  }
0x376: {  	p0 =	sne.s32 s0, $0x0;
	s0 =	rddreg [dreg:$0x4]  }
0x377: {  	s0 =	sadd.s32 @!p0 $0x100000, s0  }
0x378: {  	[sflag:s0] =	ssyncadd.tile.s32 @!p0 $0x1;
	_ =	shalt  }
.Lfunc_end2:
_tile_overlayer_lowered:
.L_overlay_start_2:
0x379: {  	(tag) =	ssettag $0x2  }
0x37a: {  	s0 =	rddreg [dreg:$0x0];
	s2 =	stileid.u32  }
0x37b: {  	s1 =	rddreg [dreg:$0x1];
	p0 =	sne.s32 s2, $0x0  }
0x37c: {  	s3 =	rddreg [dreg:$0x2];
	[bflag:$0x3] =	sbarrier.arrive $0xFFFF;
	s2 =	simm.s32 @!p0 $0x1C0B  }
0x37d: {  	[timem:s3], [sflag:s2] =	dma.local @!p0 [hbm:s0], s1  }
0x37e: {  	s0 =	simm.s32 @!p0 $0xB  }
0x37f: {  	_ =	swait.ge @!p0 [sflag:s0], s1  }
0x380: {  	s1 =	ssub.s32 @!p0 $0x0, s1;
	[sflag:s0] =	ssyncset.done @!p0 $0x0  }
0x381: {  	[sflag:s0] =	ssyncadd.s32 @!p0 s1  }
0x382: {  	[bflag:$0x3] =	sbarrier.arrive $0xFFFF  }
0x383: {  	_ =	shalt  }

// kernel: kernel.9.cloned.1.call-start
scs
__scs_entry_jumppad:
0x0: {  	(pc) =	sbr.rel $0x88, $3  }
0x1: {  	(tag) =	ssettag $0x0;
	lr =	simm.s32 $0x1  }
0x2: {  	[smem:$0x3F95] =	sst lr;
	_ =	strace $0xD0000000  }
0x3: {  	_ = 	snop  }
0x4: {  	_ = 	snop  }
0x5: {  	_ = 	snop  }
0x6: {  	_ = 	snop  }
0x7: {  	_ = 	snop  }
__scs_overlays_trampoline_lowered:
0x8: {  	[smem:$0x3FA4] =	sst s0  }
0x9: {  	[smem:$0x3FA5] =	sst s1  }
0xa: {  	[smem:$0x3FA6] =	sst s2  }
0xb: {  	[smem:$0x3FA7] =	sst s3  }
0xc: {  	[smem:$0x3FA8] =	sst s4  }
0xd: {  	[smem:$0x3FA9] =	sst s5  }
0xe: {  	[smem:$0x3FAA] =	sst s6  }
0xf: {  	[smem:$0x3FAB] =	sst s7  }
0x10: {  	[smem:$0x3FAC] =	sst s8  }
0x11: {  	[smem:$0x3FAD] =	sst s9;
	s0 =	simm.s32 @!p0 $0x0  }
0x12: {  	s1 =	sld [smem:$0x3F93];
	s0 =	simm.s32 @p0 $0x1  }
0x13: {  	[smem:$0x3FAE] =	sst s0;
	s0 =	simm.s32 @!p1 $0x0  }
0x14: {  	s2 =	sld [smem:$0x3F92];
	s0 =	simm.s32 @p1 $0x1  }
0x15: {  	[smem:$0x3FAF] =	sst s0;
	s0 =	simm.s32 @!p2 $0x0  }
0x16: {  	s3 =	sld [smem:$0x3FDB];
	s0 =	simm.s32 @p2 $0x1  }
0x17: {  	s4 =	simm.s32 $0x1BF5;
	[smem:$0x3FB1] =	sst s0  }
0x18: {  	s0 =	sld [smem:$0x3F94];
	_ =	swait.ge [sflag:s4], $0x0  }
0x19: {  	s7 =	sld [smem:$0x3F95]  }
0x1a: {  	s8 =	sadd.s32 $0xFFFFE003, lr  }
0x1b: {  	s9 =	sadd.s32 $0xFFFFFEF7, lr;
	s5 =	simm.s32 $0xFFFFFFFF;
	p2 =	slt.u32 s8, $0xFFFFF086  }
0x1c: {  	p1 =	slt.u32 s9, $0xF7A;
	s5 =	simm.s32 @!p2 $0x0  }
0x1d: {  	s5 =	simm.s32 @p1 $0x1;
	p0 =	seq.s32 s7, s2  }
0x1e: {  	s7 =	smul.u32 @!p0 $0xF7A, s2;
	p2 =	seq.s32 @!p0 s5, $0x0  }
0x1f: {  	s9 =	smul.u32 $0xF7A, s1;
	s8 =	simm.s32 @!p0 $0x1BF5;
	p2 =	por !p2, p0  }
0x20: {  	[sflag:s8] =	ssyncset.s32 @!p0 $0xFFFFF086;
	s6 =	sadd.s32 @!p0 s3, s7;
	s7 =	simm.s32 @!p0 $0x108  }
0x21: {  	s3 =	sadd.s32 s3, s9;
	s6 =	sadd.s32 @!p0 $0x88, s6;
	s7 =	simm.s32 @p2 $0x1082  }
0x22: {  	[simem:s7], [sflag:s8] =	dma.local @!p0 [hbm:s6], $0xF7A  }
0x23: {  	s9 =	sor.u32 $0xD0000000, s2;
	s6 =	simm.s32 $0x108;
	_ =	swait.ge @!p0 [sflag:s8], $0x0  }
0x24: {  	s3 =	sadd.s32 $0x88, s3;
	s6 =	simm.s32 @!p1 $0x1082;
	[sflag:s4] =	ssyncset.s32 $0xFFFFF086  }
0x25: {  	[simem:s6], [sflag:s4] =	dma.local [hbm:s3], $0xF7A  }
0x26: {  	[smem:$0x3F95] =	sst s1;
	(tag) =	ssettag s2;
	_ =	strace s9  }
0x27: {  	s1 =	sld [smem:$0x3FA5]  }
0x28: {  	s2 =	sld [smem:$0x3FA6]  }
0x29: {  	s4 =	sld [smem:$0x3FA8]  }
0x2a: {  	p0 =	seq.s32 s5, $0x0;
	s5 =	sld [smem:$0x3FA9]  }
0x2b: {  	s6 =	sld [smem:$0x3FAA]  }
0x2c: {  	s7 =	sld [smem:$0x3FAB]  }
0x2d: {  	s3 =	simm.s32 $0x108;
	s8 =	sld [smem:$0x3FAC]  }
0x2e: {  	s3 =	simm.s32 @!p0 $0x1082;
	s9 =	sld [smem:$0x3FAD]  }
0x2f: {  	lr =	sadd.s32 s0, s3;
	s0 =	sld [smem:$0x3FA4]  }
0x30: {  	s3 =	sld [smem:$0x3FA7]  }
0x31: {  	[smem:$0x3FB0] =	sst s10  }
0x32: {  	s10 =	sld [smem:$0x3FAE];
	_ =	sdelay $0x3  }
0x33: {  	p0 =	seq.s32 s10, $0x1;
	s10 =	sld [smem:$0x3FB0];
	_ =	sdelay $0x3  }
0x34: {  	[smem:$0x3FB0] =	sst s10  }
0x35: {  	s10 =	sld [smem:$0x3FAF];
	_ =	sdelay $0x3  }
0x36: {  	p1 =	seq.s32 s10, $0x1;
	s10 =	sld [smem:$0x3FB0];
	_ =	sdelay $0x3  }
0x37: {  	[smem:$0x3FB0] =	sst s10  }
0x38: {  	s10 =	sld [smem:$0x3FB1]  }
0x39: {  	_ = 	snop;
	(pc) =	sbr.ind lr, $3  }
0x3a: {  	_ = 	snop  }
0x3b: {  	_ = 	snop  }
0x3c: {  	p2 =	seq.s32 s10, $0x1;
	s10 =	sld [smem:$0x3FB0]  }
0x3d: {  	_ =	shalt  }
0x3e: {  	_ =	shalt  }
0x3f: {  	_ =	shalt  }
0x40: {  	_ =	shalt  }
0x41: {  	_ =	shalt  }
0x42: {  	_ =	shalt  }
0x43: {  	_ =	shalt  }
0x44: {  	_ =	shalt  }
0x45: {  	_ =	shalt  }
0x46: {  	_ =	shalt  }
0x47: {  	_ =	shalt  }
0x48: {  	_ =	shalt  }
0x49: {  	_ =	shalt  }
0x4a: {  	_ =	shalt  }
0x4b: {  	_ =	shalt  }
0x4c: {  	_ =	shalt  }
0x4d: {  	_ =	shalt  }
0x4e: {  	_ =	shalt  }
0x4f: {  	_ =	shalt  }
0x50: {  	_ =	shalt  }
0x51: {  	_ =	shalt  }
0x52: {  	_ =	shalt  }
0x53: {  	_ =	shalt  }
0x54: {  	_ =	shalt  }
0x55: {  	_ =	shalt  }
0x56: {  	_ =	shalt  }
0x57: {  	_ =	shalt  }
0x58: {  	_ =	shalt  }
0x59: {  	_ =	shalt  }
0x5a: {  	_ =	shalt  }
0x5b: {  	_ =	shalt  }
0x5c: {  	_ =	shalt  }
0x5d: {  	_ =	shalt  }
0x5e: {  	_ =	shalt  }
0x5f: {  	_ =	shalt  }
0x60: {  	_ =	shalt  }
0x61: {  	_ =	shalt  }
0x62: {  	_ =	shalt  }
0x63: {  	_ =	shalt  }
0x64: {  	_ =	shalt  }
0x65: {  	_ =	shalt  }
0x66: {  	_ =	shalt  }
0x67: {  	_ =	shalt  }
0x68: {  	_ =	shalt  }
0x69: {  	_ =	shalt  }
0x6a: {  	_ =	shalt  }
0x6b: {  	_ =	shalt  }
0x6c: {  	_ =	shalt  }
0x6d: {  	_ =	shalt  }
0x6e: {  	_ =	shalt  }
0x6f: {  	_ =	shalt  }
0x70: {  	_ =	shalt  }
0x71: {  	_ =	shalt  }
0x72: {  	_ =	shalt  }
0x73: {  	_ =	shalt  }
0x74: {  	_ =	shalt  }
0x75: {  	_ =	shalt  }
0x76: {  	_ =	shalt  }
0x77: {  	_ =	shalt  }
0x78: {  	_ =	shalt  }
0x79: {  	_ =	shalt  }
0x7a: {  	_ =	shalt  }
0x7b: {  	_ =	shalt  }
0x7c: {  	_ =	shalt  }
0x7d: {  	_ =	shalt  }
0x7e: {  	_ =	shalt  }
0x7f: {  	_ =	shalt  }
0x80: {  	_ =	shalt  }
0x81: {  	_ =	shalt  }
0x82: {  	_ =	shalt  }
0x83: {  	_ =	shalt  }
0x84: {  	_ =	shalt  }
0x85: {  	_ =	shalt  }
0x86: {  	_ =	shalt  }
0x87: {  	_ =	shalt  }
.Lfunc_end0:
.L_simem_size_0:
called_computation.1_lowered:
.L_overlay_start_0:
0x88: {  	s2 =	sld [smem:$0x3FD9]  }
0x89: {  	s3 =	sld [smem:$0x3FFE];
	_ =	sdelay $0x1  }
0x8a: {  	s1 =	srdreg.scid  }
0x8b: {  	s0 =	sand.u32 $0x1, s1  }
0x8c: {  	s17 =	sshll.u32 s0, $0xA;
	s2 =	sadd.s32 s3, s2  }
0x8d: {  	s2 =	sadd.s32 s2, s17  }
0x8e: {  	[smem:$0x3FBC] =	sst s2  }
0x8f: {  	_ = 	snop  }
0x90: {  	s2 =	sld [smem:$0x3FC7];
	(tm) =	ssettm $0x1  }
0x91: {  	s18 =	sld [smem:$0x3FFB];
	_ =	sdelay $0x3  }
0x92: {  	_ =	strace s18  }
0x93: {  	s3 =	sld [smem:$0x3FFC];
	_ =	sdelay $0x3  }
0x94: {  	_ =	strace s3  }
0x95: {  	s3 =	sld [smem:$0x3FFD];
	_ =	sdelay $0x3  }
0x96: {  	_ =	strace s3  }
0x97: {  	_ =	strace $0x8FFFFFFF  }
0x98: {  	s19 =	sld [smem:$0x3FDB];
	_ =	sdelay $0x1  }
0x99: {  	s4 =	simm.s32 $_scs_section_size  }
0x9a: {  	s5 =	simm.s32 $_size__tile_overlayer_lowered;
	s6 =	simm.s32 $_tile_overlayer_lowered  }
0x9b: {  	s22 =	simm.s32 $0x1BFF;
	s21 =	sshll.u32 s6, $0x1;
	s3 =	sadd.s32 s4, s19  }
0x9c: {  	s7 =	simm.s32 $0x0;
	s20 =	sshll.u32 s5, $0x1;
	s5 =	sadd.s32 s21, s3  }
0x9d: {  	[timem:s7], [sflag:s22] =	dma.local [hbm:s5], s20  }
0x9e: {  	_ =	swait.ge [sflag:s22], s20  }
0x9f: {  	s4 =	ssub.s32 $0x0, s20;
	[sflag:s22] =	ssyncset.done $0x0  }
0xa0: {  	[sflag:s22] =	ssyncadd.s32 s4;
	_ =	sdelay $0x1  }
0xa1: {  	s23 =	simm.s32 $0x1B8B  }
0xa2: {  	_ =	swait.ge [sflag:s23], $0x1  }
0xa3: {  	[sflag:s23] =	ssyncset.done $0x0  }
0xa4: {  	s25 =	simm.s32 $0x1B8E;
	s24 =	sld [smem:$0x3FFE];
	[sflag:s23] =	ssyncadd.s32 $0xFFFFFFFF  }
0xa5: {  	s26 =	simm.s32 $execute0_lowered;
	[smem:$0x3FD2] =	sst s25  }
0xa6: {  	s5 =	sshll.u32 s26, $0x1;
	_ =	strace $0x80000049;
	[dreg:$0x1] =	wrdreg $0xFFFFFFFF  }
0xa7: {  	s28 =	simm.s32 $_size_execute0_lowered;
	s3 =	sadd.s32 s3, s5;
	[dreg:$0x0] =	wrdreg $0x0  }
0xa8: {  	s5 =	sshll.u32 s28, $0x1;
	[dreg:$0x2] =	wrdreg s3  }
0xa9: {  	[dreg:$0x3] =	wrdreg s5  }
0xaa: {  	[dreg:$0x4] =	wrdreg $0xC0  }
0xab: {  	_ =	task [dreg:s7], $0x5FFFF  }
0xac: {  	[dreg:$0x1] =	wrdreg $0xFFFFFFFF  }
0xad: {  	[dreg:$0x0] =	wrdreg $0x60  }
0xae: {  	[dreg:$0x2] =	wrdreg s24  }
0xaf: {  	[dreg:$0x3] =	wrdreg s2  }
0xb0: {  	[dreg:$0x4] =	wrdreg $0xED300  }
0xb1: {  	[dreg:$0x5] =	wrdreg $0x9  }
0xb2: {  	_ =	task.clear_ibuf [dreg:s7], $0x6FFFF;
	_ =	strace $0x90000049  }
0xb3: {  	s29 =	simm.s32 $0x9;
	_ =	strace $0x8000004B  }
0xb4: {  	_ =	swait.ge [sflag:s29], $0x1  }
0xb5: {  	[sflag:s29] =	ssyncadd.s32 $0xFFFFFFFF  }
0xb6: {  	_ =	strace $0x9000004B  }
0xb7: {  	_ =	sfence  }
0xb8: {  	s30 =	sld [smem:$0x0];
	_ =	sdelay $0x2  }
0xb9: {  	s31 =	sshll.u32 s1, $0xD;
	s1 =	sshrl.u32 s1, $0x2  }
0xba: {  	s3 =	sand.u32 $0x4000, s31;
	s1 =	sadd.s32 s1, s30  }
0xbb: {  	s0 =	sor.u32 s3, s0;
	s1 =	sshll.u32 s1, $0x11  }
0xbc: {  	s0 =	sor.u32 s1, s0  }
0xbd: {  	s0 =	sadd.s32 $0x8F2B, s0  }
0xbe: {  	[sflag:s0] =	ssyncadd.remote.s32 $0x1  }
0xbf: {  	_ =	sfence.sel $0xFFFF  }
0xc0: {  	[dreg:$0x0] =	wrdreg $0xFFFFFFFF;
	(pc) =	sbr.abs _section_cstart, $3  }
0xc1: {  	[dreg:$0x1] =	wrdreg $0xFFFFFFFF  }
0xc2: {  	_ =	task.clear_ibuf [dreg:s7], $0x2FFFF;
	_ =	strace $0x9FFFFFFF  }
0xc3: {  	(tm) =	ssettm $0x7FFFFFFF  }
tec
execute0_lowered:
.L_overlay_start_1:
0x0: {  	(tag) =	ssettag $0x1  }
0x1: {  	s21 =	stileid.u32  }
0x2: {  	s0 =	srdreg.scid;
	s7 =	smul.u32 $0x5000, s21  }
0x3: {  	s0 =	sand.u32 $0x1, s0;
	s10 =	smul.u32 $0x2800, s21  }
0x4: {  	s8 =	sor.u32 $0x10, s21;
	s6 =	smul.u32 $0x138800, s0  }
0x5: {  	s9 =	smul.u32 $0x5000, s8  }
0x6: {  	s12 =	sor.u32 $0x20, s21;
	s8 =	smul.u32 $0x2800, s8  }
0x7: {  	s13 =	sor.u32 $0x30, s21;
	s14 =	smul.u32 $0x2800, s12  }
0x8: {  	s15 =	sor.u32 $0x40, s21;
	s16 =	smul.u32 $0x2800, s13  }
0x9: {  	s1 =	rddreg [dreg:$0x0];
	s18 =	sor.u32 $0x50, s21;
	s19 =	smul.u32 $0x2800, s15  }
0xa: {  	s3 =	rddreg [dreg:$0x1];
	s20 =	smul.u32 $0x2800, s18  }
0xb: {  	s26 =	simm.s32 $0x0;
	s28 =	simm.s32 $0x4E20;
	s23 =	smul.u32 $0x5000, s12  }
0xc: {  	s30 =	simm.s32 $0x50;
	s31 =	simm.s32 $0x7530;
	s25 =	smul.u32 $0x5000, s13  }
0xd: {  	[smem:$0x7FF] =	sst s26;
	s2 =	sshll.u32 s0, $0x4;
	s26 =	smul.u32 $0x5000, s15  }
0xe: {  	s0 =	ssub.s32 $0x2, s0;
	s13 =	smul.u32 $0x5000, s18;
	s4 =	sor.u32 s21, s2  }
0xf: {  	s2 =	rddreg [dreg:$0x2];
	_ =	strace $0x8000004A;
	s17 =	sshrl.u32 s0, $0x1  }
0x10: {  	s24 =	sshrl.u32 s7, $0x2;
	s7 =	simm.s32 $0x2;
	s5 =	smul.u32 $0x4E2, s4  }
0x11: {  	s4 =	sadd.s32 $0x15C00, s1;
	s0 =	ssub.s32 s0, s17;
	s17 =	sor.u32 $0x60, s21  }
0x12: {  	s10 =	sadd.s32 s6, s10;
	s8 =	sadd.s32 s6, s8;
	s14 =	sadd.s32 s6, s14  }
0x13: {  	s16 =	sadd.s32 s6, s16;
	s19 =	sadd.s32 s6, s19;
	s20 =	sadd.s32 s6, s20  }
0x14: {  	s9 =	sshrl.u32 s9, $0x2;
	s12 =	sshrl.u32 s26, $0x2;
	s29 =	smul.u32 $0x2800, s17  }
0x15: {  	s0 =	smax.u32 s0, $0x1;
	s15 =	smul.u32 $0x5000, s17;
	s10 =	sshrl.u32 s10, $0x3  }
0x16: {  	s8 =	sshrl.u32 s8, $0x3;
	s17 =	sshrl.u32 s14, $0x3;
	s18 =	sshrl.u32 s16, $0x3  }
0x17: {  	s19 =	sshrl.u32 s19, $0x3;
	s16 =	simm.s32 $0x8;
	s14 =	simm.s32 $0x0  }
0x18: {  	s11 =	sadd.s32 s5, s1;
	s3 =	sadd.s32 s3, s5;
	[dreg:$0x7] =	wrdreg s0  }
0x19: {  	s1 =	sadd.s32 $0x3CE00, s1;
	[dreg:$0x4] =	wrdreg s3;
	s22 =	sadd.s32 $0xBE00, s11  }
0x1a: {  	s3 =	sor.u32 $0x70, s21;
	s11 =	sadd.s32 $0x2000, s11;
	[dreg:$0x5] =	wrdreg s22  }
0x1b: {  	s5 =	sadd.s32 s6, s29;
	s29 =	sadd.s32 s9, s2;
	[dreg:$0x6] =	wrdreg s11  }
0x1c: {  	s10 =	sadd.s32 s1, s10;
	s8 =	sadd.s32 s1, s8;
	[dreg:$0x9] =	wrdreg s29  }
0x1d: {  	s26 =	sshrl.u32 s15, $0x2;
	s21 =	smul.u32 $0x2800, s3;
	[dreg:$0xb] =	wrdreg s10  }
0x1e: {  	s11 =	sshrl.u32 s23, $0x2;
	[dreg:$0xc] =	wrdreg s8;
	s8 =	sadd.s32 s1, s17  }
0x1f: {  	s22 =	sadd.s32 s1, s19;
	s23 =	sshrl.u32 s20, $0x3;
	s5 =	sshrl.u32 s5, $0x3  }
0x20: {  	s20 =	sadd.s32 s12, s2;
	p0 =	sgt.u32 s3, $0x7C;
	s12 =	simm.s32 $0x4  }
0x21: {  	s17 =	simm.s32 $0x9;
	s9 =	sadd.s32 s11, s2;
	[dreg:$0xd] =	wrdreg s8  }
0x22: {  	s11 =	sshrl.u32 s25, $0x2;
	s8 =	sadd.s32 s1, s18;
	[dreg:$0xf] =	wrdreg s22  }
0x23: {  	s5 =	sadd.s32 s1, s5;
	s25 =	sshrl.u32 s13, $0x2;
	[dreg:$0x14] =	wrdreg s20  }
0x24: {  	s13 =	simm.s32 $0x5;
	s6 =	sadd.s32 s6, s21;
	[dreg:$0xa] =	wrdreg s9  }
0x25: {  	s21 =	sadd.s32 s24, s2;
	[dreg:$0xe] =	wrdreg s8;
	s8 =	sadd.s32 s1, s23  }
0x26: {  	[dreg:$0x11] =	wrdreg s5;
	s24 =	smul.u32 $0x5000, s3;
	s19 =	sadd.s32 s11, s2  }
0x27: {  	s0 =	sadd.s32 s25, s2;
	s25 =	simm.s32 $0xB;
	[dreg:$0x10] =	wrdreg s8  }
0x28: {  	s5 =	simm.s32 $0x1;
	s6 =	sshrl.u32 s6, $0x3;
	[dreg:$0x15] =	wrdreg s0  }
.Ltmp0:
0x29: {  	s0 =	sadd.s32 s26, s2;
	[dreg:$0x8] =	wrdreg s21;
	(pc) =	sbr.rel .LBB2_1-.Ltmp0, $4  }
0x2a: {  	s26 =	simm.s32 $0x9D30;
	[dreg:$0x13] =	wrdreg s19;
	s1 =	sadd.s32 s1, s6  }
0x2b: {  	s8 =	simm.s32 $0x3;
	[dreg:$0x12] =	wrdreg s1;
	s1 =	sshrl.u32 s24, $0x2  }
0x2c: {  	[dreg:$0x16] =	wrdreg s0;
	s0 =	simm.s32 $0xB130;
	s29 =	sadd.s32 s1, s2  }
0x2d: {  	v0 =	vimm.f32 $0.0e+00;
	s6 =	simm.s32 $0xC530;
	s1 =	simm.s32 $0x8930;
	[dreg:$0x17] =	wrdreg s29  }
.LBB2_18:
0x2e: {  	s3 =	simm.s32 $0x6  }
0x2f: {  	_ =	swait.ge [sflag:s3], $0x1400  }
0x30: {  	[sflag:s3] =	ssyncset.done $0x0  }
0x31: {  	s11 =	simm.s32 $0x7;
	[sflag:s3] =	ssyncadd.s32 $0xFFFFEC00  }
0x32: {  	_ =	swait.ge [sflag:s11], $0x1400  }
0x33: {  	[sflag:s11] =	ssyncset.done $0x0  }
0x34: {  	[sflag:s11] =	ssyncadd.s32 $0xFFFFEC00  }
0x35: {  	_ =	swait.ge [sflag:s16], $0x1400  }
0x36: {  	[sflag:s16] =	ssyncset.done $0x0  }
0x37: {  	[sflag:s16] =	ssyncadd.s32 $0xFFFFEC00  }
0x38: {  	_ =	swait.ge [sflag:s17], $0x1400  }
0x39: {  	[sflag:s17] =	ssyncset.done $0x0  }
0x3a: {  	s15 =	simm.s32 $0xA;
	[sflag:s17] =	ssyncadd.s32 $0xFFFFEC00  }
0x3b: {  	_ =	swait.ge [sflag:s15], $0x1400  }
0x3c: {  	[sflag:s15] =	ssyncset.done $0x0  }
0x3d: {  	s18 =	stileid.u32;
	[sflag:s15] =	ssyncadd.s32 $0xFFFFEC00  }
0x3e: {  	s3 =	sshll.u32 s18, $0x6;
	[bflag:$0x0] =	sbarrier.arrive $0xFFFF  }
0x3f: {  	s3 =	sor.u32 $0x1C0B, s3;
	s21 =	rddreg [dreg:$0x8]  }
0x40: {  	s11 =	simm.s32 $0x10;
	s10 =	rddreg [dreg:$0xb];
	s9 =	sshrl.u32 s21, $0x3  }
0x41: {  	[hbm:s10@s11], [sflag:s3] =	dma.strided [spmem:s9@s16], $0x280, s5, $0x8   }
0x42: {  	_ =	swait.ge [sflag:s25], $0x280  }
0x43: {  	[sflag:s25] =	ssyncset.done $0x0;
	s19 =	rddreg [dreg:$0x9]  }
0x44: {  	s20 =	rddreg [dreg:$0xc];
	[sflag:s25] =	ssyncadd.s32 $0xFFFFFD80;
	s9 =	sshrl.u32 s19, $0x3  }
0x45: {  	[hbm:s20@s11], [sflag:s3] =	dma.strided [spmem:s9@s16], $0x280, s5, $0x8   }
0x46: {  	_ =	swait.ge [sflag:s25], $0x280  }
0x47: {  	[sflag:s25] =	ssyncset.done $0x0;
	s22 =	rddreg [dreg:$0xa]  }
0x48: {  	s23 =	rddreg [dreg:$0xd];
	[sflag:s25] =	ssyncadd.s32 $0xFFFFFD80;
	s9 =	sshrl.u32 s22, $0x3  }
0x49: {  	[hbm:s23@s11], [sflag:s3] =	dma.strided [spmem:s9@s16], $0x280, s5, $0x8   }
0x4a: {  	_ =	swait.ge [sflag:s25], $0x280  }
0x4b: {  	[sflag:s25] =	ssyncset.done $0x0;
	s19 =	rddreg [dreg:$0x13]  }
0x4c: {  	s29 =	rddreg [dreg:$0xe];
	[sflag:s25] =	ssyncadd.s32 $0xFFFFFD80;
	s24 =	sshrl.u32 s19, $0x3  }
0x4d: {  	[hbm:s29@s11], [sflag:s3] =	dma.strided [spmem:s24@s16], $0x280, s5, $0x8   }
0x4e: {  	_ =	swait.ge [sflag:s25], $0x280  }
0x4f: {  	[sflag:s25] =	ssyncset.done $0x0;
	s20 =	rddreg [dreg:$0x14]  }
0x50: {  	s15 =	rddreg [dreg:$0xf];
	[sflag:s25] =	ssyncadd.s32 $0xFFFFFD80;
	s10 =	sshrl.u32 s20, $0x3  }
0x51: {  	[hbm:s15@s11], [sflag:s3] =	dma.strided [spmem:s10@s16], $0x280, s5, $0x8   }
0x52: {  	_ =	swait.ge [sflag:s25], $0x280  }
0x53: {  	[sflag:s25] =	ssyncset.done $0x0;
	s18 =	rddreg [dreg:$0x15]  }
0x54: {  	s22 =	rddreg [dreg:$0x10];
	[sflag:s25] =	ssyncadd.s32 $0xFFFFFD80;
	s9 =	sshrl.u32 s18, $0x3  }
0x55: {  	[hbm:s22@s11], [sflag:s3] =	dma.strided [spmem:s9@s16], $0x280, s5, $0x8   }
0x56: {  	_ =	swait.ge [sflag:s25], $0x280  }
0x57: {  	[sflag:s25] =	ssyncset.done $0x0;
	s23 =	rddreg [dreg:$0x16]  }
0x58: {  	s24 =	rddreg [dreg:$0x11];
	[sflag:s25] =	ssyncadd.s32 $0xFFFFFD80;
	s9 =	sshrl.u32 s23, $0x3  }
0x59: {  	[hbm:s24@s11], [sflag:s3] =	dma.strided [spmem:s9@s16], $0x280, s5, $0x8   }
0x5a: {  	s10 =	simm.s32 @!p0 $0x1;
	s15 =	simm.s32 @!p0 $0x8;
	_ =	swait.ge [sflag:s25], $0x280  }
0x5b: {  	s11 =	simm.s32 @!p0 $0x10;
	[sflag:s25] =	ssyncset.done $0x0;
	s9 =	rddreg [dreg:$0x17]  }
0x5c: {  	s18 =	rddreg [dreg:$0x12];
	[sflag:s25] =	ssyncadd.s32 $0xFFFFFD80;
	s9 =	sshrl.u32 @!p0 s9, $0x3  }
0x5d: {  	[hbm:s18@s11], [sflag:s3] =	dma.strided @!p0 [spmem:s9@s15], $0x280, s10, $0x8   }
0x5e: {  	s3 =	simm.s32 @!p0 $0xB  }
0x5f: {  	_ =	swait.ge @!p0 [sflag:s3], $0x280  }
0x60: {  	s14 =	sadd.s32 $0x1, s14;
	s29 =	rddreg [dreg:$0x7]  }
0x61: {  	p1 =	sne.s32 s14, s29  }
.Ltmp1:
0x62: {  	_ = 	snop;
	(pc) =	sbr.rel @!p1 .LBB2_19-.Ltmp1, $3  }
0x63: {  	[sflag:s3] =	ssyncset.done @!p0 $0x0  }
0x64: {  	[sflag:s3] =	ssyncadd.s32 @!p0 $0xFFFFFD80  }
0x65: {  	[bflag:$0x0] =	sbarrier.arrive $0xFFFF;
	_ =	sdelay $0x1  }
.LBB2_1:
0x66: {  	s3 =	simm.s32 $0x0;
	s9 =	rddreg [dreg:$0x5]  }
0x67: {  	[tilespmem:s3], [sflag:$0xB] =	stream.linear.gather [hbm4b:s9+s3], $0x2710, $0x38;
	[tilespmem:$0x18970] =	vst v63  }
0x68: {  	_ =	swait.ge [sflag:s25], $0x2710  }
0x69: {  	[sflag:s25] =	ssyncset.done $0x0  }
0x6a: {  	s10 =	simm.s32 $0x2710;
	s24 =	rddreg [dreg:$0x6];
	[sflag:s25] =	ssyncadd.s32 $0xFFFFD8F0  }
0x6b: {  	[tilespmem:s10], [sflag:$0xB] =	stream.linear.gather [hbm4b:s24+s3], $0x2710, $0x38;
	[tilespmem:$0x18970] =	vst v63  }
0x6c: {  	_ =	swait.ge [sflag:s25], $0x2710  }
0x6d: {  	[sflag:s25] =	ssyncset.done $0x0  }
0x6e: {  	s29 =	rddreg [dreg:$0x4];
	[sflag:s25] =	ssyncadd.s32 $0xFFFFD8F0  }
0x6f: {  	[tilespmem:s28], [sflag:$0xB] =	stream.linear.gather [hbm4b:s29+s3], $0x2710, $0x38;
	[tilespmem:$0x18970] =	vst v63  }
0x70: {  	_ =	swait.ge [sflag:s25], $0x2710  }
0x71: {  	[sflag:s25] =	ssyncset.done $0x0  }
0x72: {  	[sflag:s25] =	ssyncadd.s32 $0xFFFFD8F0  }
0x73: {  	v1 =	vld [tilespmem:s3+$0x0];
	_ =	sdelay $0x4  }
0x74: {  	s9 =	simm.s32 $0x10;
	s10 =	simm.s32 $0x0;
	s3 =	simm.s32 $0x10;
	v1 =	vshll.u32 v1, $0x1  }
.LBB2_2:
0x75: {  	s9 =	sadd.s32 $0x10, s9  }
0x76: {  	v2 =	vld [tilespmem:s3+$0x0];
	[tilespmem:s10+$0x0] =	vst v1;
	s10 =	smov.u32 s3;
	p1 =	slt.u32 s9, $0x2700  }
.Ltmp2:
0x77: {  	(pc) =	sbr.rel @p1 .LBB2_2-.Ltmp2, $2  }
0x78: {  	_ =	sdelay $0x2  }
0x79: {  	s3 =	sadd.s32 $0x10, s3;
	v1 =	vshll.u32 v2, $0x1  }
0x7a: {  	v2 =	vld [tilespmem:s3+$0x0];
	_ =	sdelay $0x4  }
0x7b: {  	[tilespmem:s10+$0x0] =	vst v1;
	v1 =	vshll.u32 v2, $0x1  }
0x7c: {  	s9 =	simm.s32 $0x100;
	[tilespmem:s3+$0x0] =	vst v1;
	s3 =	simm.s32 $0x0  }
.LBB2_4:
0x7d: {  	p1 =	sne.s32 s9, $0x4F00;
	[tilespmem:s3+$0xD960] =	vst v0;
	s10 =	smov.u32 s9;
	s9 =	sadd.s32 $0x100, s9  }
.Ltmp3:
0x7e: {  	[tilespmem:s3+$0xD950] =	vst v0;
	(pc) =	sbr.rel @p1 .LBB2_4-.Ltmp3, $3  }
0x7f: {  	[tilespmem:s3+$0xD930] =	vst v0  }
0x80: {  	[tilespmem:s3+$0xD940] =	vst v0;
	_ =	sdelay $0x1  }
0x81: {  	s3 =	sshra.s32 s10, $0x2  }
0x82: {  	[tilespmem:s3+$0xD960] =	vst v0  }
0x83: {  	[tilespmem:s3+$0xD950] =	vst v0  }
0x84: {  	[tilespmem:s3+$0xD930] =	vst v0  }
0x85: {  	[tilespmem:s3+$0xD940] =	vst v0;
	s9 =	simm.s32 $0xD930  }
0x86: {  	[spmem:s21] =	stream.linear.scatter [tilespmem:s9], [sflag:$0xB], $0x1400, $0x38;
	[tilespmem:$0x18970] =	vst v63  }
0x87: {  	_ =	swait.ge [sflag:s25], $0x1400  }
0x88: {  	[sflag:s25] =	ssyncset.done $0x0  }
0x89: {  	s18 =	rddreg [dreg:$0x9];
	[sflag:s25] =	ssyncadd.s32 $0xFFFFEC00  }
0x8a: {  	[spmem:s18] =	stream.linear.scatter [tilespmem:s9], [sflag:$0xB], $0x1400, $0x38;
	[tilespmem:$0x18970] =	vst v63  }
0x8b: {  	_ =	swait.ge [sflag:s25], $0x1400  }
0x8c: {  	[sflag:s25] =	ssyncset.done $0x0  }
0x8d: {  	s21 =	rddreg [dreg:$0xa];
	[sflag:s25] =	ssyncadd.s32 $0xFFFFEC00  }
0x8e: {  	[spmem:s21] =	stream.linear.scatter [tilespmem:s9], [sflag:$0xB], $0x1400, $0x38;
	[tilespmem:$0x18970] =	vst v63  }
0x8f: {  	_ =	swait.ge [sflag:s25], $0x1400  }
0x90: {  	[sflag:s25] =	ssyncset.done $0x0  }
0x91: {  	[sflag:s25] =	ssyncadd.s32 $0xFFFFEC00  }
0x92: {  	[spmem:s19] =	stream.linear.scatter [tilespmem:s9], [sflag:$0xB], $0x1400, $0x38;
	[tilespmem:$0x18970] =	vst v63  }
0x93: {  	_ =	swait.ge [sflag:s25], $0x1400  }
0x94: {  	[sflag:s25] =	ssyncset.done $0x0  }
0x95: {  	[sflag:s25] =	ssyncadd.s32 $0xFFFFEC00  }
0x96: {  	[spmem:s20] =	stream.linear.scatter [tilespmem:s9], [sflag:$0xB], $0x1400, $0x38;
	[tilespmem:$0x18970] =	vst v63  }
0x97: {  	_ =	swait.ge [sflag:s25], $0x1400  }
0x98: {  	[sflag:s25] =	ssyncset.done $0x0  }
0x99: {  	s22 =	rddreg [dreg:$0x15];
	[sflag:s25] =	ssyncadd.s32 $0xFFFFEC00  }
0x9a: {  	[spmem:s22] =	stream.linear.scatter [tilespmem:s9], [sflag:$0xB], $0x1400, $0x38;
	[tilespmem:$0x18970] =	vst v63  }
0x9b: {  	_ =	swait.ge [sflag:s25], $0x1400  }
0x9c: {  	[sflag:s25] =	ssyncset.done $0x0  }
0x9d: {  	s23 =	rddreg [dreg:$0x16];
	[sflag:s25] =	ssyncadd.s32 $0xFFFFEC00  }
0x9e: {  	[spmem:s23] =	stream.linear.scatter [tilespmem:s9], [sflag:$0xB], $0x1400, $0x38;
	[tilespmem:$0x18970] =	vst v63  }
0x9f: {  	_ =	swait.ge [sflag:s25], $0x1400  }
0xa0: {  	[sflag:s25] =	ssyncset.done $0x0  }
0xa1: {  	s3 =	simm.s32 @!p0 $0xD930;
	s9 =	rddreg [dreg:$0x17];
	[sflag:s25] =	ssyncadd.s32 $0xFFFFEC00  }
0xa2: {  	[spmem:s9] =	stream.linear.scatter @!p0 [tilespmem:s3], [sflag:$0xB], $0x1400, $0x38;
	[tilespmem:$0x18970] =	vst v63  }
0xa3: {  	s3 =	simm.s32 @!p0 $0xB  }
0xa4: {  	_ =	swait.ge @!p0 [sflag:s3], $0x1400  }
0xa5: {  	[sflag:s3] =	ssyncset.done @!p0 $0x0  }
0xa6: {  	[sflag:s3] =	ssyncadd.s32 @!p0 $0xFFFFEC00  }
0xa7: {  	s15 =	simm.s32 $0x0;
	[bflag:$0x0] =	sbarrier.arrive $0xFFFF  }
0xa8: {  	[tilespmem:s31], [sflag:$0x1] =	stream.indirect.gather [hbm4b:s4+s30], $0x40, s15, s30, $0xb8;
	[tilespmem:$0x18970] =	vst v63  }
0xa9: {  	_ = 	snop  }
0xaa: {  	[tilespmem:s1], [sflag:$0x2] =	stream.indirect.gather [hbm4b:s4+s30], $0x40, s30, s30, $0xb8;
	[tilespmem:$0x18970] =	vst v63  }
0xab: {  	s24 =	simm.s32 $0xA0  }
0xac: {  	[tilespmem:s26], [sflag:$0x3] =	stream.indirect.gather [hbm4b:s4+s30], $0x40, s24, s30, $0xb8;
	[tilespmem:$0x18970] =	vst v63  }
0xad: {  	s29 =	simm.s32 $0xF0;
	s18 =	simm.s32 $0x0  }
0xae: {  	[tilespmem:s0], [sflag:$0x4] =	stream.indirect.gather [hbm4b:s4+s30], $0x40, s29, s30, $0xb8;
	[tilespmem:$0x18970] =	vst v63  }
.LBB2_6:
0xaf: {  	s3 =	sadd.s32 $0xFFFFFFFC, s15  }
0xb0: {  	s9 =	sadd.s32 $0x6, s3  }
0xb1: {  	v1 =	vmov s9  }
0xb2: {  	v1 =	vand.u32 $0xFFFFFFFE, v1  }
0xb3: {  	s24 =	sadd.s32 $0x4, s3;
	v1 =	vbroadcast v1, $0x0  }
0xb4: {  	_ =	swait.ge [sflag:s5], $0x1400;
	v2 =	vmov s24  }
0xb5: {  	s29 =	sadd.s32 $0x5, s3;
	[sflag:s5] =	ssyncset.done $0x0;
	s3 =	sadd.s32 $0x7, s3;
	v2 =	vand.u32 $0xFFFFFFFC, v2  }
0xb6: {  	[sflag:s5] =	ssyncadd.s32 $0xFFFFEC00;
	v5 =	vmov s3;
	s3 =	simm.s32 $0x75B0;
	v4 =	vbroadcast v2, $0x0  }
0xb7: {  	v3 =	vmov s29;
	v6 =	vld [tilespmem:s3+$0x30]  }
0xb8: {  	v9 =	vld [tilespmem:s3+$0xFFFFFF80];
	v2 =	vand.u32 $0xFFFFFFFD, v3  }
0xb9: {  	v3 =	vbroadcast v2, $0x0;
	v2 =	vld.idx.msk [tilespmem:v1+s28+$0x0], $0xffff  }
0xba: {  	v8 =	vld [tilespmem:s3+$0xFFFFFF90]  }
0xbb: {  	v7 =	vld [tilespmem:s3+$0xFFFFFFA0]  }
0xbc: {  	v4 =	vld.idx.msk [tilespmem:v4+s28+$0x0], $0xffff  }
0xbd: {  	v1 =	vld.idx.msk [tilespmem:v5+s28+$0x0], $0xffff  }
0xbe: {  	v5 =	vld [tilespmem:s3+$0xFFFFFFB0];
	v6 =	vmul.f32 v6, v2  }
0xbf: {  	v3 =	vld.idx.msk [tilespmem:v3+s28+$0x0], $0xffff  }
0xc0: {  	s10 =	simm.s32 $0x0;
	s9 =	simm.s32 $0x75B0;
	[tilespmem:s3+$0x30] =	vst v6;
	v6 =	vld [tilespmem:s3+$0xFFFFFFC0]  }
.LBB2_7:
0xc1: {  	s11 =	sadd.s32 s10, s15;
	s10 =	sadd.s32 $0x4, s10;
	v9 =	vmul.f32 v9, v4;
	v10 =	vld [tilespmem:s3+$0xFFFFFFD0]  }
0xc2: {  	s20 =	sadd.s32 $0x4, s11;
	s21 =	sadd.s32 $0x6, s11;
	p1 =	slt.u32 s10, $0x4C;
	v8 =	vmul.f32 v8, v4;
	v11 =	vld [tilespmem:s3+$0xFFFFFFE0]  }
0xc3: {  	v12 =	vmov s20;
	s20 =	sadd.s32 $0x5, s11;
	v13 =	vmov s21;
	s11 =	sadd.s32 $0x7, s11;
	[tilespmem:s3+$0xFFFFFF80] =	vst v9;
	v7 =	vmul.f32 v7, v4;
	v9 =	vld [tilespmem:s3+$0xFFFFFFF0]  }
0xc4: {  	v12 =	vand.u32 $0xFFFFFFFC, v12;
	v14 =	vmov s20;
	v13 =	vand.u32 $0xFFFFFFFE, v13;
	[tilespmem:s3+$0xFFFFFF90] =	vst v8;
	v8 =	vld [tilespmem:s3+$0x0]  }
0xc5: {  	v12 =	vbroadcast v12, $0x0;
	v14 =	vand.u32 $0xFFFFFFFD, v14;
	v13 =	vbroadcast v13, $0x0;
	[tilespmem:s3+$0xFFFFFFA0] =	vst v7;
	v7 =	vld [tilespmem:s3+$0x10]  }
0xc6: {  	v15 =	vmov s11;
	v4 =	vmul.f32 v5, v4;
	v14 =	vbroadcast v14, $0x0;
	v5 =	vld [tilespmem:s3+$0x20]  }
0xc7: {  	v6 =	vmul.f32 v6, v3;
	v10 =	vmul.f32 v10, v3;
	v16 =	vld [tilespmem:s3+$0x40]  }
0xc8: {  	[tilespmem:s3+$0xFFFFFFB0] =	vst v4;
	v4 =	vmul.f32 v11, v3;
	v3 =	vmul.f32 v9, v3;
	v9 =	vld [tilespmem:s3+$0x50]  }
0xc9: {  	[tilespmem:s3+$0xFFFFFFC0] =	vst v6;
	v6 =	vmul.f32 v8, v2;
	v8 =	vld [tilespmem:s3+$0x60]  }
0xca: {  	[tilespmem:s3+$0xFFFFFFD0] =	vst v10;
	v7 =	vmul.f32 v7, v2;
	v10 =	vld [tilespmem:s3+$0x70]  }
0xcb: {  	s3 =	sadd.s32 $0x100, s3;
	[tilespmem:s9+$0xFFFFFFE0] =	vst v4;
	v5 =	vmul.f32 v5, v2;
	v2 =	vld.idx.msk [tilespmem:v13+s28+$0x0], $0xffff  }
0xcc: {  	v11 =	vld [tilespmem:s3+$0x30];
	[tilespmem:s9+$0xFFFFFFF0] =	vst v3;
	v13 =	vmul.f32 v16, v1  }
0xcd: {  	v4 =	vld.idx.msk [tilespmem:v12+s28+$0x0], $0xffff;
	[tilespmem:s9+$0x0] =	vst v6;
	v6 =	vmul.f32 v9, v1  }
0xce: {  	v3 =	vld.idx.msk [tilespmem:v14+s28+$0x0], $0xffff;
	[tilespmem:s9+$0x10] =	vst v7;
	v12 =	vmul.f32 v8, v1  }
0xcf: {  	[tilespmem:s9+$0x20] =	vst v5;
	v10 =	vmul.f32 v10, v1;
	v1 =	vld.idx.msk [tilespmem:v15+s28+$0x0], $0xffff  }
.Ltmp4:
0xd0: {  	v9 =	vld [tilespmem:s3+$0xFFFFFF80];
	[tilespmem:s9+$0x40] =	vst v13;
	(pc) =	sbr.rel @p1 .LBB2_7-.Ltmp4, $4  }
0xd1: {  	v8 =	vld [tilespmem:s3+$0xFFFFFF90];
	v11 =	vmul.f32 v11, v2;
	[tilespmem:s9+$0x50] =	vst v6  }
0xd2: {  	v7 =	vld [tilespmem:s3+$0xFFFFFFA0];
	[tilespmem:s9+$0x60] =	vst v12  }
0xd3: {  	v5 =	vld [tilespmem:s3+$0xFFFFFFB0];
	[tilespmem:s3+$0x30] =	vst v11  }
0xd4: {  	v6 =	vld [tilespmem:s3+$0xFFFFFFC0];
	[tilespmem:s9+$0x70] =	vst v10;
	s9 =	smov.u32 s3  }
0xd5: {  	v9 =	vmul.f32 v9, v4;
	v10 =	vld [tilespmem:s3+$0xFFFFFFD0]  }
0xd6: {  	v11 =	vld [tilespmem:s3+$0xFFFFFFE0];
	v8 =	vmul.f32 v8, v4  }
0xd7: {  	[tilespmem:s3+$0xFFFFFF80] =	vst v9;
	v7 =	vmul.f32 v7, v4;
	v9 =	vld [tilespmem:s3+$0xFFFFFFF0]  }
0xd8: {  	[tilespmem:s3+$0xFFFFFF90] =	vst v8;
	v8 =	vld [tilespmem:s3+$0x0];
	v4 =	vmul.f32 v5, v4  }
0xd9: {  	v5 =	vld [tilespmem:s3+$0x10];
	[tilespmem:s3+$0xFFFFFFA0] =	vst v7;
	v6 =	vmul.f32 v6, v3  }
0xda: {  	v7 =	vld [tilespmem:s3+$0x20];
	v10 =	vmul.f32 v10, v3;
	[tilespmem:s3+$0xFFFFFFB0] =	vst v4  }
0xdb: {  	v4 =	vld [tilespmem:s3+$0x40];
	v11 =	vmul.f32 v11, v3;
	[tilespmem:s3+$0xFFFFFFC0] =	vst v6  }
0xdc: {  	v6 =	vld [tilespmem:s3+$0x50];
	v3 =	vmul.f32 v9, v3;
	[tilespmem:s3+$0xFFFFFFD0] =	vst v10  }
0xdd: {  	v9 =	vld [tilespmem:s3+$0x60];
	v8 =	vmul.f32 v8, v2;
	[tilespmem:s9+$0xFFFFFFE0] =	vst v11  }
0xde: {  	v10 =	vld [tilespmem:s3+$0x70];
	v5 =	vmul.f32 v5, v2;
	[tilespmem:s9+$0xFFFFFFF0] =	vst v3  }
0xdf: {  	v2 =	vmul.f32 v7, v2;
	[tilespmem:s9+$0x0] =	vst v8  }
0xe0: {  	v3 =	vmul.f32 v4, v1;
	[tilespmem:s9+$0x10] =	vst v5  }
0xe1: {  	v4 =	vmul.f32 v6, v1;
	[tilespmem:s9+$0x20] =	vst v2  }
0xe2: {  	s11 =	smul.u32 $0x640, s18;
	v2 =	vmul.f32 v9, v1;
	[tilespmem:s9+$0x40] =	vst v3  }
0xe3: {  	v1 =	vmul.f32 v10, v1;
	[tilespmem:s9+$0x50] =	vst v4  }
0xe4: {  	s3 =	sshra.s32 s11, $0x2;
	[tilespmem:s9+$0x60] =	vst v2  }
0xe5: {  	s10 =	sadd.s32 $0x2710, s3;
	[tilespmem:s9+$0x70] =	vst v1  }
0xe6: {  	[spmem:s2] =	stream.indirect.scatter.add.f32 [tilespmem:s31], [sflag:$0x6], $0x40, s10, s30, $0xb8;
	[tilespmem:$0x18970] =	vst v63  }
0xe7: {  	s20 =	sadd.s32 $0xFFFFFFFC, s15;
	s10 =	smul.u32 $0x5, s18  }
0xe8: {  	p1 =	seq.s32 s18, $0x0;
	s19 =	sadd.s32 $0x56, s20  }
0xe9: {  	s22 =	simm.s32 @!p1 $0xA;
	v1 =	vmov s19;
	s21 =	sadd.s32 $0x4, s10  }
0xea: {  	s24 =	sadd.s32 $0x54, s20;
	v1 =	vand.u32 $0xFFFFFFFE, v1;
	_ =	swait.ge @!p1 [sflag:s22], $0x1400;
	s23 =	smul.u32 $0x140, s21  }
0xeb: {  	s29 =	sadd.s32 $0x55, s20;
	v2 =	vmov s24;
	v1 =	vbroadcast v1, $0x0;
	[sflag:s22] =	ssyncset.done @!p1 $0x0  }
0xec: {  	v3 =	vmov s29;
	v2 =	vand.u32 $0xFFFFFFFC, v2;
	[sflag:s22] =	ssyncadd.s32 @!p1 $0xFFFFEC00;
	s9 =	sshra.s32 s23, $0x2  }
0xed: {  	v4 =	vbroadcast v2, $0x0;
	v2 =	vand.u32 $0xFFFFFFFD, v3;
	[tilespmem:s6], [sflag:$0x5] =	stream.indirect.gather [hbm4b:s4+s30], $0x40, s9, s30, $0xb8;
	[tilespmem:$0x18970] =	vst v63  }
0xee: {  	v3 =	vbroadcast v2, $0x0;
	_ =	swait.ge [sflag:s7], $0x1400  }
0xef: {  	s20 =	sadd.s32 $0x57, s20;
	[sflag:s7] =	ssyncset.done $0x0  }
0xf0: {  	v5 =	vmov s20;
	[sflag:s7] =	ssyncadd.s32 $0xFFFFEC00  }
0xf1: {  	s20 =	simm.s32 $0x89B0;
	v2 =	vld.idx.msk [tilespmem:v1+s28+$0x0], $0xffff  }
0xf2: {  	v6 =	vld [tilespmem:s20+$0x30]  }
0xf3: {  	v4 =	vld.idx.msk [tilespmem:v4+s28+$0x0], $0xffff  }
0xf4: {  	v3 =	vld.idx.msk [tilespmem:v3+s28+$0x0], $0xffff  }
0xf5: {  	v1 =	vld.idx.msk [tilespmem:v5+s28+$0x0], $0xffff  }
0xf6: {  	v9 =	vld [tilespmem:s20+$0xFFFFFF80]  }
0xf7: {  	v8 =	vld [tilespmem:s20+$0xFFFFFF90]  }
0xf8: {  	v7 =	vld [tilespmem:s20+$0xFFFFFFA0];
	v6 =	vmul.f32 v6, v2  }
0xf9: {  	v5 =	vld [tilespmem:s20+$0xFFFFFFB0]  }
0xfa: {  	s22 =	sadd.s32 $0x1, s10;
	s21 =	simm.s32 $0x89B0;
	s23 =	simm.s32 $0x0;
	[tilespmem:s20+$0x30] =	vst v6;
	v6 =	vld [tilespmem:s20+$0xFFFFFFC0]  }
.LBB2_9:
0xfb: {  	s24 =	sadd.s32 s23, s15;
	s23 =	sadd.s32 $0x4, s23;
	v9 =	vmul.f32 v9, v4;
	v10 =	vld [tilespmem:s20+$0xFFFFFFD0]  }
0xfc: {  	s29 =	sadd.s32 $0x54, s24;
	s19 =	sadd.s32 $0x56, s24;
	p1 =	slt.u32 s23, $0x4C;
	v8 =	vmul.f32 v8, v4;
	v11 =	vld [tilespmem:s20+$0xFFFFFFE0]  }
0xfd: {  	v12 =	vmov s29;
	s29 =	sadd.s32 $0x55, s24;
	v13 =	vmov s19;
	s19 =	sadd.s32 $0x57, s24;
	[tilespmem:s20+$0xFFFFFF80] =	vst v9;
	v7 =	vmul.f32 v7, v4;
	v9 =	vld [tilespmem:s20+$0xFFFFFFF0]  }
0xfe: {  	v12 =	vand.u32 $0xFFFFFFFC, v12;
	v14 =	vmov s29;
	v13 =	vand.u32 $0xFFFFFFFE, v13;
	[tilespmem:s20+$0xFFFFFF90] =	vst v8;
	v8 =	vld [tilespmem:s20+$0x0]  }
0xff: {  	v12 =	vbroadcast v12, $0x0;
	v14 =	vand.u32 $0xFFFFFFFD, v14;
	v13 =	vbroadcast v13, $0x0;
	[tilespmem:s20+$0xFFFFFFA0] =	vst v7;
	v7 =	vld [tilespmem:s20+$0x10]  }
0x100: {  	v15 =	vmov s19;
	v4 =	vmul.f32 v5, v4;
	v14 =	vbroadcast v14, $0x0;
	v5 =	vld [tilespmem:s20+$0x20]  }
0x101: {  	v6 =	vmul.f32 v6, v3;
	v10 =	vmul.f32 v10, v3;
	v16 =	vld [tilespmem:s20+$0x40]  }
0x102: {  	[tilespmem:s20+$0xFFFFFFB0] =	vst v4;
	v4 =	vmul.f32 v11, v3;
	v3 =	vmul.f32 v9, v3;
	v9 =	vld [tilespmem:s20+$0x50]  }
0x103: {  	[tilespmem:s20+$0xFFFFFFC0] =	vst v6;
	v6 =	vmul.f32 v8, v2;
	v8 =	vld [tilespmem:s20+$0x60]  }
0x104: {  	[tilespmem:s20+$0xFFFFFFD0] =	vst v10;
	v7 =	vmul.f32 v7, v2;
	v10 =	vld [tilespmem:s20+$0x70]  }
0x105: {  	s20 =	sadd.s32 $0x100, s20;
	[tilespmem:s21+$0xFFFFFFE0] =	vst v4;
	v5 =	vmul.f32 v5, v2;
	v2 =	vld.idx.msk [tilespmem:v13+s28+$0x0], $0xffff  }
0x106: {  	v11 =	vld [tilespmem:s20+$0x30];
	[tilespmem:s21+$0xFFFFFFF0] =	vst v3;
	v13 =	vmul.f32 v16, v1  }
0x107: {  	v4 =	vld.idx.msk [tilespmem:v12+s28+$0x0], $0xffff;
	[tilespmem:s21+$0x0] =	vst v6;
	v6 =	vmul.f32 v9, v1  }
0x108: {  	v3 =	vld.idx.msk [tilespmem:v14+s28+$0x0], $0xffff;
	[tilespmem:s21+$0x10] =	vst v7;
	v12 =	vmul.f32 v8, v1  }
0x109: {  	[tilespmem:s21+$0x20] =	vst v5;
	v10 =	vmul.f32 v10, v1;
	v1 =	vld.idx.msk [tilespmem:v15+s28+$0x0], $0xffff  }
.Ltmp5:
0x10a: {  	v9 =	vld [tilespmem:s20+$0xFFFFFF80];
	[tilespmem:s21+$0x40] =	vst v13;
	(pc) =	sbr.rel @p1 .LBB2_9-.Ltmp5, $4  }
0x10b: {  	v8 =	vld [tilespmem:s20+$0xFFFFFF90];
	v11 =	vmul.f32 v11, v2;
	[tilespmem:s21+$0x50] =	vst v6  }
0x10c: {  	v7 =	vld [tilespmem:s20+$0xFFFFFFA0];
	[tilespmem:s21+$0x60] =	vst v12  }
0x10d: {  	v5 =	vld [tilespmem:s20+$0xFFFFFFB0];
	[tilespmem:s20+$0x30] =	vst v11  }
0x10e: {  	v6 =	vld [tilespmem:s20+$0xFFFFFFC0];
	[tilespmem:s21+$0x70] =	vst v10;
	s21 =	smov.u32 s20  }
0x10f: {  	v9 =	vmul.f32 v9, v4;
	v10 =	vld [tilespmem:s20+$0xFFFFFFD0]  }
0x110: {  	v11 =	vld [tilespmem:s20+$0xFFFFFFE0];
	v8 =	vmul.f32 v8, v4  }
0x111: {  	[tilespmem:s20+$0xFFFFFF80] =	vst v9;
	v7 =	vmul.f32 v7, v4;
	v9 =	vld [tilespmem:s20+$0xFFFFFFF0]  }
0x112: {  	[tilespmem:s20+$0xFFFFFF90] =	vst v8;
	v8 =	vld [tilespmem:s20+$0x0];
	v4 =	vmul.f32 v5, v4  }
0x113: {  	v5 =	vld [tilespmem:s20+$0x10];
	[tilespmem:s20+$0xFFFFFFA0] =	vst v7;
	v6 =	vmul.f32 v6, v3  }
0x114: {  	v7 =	vld [tilespmem:s20+$0x20];
	v10 =	vmul.f32 v10, v3;
	[tilespmem:s20+$0xFFFFFFB0] =	vst v4  }
0x115: {  	v4 =	vld [tilespmem:s20+$0x40];
	v11 =	vmul.f32 v11, v3;
	[tilespmem:s20+$0xFFFFFFC0] =	vst v6  }
0x116: {  	v6 =	vld [tilespmem:s20+$0x50];
	v3 =	vmul.f32 v9, v3;
	[tilespmem:s20+$0xFFFFFFD0] =	vst v10  }
0x117: {  	v9 =	vld [tilespmem:s20+$0x60];
	v8 =	vmul.f32 v8, v2;
	[tilespmem:s21+$0xFFFFFFE0] =	vst v11  }
0x118: {  	v10 =	vld [tilespmem:s20+$0x70];
	v5 =	vmul.f32 v5, v2;
	[tilespmem:s21+$0xFFFFFFF0] =	vst v3  }
0x119: {  	v2 =	vmul.f32 v7, v2;
	[tilespmem:s21+$0x0] =	vst v8  }
0x11a: {  	v3 =	vmul.f32 v4, v1;
	[tilespmem:s21+$0x10] =	vst v5  }
0x11b: {  	v4 =	vmul.f32 v6, v1;
	[tilespmem:s21+$0x20] =	vst v2  }
0x11c: {  	s19 =	smul.u32 $0x140, s22;
	v2 =	vmul.f32 v9, v1;
	[tilespmem:s21+$0x40] =	vst v3  }
0x11d: {  	v1 =	vmul.f32 v10, v1;
	[tilespmem:s21+$0x50] =	vst v4  }
0x11e: {  	s19 =	sshra.s32 s19, $0x2;
	[tilespmem:s21+$0x60] =	vst v2  }
0x11f: {  	p1 =	seq.s32 s18, $0x18;
	s19 =	sadd.s32 $0x2710, s19;
	[tilespmem:s21+$0x70] =	vst v1  }
0x120: {  	[spmem:s2] =	stream.indirect.scatter.add.f32 [tilespmem:s1], [sflag:$0x7], $0x40, s19, s30, $0xb8;
	[tilespmem:$0x18970] =	vst v63  }
0x121: {  	s20 =	simm.s32 @!p1 $0x6;
	s19 =	sadd.s32 $0xFFFFFFFC, s15  }
0x122: {  	s11 =	sshra.s32 @!p1 s11, $0x2;
	s23 =	sadd.s32 $0xA6, s19;
	_ =	swait.ge @!p1 [sflag:s20], $0x1400  }
0x123: {  	s22 =	simm.s32 @!p1 $0x50;
	s21 =	sadd.s32 @!p1 $0x190, s11;
	v1 =	vmov s23;
	[sflag:s20] =	ssyncset.done @!p1 $0x0  }
0x124: {  	s24 =	sadd.s32 $0xA4, s19;
	s23 =	simm.s32 @!p1 $0x7530;
	v1 =	vand.u32 $0xFFFFFFFE, v1;
	[sflag:s20] =	ssyncadd.s32 @!p1 $0xFFFFEC00  }
0x125: {  	v1 =	vbroadcast v1, $0x0;
	[tilespmem:s23], [sflag:$0x1] =	stream.indirect.gather @!p1 [hbm4b:s4+s22], $0x40, s21, s22, $0xb8;
	[tilespmem:$0x18970] =	vst v63  }
0x126: {  	v2 =	vmov s24;
	_ =	swait.ge [sflag:s8], $0x1400  }
0x127: {  	v2 =	vand.u32 $0xFFFFFFFC, v2;
	[sflag:s8] =	ssyncset.done $0x0  }
0x128: {  	s29 =	sadd.s32 $0xA5, s19;
	s20 =	simm.s32 $0x9DB0;
	v4 =	vbroadcast v2, $0x0;
	[sflag:s8] =	ssyncadd.s32 $0xFFFFEC00  }
0x129: {  	s19 =	sadd.s32 $0xA7, s19;
	v3 =	vmov s29;
	v6 =	vld [tilespmem:s20+$0x30]  }
0x12a: {  	v5 =	vmov s19;
	v2 =	vand.u32 $0xFFFFFFFD, v3;
	v9 =	vld [tilespmem:s20+$0xFFFFFF80]  }
0x12b: {  	v3 =	vbroadcast v2, $0x0;
	v2 =	vld.idx.msk [tilespmem:v1+s28+$0x0], $0xffff  }
0x12c: {  	v8 =	vld [tilespmem:s20+$0xFFFFFF90]  }
0x12d: {  	v7 =	vld [tilespmem:s20+$0xFFFFFFA0]  }
0x12e: {  	v4 =	vld.idx.msk [tilespmem:v4+s28+$0x0], $0xffff  }
0x12f: {  	v1 =	vld.idx.msk [tilespmem:v5+s28+$0x0], $0xffff  }
0x130: {  	v5 =	vld [tilespmem:s20+$0xFFFFFFB0];
	v6 =	vmul.f32 v6, v2  }
0x131: {  	v3 =	vld.idx.msk [tilespmem:v3+s28+$0x0], $0xffff  }
0x132: {  	s22 =	sadd.s32 $0x2, s10;
	s23 =	simm.s32 $0x0;
	s21 =	simm.s32 $0x9DB0;
	[tilespmem:s20+$0x30] =	vst v6;
	v6 =	vld [tilespmem:s20+$0xFFFFFFC0]  }
.LBB2_11:
0x133: {  	s19 =	sadd.s32 s23, s15;
	s23 =	sadd.s32 $0x4, s23;
	v9 =	vmul.f32 v9, v4;
	v10 =	vld [tilespmem:s20+$0xFFFFFFD0]  }
0x134: {  	s24 =	sadd.s32 $0xA4, s19;
	s29 =	sadd.s32 $0xA6, s19;
	p2 =	slt.u32 s23, $0x4C;
	v8 =	vmul.f32 v8, v4;
	v11 =	vld [tilespmem:s20+$0xFFFFFFE0]  }
0x135: {  	v12 =	vmov s24;
	s24 =	sadd.s32 $0xA5, s19;
	v13 =	vmov s29;
	s19 =	sadd.s32 $0xA7, s19;
	[tilespmem:s20+$0xFFFFFF80] =	vst v9;
	v7 =	vmul.f32 v7, v4;
	v9 =	vld [tilespmem:s20+$0xFFFFFFF0]  }
0x136: {  	v12 =	vand.u32 $0xFFFFFFFC, v12;
	v14 =	vmov s24;
	v13 =	vand.u32 $0xFFFFFFFE, v13;
	[tilespmem:s20+$0xFFFFFF90] =	vst v8;
	v8 =	vld [tilespmem:s20+$0x0]  }
0x137: {  	v12 =	vbroadcast v12, $0x0;
	v14 =	vand.u32 $0xFFFFFFFD, v14;
	v13 =	vbroadcast v13, $0x0;
	[tilespmem:s20+$0xFFFFFFA0] =	vst v7;
	v7 =	vld [tilespmem:s20+$0x10]  }
0x138: {  	v15 =	vmov s19;
	v4 =	vmul.f32 v5, v4;
	v14 =	vbroadcast v14, $0x0;
	v5 =	vld [tilespmem:s20+$0x20]  }
0x139: {  	v6 =	vmul.f32 v6, v3;
	v10 =	vmul.f32 v10, v3;
	v16 =	vld [tilespmem:s20+$0x40]  }
0x13a: {  	[tilespmem:s20+$0xFFFFFFB0] =	vst v4;
	v4 =	vmul.f32 v11, v3;
	v3 =	vmul.f32 v9, v3;
	v9 =	vld [tilespmem:s20+$0x50]  }
0x13b: {  	[tilespmem:s20+$0xFFFFFFC0] =	vst v6;
	v6 =	vmul.f32 v8, v2;
	v8 =	vld [tilespmem:s20+$0x60]  }
0x13c: {  	[tilespmem:s20+$0xFFFFFFD0] =	vst v10;
	v7 =	vmul.f32 v7, v2;
	v10 =	vld [tilespmem:s20+$0x70]  }
0x13d: {  	s20 =	sadd.s32 $0x100, s20;
	[tilespmem:s21+$0xFFFFFFE0] =	vst v4;
	v5 =	vmul.f32 v5, v2;
	v2 =	vld.idx.msk [tilespmem:v13+s28+$0x0], $0xffff  }
0x13e: {  	v11 =	vld [tilespmem:s20+$0x30];
	[tilespmem:s21+$0xFFFFFFF0] =	vst v3;
	v13 =	vmul.f32 v16, v1  }
0x13f: {  	v4 =	vld.idx.msk [tilespmem:v12+s28+$0x0], $0xffff;
	[tilespmem:s21+$0x0] =	vst v6;
	v6 =	vmul.f32 v9, v1  }
0x140: {  	v3 =	vld.idx.msk [tilespmem:v14+s28+$0x0], $0xffff;
	[tilespmem:s21+$0x10] =	vst v7;
	v12 =	vmul.f32 v8, v1  }
0x141: {  	[tilespmem:s21+$0x20] =	vst v5;
	v10 =	vmul.f32 v10, v1;
	v1 =	vld.idx.msk [tilespmem:v15+s28+$0x0], $0xffff  }
.Ltmp6:
0x142: {  	v9 =	vld [tilespmem:s20+$0xFFFFFF80];
	[tilespmem:s21+$0x40] =	vst v13;
	(pc) =	sbr.rel @p2 .LBB2_11-.Ltmp6, $4  }
0x143: {  	v8 =	vld [tilespmem:s20+$0xFFFFFF90];
	v11 =	vmul.f32 v11, v2;
	[tilespmem:s21+$0x50] =	vst v6  }
0x144: {  	v7 =	vld [tilespmem:s20+$0xFFFFFFA0];
	[tilespmem:s21+$0x60] =	vst v12  }
0x145: {  	v5 =	vld [tilespmem:s20+$0xFFFFFFB0];
	[tilespmem:s20+$0x30] =	vst v11  }
0x146: {  	v6 =	vld [tilespmem:s20+$0xFFFFFFC0];
	[tilespmem:s21+$0x70] =	vst v10;
	s21 =	smov.u32 s20  }
0x147: {  	v9 =	vmul.f32 v9, v4;
	v10 =	vld [tilespmem:s20+$0xFFFFFFD0]  }
0x148: {  	v11 =	vld [tilespmem:s20+$0xFFFFFFE0];
	v8 =	vmul.f32 v8, v4  }
0x149: {  	[tilespmem:s20+$0xFFFFFF80] =	vst v9;
	v7 =	vmul.f32 v7, v4;
	v9 =	vld [tilespmem:s20+$0xFFFFFFF0]  }
0x14a: {  	[tilespmem:s20+$0xFFFFFF90] =	vst v8;
	v8 =	vld [tilespmem:s20+$0x0];
	v4 =	vmul.f32 v5, v4  }
0x14b: {  	v5 =	vld [tilespmem:s20+$0x10];
	[tilespmem:s20+$0xFFFFFFA0] =	vst v7;
	v6 =	vmul.f32 v6, v3  }
0x14c: {  	v7 =	vld [tilespmem:s20+$0x20];
	v10 =	vmul.f32 v10, v3;
	[tilespmem:s20+$0xFFFFFFB0] =	vst v4  }
0x14d: {  	v4 =	vld [tilespmem:s20+$0x40];
	v11 =	vmul.f32 v11, v3;
	[tilespmem:s20+$0xFFFFFFC0] =	vst v6  }
0x14e: {  	v6 =	vld [tilespmem:s20+$0x50];
	v3 =	vmul.f32 v9, v3;
	[tilespmem:s20+$0xFFFFFFD0] =	vst v10  }
0x14f: {  	v9 =	vld [tilespmem:s20+$0x60];
	v8 =	vmul.f32 v8, v2;
	[tilespmem:s21+$0xFFFFFFE0] =	vst v11  }
0x150: {  	v10 =	vld [tilespmem:s20+$0x70];
	v5 =	vmul.f32 v5, v2;
	[tilespmem:s21+$0xFFFFFFF0] =	vst v3  }
0x151: {  	v2 =	vmul.f32 v7, v2;
	[tilespmem:s21+$0x0] =	vst v8  }
0x152: {  	v3 =	vmul.f32 v4, v1;
	[tilespmem:s21+$0x10] =	vst v5  }
0x153: {  	v4 =	vmul.f32 v6, v1;
	[tilespmem:s21+$0x20] =	vst v2  }
0x154: {  	s19 =	smul.u32 $0x140, s22;
	v2 =	vmul.f32 v9, v1;
	[tilespmem:s21+$0x40] =	vst v3  }
0x155: {  	v1 =	vmul.f32 v10, v1;
	[tilespmem:s21+$0x50] =	vst v4  }
0x156: {  	s19 =	sshra.s32 s19, $0x2;
	[tilespmem:s21+$0x60] =	vst v2  }
0x157: {  	s19 =	sadd.s32 $0x2710, s19;
	[tilespmem:s21+$0x70] =	vst v1  }
0x158: {  	[spmem:s2] =	stream.indirect.scatter.add.f32 [tilespmem:s26], [sflag:$0x8], $0x40, s19, s30, $0xb8;
	[tilespmem:$0x18970] =	vst v63  }
0x159: {  	s20 =	simm.s32 @!p1 $0x7;
	s19 =	sadd.s32 $0xFFFFFFFC, s15  }
0x15a: {  	s23 =	sadd.s32 $0xF6, s19;
	_ =	swait.ge @!p1 [sflag:s20], $0x1400  }
0x15b: {  	s22 =	simm.s32 @!p1 $0x50;
	s21 =	sadd.s32 @!p1 $0x1E0, s11;
	v1 =	vmov s23;
	[sflag:s20] =	ssyncset.done @!p1 $0x0  }
0x15c: {  	s24 =	sadd.s32 $0xF4, s19;
	s23 =	simm.s32 @!p1 $0x8930;
	v1 =	vand.u32 $0xFFFFFFFE, v1;
	[sflag:s20] =	ssyncadd.s32 @!p1 $0xFFFFEC00  }
0x15d: {  	v1 =	vbroadcast v1, $0x0;
	[tilespmem:s23], [sflag:$0x2] =	stream.indirect.gather @!p1 [hbm4b:s4+s22], $0x40, s21, s22, $0xb8;
	[tilespmem:$0x18970] =	vst v63  }
0x15e: {  	v2 =	vmov s24;
	_ =	swait.ge [sflag:s12], $0x1400  }
0x15f: {  	v2 =	vand.u32 $0xFFFFFFFC, v2;
	[sflag:s12] =	ssyncset.done $0x0  }
0x160: {  	s29 =	sadd.s32 $0xF5, s19;
	s20 =	simm.s32 $0xB1B0;
	v4 =	vbroadcast v2, $0x0;
	[sflag:s12] =	ssyncadd.s32 $0xFFFFEC00  }
0x161: {  	s19 =	sadd.s32 $0xF7, s19;
	v3 =	vmov s29;
	v6 =	vld [tilespmem:s20+$0x30]  }
0x162: {  	v5 =	vmov s19;
	v2 =	vand.u32 $0xFFFFFFFD, v3;
	v9 =	vld [tilespmem:s20+$0xFFFFFF80]  }
0x163: {  	v3 =	vbroadcast v2, $0x0;
	v2 =	vld.idx.msk [tilespmem:v1+s28+$0x0], $0xffff  }
0x164: {  	v8 =	vld [tilespmem:s20+$0xFFFFFF90]  }
0x165: {  	v7 =	vld [tilespmem:s20+$0xFFFFFFA0]  }
0x166: {  	v4 =	vld.idx.msk [tilespmem:v4+s28+$0x0], $0xffff  }
0x167: {  	v1 =	vld.idx.msk [tilespmem:v5+s28+$0x0], $0xffff  }
0x168: {  	v5 =	vld [tilespmem:s20+$0xFFFFFFB0];
	v6 =	vmul.f32 v6, v2  }
0x169: {  	v3 =	vld.idx.msk [tilespmem:v3+s28+$0x0], $0xffff  }
0x16a: {  	s21 =	sadd.s32 $0x3, s10;
	s22 =	simm.s32 $0x0;
	s10 =	simm.s32 $0xB1B0;
	[tilespmem:s20+$0x30] =	vst v6;
	v6 =	vld [tilespmem:s20+$0xFFFFFFC0]  }
.LBB2_13:
0x16b: {  	s19 =	sadd.s32 s22, s15;
	s22 =	sadd.s32 $0x4, s22;
	v9 =	vmul.f32 v9, v4;
	v10 =	vld [tilespmem:s20+$0xFFFFFFD0]  }
0x16c: {  	s23 =	sadd.s32 $0xF4, s19;
	s24 =	sadd.s32 $0xF6, s19;
	p2 =	slt.u32 s22, $0x4C;
	v8 =	vmul.f32 v8, v4;
	v11 =	vld [tilespmem:s20+$0xFFFFFFE0]  }
0x16d: {  	v12 =	vmov s23;
	s23 =	sadd.s32 $0xF5, s19;
	v13 =	vmov s24;
	s19 =	sadd.s32 $0xF7, s19;
	[tilespmem:s20+$0xFFFFFF80] =	vst v9;
	v7 =	vmul.f32 v7, v4;
	v9 =	vld [tilespmem:s20+$0xFFFFFFF0]  }
0x16e: {  	v12 =	vand.u32 $0xFFFFFFFC, v12;
	v14 =	vmov s23;
	v13 =	vand.u32 $0xFFFFFFFE, v13;
	[tilespmem:s20+$0xFFFFFF90] =	vst v8;
	v8 =	vld [tilespmem:s20+$0x0]  }
0x16f: {  	v12 =	vbroadcast v12, $0x0;
	v14 =	vand.u32 $0xFFFFFFFD, v14;
	v13 =	vbroadcast v13, $0x0;
	[tilespmem:s20+$0xFFFFFFA0] =	vst v7;
	v7 =	vld [tilespmem:s20+$0x10]  }
0x170: {  	v15 =	vmov s19;
	v4 =	vmul.f32 v5, v4;
	v14 =	vbroadcast v14, $0x0;
	v5 =	vld [tilespmem:s20+$0x20]  }
0x171: {  	v6 =	vmul.f32 v6, v3;
	v10 =	vmul.f32 v10, v3;
	v16 =	vld [tilespmem:s20+$0x40]  }
0x172: {  	[tilespmem:s20+$0xFFFFFFB0] =	vst v4;
	v4 =	vmul.f32 v11, v3;
	v3 =	vmul.f32 v9, v3;
	v9 =	vld [tilespmem:s20+$0x50]  }
0x173: {  	[tilespmem:s20+$0xFFFFFFC0] =	vst v6;
	v6 =	vmul.f32 v8, v2;
	v8 =	vld [tilespmem:s20+$0x60]  }
0x174: {  	[tilespmem:s20+$0xFFFFFFD0] =	vst v10;
	v7 =	vmul.f32 v7, v2;
	v10 =	vld [tilespmem:s20+$0x70]  }
0x175: {  	s20 =	sadd.s32 $0x100, s20;
	[tilespmem:s10+$0xFFFFFFE0] =	vst v4;
	v5 =	vmul.f32 v5, v2;
	v2 =	vld.idx.msk [tilespmem:v13+s28+$0x0], $0xffff  }
0x176: {  	v11 =	vld [tilespmem:s20+$0x30];
	[tilespmem:s10+$0xFFFFFFF0] =	vst v3;
	v13 =	vmul.f32 v16, v1  }
0x177: {  	v4 =	vld.idx.msk [tilespmem:v12+s28+$0x0], $0xffff;
	[tilespmem:s10+$0x0] =	vst v6;
	v6 =	vmul.f32 v9, v1  }
0x178: {  	v3 =	vld.idx.msk [tilespmem:v14+s28+$0x0], $0xffff;
	[tilespmem:s10+$0x10] =	vst v7;
	v12 =	vmul.f32 v8, v1  }
0x179: {  	[tilespmem:s10+$0x20] =	vst v5;
	v10 =	vmul.f32 v10, v1;
	v1 =	vld.idx.msk [tilespmem:v15+s28+$0x0], $0xffff  }
.Ltmp7:
0x17a: {  	v9 =	vld [tilespmem:s20+$0xFFFFFF80];
	[tilespmem:s10+$0x40] =	vst v13;
	(pc) =	sbr.rel @p2 .LBB2_13-.Ltmp7, $4  }
0x17b: {  	v8 =	vld [tilespmem:s20+$0xFFFFFF90];
	v11 =	vmul.f32 v11, v2;
	[tilespmem:s10+$0x50] =	vst v6  }
0x17c: {  	v7 =	vld [tilespmem:s20+$0xFFFFFFA0];
	[tilespmem:s10+$0x60] =	vst v12  }
0x17d: {  	v5 =	vld [tilespmem:s20+$0xFFFFFFB0];
	[tilespmem:s20+$0x30] =	vst v11  }
0x17e: {  	v6 =	vld [tilespmem:s20+$0xFFFFFFC0];
	[tilespmem:s10+$0x70] =	vst v10;
	s10 =	smov.u32 s20  }
0x17f: {  	v9 =	vmul.f32 v9, v4;
	v10 =	vld [tilespmem:s20+$0xFFFFFFD0]  }
0x180: {  	v11 =	vld [tilespmem:s20+$0xFFFFFFE0];
	v8 =	vmul.f32 v8, v4  }
0x181: {  	[tilespmem:s20+$0xFFFFFF80] =	vst v9;
	v7 =	vmul.f32 v7, v4;
	v9 =	vld [tilespmem:s20+$0xFFFFFFF0]  }
0x182: {  	[tilespmem:s20+$0xFFFFFF90] =	vst v8;
	v8 =	vld [tilespmem:s20+$0x0];
	v4 =	vmul.f32 v5, v4  }
0x183: {  	v5 =	vld [tilespmem:s20+$0x10];
	[tilespmem:s20+$0xFFFFFFA0] =	vst v7;
	v6 =	vmul.f32 v6, v3  }
0x184: {  	v7 =	vld [tilespmem:s20+$0x20];
	v10 =	vmul.f32 v10, v3;
	[tilespmem:s20+$0xFFFFFFB0] =	vst v4  }
0x185: {  	v4 =	vld [tilespmem:s20+$0x40];
	v11 =	vmul.f32 v11, v3;
	[tilespmem:s20+$0xFFFFFFC0] =	vst v6  }
0x186: {  	v6 =	vld [tilespmem:s20+$0x50];
	v3 =	vmul.f32 v9, v3;
	[tilespmem:s20+$0xFFFFFFD0] =	vst v10  }
0x187: {  	v9 =	vld [tilespmem:s20+$0x60];
	v8 =	vmul.f32 v8, v2;
	[tilespmem:s10+$0xFFFFFFE0] =	vst v11  }
0x188: {  	v10 =	vld [tilespmem:s20+$0x70];
	v5 =	vmul.f32 v5, v2;
	[tilespmem:s10+$0xFFFFFFF0] =	vst v3  }
0x189: {  	v2 =	vmul.f32 v7, v2;
	[tilespmem:s10+$0x0] =	vst v8  }
0x18a: {  	v3 =	vmul.f32 v4, v1;
	[tilespmem:s10+$0x10] =	vst v5  }
0x18b: {  	v4 =	vmul.f32 v6, v1;
	[tilespmem:s10+$0x20] =	vst v2  }
0x18c: {  	s19 =	smul.u32 $0x140, s21;
	v2 =	vmul.f32 v9, v1;
	[tilespmem:s10+$0x40] =	vst v3  }
0x18d: {  	v1 =	vmul.f32 v10, v1;
	[tilespmem:s10+$0x50] =	vst v4  }
0x18e: {  	s22 =	sadd.s32 $0xFFFFFFFC, s15;
	s19 =	sshra.s32 s19, $0x2;
	[tilespmem:s10+$0x60] =	vst v2  }
0x18f: {  	s23 =	sadd.s32 $0x146, s22;
	s21 =	sadd.s32 $0x2710, s19;
	s19 =	simm.s32 @!p1 $0x8;
	[tilespmem:s10+$0x70] =	vst v1  }
0x190: {  	v1 =	vmov s23;
	[spmem:s2] =	stream.indirect.scatter.add.f32 [tilespmem:s0], [sflag:$0x9], $0x40, s21, s30, $0xb8;
	[tilespmem:$0x18970] =	vst v63  }
0x191: {  	s24 =	sadd.s32 $0x144, s22;
	v1 =	vand.u32 $0xFFFFFFFE, v1;
	_ =	swait.ge @!p1 [sflag:s19], $0x1400  }
0x192: {  	s11 =	sadd.s32 @!p1 $0x230, s11;
	s29 =	sadd.s32 $0x145, s22;
	v2 =	vmov s24;
	v1 =	vbroadcast v1, $0x0;
	[sflag:s19] =	ssyncset.done @!p1 $0x0  }
0x193: {  	s20 =	simm.s32 @!p1 $0x50;
	v3 =	vmov s29;
	s21 =	simm.s32 @!p1 $0x9D30;
	v2 =	vand.u32 $0xFFFFFFFC, v2;
	[sflag:s19] =	ssyncadd.s32 @!p1 $0xFFFFEC00  }
0x194: {  	v4 =	vbroadcast v2, $0x0;
	v2 =	vand.u32 $0xFFFFFFFD, v3;
	[tilespmem:s21], [sflag:$0x3] =	stream.indirect.gather @!p1 [hbm4b:s4+s20], $0x40, s11, s20, $0xb8;
	[tilespmem:$0x18970] =	vst v63  }
0x195: {  	v3 =	vbroadcast v2, $0x0;
	_ =	swait.ge [sflag:s13], $0x1400  }
0x196: {  	s10 =	sadd.s32 $0x147, s22;
	[sflag:s13] =	ssyncset.done $0x0  }
0x197: {  	v5 =	vmov s10;
	[sflag:s13] =	ssyncadd.s32 $0xFFFFEC00  }
0x198: {  	s10 =	simm.s32 $0xC5B0;
	v2 =	vld.idx.msk [tilespmem:v1+s28+$0x0], $0xffff  }
0x199: {  	v6 =	vld [tilespmem:s10+$0x30]  }
0x19a: {  	v4 =	vld.idx.msk [tilespmem:v4+s28+$0x0], $0xffff  }
0x19b: {  	v3 =	vld.idx.msk [tilespmem:v3+s28+$0x0], $0xffff  }
0x19c: {  	v1 =	vld.idx.msk [tilespmem:v5+s28+$0x0], $0xffff  }
0x19d: {  	v9 =	vld [tilespmem:s10+$0xFFFFFF80]  }
0x19e: {  	v8 =	vld [tilespmem:s10+$0xFFFFFF90]  }
0x19f: {  	v7 =	vld [tilespmem:s10+$0xFFFFFFA0];
	v6 =	vmul.f32 v6, v2  }
0x1a0: {  	v5 =	vld [tilespmem:s10+$0xFFFFFFB0]  }
0x1a1: {  	s20 =	simm.s32 $0x0;
	s11 =	simm.s32 $0xC5B0;
	[tilespmem:s10+$0x30] =	vst v6;
	v6 =	vld [tilespmem:s10+$0xFFFFFFC0]  }
.LBB2_15:
0x1a2: {  	s19 =	sadd.s32 s20, s15;
	s20 =	sadd.s32 $0x4, s20;
	v9 =	vmul.f32 v9, v4;
	v10 =	vld [tilespmem:s10+$0xFFFFFFD0]  }
0x1a3: {  	s21 =	sadd.s32 $0x144, s19;
	s22 =	sadd.s32 $0x146, s19;
	p2 =	slt.u32 s20, $0x4C;
	v8 =	vmul.f32 v8, v4;
	v11 =	vld [tilespmem:s10+$0xFFFFFFE0]  }
0x1a4: {  	v12 =	vmov s21;
	s21 =	sadd.s32 $0x145, s19;
	v13 =	vmov s22;
	s19 =	sadd.s32 $0x147, s19;
	[tilespmem:s10+$0xFFFFFF80] =	vst v9;
	v7 =	vmul.f32 v7, v4;
	v9 =	vld [tilespmem:s10+$0xFFFFFFF0]  }
0x1a5: {  	v12 =	vand.u32 $0xFFFFFFFC, v12;
	v14 =	vmov s21;
	v13 =	vand.u32 $0xFFFFFFFE, v13;
	[tilespmem:s10+$0xFFFFFF90] =	vst v8;
	v8 =	vld [tilespmem:s10+$0x0]  }
0x1a6: {  	v12 =	vbroadcast v12, $0x0;
	v14 =	vand.u32 $0xFFFFFFFD, v14;
	v13 =	vbroadcast v13, $0x0;
	[tilespmem:s10+$0xFFFFFFA0] =	vst v7;
	v7 =	vld [tilespmem:s10+$0x10]  }
0x1a7: {  	v15 =	vmov s19;
	v4 =	vmul.f32 v5, v4;
	v14 =	vbroadcast v14, $0x0;
	v5 =	vld [tilespmem:s10+$0x20]  }
0x1a8: {  	v6 =	vmul.f32 v6, v3;
	v10 =	vmul.f32 v10, v3;
	v16 =	vld [tilespmem:s10+$0x40]  }
0x1a9: {  	[tilespmem:s10+$0xFFFFFFB0] =	vst v4;
	v4 =	vmul.f32 v11, v3;
	v3 =	vmul.f32 v9, v3;
	v9 =	vld [tilespmem:s10+$0x50]  }
0x1aa: {  	[tilespmem:s10+$0xFFFFFFC0] =	vst v6;
	v6 =	vmul.f32 v8, v2;
	v8 =	vld [tilespmem:s10+$0x60]  }
0x1ab: {  	[tilespmem:s10+$0xFFFFFFD0] =	vst v10;
	v7 =	vmul.f32 v7, v2;
	v10 =	vld [tilespmem:s10+$0x70]  }
0x1ac: {  	s10 =	sadd.s32 $0x100, s10;
	[tilespmem:s11+$0xFFFFFFE0] =	vst v4;
	v5 =	vmul.f32 v5, v2;
	v2 =	vld.idx.msk [tilespmem:v13+s28+$0x0], $0xffff  }
0x1ad: {  	v11 =	vld [tilespmem:s10+$0x30];
	[tilespmem:s11+$0xFFFFFFF0] =	vst v3;
	v13 =	vmul.f32 v16, v1  }
0x1ae: {  	v4 =	vld.idx.msk [tilespmem:v12+s28+$0x0], $0xffff;
	[tilespmem:s11+$0x0] =	vst v6;
	v6 =	vmul.f32 v9, v1  }
0x1af: {  	v3 =	vld.idx.msk [tilespmem:v14+s28+$0x0], $0xffff;
	[tilespmem:s11+$0x10] =	vst v7;
	v12 =	vmul.f32 v8, v1  }
0x1b0: {  	[tilespmem:s11+$0x20] =	vst v5;
	v10 =	vmul.f32 v10, v1;
	v1 =	vld.idx.msk [tilespmem:v15+s28+$0x0], $0xffff  }
.Ltmp8:
0x1b1: {  	v9 =	vld [tilespmem:s10+$0xFFFFFF80];
	[tilespmem:s11+$0x40] =	vst v13;
	(pc) =	sbr.rel @p2 .LBB2_15-.Ltmp8, $4  }
0x1b2: {  	v8 =	vld [tilespmem:s10+$0xFFFFFF90];
	v11 =	vmul.f32 v11, v2;
	[tilespmem:s11+$0x50] =	vst v6  }
0x1b3: {  	v7 =	vld [tilespmem:s10+$0xFFFFFFA0];
	[tilespmem:s11+$0x60] =	vst v12  }
0x1b4: {  	v5 =	vld [tilespmem:s10+$0xFFFFFFB0];
	[tilespmem:s10+$0x30] =	vst v11  }
0x1b5: {  	v6 =	vld [tilespmem:s10+$0xFFFFFFC0];
	[tilespmem:s11+$0x70] =	vst v10;
	s11 =	smov.u32 s10  }
0x1b6: {  	v9 =	vmul.f32 v9, v4;
	v10 =	vld [tilespmem:s10+$0xFFFFFFD0]  }
0x1b7: {  	v55 =	vld [tilespmem:s10+$0x0];
	v8 =	vmul.f32 v8, v4  }
0x1b8: {  	v57 =	vld [tilespmem:s10+$0x10];
	[tilespmem:s10+$0xFFFFFF80] =	vst v9;
	v7 =	vmul.f32 v7, v4  }
0x1b9: {  	v58 =	vld [tilespmem:s10+$0x20];
	[tilespmem:s10+$0xFFFFFF90] =	vst v8;
	v56 =	vmul.f32 v5, v4  }
0x1ba: {  	v60 =	vld [tilespmem:s10+$0x50];
	[tilespmem:s10+$0xFFFFFFA0] =	vst v7;
	v6 =	vmul.f32 v6, v3  }
0x1bb: {  	v11 =	vld [tilespmem:s10+$0xFFFFFFE0];
	v10 =	vmul.f32 v10, v3;
	[tilespmem:s10+$0xFFFFFFB0] =	vst v56  }
0x1bc: {  	v54 =	vld [tilespmem:s10+$0xFFFFFFF0];
	v8 =	vmul.f32 v55, v2;
	[tilespmem:s10+$0xFFFFFFC0] =	vst v6  }
0x1bd: {  	v61 =	vld [tilespmem:s10+$0x60];
	v5 =	vmul.f32 v57, v2;
	[tilespmem:s10+$0xFFFFFFD0] =	vst v10  }
0x1be: {  	v59 =	vld [tilespmem:s10+$0x40];
	v2 =	vmul.f32 v58, v2;
	[tilespmem:s11+$0x0] =	vst v8  }
0x1bf: {  	v62 =	vld [tilespmem:s10+$0x70];
	v63 =	vmul.f32 v60, v1;
	[tilespmem:s11+$0x10] =	vst v5  }
0x1c0: {  	v11 =	vmul.f32 v11, v3;
	[tilespmem:s11+$0x20] =	vst v2  }
0x1c1: {  	v3 =	vmul.f32 v54, v3;
	[tilespmem:s11+$0x50] =	vst v63  }
0x1c2: {  	v2 =	vmul.f32 v61, v1;
	[tilespmem:s11+$0xFFFFFFE0] =	vst v11  }
.Ltmp9:
0x1c3: {  	[tilespmem:s11+$0xFFFFFFF0] =	vst v3;
	v3 =	vmul.f32 v59, v1;
	(pc) =	sbr.rel @p1 .LBB2_18-.Ltmp9, $4  }
0x1c4: {  	v1 =	vmul.f32 v62, v1;
	[tilespmem:s11+$0x60] =	vst v2  }
0x1c5: {  	[tilespmem:s11+$0x40] =	vst v3  }
0x1c6: {  	s9 =	sadd.s32 $0x2710, s9;
	[tilespmem:s11+$0x70] =	vst v1  }
0x1c7: {  	[spmem:s2] =	stream.indirect.scatter.add.f32 [tilespmem:s6], [sflag:$0xA], $0x40, s9, s30, $0xb8;
	[tilespmem:$0x18970] =	vst v63  }
.Ltmp10:
0x1c8: {  	(pc) =	sbr.rel .LBB2_6-.Ltmp10, $4  }
0x1c9: {  	_ =	swait.ge [sflag:s17], $0x1400  }
0x1ca: {  	s3 =	sadd.s32 $0x280, s3;
	[sflag:s17] =	ssyncset.done $0x0  }
0x1cb: {  	s18 =	sadd.s32 $0x1, s18;
	s15 =	sadd.s32 $0x190, s15;
	[sflag:s17] =	ssyncadd.s32 $0xFFFFEC00  }
0x1cc: {  	[tilespmem:s0], [sflag:$0x4] =	stream.indirect.gather [hbm4b:s4+s30], $0x40, s3, s30, $0xb8;
	[tilespmem:$0x18970] =	vst v63  }
.LBB2_19:
0x1cd: {  	_ =	sfence.sel $0x180000  }
0x1ce: {  	[bflag:$0x0] =	sbarrier.arrive $0xFFFF  }
0x1cf: {  	_ =	strace $0x9000004A  }
0x1d0: {  	s0 =	stileid.u32;
	[bflag:$0x2] =	sbarrier.arrive $0xFFFF  }
0x1d1: {  	p0 =	sne.s32 s0, $0x0;
	s0 =	rddreg [dreg:$0x3]  }
0x1d2: {  	s0 =	sadd.s32 @!p0 $0x100000, s0  }
0x1d3: {  	[sflag:s0] =	ssyncadd.tile.s32 @!p0 $0x1;
	_ =	shalt  }
.Lfunc_end2:
_tile_overlayer_lowered:
.L_overlay_start_2:
0x1d4: {  	(tag) =	ssettag $0x2  }
0x1d5: {  	s0 =	rddreg [dreg:$0x0];
	s2 =	stileid.u32  }
0x1d6: {  	s1 =	rddreg [dreg:$0x1];
	p0 =	sne.s32 s2, $0x0  }
0x1d7: {  	s3 =	rddreg [dreg:$0x2];
	[bflag:$0x3] =	sbarrier.arrive $0xFFFF;
	s2 =	simm.s32 @!p0 $0x1C0B  }
0x1d8: {  	[timem:s3], [sflag:s2] =	dma.local @!p0 [hbm:s0], s1  }
0x1d9: {  	s0 =	simm.s32 @!p0 $0xB  }
0x1da: {  	_ =	swait.ge @!p0 [sflag:s0], s1  }
0x1db: {  	s1 =	ssub.s32 @!p0 $0x0, s1;
	[sflag:s0] =	ssyncset.done @!p0 $0x0  }
0x1dc: {  	[sflag:s0] =	ssyncadd.s32 @!p0 s1  }
0x1dd: {  	[bflag:$0x3] =	sbarrier.arrive $0xFFFF  }
0x1de: {  	_ =	shalt  }

</sc_bundles>
